<compile_context>
chip_gen: v7x
topology: tpu7x:2x2x1
jax: 0.10.2.dev20260603
libtpu: 0.0.44.dev20260713+nightly
codegen_flags: <defaults>
</compile_context>

<pallas_src>
import functools

import jax
import jax.numpy as jnp
from jax import lax
from jax.experimental import pallas as pl
from jax.experimental.pallas import tpu as pltpu
from jax.experimental.pallas import tpu_sc as plsc

B, L = 16384, 200
NV = 10
D = 8
NCODE = NV * NV
LUT_W = 128


def _lutc_body(t1_ref, t2_ref, w_ref, b_ref, out_ref):
    w = w_ref[...]
    t1 = t1_ref[...]
    t2 = t2_ref[...]
    t1w = sum(t1[:, c:c + 1] * w[c:c + 1, :] for c in range(4))
    t2w = sum(t2[:, c:c + 1] * w[4 + c:5 + c, :] for c in range(4))
    p_row = lax.broadcasted_iota(jnp.int32, (NCODE, NV), 0)
    p_col = lax.broadcasted_iota(jnp.int32, (NCODE, NV), 1)
    e_div = jnp.where(p_row // NV == p_col, 1.0, 0.0)
    e_mod = jnp.where(p_row % NV == p_col, 1.0, 0.0)
    lutr = jnp.dot(e_div, t1w, preferred_element_type=jnp.float32)
    lutr = lutr + jnp.dot(e_mod, t2w, preferred_element_type=jnp.float32)
    lutr = jnp.maximum(lutr + b_ref[...], 0.0)
    eye = jnp.where(
        lax.broadcasted_iota(jnp.int32, (NCODE, NCODE), 0)
        == lax.broadcasted_iota(jnp.int32, (NCODE, NCODE), 1), 1.0, 0.0)
    lutc = lax.dot_general(lutr, eye, (((0,), (0,)), ((), ())),
                           preferred_element_type=jnp.float32)
    out_ref[...] = jnp.concatenate(
        [lutc, jnp.zeros((D, LUT_W - NCODE), jnp.float32)], axis=1)


_lutc_call = pl.pallas_call(
    _lutc_body,
    out_shape=jax.ShapeDtypeStruct((D, LUT_W), jnp.float32),
)

_IDX_BLK = 2048


def _idxT_body(i1_ref, i2_ref, out_ref):
    idxc = (i1_ref[...] * NV + i2_ref[...]).astype(jnp.bfloat16)
    eye = jnp.where(
        lax.broadcasted_iota(jnp.int32, (L, L), 0)
        == lax.broadcasted_iota(jnp.int32, (L, L), 1),
        1.0, 0.0).astype(jnp.bfloat16)
    out = lax.dot_general(eye, idxc, (((0,), (1,)), ((), ())),
                          preferred_element_type=jnp.float32)
    out_ref[...] = out.astype(jnp.int32)


_idxT_call = pl.pallas_call(
    _idxT_body,
    grid=(B // _IDX_BLK,),
    in_specs=[
        pl.BlockSpec((_IDX_BLK, L), lambda i: (i, 0)),
        pl.BlockSpec((_IDX_BLK, L), lambda i: (i, 0)),
    ],
    out_specs=pl.BlockSpec((L, _IDX_BLK), lambda i: (0, i)),
    out_shape=jax.ShapeDtypeStruct((L, B), jnp.int32),
)

_NC = 2
_NS = 16
_NW = _NC * _NS
_CHUNK = 4096


@functools.lru_cache(maxsize=None)
def _make_sc_gather():
    mesh = plsc.VectorSubcoreMesh(
        core_axis_name="c", subcore_axis_name="s",
        num_cores=_NC, num_subcores=_NS)

    @functools.partial(
        pl.kernel,
        mesh=mesh,
        out_type=jax.ShapeDtypeStruct((L, B // 128, D, 128), jnp.float32),
        scratch_types=[
            pltpu.VMEM((D, LUT_W), jnp.float32),
            pltpu.VMEM((2, B // 256, 128), jnp.int32),
            pltpu.VMEM((2, _CHUNK // 128, D, 128), jnp.float32),
            pltpu.SemaphoreType.DMA,
            pltpu.SemaphoreType.DMA,
        ],
        compiler_params=pltpu.CompilerParams(
            use_tc_tiling_on_sc=False, needs_layout_passes=False),
    )
    def _sc_gather(idx_hbm, lutc_hbm, out_hbm, lutc_v, idx_v2, out_v2,
                   isem, osem):
        wid = lax.axis_index("s") * _NC + lax.axis_index("c")
        u_start = 12 * wid + jnp.minimum(wid, 16)
        n_u = 12 + (wid < 16).astype(jnp.int32)
        nbt = B // 256
        pltpu.sync_copy(lutc_hbm, lutc_v)
        c_vecs = [jnp.zeros((16,), jnp.int32) + c for c in range(D)]

        def idx_copy(u, buf):
            l = u // 2
            h = u % 2
            return pltpu.make_async_copy(
                idx_hbm.at[l // D, pl.ds(h * nbt, nbt), l % D, :],
                idx_v2.at[buf], isem)

        idx_copy(u_start, 0).start()

        def u_body(ui, carry):
            u = u_start + ui
            l = u // 2
            h = u % 2
            idx_copy(u, ui % 2).wait()

            @pl.when(ui + 1 < n_u)
            def _():
                idx_copy(u + 1, (ui + 1) % 2).start()

            idxbuf = idx_v2.at[ui % 2]
            nt = _CHUNK // 128
            nch = B // (2 * _CHUNK)
            for ch in range(nch):
                g = ui * nch + ch
                obuf = out_v2.at[g % 2]

                @pl.when(g >= 2)
                def _():
                    pltpu.make_async_copy(
                        out_hbm.at[0, pl.ds(0, nt)],
                        out_v2.at[g % 2], osem).wait()

                kk0 = ch * (_CHUNK // 16)

                @plsc.parallel_loop(0, _CHUNK // 16, unroll=8)
                def _(k):
                    kk = kk0 + k
                    vec = idxbuf[kk // 8, pl.ds((kk % 8) * 16, 16)]
                    for c in range(D):
                        obuf[k // 8, c, pl.ds((k % 8) * 16, 16)] = (
                            plsc.load_gather(lutc_v, [c_vecs[c], vec]))
                pltpu.make_async_copy(
                    obuf,
                    out_hbm.at[l, pl.ds(h * nbt + ch * nt, nt)],
                    osem).start()
            return carry

        lax.fori_loop(0, n_u, u_body, 0)
        for _ in range(2):
            pltpu.make_async_copy(
                out_hbm.at[0, pl.ds(0, _CHUNK // 128)],
                out_v2.at[0], osem).wait()

    return _sc_gather


def kernel(input_1, input_2, table1, table2, W, b):
    i1 = input_1.astype(jnp.int32)
    i2 = input_2.astype(jnp.int32)
    lutc = _lutc_call(table1, table2, W, b.reshape(1, D))
    idxT = _idxT_call(i1, i2)
    idx4 = idxT.reshape(L // D, D, B // 128, 128).transpose(0, 2, 1, 3)
    out4 = _make_sc_gather()(idx4, lutc)
    return out4.transpose(1, 3, 0, 2).reshape(B, L, D)

# --- scband reference (transcript-rebuilt; emitter-appended) ---
"""Pipeline reference for scband-my-model-87522843559896 (READ-ONLY COPY).

The authoritative reference and input builder live on the scoring server;
editing this copy changes nothing except your own understanding.
"""

import jax, jax.numpy as jnp
import numpy as np


def setup_inputs(seed: int = 0) -> dict:
    key = jax.random.key(seed)
    k1, k2, k3, k4, k5 = jax.random.split(key, 5)
    input_1 = jax.random.randint(k1, (16384, 200), 0, 10, dtype=jnp.int64 if jax.config.jax_enable_x64 else jnp.int32)
    input_2 = jax.random.randint(k2, (16384, 200), 0, 10, dtype=jnp.int64 if jax.config.jax_enable_x64 else jnp.int32)
    table1 = jax.random.normal(k3, (10, 4), dtype=jnp.float32) * 0.05
    table2 = jax.random.normal(k4, (10, 4), dtype=jnp.float32) * 0.05
    kw, kb = jax.random.split(k5)
    W = jax.random.normal(kw, (8, 8), dtype=jnp.float32) * 0.1
    b = jnp.zeros((8,), dtype=jnp.float32)
    return {"input_1": input_1, "input_2": input_2, "table1": table1, "table2": table2, "W": W, "b": b}


def reference(input_1, input_2, table1, table2, W, b):
    # Embedding lookups (gather)
    emb_1 = jnp.take(table1, input_1, axis=0)  # [B, L, 4]
    emb_2 = jnp.take(table2, input_2, axis=0)  # [B, L, 4]
    combined = jnp.concatenate([emb_1, emb_2], axis=-1)  # [B, L, 8]
    # Dense(8, relu)
    output = jax.nn.relu(jnp.matmul(combined, W) + b)  # [B, L, 8]
    return output

if __name__ == "__main__":
    import jax
    _d = setup_inputs()
    print(jax.jit(kernel)(*tuple(_d.values())))

</pallas_src>

<mosaic_0001>
#map = affine_map<(d0, d1) -> (0, 0, 0, 0)>
#map1 = affine_map<(d0, d1) -> (0, 0)>
module attributes {stable_mosaic.version = 14 : i64} {
  func.func @_sc_gather(%arg0: i32, %arg1: i32, %arg2: memref<25x128x8x128xi32, #tpu.memory_space<hbm>>, %arg3: memref<8x128xf32, #tpu.memory_space<hbm>>, %arg4: memref<200x128x8x128xf32, #tpu.memory_space<hbm>>, %arg5: memref<8x128xf32, #tpu.memory_space<vmem>>, %arg6: memref<2x64x128xi32, #tpu.memory_space<vmem>>, %arg7: memref<2x32x8x128xf32, #tpu.memory_space<vmem>>, %arg8: memref<!tpu.dma_semaphore, #tpu.memory_space<semaphore_mem>>, %arg9: memref<!tpu.dma_semaphore, #tpu.memory_space<semaphore_mem>>) attributes {dimension_semantics = [#tpu.dimension_semantics<core_parallel>, #tpu.dimension_semantics<subcore_parallel>], iteration_bounds = array<i64: 2, 16>, scalar_prefetch = 0 : i64, scratch_operands = 5 : i64, tpu.core_type = #tpu.core_type<sc_vector_subcore>, window_params = [{transform_indices = #map}, {transform_indices = #map1}, {transform_indices = #map}]} {
    %mul3A = arith.constant 2 : i32
    %mul3A_0 = arith.muli %arg1, %mul3A : i32
    %add3A = arith.addi %mul3A_0, %arg0 : i32
    %mul3A_1 = arith.constant 12 : i32
    %mul3A_2 = arith.muli %mul3A_1, %add3A : i32
    %min3A = arith.constant 16 : i32
    %min3A_3 = arith.minsi %add3A, %min3A : i32
    %add3A_4 = arith.addi %mul3A_2, %min3A_3 : i32
    %lt3A = arith.constant 16 : i32
    %lt3A_5 = arith.cmpi slt, %add3A, %lt3A : i32
    %convert_element_type3A = arith.extui %lt3A_5 : i1 to i32
    %add3A_6 = arith.constant 12 : i32
    %add3A_7 = arith.addi %add3A_6, %convert_element_type3A : i32
    "tpu.region"() ({
      %run_scoped3A = tpu.sem_alloc : memref<!tpu.dma_semaphore, #tpu.memory_space<semaphore_mem>>
      tpu.enqueue_dma source(%arg3 : memref<8x128xf32, #tpu.memory_space<hbm>>) target(%arg5 : memref<8x128xf32, #tpu.memory_space<vmem>>) target_semaphore(%run_scoped3A : memref<!tpu.dma_semaphore, #tpu.memory_space<semaphore_mem>>)
      tpu.wait_dma2 semaphore(%run_scoped3A : memref<!tpu.dma_semaphore, #tpu.memory_space<semaphore_mem>>) src(%arg3 : memref<8x128xf32, #tpu.memory_space<hbm>>) dst(%arg5 : memref<8x128xf32, #tpu.memory_space<vmem>>)
      tpu.yield
    }) : () -> ()
    %broadcast_in_dim3A = arith.constant 0 : i32
    %broadcast_in_dim3A_8 = vector.broadcast %broadcast_in_dim3A : i32 to vector<16xi32>
    %add3A_9 = arith.constant 0 : i32
    %add3A_10 = vector.broadcast %add3A_9 : i32 to vector<16xi32>
    %add3A_11 = arith.addi %broadcast_in_dim3A_8, %add3A_10 : vector<16xi32>
    %broadcast_in_dim3A_12 = arith.constant 0 : i32
    %broadcast_in_dim3A_13 = vector.broadcast %broadcast_in_dim3A_12 : i32 to vector<16xi32>
    %add3A_14 = arith.constant 1 : i32
    %add3A_15 = vector.broadcast %add3A_14 : i32 to vector<16xi32>
    %add3A_16 = arith.addi %broadcast_in_dim3A_13, %add3A_15 : vector<16xi32>
    %broadcast_in_dim3A_17 = arith.constant 0 : i32
    %broadcast_in_dim3A_18 = vector.broadcast %broadcast_in_dim3A_17 : i32 to vector<16xi32>
    %add3A_19 = arith.constant 2 : i32
    %add3A_20 = vector.broadcast %add3A_19 : i32 to vector<16xi32>
    %add3A_21 = arith.addi %broadcast_in_dim3A_18, %add3A_20 : vector<16xi32>
    %broadcast_in_dim3A_22 = arith.constant 0 : i32
    %broadcast_in_dim3A_23 = vector.broadcast %broadcast_in_dim3A_22 : i32 to vector<16xi32>
    %add3A_24 = arith.constant 3 : i32
    %add3A_25 = vector.broadcast %add3A_24 : i32 to vector<16xi32>
    %add3A_26 = arith.addi %broadcast_in_dim3A_23, %add3A_25 : vector<16xi32>
    %broadcast_in_dim3A_27 = arith.constant 0 : i32
    %broadcast_in_dim3A_28 = vector.broadcast %broadcast_in_dim3A_27 : i32 to vector<16xi32>
    %add3A_29 = arith.constant 4 : i32
    %add3A_30 = vector.broadcast %add3A_29 : i32 to vector<16xi32>
    %add3A_31 = arith.addi %broadcast_in_dim3A_28, %add3A_30 : vector<16xi32>
    %broadcast_in_dim3A_32 = arith.constant 0 : i32
    %broadcast_in_dim3A_33 = vector.broadcast %broadcast_in_dim3A_32 : i32 to vector<16xi32>
    %add3A_34 = arith.constant 5 : i32
    %add3A_35 = vector.broadcast %add3A_34 : i32 to vector<16xi32>
    %add3A_36 = arith.addi %broadcast_in_dim3A_33, %add3A_35 : vector<16xi32>
    %broadcast_in_dim3A_37 = arith.constant 0 : i32
    %broadcast_in_dim3A_38 = vector.broadcast %broadcast_in_dim3A_37 : i32 to vector<16xi32>
    %add3A_39 = arith.constant 6 : i32
    %add3A_40 = vector.broadcast %add3A_39 : i32 to vector<16xi32>
    %add3A_41 = arith.addi %broadcast_in_dim3A_38, %add3A_40 : vector<16xi32>
    %broadcast_in_dim3A_42 = arith.constant 0 : i32
    %broadcast_in_dim3A_43 = vector.broadcast %broadcast_in_dim3A_42 : i32 to vector<16xi32>
    %add3A_44 = arith.constant 7 : i32
    %add3A_45 = vector.broadcast %add3A_44 : i32 to vector<16xi32>
    %add3A_46 = arith.addi %broadcast_in_dim3A_43, %add3A_45 : vector<16xi32>
    %jit3A = arith.constant 2 : i32
    %div3A = arith.divsi %add3A_4, %jit3A : i32
    %sign3A = arith.constant 0 : i32
    %sign3A_47 = arith.cmpi sgt, %add3A_4, %sign3A : i32
    %sign3A_48 = arith.extui %sign3A_47 : i1 to i32
    %sign3A_49 = arith.constant 0 : i32
    %sign3A_50 = arith.cmpi slt, %add3A_4, %sign3A_49 : i32
    %sign3A_51 = arith.extui %sign3A_50 : i1 to i32
    %sign3A_52 = arith.subi %sign3A_48, %sign3A_51 : i32
    %sign3A_53 = arith.constant 0 : i32
    %sign3A_54 = arith.cmpi sgt, %jit3A, %sign3A_53 : i32
    %sign3A_55 = arith.extui %sign3A_54 : i1 to i32
    %sign3A_56 = arith.constant 0 : i32
    %sign3A_57 = arith.cmpi slt, %jit3A, %sign3A_56 : i32
    %sign3A_58 = arith.extui %sign3A_57 : i1 to i32
    %sign3A_59 = arith.subi %sign3A_55, %sign3A_58 : i32
    %ne3A = arith.cmpi ne, %sign3A_52, %sign3A_59 : i32
    %rem3A = arith.remsi %add3A_4, %jit3A : i32
    %ne3A_60 = arith.constant 0 : i32
    %ne3A_61 = arith.cmpi ne, %rem3A, %ne3A_60 : i32
    %and3A = arith.andi %ne3A, %ne3A_61 : i1
    %sub3A = arith.constant 1 : i32
    %sub3A_62 = arith.subi %div3A, %sub3A : i32
    %select_n3A = arith.select %and3A, %sub3A_62, %div3A : i32
    %jit3A_63 = arith.constant 2 : i32
    %eq3A = arith.constant 0 : i32
    %eq3A_64 = arith.cmpi eq, %jit3A_63, %eq3A : i32
    %jit3A_65 = arith.constant 1 : i32
    %select_n3A_66 = arith.select %eq3A_64, %jit3A_65, %jit3A_63 : i32
    %rem3A_67 = arith.remsi %add3A_4, %select_n3A_66 : i32
    %ne3A_68 = arith.constant 0 : i32
    %ne3A_69 = arith.cmpi ne, %rem3A_67, %ne3A_68 : i32
    %lt3A_70 = arith.constant 0 : i32
    %lt3A_71 = arith.cmpi slt, %rem3A_67, %lt3A_70 : i32
    %lt3A_72 = arith.constant 0 : i32
    %lt3A_73 = arith.cmpi slt, %select_n3A_66, %lt3A_72 : i32
    %ne3A_74 = arith.xori %lt3A_71, %lt3A_73 : i1
    %and3A_75 = arith.andi %ne3A_74, %ne3A_69 : i1
    %add3A_76 = arith.addi %rem3A_67, %select_n3A_66 : i32
    %select_n3A_77 = arith.select %and3A_75, %add3A_76, %rem3A_67 : i32
    %jit3A_78 = arith.constant 8 : i32
    %div3A_79 = arith.divsi %select_n3A, %jit3A_78 : i32
    %sign3A_80 = arith.constant 0 : i32
    %sign3A_81 = arith.cmpi sgt, %select_n3A, %sign3A_80 : i32
    %sign3A_82 = arith.extui %sign3A_81 : i1 to i32
    %sign3A_83 = arith.constant 0 : i32
    %sign3A_84 = arith.cmpi slt, %select_n3A, %sign3A_83 : i32
    %sign3A_85 = arith.extui %sign3A_84 : i1 to i32
    %sign3A_86 = arith.subi %sign3A_82, %sign3A_85 : i32
    %sign3A_87 = arith.constant 0 : i32
    %sign3A_88 = arith.cmpi sgt, %jit3A_78, %sign3A_87 : i32
    %sign3A_89 = arith.extui %sign3A_88 : i1 to i32
    %sign3A_90 = arith.constant 0 : i32
    %sign3A_91 = arith.cmpi slt, %jit3A_78, %sign3A_90 : i32
    %sign3A_92 = arith.extui %sign3A_91 : i1 to i32
    %sign3A_93 = arith.subi %sign3A_89, %sign3A_92 : i32
    %ne3A_94 = arith.cmpi ne, %sign3A_86, %sign3A_93 : i32
    %rem3A_95 = arith.remsi %select_n3A, %jit3A_78 : i32
    %ne3A_96 = arith.constant 0 : i32
    %ne3A_97 = arith.cmpi ne, %rem3A_95, %ne3A_96 : i32
    %and3A_98 = arith.andi %ne3A_94, %ne3A_97 : i1
    %sub3A_99 = arith.constant 1 : i32
    %sub3A_100 = arith.subi %div3A_79, %sub3A_99 : i32
    %select_n3A_101 = arith.select %and3A_98, %sub3A_100, %div3A_79 : i32
    %mul3A_102 = arith.constant 64 : i32
    %mul3A_103 = arith.muli %select_n3A_77, %mul3A_102 : i32
    %jit3A_104 = arith.constant 8 : i32
    %eq3A_105 = arith.constant 0 : i32
    %eq3A_106 = arith.cmpi eq, %jit3A_104, %eq3A_105 : i32
    %jit3A_107 = arith.constant 1 : i32
    %select_n3A_108 = arith.select %eq3A_106, %jit3A_107, %jit3A_104 : i32
    %rem3A_109 = arith.remsi %select_n3A, %select_n3A_108 : i32
    %ne3A_110 = arith.constant 0 : i32
    %ne3A_111 = arith.cmpi ne, %rem3A_109, %ne3A_110 : i32
    %lt3A_112 = arith.constant 0 : i32
    %lt3A_113 = arith.cmpi slt, %rem3A_109, %lt3A_112 : i32
    %lt3A_114 = arith.constant 0 : i32
    %lt3A_115 = arith.cmpi slt, %select_n3A_108, %lt3A_114 : i32
    %ne3A_116 = arith.xori %lt3A_113, %lt3A_115 : i1
    %and3A_117 = arith.andi %ne3A_116, %ne3A_111 : i1
    %add3A_118 = arith.addi %rem3A_109, %select_n3A_108 : i32
    %select_n3A_119 = arith.select %and3A_117, %add3A_118, %rem3A_109 : i32
    %dma_start3A = arith.constant 0 : i32
    %dma_start3A_120 = arith.constant 0 : i32
    %dma_start3A_121 = arith.constant 0 : i32
    %dma_start3A_122 = tpu.memref_slice %arg6[%dma_start3A, %dma_start3A_120, %dma_start3A_121] : memref<2x64x128xi32, #tpu.memory_space<vmem>> -> memref<1x64x128xi32, #tpu.memory_space<vmem>>
    %dma_start3A_123 = tpu.memref_squeeze %dma_start3A_122 : memref<1x64x128xi32, #tpu.memory_space<vmem>> -> memref<64x128xi32, #tpu.memory_space<vmem>>
    %dma_start3A_124 = arith.constant 0 : i32
    %dma_start3A_125 = tpu.memref_slice %arg2[%select_n3A_101, %mul3A_103, %select_n3A_119, %dma_start3A_124] : memref<25x128x8x128xi32, #tpu.memory_space<hbm>> -> memref<1x64x1x128xi32, #tpu.memory_space<hbm>>
    %dma_start3A_126 = tpu.memref_squeeze %dma_start3A_125 : memref<1x64x1x128xi32, #tpu.memory_space<hbm>> -> memref<64x128xi32, #tpu.memory_space<hbm>>
    %dma_start3A_127 = arith.constant 0 : i32
    %dma_start3A_128 = arith.constant 0 : i32
    %dma_start3A_129 = tpu.memref_slice %arg6[%dma_start3A, %dma_start3A_127, %dma_start3A_128] : memref<2x64x128xi32, #tpu.memory_space<vmem>> -> memref<1x64x128xi32, #tpu.memory_space<vmem>>
    %dma_start3A_130 = tpu.memref_squeeze %dma_start3A_129 : memref<1x64x128xi32, #tpu.memory_space<vmem>> -> memref<64x128xi32, #tpu.memory_space<vmem>>
    %dma_start3A_131 = arith.constant 0 : i32
    %dma_start3A_132 = tpu.memref_slice %arg2[%select_n3A_101, %mul3A_103, %select_n3A_119, %dma_start3A_131] : memref<25x128x8x128xi32, #tpu.memory_space<hbm>> -> memref<1x64x1x128xi32, #tpu.memory_space<hbm>>
    %dma_start3A_133 = tpu.memref_squeeze %dma_start3A_132 : memref<1x64x1x128xi32, #tpu.memory_space<hbm>> -> memref<64x128xi32, #tpu.memory_space<hbm>>
    tpu.enqueue_dma source(%dma_start3A_133 : memref<64x128xi32, #tpu.memory_space<hbm>>) target(%dma_start3A_130 : memref<64x128xi32, #tpu.memory_space<vmem>>) target_semaphore(%arg8 : memref<!tpu.dma_semaphore, #tpu.memory_space<semaphore_mem>>)
    %while3A = arith.constant 0 : i32
    %while3A_134 = arith.constant 0 : i32
    %while3A_135 = arith.subi %add3A_7, %while3A_134 : i32
    %while3A_136 = arith.addi %while3A_134, %while3A_135 : i32
    %while3A_137 = arith.constant 1 : i32
    %while3A_138 = arith.divsi %while3A_135, %while3A_137 : i32
    %while3A_139 = arith.muli %while3A_138, %while3A_137 : i32
    %while3A_140 = arith.addi %while3A_134, %while3A_139 : i32
    %while3A_141 = arith.constant 1 : i32
    scf.for %while3A_186 = %while3A_134 to %while3A_140 step %while3A_141  : i32 {
      %add3A_187 = arith.addi %add3A_4, %while3A_186 : i32
      %jit3A_188 = arith.constant 2 : i32
      %div3A_189 = arith.divsi %add3A_187, %jit3A_188 : i32
      %sign3A_190 = arith.constant 0 : i32
      %sign3A_191 = arith.cmpi sgt, %add3A_187, %sign3A_190 : i32
      %sign3A_192 = arith.extui %sign3A_191 : i1 to i32
      %sign3A_193 = arith.constant 0 : i32
      %sign3A_194 = arith.cmpi slt, %add3A_187, %sign3A_193 : i32
      %sign3A_195 = arith.extui %sign3A_194 : i1 to i32
      %sign3A_196 = arith.subi %sign3A_192, %sign3A_195 : i32
      %sign3A_197 = arith.constant 0 : i32
      %sign3A_198 = arith.cmpi sgt, %jit3A_188, %sign3A_197 : i32
      %sign3A_199 = arith.extui %sign3A_198 : i1 to i32
      %sign3A_200 = arith.constant 0 : i32
      %sign3A_201 = arith.cmpi slt, %jit3A_188, %sign3A_200 : i32
      %sign3A_202 = arith.extui %sign3A_201 : i1 to i32
      %sign3A_203 = arith.subi %sign3A_199, %sign3A_202 : i32
      %ne3A_204 = arith.cmpi ne, %sign3A_196, %sign3A_203 : i32
      %rem3A_205 = arith.remsi %add3A_187, %jit3A_188 : i32
      %ne3A_206 = arith.constant 0 : i32
      %ne3A_207 = arith.cmpi ne, %rem3A_205, %ne3A_206 : i32
      %and3A_208 = arith.andi %ne3A_204, %ne3A_207 : i1
      %sub3A_209 = arith.constant 1 : i32
      %sub3A_210 = arith.subi %div3A_189, %sub3A_209 : i32
      %select_n3A_211 = arith.select %and3A_208, %sub3A_210, %div3A_189 : i32
      %jit3A_212 = arith.constant 2 : i32
      %eq3A_213 = arith.constant 0 : i32
      %eq3A_214 = arith.cmpi eq, %jit3A_212, %eq3A_213 : i32
      %jit3A_215 = arith.constant 1 : i32
      %select_n3A_216 = arith.select %eq3A_214, %jit3A_215, %jit3A_212 : i32
      %rem3A_217 = arith.remsi %add3A_187, %select_n3A_216 : i32
      %ne3A_218 = arith.constant 0 : i32
      %ne3A_219 = arith.cmpi ne, %rem3A_217, %ne3A_218 : i32
      %lt3A_220 = arith.constant 0 : i32
      %lt3A_221 = arith.cmpi slt, %rem3A_217, %lt3A_220 : i32
      %lt3A_222 = arith.constant 0 : i32
      %lt3A_223 = arith.cmpi slt, %select_n3A_216, %lt3A_222 : i32
      %ne3A_224 = arith.xori %lt3A_221, %lt3A_223 : i1
      %and3A_225 = arith.andi %ne3A_224, %ne3A_219 : i1
      %add3A_226 = arith.addi %rem3A_217, %select_n3A_216 : i32
      %select_n3A_227 = arith.select %and3A_225, %add3A_226, %rem3A_217 : i32
      %jit3A_228 = arith.constant 2 : i32
      %eq3A_229 = arith.constant 0 : i32
      %eq3A_230 = arith.cmpi eq, %jit3A_228, %eq3A_229 : i32
      %jit3A_231 = arith.constant 1 : i32
      %select_n3A_232 = arith.select %eq3A_230, %jit3A_231, %jit3A_228 : i32
      %rem3A_233 = arith.remsi %while3A_186, %select_n3A_232 : i32
      %ne3A_234 = arith.constant 0 : i32
      %ne3A_235 = arith.cmpi ne, %rem3A_233, %ne3A_234 : i32
      %lt3A_236 = arith.constant 0 : i32
      %lt3A_237 = arith.cmpi slt, %rem3A_233, %lt3A_236 : i32
      %lt3A_238 = arith.constant 0 : i32
      %lt3A_239 = arith.cmpi slt, %select_n3A_232, %lt3A_238 : i32
      %ne3A_240 = arith.xori %lt3A_237, %lt3A_239 : i1
      %and3A_241 = arith.andi %ne3A_240, %ne3A_235 : i1
      %add3A_242 = arith.addi %rem3A_233, %select_n3A_232 : i32
      %select_n3A_243 = arith.select %and3A_241, %add3A_242, %rem3A_233 : i32
      %jit3A_244 = arith.constant 2 : i32
      %div3A_245 = arith.divsi %add3A_187, %jit3A_244 : i32
      %sign3A_246 = arith.constant 0 : i32
      %sign3A_247 = arith.cmpi sgt, %add3A_187, %sign3A_246 : i32
      %sign3A_248 = arith.extui %sign3A_247 : i1 to i32
      %sign3A_249 = arith.constant 0 : i32
      %sign3A_250 = arith.cmpi slt, %add3A_187, %sign3A_249 : i32
      %sign3A_251 = arith.extui %sign3A_250 : i1 to i32
      %sign3A_252 = arith.subi %sign3A_248, %sign3A_251 : i32
      %sign3A_253 = arith.constant 0 : i32
      %sign3A_254 = arith.cmpi sgt, %jit3A_244, %sign3A_253 : i32
      %sign3A_255 = arith.extui %sign3A_254 : i1 to i32
      %sign3A_256 = arith.constant 0 : i32
      %sign3A_257 = arith.cmpi slt, %jit3A_244, %sign3A_256 : i32
      %sign3A_258 = arith.extui %sign3A_257 : i1 to i32
      %sign3A_259 = arith.subi %sign3A_255, %sign3A_258 : i32
      %ne3A_260 = arith.cmpi ne, %sign3A_252, %sign3A_259 : i32
      %rem3A_261 = arith.remsi %add3A_187, %jit3A_244 : i32
      %ne3A_262 = arith.constant 0 : i32
      %ne3A_263 = arith.cmpi ne, %rem3A_261, %ne3A_262 : i32
      %and3A_264 = arith.andi %ne3A_260, %ne3A_263 : i1
      %sub3A_265 = arith.constant 1 : i32
      %sub3A_266 = arith.subi %div3A_245, %sub3A_265 : i32
      %select_n3A_267 = arith.select %and3A_264, %sub3A_266, %div3A_245 : i32
      %jit3A_268 = arith.constant 2 : i32
      %eq3A_269 = arith.constant 0 : i32
      %eq3A_270 = arith.cmpi eq, %jit3A_268, %eq3A_269 : i32
      %jit3A_271 = arith.constant 1 : i32
      %select_n3A_272 = arith.select %eq3A_270, %jit3A_271, %jit3A_268 : i32
      %rem3A_273 = arith.remsi %add3A_187, %select_n3A_272 : i32
      %ne3A_274 = arith.constant 0 : i32
      %ne3A_275 = arith.cmpi ne, %rem3A_273, %ne3A_274 : i32
      %lt3A_276 = arith.constant 0 : i32
      %lt3A_277 = arith.cmpi slt, %rem3A_273, %lt3A_276 : i32
      %lt3A_278 = arith.constant 0 : i32
      %lt3A_279 = arith.cmpi slt, %select_n3A_272, %lt3A_278 : i32
      %ne3A_280 = arith.xori %lt3A_277, %lt3A_279 : i1
      %and3A_281 = arith.andi %ne3A_280, %ne3A_275 : i1
      %add3A_282 = arith.addi %rem3A_273, %select_n3A_272 : i32
      %select_n3A_283 = arith.select %and3A_281, %add3A_282, %rem3A_273 : i32
      %jit3A_284 = arith.constant 8 : i32
      %div3A_285 = arith.divsi %select_n3A_267, %jit3A_284 : i32
      %sign3A_286 = arith.constant 0 : i32
      %sign3A_287 = arith.cmpi sgt, %select_n3A_267, %sign3A_286 : i32
      %sign3A_288 = arith.extui %sign3A_287 : i1 to i32
      %sign3A_289 = arith.constant 0 : i32
      %sign3A_290 = arith.cmpi slt, %select_n3A_267, %sign3A_289 : i32
      %sign3A_291 = arith.extui %sign3A_290 : i1 to i32
      %sign3A_292 = arith.subi %sign3A_288, %sign3A_291 : i32
      %sign3A_293 = arith.constant 0 : i32
      %sign3A_294 = arith.cmpi sgt, %jit3A_284, %sign3A_293 : i32
      %sign3A_295 = arith.extui %sign3A_294 : i1 to i32
      %sign3A_296 = arith.constant 0 : i32
      %sign3A_297 = arith.cmpi slt, %jit3A_284, %sign3A_296 : i32
      %sign3A_298 = arith.extui %sign3A_297 : i1 to i32
      %sign3A_299 = arith.subi %sign3A_295, %sign3A_298 : i32
      %ne3A_300 = arith.cmpi ne, %sign3A_292, %sign3A_299 : i32
      %rem3A_301 = arith.remsi %select_n3A_267, %jit3A_284 : i32
      %ne3A_302 = arith.constant 0 : i32
      %ne3A_303 = arith.cmpi ne, %rem3A_301, %ne3A_302 : i32
      %and3A_304 = arith.andi %ne3A_300, %ne3A_303 : i1
      %sub3A_305 = arith.constant 1 : i32
      %sub3A_306 = arith.subi %div3A_285, %sub3A_305 : i32
      %select_n3A_307 = arith.select %and3A_304, %sub3A_306, %div3A_285 : i32
      %mul3A_308 = arith.constant 64 : i32
      %mul3A_309 = arith.muli %select_n3A_283, %mul3A_308 : i32
      %jit3A_310 = arith.constant 8 : i32
      %eq3A_311 = arith.constant 0 : i32
      %eq3A_312 = arith.cmpi eq, %jit3A_310, %eq3A_311 : i32
      %jit3A_313 = arith.constant 1 : i32
      %select_n3A_314 = arith.select %eq3A_312, %jit3A_313, %jit3A_310 : i32
      %rem3A_315 = arith.remsi %select_n3A_267, %select_n3A_314 : i32
      %ne3A_316 = arith.constant 0 : i32
      %ne3A_317 = arith.cmpi ne, %rem3A_315, %ne3A_316 : i32
      %lt3A_318 = arith.constant 0 : i32
      %lt3A_319 = arith.cmpi slt, %rem3A_315, %lt3A_318 : i32
      %lt3A_320 = arith.constant 0 : i32
      %lt3A_321 = arith.cmpi slt, %select_n3A_314, %lt3A_320 : i32
      %ne3A_322 = arith.xori %lt3A_319, %lt3A_321 : i1
      %and3A_323 = arith.andi %ne3A_322, %ne3A_317 : i1
      %add3A_324 = arith.addi %rem3A_315, %select_n3A_314 : i32
      %select_n3A_325 = arith.select %and3A_323, %add3A_324, %rem3A_315 : i32
      %dma_wait3A_326 = arith.constant 0 : i32
      %dma_wait3A_327 = arith.constant 0 : i32
      %dma_wait3A_328 = tpu.memref_slice %arg6[%select_n3A_243, %dma_wait3A_326, %dma_wait3A_327] : memref<2x64x128xi32, #tpu.memory_space<vmem>> -> memref<1x64x128xi32, #tpu.memory_space<vmem>>
      %dma_wait3A_329 = tpu.memref_squeeze %dma_wait3A_328 : memref<1x64x128xi32, #tpu.memory_space<vmem>> -> memref<64x128xi32, #tpu.memory_space<vmem>>
      %dma_wait3A_330 = arith.constant 0 : i32
      %dma_wait3A_331 = tpu.memref_slice %arg2[%select_n3A_307, %mul3A_309, %select_n3A_325, %dma_wait3A_330] : memref<25x128x8x128xi32, #tpu.memory_space<hbm>> -> memref<1x64x1x128xi32, #tpu.memory_space<hbm>>
      %dma_wait3A_332 = tpu.memref_squeeze %dma_wait3A_331 : memref<1x64x1x128xi32, #tpu.memory_space<hbm>> -> memref<64x128xi32, #tpu.memory_space<hbm>>
      %dma_wait3A_333 = arith.constant 0 : i32
      %dma_wait3A_334 = arith.constant 0 : i32
      %dma_wait3A_335 = tpu.memref_slice %arg6[%select_n3A_243, %dma_wait3A_333, %dma_wait3A_334] : memref<2x64x128xi32, #tpu.memory_space<vmem>> -> memref<1x64x128xi32, #tpu.memory_space<vmem>>
      %dma_wait3A_336 = tpu.memref_squeeze %dma_wait3A_335 : memref<1x64x128xi32, #tpu.memory_space<vmem>> -> memref<64x128xi32, #tpu.memory_space<vmem>>
      %dma_wait3A_337 = arith.constant 0 : i32
      %dma_wait3A_338 = tpu.memref_slice %arg2[%select_n3A_307, %mul3A_309, %select_n3A_325, %dma_wait3A_337] : memref<25x128x8x128xi32, #tpu.memory_space<hbm>> -> memref<1x64x1x128xi32, #tpu.memory_space<hbm>>
      %dma_wait3A_339 = tpu.memref_squeeze %dma_wait3A_338 : memref<1x64x1x128xi32, #tpu.memory_space<hbm>> -> memref<64x128xi32, #tpu.memory_space<hbm>>
      tpu.wait_dma2 semaphore(%arg8 : memref<!tpu.dma_semaphore, #tpu.memory_space<semaphore_mem>>) src(%dma_wait3A_339 : memref<64x128xi32, #tpu.memory_space<hbm>>) dst(%dma_wait3A_336 : memref<64x128xi32, #tpu.memory_space<vmem>>)
      %add3A_340 = arith.constant 1 : i32
      %add3A_341 = arith.addi %while3A_186, %add3A_340 : i32
      %lt3A_342 = arith.cmpi slt, %add3A_341, %add3A_7 : i32
      %convert_element_type3A_343 = arith.extui %lt3A_342 : i1 to i32
      %cond3A = arith.constant 0 : i32
      %cond3A_344 = arith.cmpi ne, %convert_element_type3A_343, %cond3A : i32
      scf.if %cond3A_344 {
        %add3A_459 = arith.constant 1 : i32
        %add3A_460 = arith.addi %add3A_187, %add3A_459 : i32
        %add3A_461 = arith.constant 1 : i32
        %add3A_462 = arith.addi %while3A_186, %add3A_461 : i32
        %jit3A_463 = arith.constant 2 : i32
        %eq3A_464 = arith.constant 0 : i32
        %eq3A_465 = arith.cmpi eq, %jit3A_463, %eq3A_464 : i32
        %jit3A_466 = arith.constant 1 : i32
        %select_n3A_467 = arith.select %eq3A_465, %jit3A_466, %jit3A_463 : i32
        %rem3A_468 = arith.remsi %add3A_462, %select_n3A_467 : i32
        %ne3A_469 = arith.constant 0 : i32
        %ne3A_470 = arith.cmpi ne, %rem3A_468, %ne3A_469 : i32
        %lt3A_471 = arith.constant 0 : i32
        %lt3A_472 = arith.cmpi slt, %rem3A_468, %lt3A_471 : i32
        %lt3A_473 = arith.constant 0 : i32
        %lt3A_474 = arith.cmpi slt, %select_n3A_467, %lt3A_473 : i32
        %ne3A_475 = arith.xori %lt3A_472, %lt3A_474 : i1
        %and3A_476 = arith.andi %ne3A_475, %ne3A_470 : i1
        %add3A_477 = arith.addi %rem3A_468, %select_n3A_467 : i32
        %select_n3A_478 = arith.select %and3A_476, %add3A_477, %rem3A_468 : i32
        %jit3A_479 = arith.constant 2 : i32
        %div3A_480 = arith.divsi %add3A_460, %jit3A_479 : i32
        %sign3A_481 = arith.constant 0 : i32
        %sign3A_482 = arith.cmpi sgt, %add3A_460, %sign3A_481 : i32
        %sign3A_483 = arith.extui %sign3A_482 : i1 to i32
        %sign3A_484 = arith.constant 0 : i32
        %sign3A_485 = arith.cmpi slt, %add3A_460, %sign3A_484 : i32
        %sign3A_486 = arith.extui %sign3A_485 : i1 to i32
        %sign3A_487 = arith.subi %sign3A_483, %sign3A_486 : i32
        %sign3A_488 = arith.constant 0 : i32
        %sign3A_489 = arith.cmpi sgt, %jit3A_479, %sign3A_488 : i32
        %sign3A_490 = arith.extui %sign3A_489 : i1 to i32
        %sign3A_491 = arith.constant 0 : i32
        %sign3A_492 = arith.cmpi slt, %jit3A_479, %sign3A_491 : i32
        %sign3A_493 = arith.extui %sign3A_492 : i1 to i32
        %sign3A_494 = arith.subi %sign3A_490, %sign3A_493 : i32
        %ne3A_495 = arith.cmpi ne, %sign3A_487, %sign3A_494 : i32
        %rem3A_496 = arith.remsi %add3A_460, %jit3A_479 : i32
        %ne3A_497 = arith.constant 0 : i32
        %ne3A_498 = arith.cmpi ne, %rem3A_496, %ne3A_497 : i32
        %and3A_499 = arith.andi %ne3A_495, %ne3A_498 : i1
        %sub3A_500 = arith.constant 1 : i32
        %sub3A_501 = arith.subi %div3A_480, %sub3A_500 : i32
        %select_n3A_502 = arith.select %and3A_499, %sub3A_501, %div3A_480 : i32
        %jit3A_503 = arith.constant 2 : i32
        %eq3A_504 = arith.constant 0 : i32
        %eq3A_505 = arith.cmpi eq, %jit3A_503, %eq3A_504 : i32
        %jit3A_506 = arith.constant 1 : i32
        %select_n3A_507 = arith.select %eq3A_505, %jit3A_506, %jit3A_503 : i32
        %rem3A_508 = arith.remsi %add3A_460, %select_n3A_507 : i32
        %ne3A_509 = arith.constant 0 : i32
        %ne3A_510 = arith.cmpi ne, %rem3A_508, %ne3A_509 : i32
        %lt3A_511 = arith.constant 0 : i32
        %lt3A_512 = arith.cmpi slt, %rem3A_508, %lt3A_511 : i32
        %lt3A_513 = arith.constant 0 : i32
        %lt3A_514 = arith.cmpi slt, %select_n3A_507, %lt3A_513 : i32
        %ne3A_515 = arith.xori %lt3A_512, %lt3A_514 : i1
        %and3A_516 = arith.andi %ne3A_515, %ne3A_510 : i1
        %add3A_517 = arith.addi %rem3A_508, %select_n3A_507 : i32
        %select_n3A_518 = arith.select %and3A_516, %add3A_517, %rem3A_508 : i32
        %jit3A_519 = arith.constant 8 : i32
        %div3A_520 = arith.divsi %select_n3A_502, %jit3A_519 : i32
        %sign3A_521 = arith.constant 0 : i32
        %sign3A_522 = arith.cmpi sgt, %select_n3A_502, %sign3A_521 : i32
        %sign3A_523 = arith.extui %sign3A_522 : i1 to i32
        %sign3A_524 = arith.constant 0 : i32
        %sign3A_525 = arith.cmpi slt, %select_n3A_502, %sign3A_524 : i32
        %sign3A_526 = arith.extui %sign3A_525 : i1 to i32
        %sign3A_527 = arith.subi %sign3A_523, %sign3A_526 : i32
        %sign3A_528 = arith.constant 0 : i32
        %sign3A_529 = arith.cmpi sgt, %jit3A_519, %sign3A_528 : i32
        %sign3A_530 = arith.extui %sign3A_529 : i1 to i32
        %sign3A_531 = arith.constant 0 : i32
        %sign3A_532 = arith.cmpi slt, %jit3A_519, %sign3A_531 : i32
        %sign3A_533 = arith.extui %sign3A_532 : i1 to i32
        %sign3A_534 = arith.subi %sign3A_530, %sign3A_533 : i32
        %ne3A_535 = arith.cmpi ne, %sign3A_527, %sign3A_534 : i32
        %rem3A_536 = arith.remsi %select_n3A_502, %jit3A_519 : i32
        %ne3A_537 = arith.constant 0 : i32
        %ne3A_538 = arith.cmpi ne, %rem3A_536, %ne3A_537 : i32
        %and3A_539 = arith.andi %ne3A_535, %ne3A_538 : i1
        %sub3A_540 = arith.constant 1 : i32
        %sub3A_541 = arith.subi %div3A_520, %sub3A_540 : i32
        %select_n3A_542 = arith.select %and3A_539, %sub3A_541, %div3A_520 : i32
        %mul3A_543 = arith.constant 64 : i32
        %mul3A_544 = arith.muli %select_n3A_518, %mul3A_543 : i32
        %jit3A_545 = arith.constant 8 : i32
        %eq3A_546 = arith.constant 0 : i32
        %eq3A_547 = arith.cmpi eq, %jit3A_545, %eq3A_546 : i32
        %jit3A_548 = arith.constant 1 : i32
        %select_n3A_549 = arith.select %eq3A_547, %jit3A_548, %jit3A_545 : i32
        %rem3A_550 = arith.remsi %select_n3A_502, %select_n3A_549 : i32
        %ne3A_551 = arith.constant 0 : i32
        %ne3A_552 = arith.cmpi ne, %rem3A_550, %ne3A_551 : i32
        %lt3A_553 = arith.constant 0 : i32
        %lt3A_554 = arith.cmpi slt, %rem3A_550, %lt3A_553 : i32
        %lt3A_555 = arith.constant 0 : i32
        %lt3A_556 = arith.cmpi slt, %select_n3A_549, %lt3A_555 : i32
        %ne3A_557 = arith.xori %lt3A_554, %lt3A_556 : i1
        %and3A_558 = arith.andi %ne3A_557, %ne3A_552 : i1
        %add3A_559 = arith.addi %rem3A_550, %select_n3A_549 : i32
        %select_n3A_560 = arith.select %and3A_558, %add3A_559, %rem3A_550 : i32
        %dma_start3A_561 = arith.constant 0 : i32
        %dma_start3A_562 = arith.constant 0 : i32
        %dma_start3A_563 = tpu.memref_slice %arg6[%select_n3A_478, %dma_start3A_561, %dma_start3A_562] : memref<2x64x128xi32, #tpu.memory_space<vmem>> -> memref<1x64x128xi32, #tpu.memory_space<vmem>>
        %dma_start3A_564 = tpu.memref_squeeze %dma_start3A_563 : memref<1x64x128xi32, #tpu.memory_space<vmem>> -> memref<64x128xi32, #tpu.memory_space<vmem>>
        %dma_start3A_565 = arith.constant 0 : i32
        %dma_start3A_566 = tpu.memref_slice %arg2[%select_n3A_542, %mul3A_544, %select_n3A_560, %dma_start3A_565] : memref<25x128x8x128xi32, #tpu.memory_space<hbm>> -> memref<1x64x1x128xi32, #tpu.memory_space<hbm>>
        %dma_start3A_567 = tpu.memref_squeeze %dma_start3A_566 : memref<1x64x1x128xi32, #tpu.memory_space<hbm>> -> memref<64x128xi32, #tpu.memory_space<hbm>>
        %dma_start3A_568 = arith.constant 0 : i32
        %dma_start3A_569 = arith.constant 0 : i32
        %dma_start3A_570 = tpu.memref_slice %arg6[%select_n3A_478, %dma_start3A_568, %dma_start3A_569] : memref<2x64x128xi32, #tpu.memory_space<vmem>> -> memref<1x64x128xi32, #tpu.memory_space<vmem>>
        %dma_start3A_571 = tpu.memref_squeeze %dma_start3A_570 : memref<1x64x128xi32, #tpu.memory_space<vmem>> -> memref<64x128xi32, #tpu.memory_space<vmem>>
        %dma_start3A_572 = arith.constant 0 : i32
        %dma_start3A_573 = tpu.memref_slice %arg2[%select_n3A_542, %mul3A_544, %select_n3A_560, %dma_start3A_572] : memref<25x128x8x128xi32, #tpu.memory_space<hbm>> -> memref<1x64x1x128xi32, #tpu.memory_space<hbm>>
        %dma_start3A_574 = tpu.memref_squeeze %dma_start3A_573 : memref<1x64x1x128xi32, #tpu.memory_space<hbm>> -> memref<64x128xi32, #tpu.memory_space<hbm>>
        tpu.enqueue_dma source(%dma_start3A_574 : memref<64x128xi32, #tpu.memory_space<hbm>>) target(%dma_start3A_571 : memref<64x128xi32, #tpu.memory_space<vmem>>) target_semaphore(%arg8 : memref<!tpu.dma_semaphore, #tpu.memory_space<semaphore_mem>>)
      } else {
      }
      %jit3A_345 = arith.constant 2 : i32
      %eq3A_346 = arith.constant 0 : i32
      %eq3A_347 = arith.cmpi eq, %jit3A_345, %eq3A_346 : i32
      %jit3A_348 = arith.constant 1 : i32
      %select_n3A_349 = arith.select %eq3A_347, %jit3A_348, %jit3A_345 : i32
      %rem3A_350 = arith.remsi %while3A_186, %select_n3A_349 : i32
      %ne3A_351 = arith.constant 0 : i32
      %ne3A_352 = arith.cmpi ne, %rem3A_350, %ne3A_351 : i32
      %lt3A_353 = arith.constant 0 : i32
      %lt3A_354 = arith.cmpi slt, %rem3A_350, %lt3A_353 : i32
      %lt3A_355 = arith.constant 0 : i32
      %lt3A_356 = arith.cmpi slt, %select_n3A_349, %lt3A_355 : i32
      %ne3A_357 = arith.xori %lt3A_354, %lt3A_356 : i1
      %and3A_358 = arith.andi %ne3A_357, %ne3A_352 : i1
      %add3A_359 = arith.addi %rem3A_350, %select_n3A_349 : i32
      %select_n3A_360 = arith.select %and3A_358, %add3A_359, %rem3A_350 : i32
      %mul3A_361 = arith.constant 2 : i32
      %mul3A_362 = arith.muli %while3A_186, %mul3A_361 : i32
      %add3A_363 = arith.constant 0 : i32
      %add3A_364 = arith.addi %mul3A_362, %add3A_363 : i32
      %jit3A_365 = arith.constant 2 : i32
      %eq3A_366 = arith.constant 0 : i32
      %eq3A_367 = arith.cmpi eq, %jit3A_365, %eq3A_366 : i32
      %jit3A_368 = arith.constant 1 : i32
      %select_n3A_369 = arith.select %eq3A_367, %jit3A_368, %jit3A_365 : i32
      %rem3A_370 = arith.remsi %add3A_364, %select_n3A_369 : i32
      %ne3A_371 = arith.constant 0 : i32
      %ne3A_372 = arith.cmpi ne, %rem3A_370, %ne3A_371 : i32
      %lt3A_373 = arith.constant 0 : i32
      %lt3A_374 = arith.cmpi slt, %rem3A_370, %lt3A_373 : i32
      %lt3A_375 = arith.constant 0 : i32
      %lt3A_376 = arith.cmpi slt, %select_n3A_369, %lt3A_375 : i32
      %ne3A_377 = arith.xori %lt3A_374, %lt3A_376 : i1
      %and3A_378 = arith.andi %ne3A_377, %ne3A_372 : i1
      %add3A_379 = arith.addi %rem3A_370, %select_n3A_369 : i32
      %select_n3A_380 = arith.select %and3A_378, %add3A_379, %rem3A_370 : i32
      %ge3A = arith.constant 2 : i32
      %ge3A_381 = arith.cmpi sge, %add3A_364, %ge3A : i32
      %convert_element_type3A_382 = arith.extui %ge3A_381 : i1 to i32
      %cond3A_383 = arith.constant 0 : i32
      %cond3A_384 = arith.cmpi ne, %convert_element_type3A_382, %cond3A_383 : i32
      scf.if %cond3A_384 {
        %jit3A_459 = arith.constant 2 : i32
        %eq3A_460 = arith.constant 0 : i32
        %eq3A_461 = arith.cmpi eq, %jit3A_459, %eq3A_460 : i32
        %jit3A_462 = arith.constant 1 : i32
        %select_n3A_463 = arith.select %eq3A_461, %jit3A_462, %jit3A_459 : i32
        %rem3A_464 = arith.remsi %add3A_364, %select_n3A_463 : i32
        %ne3A_465 = arith.constant 0 : i32
        %ne3A_466 = arith.cmpi ne, %rem3A_464, %ne3A_465 : i32
        %lt3A_467 = arith.constant 0 : i32
        %lt3A_468 = arith.cmpi slt, %rem3A_464, %lt3A_467 : i32
        %lt3A_469 = arith.constant 0 : i32
        %lt3A_470 = arith.cmpi slt, %select_n3A_463, %lt3A_469 : i32
        %ne3A_471 = arith.xori %lt3A_468, %lt3A_470 : i1
        %and3A_472 = arith.andi %ne3A_471, %ne3A_466 : i1
        %add3A_473 = arith.addi %rem3A_464, %select_n3A_463 : i32
        %select_n3A_474 = arith.select %and3A_472, %add3A_473, %rem3A_464 : i32
        %dma_wait3A_475 = arith.constant 0 : i32
        %dma_wait3A_476 = arith.constant 0 : i32
        %dma_wait3A_477 = arith.constant 0 : i32
        %dma_wait3A_478 = arith.constant 0 : i32
        %dma_wait3A_479 = tpu.memref_slice %arg7[%select_n3A_474, %dma_wait3A_476, %dma_wait3A_477, %dma_wait3A_478] : memref<2x32x8x128xf32, #tpu.memory_space<vmem>> -> memref<1x32x8x128xf32, #tpu.memory_space<vmem>>
        %dma_wait3A_480 = tpu.memref_squeeze %dma_wait3A_479 : memref<1x32x8x128xf32, #tpu.memory_space<vmem>> -> memref<32x8x128xf32, #tpu.memory_space<vmem>>
        %dma_wait3A_481 = arith.constant 0 : i32
        %dma_wait3A_482 = arith.constant 0 : i32
        %dma_wait3A_483 = arith.constant 0 : i32
        %dma_wait3A_484 = tpu.memref_slice %arg4[%dma_wait3A_475, %dma_wait3A_481, %dma_wait3A_482, %dma_wait3A_483] : memref<200x128x8x128xf32, #tpu.memory_space<hbm>> -> memref<1x32x8x128xf32, #tpu.memory_space<hbm>>
        %dma_wait3A_485 = tpu.memref_squeeze %dma_wait3A_484 : memref<1x32x8x128xf32, #tpu.memory_space<hbm>> -> memref<32x8x128xf32, #tpu.memory_space<hbm>>
        %dma_wait3A_486 = arith.constant 0 : i32
        %dma_wait3A_487 = arith.constant 0 : i32
        %dma_wait3A_488 = arith.constant 0 : i32
        %dma_wait3A_489 = tpu.memref_slice %arg7[%select_n3A_474, %dma_wait3A_486, %dma_wait3A_487, %dma_wait3A_488] : memref<2x32x8x128xf32, #tpu.memory_space<vmem>> -> memref<1x32x8x128xf32, #tpu.memory_space<vmem>>
        %dma_wait3A_490 = tpu.memref_squeeze %dma_wait3A_489 : memref<1x32x8x128xf32, #tpu.memory_space<vmem>> -> memref<32x8x128xf32, #tpu.memory_space<vmem>>
        %dma_wait3A_491 = arith.constant 0 : i32
        %dma_wait3A_492 = arith.constant 0 : i32
        %dma_wait3A_493 = arith.constant 0 : i32
        %dma_wait3A_494 = tpu.memref_slice %arg4[%dma_wait3A_475, %dma_wait3A_491, %dma_wait3A_492, %dma_wait3A_493] : memref<200x128x8x128xf32, #tpu.memory_space<hbm>> -> memref<1x32x8x128xf32, #tpu.memory_space<hbm>>
        %dma_wait3A_495 = tpu.memref_squeeze %dma_wait3A_494 : memref<1x32x8x128xf32, #tpu.memory_space<hbm>> -> memref<32x8x128xf32, #tpu.memory_space<hbm>>
        tpu.wait_dma2 semaphore(%arg9 : memref<!tpu.dma_semaphore, #tpu.memory_space<semaphore_mem>>) src(%dma_wait3A_495 : memref<32x8x128xf32, #tpu.memory_space<hbm>>) dst(%dma_wait3A_490 : memref<32x8x128xf32, #tpu.memory_space<vmem>>)
      } else {
      }
      %parallel_loop3A = arith.constant 0 : i32
      %parallel_loop3A_385 = arith.constant 256 : i32
      %parallel_loop3A_386 = arith.constant 1 : i32
      scf.for %parallel_loop3A_459 = %parallel_loop3A to %parallel_loop3A_385 step %parallel_loop3A_386  : i32 {
        %parallel_loop3A_460 = arith.constant 0 : i32
        %parallel_loop3A_461 = arith.addi %parallel_loop3A_460, %parallel_loop3A_459 : i32
        %parallel_loop3A_462 = arith.constant 8 : i32
        %parallel_loop3A_463 = arith.divsi %parallel_loop3A_461, %parallel_loop3A_462 : i32
        %parallel_loop3A_464 = arith.constant 0 : i32
        %parallel_loop3A_465 = arith.cmpi sgt, %parallel_loop3A_461, %parallel_loop3A_464 : i32
        %parallel_loop3A_466 = arith.extui %parallel_loop3A_465 : i1 to i32
        %parallel_loop3A_467 = arith.constant 0 : i32
        %parallel_loop3A_468 = arith.cmpi slt, %parallel_loop3A_461, %parallel_loop3A_467 : i32
        %parallel_loop3A_469 = arith.extui %parallel_loop3A_468 : i1 to i32
        %parallel_loop3A_470 = arith.subi %parallel_loop3A_466, %parallel_loop3A_469 : i32
        %parallel_loop3A_471 = arith.constant 0 : i32
        %parallel_loop3A_472 = arith.cmpi sgt, %parallel_loop3A_462, %parallel_loop3A_471 : i32
        %parallel_loop3A_473 = arith.extui %parallel_loop3A_472 : i1 to i32
        %parallel_loop3A_474 = arith.constant 0 : i32
        %parallel_loop3A_475 = arith.cmpi slt, %parallel_loop3A_462, %parallel_loop3A_474 : i32
        %parallel_loop3A_476 = arith.extui %parallel_loop3A_475 : i1 to i32
        %parallel_loop3A_477 = arith.subi %parallel_loop3A_473, %parallel_loop3A_476 : i32
        %parallel_loop3A_478 = arith.cmpi ne, %parallel_loop3A_470, %parallel_loop3A_477 : i32
        %parallel_loop3A_479 = arith.remsi %parallel_loop3A_461, %parallel_loop3A_462 : i32
        %parallel_loop3A_480 = arith.constant 0 : i32
        %parallel_loop3A_481 = arith.cmpi ne, %parallel_loop3A_479, %parallel_loop3A_480 : i32
        %parallel_loop3A_482 = arith.andi %parallel_loop3A_478, %parallel_loop3A_481 : i1
        %parallel_loop3A_483 = arith.constant 1 : i32
        %parallel_loop3A_484 = arith.subi %parallel_loop3A_463, %parallel_loop3A_483 : i32
        %parallel_loop3A_485 = arith.select %parallel_loop3A_482, %parallel_loop3A_484, %parallel_loop3A_463 : i32
        %parallel_loop3A_486 = arith.constant 8 : i32
        %parallel_loop3A_487 = arith.constant 0 : i32
        %parallel_loop3A_488 = arith.cmpi eq, %parallel_loop3A_486, %parallel_loop3A_487 : i32
        %parallel_loop3A_489 = arith.constant 1 : i32
        %parallel_loop3A_490 = arith.select %parallel_loop3A_488, %parallel_loop3A_489, %parallel_loop3A_486 : i32
        %parallel_loop3A_491 = arith.remsi %parallel_loop3A_461, %parallel_loop3A_490 : i32
        %parallel_loop3A_492 = arith.constant 0 : i32
        %parallel_loop3A_493 = arith.cmpi ne, %parallel_loop3A_491, %parallel_loop3A_492 : i32
        %parallel_loop3A_494 = arith.constant 0 : i32
        %parallel_loop3A_495 = arith.cmpi slt, %parallel_loop3A_491, %parallel_loop3A_494 : i32
        %parallel_loop3A_496 = arith.constant 0 : i32
        %parallel_loop3A_497 = arith.cmpi slt, %parallel_loop3A_490, %parallel_loop3A_496 : i32
        %parallel_loop3A_498 = arith.xori %parallel_loop3A_495, %parallel_loop3A_497 : i1
        %parallel_loop3A_499 = arith.andi %parallel_loop3A_498, %parallel_loop3A_493 : i1
        %parallel_loop3A_500 = arith.addi %parallel_loop3A_491, %parallel_loop3A_490 : i32
        %parallel_loop3A_501 = arith.select %parallel_loop3A_499, %parallel_loop3A_500, %parallel_loop3A_491 : i32
        %parallel_loop3A_502 = arith.constant 16 : i32
        %parallel_loop3A_503 = arith.muli %parallel_loop3A_501, %parallel_loop3A_502 : i32
        %parallel_loop3A_504 = arith.constant 0 : i32
        %parallel_loop3A_505 = arith.constant 0 : i32
        %parallel_loop3A_506 = tpu.memref_slice %arg6[%select_n3A_360, %parallel_loop3A_504, %parallel_loop3A_505] : memref<2x64x128xi32, #tpu.memory_space<vmem>> -> memref<1x64x128xi32, #tpu.memory_space<vmem>>
        %parallel_loop3A_507 = tpu.memref_squeeze %parallel_loop3A_506 : memref<1x64x128xi32, #tpu.memory_space<vmem>> -> memref<64x128xi32, #tpu.memory_space<vmem>>
        %parallel_loop3A_508 = arith.index_cast %parallel_loop3A_485 : i32 to index
        %parallel_loop3A_509 = arith.index_cast %parallel_loop3A_503 : i32 to index
        %parallel_loop3A_510 = tpu.vector_load %parallel_loop3A_507[%parallel_loop3A_508, %parallel_loop3A_509] {strides = array<i32>} : memref<64x128xi32, #tpu.memory_space<vmem>>, vector<16xi32>,
        %parallel_loop3A_511 = tpu.vector_load_idx %arg5[%add3A_11, %parallel_loop3A_510] : memref<8x128xf32, #tpu.memory_space<vmem>>[vector<16xi32>, vector<16xi32>], vector<16xf32>,
        %parallel_loop3A_512 = arith.constant 8 : i32
        %parallel_loop3A_513 = arith.divsi %parallel_loop3A_459, %parallel_loop3A_512 : i32
        %parallel_loop3A_514 = arith.constant 0 : i32
        %parallel_loop3A_515 = arith.cmpi sgt, %parallel_loop3A_459, %parallel_loop3A_514 : i32
        %parallel_loop3A_516 = arith.extui %parallel_loop3A_515 : i1 to i32
        %parallel_loop3A_517 = arith.constant 0 : i32
        %parallel_loop3A_518 = arith.cmpi slt, %parallel_loop3A_459, %parallel_loop3A_517 : i32
        %parallel_loop3A_519 = arith.extui %parallel_loop3A_518 : i1 to i32
        %parallel_loop3A_520 = arith.subi %parallel_loop3A_516, %parallel_loop3A_519 : i32
        %parallel_loop3A_521 = arith.constant 0 : i32
        %parallel_loop3A_522 = arith.cmpi sgt, %parallel_loop3A_512, %parallel_loop3A_521 : i32
        %parallel_loop3A_523 = arith.extui %parallel_loop3A_522 : i1 to i32
        %parallel_loop3A_524 = arith.constant 0 : i32
        %parallel_loop3A_525 = arith.cmpi slt, %parallel_loop3A_512, %parallel_loop3A_524 : i32
        %parallel_loop3A_526 = arith.extui %parallel_loop3A_525 : i1 to i32
        %parallel_loop3A_527 = arith.subi %parallel_loop3A_523, %parallel_loop3A_526 : i32
        %parallel_loop3A_528 = arith.cmpi ne, %parallel_loop3A_520, %parallel_loop3A_527 : i32
        %parallel_loop3A_529 = arith.remsi %parallel_loop3A_459, %parallel_loop3A_512 : i32
        %parallel_loop3A_530 = arith.constant 0 : i32
        %parallel_loop3A_531 = arith.cmpi ne, %parallel_loop3A_529, %parallel_loop3A_530 : i32
        %parallel_loop3A_532 = arith.andi %parallel_loop3A_528, %parallel_loop3A_531 : i1
        %parallel_loop3A_533 = arith.constant 1 : i32
        %parallel_loop3A_534 = arith.subi %parallel_loop3A_513, %parallel_loop3A_533 : i32
        %parallel_loop3A_535 = arith.select %parallel_loop3A_532, %parallel_loop3A_534, %parallel_loop3A_513 : i32
        %parallel_loop3A_536 = arith.constant 8 : i32
        %parallel_loop3A_537 = arith.constant 0 : i32
        %parallel_loop3A_538 = arith.cmpi eq, %parallel_loop3A_536, %parallel_loop3A_537 : i32
        %parallel_loop3A_539 = arith.constant 1 : i32
        %parallel_loop3A_540 = arith.select %parallel_loop3A_538, %parallel_loop3A_539, %parallel_loop3A_536 : i32
        %parallel_loop3A_541 = arith.remsi %parallel_loop3A_459, %parallel_loop3A_540 : i32
        %parallel_loop3A_542 = arith.constant 0 : i32
        %parallel_loop3A_543 = arith.cmpi ne, %parallel_loop3A_541, %parallel_loop3A_542 : i32
        %parallel_loop3A_544 = arith.constant 0 : i32
        %parallel_loop3A_545 = arith.cmpi slt, %parallel_loop3A_541, %parallel_loop3A_544 : i32
        %parallel_loop3A_546 = arith.constant 0 : i32
        %parallel_loop3A_547 = arith.cmpi slt, %parallel_loop3A_540, %parallel_loop3A_546 : i32
        %parallel_loop3A_548 = arith.xori %parallel_loop3A_545, %parallel_loop3A_547 : i1
        %parallel_loop3A_549 = arith.andi %parallel_loop3A_548, %parallel_loop3A_543 : i1
        %parallel_loop3A_550 = arith.addi %parallel_loop3A_541, %parallel_loop3A_540 : i32
        %parallel_loop3A_551 = arith.select %parallel_loop3A_549, %parallel_loop3A_550, %parallel_loop3A_541 : i32
        %parallel_loop3A_552 = arith.constant 16 : i32
        %parallel_loop3A_553 = arith.muli %parallel_loop3A_551, %parallel_loop3A_552 : i32
        %parallel_loop3A_554 = arith.constant 0 : i32
        %parallel_loop3A_555 = arith.constant 0 : i32
        %parallel_loop3A_556 = arith.constant 0 : i32
        %parallel_loop3A_557 = arith.constant 0 : i32
        %parallel_loop3A_558 = tpu.memref_slice %arg7[%select_n3A_380, %parallel_loop3A_555, %parallel_loop3A_556, %parallel_loop3A_557] : memref<2x32x8x128xf32, #tpu.memory_space<vmem>> -> memref<1x32x8x128xf32, #tpu.memory_space<vmem>>
        %parallel_loop3A_559 = tpu.memref_squeeze %parallel_loop3A_558 : memref<1x32x8x128xf32, #tpu.memory_space<vmem>> -> memref<32x8x128xf32, #tpu.memory_space<vmem>>
        %parallel_loop3A_560 = arith.index_cast %parallel_loop3A_535 : i32 to index
        %parallel_loop3A_561 = arith.index_cast %parallel_loop3A_554 : i32 to index
        %parallel_loop3A_562 = arith.index_cast %parallel_loop3A_553 : i32 to index
        %parallel_loop3A_563 = tpu.vector_load %parallel_loop3A_559[%parallel_loop3A_560, %parallel_loop3A_561, %parallel_loop3A_562] {strides = array<i32>} : memref<32x8x128xf32, #tpu.memory_space<vmem>>, vector<16xf32>,
        tpu.vector_store %parallel_loop3A_559[%parallel_loop3A_560, %parallel_loop3A_561, %parallel_loop3A_562], %parallel_loop3A_511 {strides = array<i32>} : memref<32x8x128xf32, #tpu.memory_space<vmem>>, vector<16xf32>,
        %parallel_loop3A_564 = tpu.vector_load_idx %arg5[%add3A_16, %parallel_loop3A_510] : memref<8x128xf32, #tpu.memory_space<vmem>>[vector<16xi32>, vector<16xi32>], vector<16xf32>,
        %parallel_loop3A_565 = arith.constant 8 : i32
        %parallel_loop3A_566 = arith.divsi %parallel_loop3A_459, %parallel_loop3A_565 : i32
        %parallel_loop3A_567 = arith.constant 0 : i32
        %parallel_loop3A_568 = arith.cmpi sgt, %parallel_loop3A_459, %parallel_loop3A_567 : i32
        %parallel_loop3A_569 = arith.extui %parallel_loop3A_568 : i1 to i32
        %parallel_loop3A_570 = arith.constant 0 : i32
        %parallel_loop3A_571 = arith.cmpi slt, %parallel_loop3A_459, %parallel_loop3A_570 : i32
        %parallel_loop3A_572 = arith.extui %parallel_loop3A_571 : i1 to i32
        %parallel_loop3A_573 = arith.subi %parallel_loop3A_569, %parallel_loop3A_572 : i32
        %parallel_loop3A_574 = arith.constant 0 : i32
        %parallel_loop3A_575 = arith.cmpi sgt, %parallel_loop3A_565, %parallel_loop3A_574 : i32
        %parallel_loop3A_576 = arith.extui %parallel_loop3A_575 : i1 to i32
        %parallel_loop3A_577 = arith.constant 0 : i32
        %parallel_loop3A_578 = arith.cmpi slt, %parallel_loop3A_565, %parallel_loop3A_577 : i32
        %parallel_loop3A_579 = arith.extui %parallel_loop3A_578 : i1 to i32
        %parallel_loop3A_580 = arith.subi %parallel_loop3A_576, %parallel_loop3A_579 : i32
        %parallel_loop3A_581 = arith.cmpi ne, %parallel_loop3A_573, %parallel_loop3A_580 : i32
        %parallel_loop3A_582 = arith.remsi %parallel_loop3A_459, %parallel_loop3A_565 : i32
        %parallel_loop3A_583 = arith.constant 0 : i32
        %parallel_loop3A_584 = arith.cmpi ne, %parallel_loop3A_582, %parallel_loop3A_583 : i32
        %parallel_loop3A_585 = arith.andi %parallel_loop3A_581, %parallel_loop3A_584 : i1
        %parallel_loop3A_586 = arith.constant 1 : i32
        %parallel_loop3A_587 = arith.subi %parallel_loop3A_566, %parallel_loop3A_586 : i32
        %parallel_loop3A_588 = arith.select %parallel_loop3A_585, %parallel_loop3A_587, %parallel_loop3A_566 : i32
        %parallel_loop3A_589 = arith.constant 8 : i32
        %parallel_loop3A_590 = arith.constant 0 : i32
        %parallel_loop3A_591 = arith.cmpi eq, %parallel_loop3A_589, %parallel_loop3A_590 : i32
        %parallel_loop3A_592 = arith.constant 1 : i32
        %parallel_loop3A_593 = arith.select %parallel_loop3A_591, %parallel_loop3A_592, %parallel_loop3A_589 : i32
        %parallel_loop3A_594 = arith.remsi %parallel_loop3A_459, %parallel_loop3A_593 : i32
        %parallel_loop3A_595 = arith.constant 0 : i32
        %parallel_loop3A_596 = arith.cmpi ne, %parallel_loop3A_594, %parallel_loop3A_595 : i32
        %parallel_loop3A_597 = arith.constant 0 : i32
        %parallel_loop3A_598 = arith.cmpi slt, %parallel_loop3A_594, %parallel_loop3A_597 : i32
        %parallel_loop3A_599 = arith.constant 0 : i32
        %parallel_loop3A_600 = arith.cmpi slt, %parallel_loop3A_593, %parallel_loop3A_599 : i32
        %parallel_loop3A_601 = arith.xori %parallel_loop3A_598, %parallel_loop3A_600 : i1
        %parallel_loop3A_602 = arith.andi %parallel_loop3A_601, %parallel_loop3A_596 : i1
        %parallel_loop3A_603 = arith.addi %parallel_loop3A_594, %parallel_loop3A_593 : i32
        %parallel_loop3A_604 = arith.select %parallel_loop3A_602, %parallel_loop3A_603, %parallel_loop3A_594 : i32
        %parallel_loop3A_605 = arith.constant 16 : i32
        %parallel_loop3A_606 = arith.muli %parallel_loop3A_604, %parallel_loop3A_605 : i32
        %parallel_loop3A_607 = arith.constant 1 : i32
        %parallel_loop3A_608 = arith.constant 0 : i32
        %parallel_loop3A_609 = arith.constant 0 : i32
        %parallel_loop3A_610 = arith.constant 0 : i32
        %parallel_loop3A_611 = tpu.memref_slice %arg7[%select_n3A_380, %parallel_loop3A_608, %parallel_loop3A_609, %parallel_loop3A_610] : memref<2x32x8x128xf32, #tpu.memory_space<vmem>> -> memref<1x32x8x128xf32, #tpu.memory_space<vmem>>
        %parallel_loop3A_612 = tpu.memref_squeeze %parallel_loop3A_611 : memref<1x32x8x128xf32, #tpu.memory_space<vmem>> -> memref<32x8x128xf32, #tpu.memory_space<vmem>>
        %parallel_loop3A_613 = arith.index_cast %parallel_loop3A_588 : i32 to index
        %parallel_loop3A_614 = arith.index_cast %parallel_loop3A_607 : i32 to index
        %parallel_loop3A_615 = arith.index_cast %parallel_loop3A_606 : i32 to index
        %parallel_loop3A_616 = tpu.vector_load %parallel_loop3A_612[%parallel_loop3A_613, %parallel_loop3A_614, %parallel_loop3A_615] {strides = array<i32>} : memref<32x8x128xf32, #tpu.memory_space<vmem>>, vector<16xf32>,
        tpu.vector_store %parallel_loop3A_612[%parallel_loop3A_613, %parallel_loop3A_614, %parallel_loop3A_615], %parallel_loop3A_564 {strides = array<i32>} : memref<32x8x128xf32, #tpu.memory_space<vmem>>, vector<16xf32>,
        %parallel_loop3A_617 = tpu.vector_load_idx %arg5[%add3A_21, %parallel_loop3A_510] : memref<8x128xf32, #tpu.memory_space<vmem>>[vector<16xi32>, vector<16xi32>], vector<16xf32>,
        %parallel_loop3A_618 = arith.constant 8 : i32
        %parallel_loop3A_619 = arith.divsi %parallel_loop3A_459, %parallel_loop3A_618 : i32
        %parallel_loop3A_620 = arith.constant 0 : i32
        %parallel_loop3A_621 = arith.cmpi sgt, %parallel_loop3A_459, %parallel_loop3A_620 : i32
        %parallel_loop3A_622 = arith.extui %parallel_loop3A_621 : i1 to i32
        %parallel_loop3A_623 = arith.constant 0 : i32
        %parallel_loop3A_624 = arith.cmpi slt, %parallel_loop3A_459, %parallel_loop3A_623 : i32
        %parallel_loop3A_625 = arith.extui %parallel_loop3A_624 : i1 to i32
        %parallel_loop3A_626 = arith.subi %parallel_loop3A_622, %parallel_loop3A_625 : i32
        %parallel_loop3A_627 = arith.constant 0 : i32
        %parallel_loop3A_628 = arith.cmpi sgt, %parallel_loop3A_618, %parallel_loop3A_627 : i32
        %parallel_loop3A_629 = arith.extui %parallel_loop3A_628 : i1 to i32
        %parallel_loop3A_630 = arith.constant 0 : i32
        %parallel_loop3A_631 = arith.cmpi slt, %parallel_loop3A_618, %parallel_loop3A_630 : i32
        %parallel_loop3A_632 = arith.extui %parallel_loop3A_631 : i1 to i32
        %parallel_loop3A_633 = arith.subi %parallel_loop3A_629, %parallel_loop3A_632 : i32
        %parallel_loop3A_634 = arith.cmpi ne, %parallel_loop3A_626, %parallel_loop3A_633 : i32
        %parallel_loop3A_635 = arith.remsi %parallel_loop3A_459, %parallel_loop3A_618 : i32
        %parallel_loop3A_636 = arith.constant 0 : i32
        %parallel_loop3A_637 = arith.cmpi ne, %parallel_loop3A_635, %parallel_loop3A_636 : i32
        %parallel_loop3A_638 = arith.andi %parallel_loop3A_634, %parallel_loop3A_637 : i1
        %parallel_loop3A_639 = arith.constant 1 : i32
        %parallel_loop3A_640 = arith.subi %parallel_loop3A_619, %parallel_loop3A_639 : i32
        %parallel_loop3A_641 = arith.select %parallel_loop3A_638, %parallel_loop3A_640, %parallel_loop3A_619 : i32
        %parallel_loop3A_642 = arith.constant 8 : i32
        %parallel_loop3A_643 = arith.constant 0 : i32
        %parallel_loop3A_644 = arith.cmpi eq, %parallel_loop3A_642, %parallel_loop3A_643 : i32
        %parallel_loop3A_645 = arith.constant 1 : i32
        %parallel_loop3A_646 = arith.select %parallel_loop3A_644, %parallel_loop3A_645, %parallel_loop3A_642 : i32
        %parallel_loop3A_647 = arith.remsi %parallel_loop3A_459, %parallel_loop3A_646 : i32
        %parallel_loop3A_648 = arith.constant 0 : i32
        %parallel_loop3A_649 = arith.cmpi ne, %parallel_loop3A_647, %parallel_loop3A_648 : i32
        %parallel_loop3A_650 = arith.constant 0 : i32
        %parallel_loop3A_651 = arith.cmpi slt, %parallel_loop3A_647, %parallel_loop3A_650 : i32
        %parallel_loop3A_652 = arith.constant 0 : i32
        %parallel_loop3A_653 = arith.cmpi slt, %parallel_loop3A_646, %parallel_loop3A_652 : i32
        %parallel_loop3A_654 = arith.xori %parallel_loop3A_651, %parallel_loop3A_653 : i1
        %parallel_loop3A_655 = arith.andi %parallel_loop3A_654, %parallel_loop3A_649 : i1
        %parallel_loop3A_656 = arith.addi %parallel_loop3A_647, %parallel_loop3A_646 : i32
        %parallel_loop3A_657 = arith.select %parallel_loop3A_655, %parallel_loop3A_656, %parallel_loop3A_647 : i32
        %parallel_loop3A_658 = arith.constant 16 : i32
        %parallel_loop3A_659 = arith.muli %parallel_loop3A_657, %parallel_loop3A_658 : i32
        %parallel_loop3A_660 = arith.constant 2 : i32
        %parallel_loop3A_661 = arith.constant 0 : i32
        %parallel_loop3A_662 = arith.constant 0 : i32
        %parallel_loop3A_663 = arith.constant 0 : i32
        %parallel_loop3A_664 = tpu.memref_slice %arg7[%select_n3A_380, %parallel_loop3A_661, %parallel_loop3A_662, %parallel_loop3A_663] : memref<2x32x8x128xf32, #tpu.memory_space<vmem>> -> memref<1x32x8x128xf32, #tpu.memory_space<vmem>>
        %parallel_loop3A_665 = tpu.memref_squeeze %parallel_loop3A_664 : memref<1x32x8x128xf32, #tpu.memory_space<vmem>> -> memref<32x8x128xf32, #tpu.memory_space<vmem>>
        %parallel_loop3A_666 = arith.index_cast %parallel_loop3A_641 : i32 to index
        %parallel_loop3A_667 = arith.index_cast %parallel_loop3A_660 : i32 to index
        %parallel_loop3A_668 = arith.index_cast %parallel_loop3A_659 : i32 to index
        %parallel_loop3A_669 = tpu.vector_load %parallel_loop3A_665[%parallel_loop3A_666, %parallel_loop3A_667, %parallel_loop3A_668] {strides = array<i32>} : memref<32x8x128xf32, #tpu.memory_space<vmem>>, vector<16xf32>,
        tpu.vector_store %parallel_loop3A_665[%parallel_loop3A_666, %parallel_loop3A_667, %parallel_loop3A_668], %parallel_loop3A_617 {strides = array<i32>} : memref<32x8x128xf32, #tpu.memory_space<vmem>>, vector<16xf32>,
        %parallel_loop3A_670 = tpu.vector_load_idx %arg5[%add3A_26, %parallel_loop3A_510] : memref<8x128xf32, #tpu.memory_space<vmem>>[vector<16xi32>, vector<16xi32>], vector<16xf32>,
        %parallel_loop3A_671 = arith.constant 8 : i32
        %parallel_loop3A_672 = arith.divsi %parallel_loop3A_459, %parallel_loop3A_671 : i32
        %parallel_loop3A_673 = arith.constant 0 : i32
        %parallel_loop3A_674 = arith.cmpi sgt, %parallel_loop3A_459, %parallel_loop3A_673 : i32
        %parallel_loop3A_675 = arith.extui %parallel_loop3A_674 : i1 to i32
        %parallel_loop3A_676 = arith.constant 0 : i32
        %parallel_loop3A_677 = arith.cmpi slt, %parallel_loop3A_459, %parallel_loop3A_676 : i32
        %parallel_loop3A_678 = arith.extui %parallel_loop3A_677 : i1 to i32
        %parallel_loop3A_679 = arith.subi %parallel_loop3A_675, %parallel_loop3A_678 : i32
        %parallel_loop3A_680 = arith.constant 0 : i32
        %parallel_loop3A_681 = arith.cmpi sgt, %parallel_loop3A_671, %parallel_loop3A_680 : i32
        %parallel_loop3A_682 = arith.extui %parallel_loop3A_681 : i1 to i32
        %parallel_loop3A_683 = arith.constant 0 : i32
        %parallel_loop3A_684 = arith.cmpi slt, %parallel_loop3A_671, %parallel_loop3A_683 : i32
        %parallel_loop3A_685 = arith.extui %parallel_loop3A_684 : i1 to i32
        %parallel_loop3A_686 = arith.subi %parallel_loop3A_682, %parallel_loop3A_685 : i32
        %parallel_loop3A_687 = arith.cmpi ne, %parallel_loop3A_679, %parallel_loop3A_686 : i32
        %parallel_loop3A_688 = arith.remsi %parallel_loop3A_459, %parallel_loop3A_671 : i32
        %parallel_loop3A_689 = arith.constant 0 : i32
        %parallel_loop3A_690 = arith.cmpi ne, %parallel_loop3A_688, %parallel_loop3A_689 : i32
        %parallel_loop3A_691 = arith.andi %parallel_loop3A_687, %parallel_loop3A_690 : i1
        %parallel_loop3A_692 = arith.constant 1 : i32
        %parallel_loop3A_693 = arith.subi %parallel_loop3A_672, %parallel_loop3A_692 : i32
        %parallel_loop3A_694 = arith.select %parallel_loop3A_691, %parallel_loop3A_693, %parallel_loop3A_672 : i32
        %parallel_loop3A_695 = arith.constant 8 : i32
        %parallel_loop3A_696 = arith.constant 0 : i32
        %parallel_loop3A_697 = arith.cmpi eq, %parallel_loop3A_695, %parallel_loop3A_696 : i32
        %parallel_loop3A_698 = arith.constant 1 : i32
        %parallel_loop3A_699 = arith.select %parallel_loop3A_697, %parallel_loop3A_698, %parallel_loop3A_695 : i32
        %parallel_loop3A_700 = arith.remsi %parallel_loop3A_459, %parallel_loop3A_699 : i32
        %parallel_loop3A_701 = arith.constant 0 : i32
        %parallel_loop3A_702 = arith.cmpi ne, %parallel_loop3A_700, %parallel_loop3A_701 : i32
        %parallel_loop3A_703 = arith.constant 0 : i32
        %parallel_loop3A_704 = arith.cmpi slt, %parallel_loop3A_700, %parallel_loop3A_703 : i32
        %parallel_loop3A_705 = arith.constant 0 : i32
        %parallel_loop3A_706 = arith.cmpi slt, %parallel_loop3A_699, %parallel_loop3A_705 : i32
        %parallel_loop3A_707 = arith.xori %parallel_loop3A_704, %parallel_loop3A_706 : i1
        %parallel_loop3A_708 = arith.andi %parallel_loop3A_707, %parallel_loop3A_702 : i1
        %parallel_loop3A_709 = arith.addi %parallel_loop3A_700, %parallel_loop3A_699 : i32
        %parallel_loop3A_710 = arith.select %parallel_loop3A_708, %parallel_loop3A_709, %parallel_loop3A_700 : i32
        %parallel_loop3A_711 = arith.constant 16 : i32
        %parallel_loop3A_712 = arith.muli %parallel_loop3A_710, %parallel_loop3A_711 : i32
        %parallel_loop3A_713 = arith.constant 3 : i32
        %parallel_loop3A_714 = arith.constant 0 : i32
        %parallel_loop3A_715 = arith.constant 0 : i32
        %parallel_loop3A_716 = arith.constant 0 : i32
        %parallel_loop3A_717 = tpu.memref_slice %arg7[%select_n3A_380, %parallel_loop3A_714, %parallel_loop3A_715, %parallel_loop3A_716] : memref<2x32x8x128xf32, #tpu.memory_space<vmem>> -> memref<1x32x8x128xf32, #tpu.memory_space<vmem>>
        %parallel_loop3A_718 = tpu.memref_squeeze %parallel_loop3A_717 : memref<1x32x8x128xf32, #tpu.memory_space<vmem>> -> memref<32x8x128xf32, #tpu.memory_space<vmem>>
        %parallel_loop3A_719 = arith.index_cast %parallel_loop3A_694 : i32 to index
        %parallel_loop3A_720 = arith.index_cast %parallel_loop3A_713 : i32 to index
        %parallel_loop3A_721 = arith.index_cast %parallel_loop3A_712 : i32 to index
        %parallel_loop3A_722 = tpu.vector_load %parallel_loop3A_718[%parallel_loop3A_719, %parallel_loop3A_720, %parallel_loop3A_721] {strides = array<i32>} : memref<32x8x128xf32, #tpu.memory_space<vmem>>, vector<16xf32>,
        tpu.vector_store %parallel_loop3A_718[%parallel_loop3A_719, %parallel_loop3A_720, %parallel_loop3A_721], %parallel_loop3A_670 {strides = array<i32>} : memref<32x8x128xf32, #tpu.memory_space<vmem>>, vector<16xf32>,
        %parallel_loop3A_723 = tpu.vector_load_idx %arg5[%add3A_31, %parallel_loop3A_510] : memref<8x128xf32, #tpu.memory_space<vmem>>[vector<16xi32>, vector<16xi32>], vector<16xf32>,
        %parallel_loop3A_724 = arith.constant 8 : i32
        %parallel_loop3A_725 = arith.divsi %parallel_loop3A_459, %parallel_loop3A_724 : i32
        %parallel_loop3A_726 = arith.constant 0 : i32
        %parallel_loop3A_727 = arith.cmpi sgt, %parallel_loop3A_459, %parallel_loop3A_726 : i32
        %parallel_loop3A_728 = arith.extui %parallel_loop3A_727 : i1 to i32
        %parallel_loop3A_729 = arith.constant 0 : i32
        %parallel_loop3A_730 = arith.cmpi slt, %parallel_loop3A_459, %parallel_loop3A_729 : i32
        %parallel_loop3A_731 = arith.extui %parallel_loop3A_730 : i1 to i32
        %parallel_loop3A_732 = arith.subi %parallel_loop3A_728, %parallel_loop3A_731 : i32
        %parallel_loop3A_733 = arith.constant 0 : i32
        %parallel_loop3A_734 = arith.cmpi sgt, %parallel_loop3A_724, %parallel_loop3A_733 : i32
        %parallel_loop3A_735 = arith.extui %parallel_loop3A_734 : i1 to i32
        %parallel_loop3A_736 = arith.constant 0 : i32
        %parallel_loop3A_737 = arith.cmpi slt, %parallel_loop3A_724, %parallel_loop3A_736 : i32
        %parallel_loop3A_738 = arith.extui %parallel_loop3A_737 : i1 to i32
        %parallel_loop3A_739 = arith.subi %parallel_loop3A_735, %parallel_loop3A_738 : i32
        %parallel_loop3A_740 = arith.cmpi ne, %parallel_loop3A_732, %parallel_loop3A_739 : i32
        %parallel_loop3A_741 = arith.remsi %parallel_loop3A_459, %parallel_loop3A_724 : i32
        %parallel_loop3A_742 = arith.constant 0 : i32
        %parallel_loop3A_743 = arith.cmpi ne, %parallel_loop3A_741, %parallel_loop3A_742 : i32
        %parallel_loop3A_744 = arith.andi %parallel_loop3A_740, %parallel_loop3A_743 : i1
        %parallel_loop3A_745 = arith.constant 1 : i32
        %parallel_loop3A_746 = arith.subi %parallel_loop3A_725, %parallel_loop3A_745 : i32
        %parallel_loop3A_747 = arith.select %parallel_loop3A_744, %parallel_loop3A_746, %parallel_loop3A_725 : i32
        %parallel_loop3A_748 = arith.constant 8 : i32
        %parallel_loop3A_749 = arith.constant 0 : i32
        %parallel_loop3A_750 = arith.cmpi eq, %parallel_loop3A_748, %parallel_loop3A_749 : i32
        %parallel_loop3A_751 = arith.constant 1 : i32
        %parallel_loop3A_752 = arith.select %parallel_loop3A_750, %parallel_loop3A_751, %parallel_loop3A_748 : i32
        %parallel_loop3A_753 = arith.remsi %parallel_loop3A_459, %parallel_loop3A_752 : i32
        %parallel_loop3A_754 = arith.constant 0 : i32
        %parallel_loop3A_755 = arith.cmpi ne, %parallel_loop3A_753, %parallel_loop3A_754 : i32
        %parallel_loop3A_756 = arith.constant 0 : i32
        %parallel_loop3A_757 = arith.cmpi slt, %parallel_loop3A_753, %parallel_loop3A_756 : i32
        %parallel_loop3A_758 = arith.constant 0 : i32
        %parallel_loop3A_759 = arith.cmpi slt, %parallel_loop3A_752, %parallel_loop3A_758 : i32
        %parallel_loop3A_760 = arith.xori %parallel_loop3A_757, %parallel_loop3A_759 : i1
        %parallel_loop3A_761 = arith.andi %parallel_loop3A_760, %parallel_loop3A_755 : i1
        %parallel_loop3A_762 = arith.addi %parallel_loop3A_753, %parallel_loop3A_752 : i32
        %parallel_loop3A_763 = arith.select %parallel_loop3A_761, %parallel_loop3A_762, %parallel_loop3A_753 : i32
        %parallel_loop3A_764 = arith.constant 16 : i32
        %parallel_loop3A_765 = arith.muli %parallel_loop3A_763, %parallel_loop3A_764 : i32
        %parallel_loop3A_766 = arith.constant 4 : i32
        %parallel_loop3A_767 = arith.constant 0 : i32
        %parallel_loop3A_768 = arith.constant 0 : i32
        %parallel_loop3A_769 = arith.constant 0 : i32
        %parallel_loop3A_770 = tpu.memref_slice %arg7[%select_n3A_380, %parallel_loop3A_767, %parallel_loop3A_768, %parallel_loop3A_769] : memref<2x32x8x128xf32, #tpu.memory_space<vmem>> -> memref<1x32x8x128xf32, #tpu.memory_space<vmem>>
        %parallel_loop3A_771 = tpu.memref_squeeze %parallel_loop3A_770 : memref<1x32x8x128xf32, #tpu.memory_space<vmem>> -> memref<32x8x128xf32, #tpu.memory_space<vmem>>
        %parallel_loop3A_772 = arith.index_cast %parallel_loop3A_747 : i32 to index
        %parallel_loop3A_773 = arith.index_cast %parallel_loop3A_766 : i32 to index
        %parallel_loop3A_774 = arith.index_cast %parallel_loop3A_765 : i32 to index
        %parallel_loop3A_775 = tpu.vector_load %parallel_loop3A_771[%parallel_loop3A_772, %parallel_loop3A_773, %parallel_loop3A_774] {strides = array<i32>} : memref<32x8x128xf32, #tpu.memory_space<vmem>>, vector<16xf32>,
        tpu.vector_store %parallel_loop3A_771[%parallel_loop3A_772, %parallel_loop3A_773, %parallel_loop3A_774], %parallel_loop3A_723 {strides = array<i32>} : memref<32x8x128xf32, #tpu.memory_space<vmem>>, vector<16xf32>,
        %parallel_loop3A_776 = tpu.vector_load_idx %arg5[%add3A_36, %parallel_loop3A_510] : memref<8x128xf32, #tpu.memory_space<vmem>>[vector<16xi32>, vector<16xi32>], vector<16xf32>,
        %parallel_loop3A_777 = arith.constant 8 : i32
        %parallel_loop3A_778 = arith.divsi %parallel_loop3A_459, %parallel_loop3A_777 : i32
        %parallel_loop3A_779 = arith.constant 0 : i32
        %parallel_loop3A_780 = arith.cmpi sgt, %parallel_loop3A_459, %parallel_loop3A_779 : i32
        %parallel_loop3A_781 = arith.extui %parallel_loop3A_780 : i1 to i32
        %parallel_loop3A_782 = arith.constant 0 : i32
        %parallel_loop3A_783 = arith.cmpi slt, %parallel_loop3A_459, %parallel_loop3A_782 : i32
        %parallel_loop3A_784 = arith.extui %parallel_loop3A_783 : i1 to i32
        %parallel_loop3A_785 = arith.subi %parallel_loop3A_781, %parallel_loop3A_784 : i32
        %parallel_loop3A_786 = arith.constant 0 : i32
        %parallel_loop3A_787 = arith.cmpi sgt, %parallel_loop3A_777, %parallel_loop3A_786 : i32
        %parallel_loop3A_788 = arith.extui %parallel_loop3A_787 : i1 to i32
        %parallel_loop3A_789 = arith.constant 0 : i32
        %parallel_loop3A_790 = arith.cmpi slt, %parallel_loop3A_777, %parallel_loop3A_789 : i32
        %parallel_loop3A_791 = arith.extui %parallel_loop3A_790 : i1 to i32
        %parallel_loop3A_792 = arith.subi %parallel_loop3A_788, %parallel_loop3A_791 : i32
        %parallel_loop3A_793 = arith.cmpi ne, %parallel_loop3A_785, %parallel_loop3A_792 : i32
        %parallel_loop3A_794 = arith.remsi %parallel_loop3A_459, %parallel_loop3A_777 : i32
        %parallel_loop3A_795 = arith.constant 0 : i32
        %parallel_loop3A_796 = arith.cmpi ne, %parallel_loop3A_794, %parallel_loop3A_795 : i32
        %parallel_loop3A_797 = arith.andi %parallel_loop3A_793, %parallel_loop3A_796 : i1
        %parallel_loop3A_798 = arith.constant 1 : i32
        %parallel_loop3A_799 = arith.subi %parallel_loop3A_778, %parallel_loop3A_798 : i32
        %parallel_loop3A_800 = arith.select %parallel_loop3A_797, %parallel_loop3A_799, %parallel_loop3A_778 : i32
        %parallel_loop3A_801 = arith.constant 8 : i32
        %parallel_loop3A_802 = arith.constant 0 : i32
        %parallel_loop3A_803 = arith.cmpi eq, %parallel_loop3A_801, %parallel_loop3A_802 : i32
        %parallel_loop3A_804 = arith.constant 1 : i32
        %parallel_loop3A_805 = arith.select %parallel_loop3A_803, %parallel_loop3A_804, %parallel_loop3A_801 : i32
        %parallel_loop3A_806 = arith.remsi %parallel_loop3A_459, %parallel_loop3A_805 : i32
        %parallel_loop3A_807 = arith.constant 0 : i32
        %parallel_loop3A_808 = arith.cmpi ne, %parallel_loop3A_806, %parallel_loop3A_807 : i32
        %parallel_loop3A_809 = arith.constant 0 : i32
        %parallel_loop3A_810 = arith.cmpi slt, %parallel_loop3A_806, %parallel_loop3A_809 : i32
        %parallel_loop3A_811 = arith.constant 0 : i32
        %parallel_loop3A_812 = arith.cmpi slt, %parallel_loop3A_805, %parallel_loop3A_811 : i32
        %parallel_loop3A_813 = arith.xori %parallel_loop3A_810, %parallel_loop3A_812 : i1
        %parallel_loop3A_814 = arith.andi %parallel_loop3A_813, %parallel_loop3A_808 : i1
        %parallel_loop3A_815 = arith.addi %parallel_loop3A_806, %parallel_loop3A_805 : i32
        %parallel_loop3A_816 = arith.select %parallel_loop3A_814, %parallel_loop3A_815, %parallel_loop3A_806 : i32
        %parallel_loop3A_817 = arith.constant 16 : i32
        %parallel_loop3A_818 = arith.muli %parallel_loop3A_816, %parallel_loop3A_817 : i32
        %parallel_loop3A_819 = arith.constant 5 : i32
        %parallel_loop3A_820 = arith.constant 0 : i32
        %parallel_loop3A_821 = arith.constant 0 : i32
        %parallel_loop3A_822 = arith.constant 0 : i32
        %parallel_loop3A_823 = tpu.memref_slice %arg7[%select_n3A_380, %parallel_loop3A_820, %parallel_loop3A_821, %parallel_loop3A_822] : memref<2x32x8x128xf32, #tpu.memory_space<vmem>> -> memref<1x32x8x128xf32, #tpu.memory_space<vmem>>
        %parallel_loop3A_824 = tpu.memref_squeeze %parallel_loop3A_823 : memref<1x32x8x128xf32, #tpu.memory_space<vmem>> -> memref<32x8x128xf32, #tpu.memory_space<vmem>>
        %parallel_loop3A_825 = arith.index_cast %parallel_loop3A_800 : i32 to index
        %parallel_loop3A_826 = arith.index_cast %parallel_loop3A_819 : i32 to index
        %parallel_loop3A_827 = arith.index_cast %parallel_loop3A_818 : i32 to index
        %parallel_loop3A_828 = tpu.vector_load %parallel_loop3A_824[%parallel_loop3A_825, %parallel_loop3A_826, %parallel_loop3A_827] {strides = array<i32>} : memref<32x8x128xf32, #tpu.memory_space<vmem>>, vector<16xf32>,
        tpu.vector_store %parallel_loop3A_824[%parallel_loop3A_825, %parallel_loop3A_826, %parallel_loop3A_827], %parallel_loop3A_776 {strides = array<i32>} : memref<32x8x128xf32, #tpu.memory_space<vmem>>, vector<16xf32>,
        %parallel_loop3A_829 = tpu.vector_load_idx %arg5[%add3A_41, %parallel_loop3A_510] : memref<8x128xf32, #tpu.memory_space<vmem>>[vector<16xi32>, vector<16xi32>], vector<16xf32>,
        %parallel_loop3A_830 = arith.constant 8 : i32
        %parallel_loop3A_831 = arith.divsi %parallel_loop3A_459, %parallel_loop3A_830 : i32
        %parallel_loop3A_832 = arith.constant 0 : i32
        %parallel_loop3A_833 = arith.cmpi sgt, %parallel_loop3A_459, %parallel_loop3A_832 : i32
        %parallel_loop3A_834 = arith.extui %parallel_loop3A_833 : i1 to i32
        %parallel_loop3A_835 = arith.constant 0 : i32
        %parallel_loop3A_836 = arith.cmpi slt, %parallel_loop3A_459, %parallel_loop3A_835 : i32
        %parallel_loop3A_837 = arith.extui %parallel_loop3A_836 : i1 to i32
        %parallel_loop3A_838 = arith.subi %parallel_loop3A_834, %parallel_loop3A_837 : i32
        %parallel_loop3A_839 = arith.constant 0 : i32
        %parallel_loop3A_840 = arith.cmpi sgt, %parallel_loop3A_830, %parallel_loop3A_839 : i32
        %parallel_loop3A_841 = arith.extui %parallel_loop3A_840 : i1 to i32
        %parallel_loop3A_842 = arith.constant 0 : i32
        %parallel_loop3A_843 = arith.cmpi slt, %parallel_loop3A_830, %parallel_loop3A_842 : i32
        %parallel_loop3A_844 = arith.extui %parallel_loop3A_843 : i1 to i32
        %parallel_loop3A_845 = arith.subi %parallel_loop3A_841, %parallel_loop3A_844 : i32
        %parallel_loop3A_846 = arith.cmpi ne, %parallel_loop3A_838, %parallel_loop3A_845 : i32
        %parallel_loop3A_847 = arith.remsi %parallel_loop3A_459, %parallel_loop3A_830 : i32
        %parallel_loop3A_848 = arith.constant 0 : i32
        %parallel_loop3A_849 = arith.cmpi ne, %parallel_loop3A_847, %parallel_loop3A_848 : i32
        %parallel_loop3A_850 = arith.andi %parallel_loop3A_846, %parallel_loop3A_849 : i1
        %parallel_loop3A_851 = arith.constant 1 : i32
        %parallel_loop3A_852 = arith.subi %parallel_loop3A_831, %parallel_loop3A_851 : i32
        %parallel_loop3A_853 = arith.select %parallel_loop3A_850, %parallel_loop3A_852, %parallel_loop3A_831 : i32
        %parallel_loop3A_854 = arith.constant 8 : i32
        %parallel_loop3A_855 = arith.constant 0 : i32
        %parallel_loop3A_856 = arith.cmpi eq, %parallel_loop3A_854, %parallel_loop3A_855 : i32
        %parallel_loop3A_857 = arith.constant 1 : i32
        %parallel_loop3A_858 = arith.select %parallel_loop3A_856, %parallel_loop3A_857, %parallel_loop3A_854 : i32
        %parallel_loop3A_859 = arith.remsi %parallel_loop3A_459, %parallel_loop3A_858 : i32
        %parallel_loop3A_860 = arith.constant 0 : i32
        %parallel_loop3A_861 = arith.cmpi ne, %parallel_loop3A_859, %parallel_loop3A_860 : i32
        %parallel_loop3A_862 = arith.constant 0 : i32
        %parallel_loop3A_863 = arith.cmpi slt, %parallel_loop3A_859, %parallel_loop3A_862 : i32
        %parallel_loop3A_864 = arith.constant 0 : i32
        %parallel_loop3A_865 = arith.cmpi slt, %parallel_loop3A_858, %parallel_loop3A_864 : i32
        %parallel_loop3A_866 = arith.xori %parallel_loop3A_863, %parallel_loop3A_865 : i1
        %parallel_loop3A_867 = arith.andi %parallel_loop3A_866, %parallel_loop3A_861 : i1
        %parallel_loop3A_868 = arith.addi %parallel_loop3A_859, %parallel_loop3A_858 : i32
        %parallel_loop3A_869 = arith.select %parallel_loop3A_867, %parallel_loop3A_868, %parallel_loop3A_859 : i32
        %parallel_loop3A_870 = arith.constant 16 : i32
        %parallel_loop3A_871 = arith.muli %parallel_loop3A_869, %parallel_loop3A_870 : i32
        %parallel_loop3A_872 = arith.constant 6 : i32
        %parallel_loop3A_873 = arith.constant 0 : i32
        %parallel_loop3A_874 = arith.constant 0 : i32
        %parallel_loop3A_875 = arith.constant 0 : i32
        %parallel_loop3A_876 = tpu.memref_slice %arg7[%select_n3A_380, %parallel_loop3A_873, %parallel_loop3A_874, %parallel_loop3A_875] : memref<2x32x8x128xf32, #tpu.memory_space<vmem>> -> memref<1x32x8x128xf32, #tpu.memory_space<vmem>>
        %parallel_loop3A_877 = tpu.memref_squeeze %parallel_loop3A_876 : memref<1x32x8x128xf32, #tpu.memory_space<vmem>> -> memref<32x8x128xf32, #tpu.memory_space<vmem>>
        %parallel_loop3A_878 = arith.index_cast %parallel_loop3A_853 : i32 to index
        %parallel_loop3A_879 = arith.index_cast %parallel_loop3A_872 : i32 to index
        %parallel_loop3A_880 = arith.index_cast %parallel_loop3A_871 : i32 to index
        %parallel_loop3A_881 = tpu.vector_load %parallel_loop3A_877[%parallel_loop3A_878, %parallel_loop3A_879, %parallel_loop3A_880] {strides = array<i32>} : memref<32x8x128xf32, #tpu.memory_space<vmem>>, vector<16xf32>,
        tpu.vector_store %parallel_loop3A_877[%parallel_loop3A_878, %parallel_loop3A_879, %parallel_loop3A_880], %parallel_loop3A_829 {strides = array<i32>} : memref<32x8x128xf32, #tpu.memory_space<vmem>>, vector<16xf32>,
        %parallel_loop3A_882 = tpu.vector_load_idx %arg5[%add3A_46, %parallel_loop3A_510] : memref<8x128xf32, #tpu.memory_space<vmem>>[vector<16xi32>, vector<16xi32>], vector<16xf32>,
        %parallel_loop3A_883 = arith.constant 8 : i32
        %parallel_loop3A_884 = arith.divsi %parallel_loop3A_459, %parallel_loop3A_883 : i32
        %parallel_loop3A_885 = arith.constant 0 : i32
        %parallel_loop3A_886 = arith.cmpi sgt, %parallel_loop3A_459, %parallel_loop3A_885 : i32
        %parallel_loop3A_887 = arith.extui %parallel_loop3A_886 : i1 to i32
        %parallel_loop3A_888 = arith.constant 0 : i32
        %parallel_loop3A_889 = arith.cmpi slt, %parallel_loop3A_459, %parallel_loop3A_888 : i32
        %parallel_loop3A_890 = arith.extui %parallel_loop3A_889 : i1 to i32
        %parallel_loop3A_891 = arith.subi %parallel_loop3A_887, %parallel_loop3A_890 : i32
        %parallel_loop3A_892 = arith.constant 0 : i32
        %parallel_loop3A_893 = arith.cmpi sgt, %parallel_loop3A_883, %parallel_loop3A_892 : i32
        %parallel_loop3A_894 = arith.extui %parallel_loop3A_893 : i1 to i32
        %parallel_loop3A_895 = arith.constant 0 : i32
        %parallel_loop3A_896 = arith.cmpi slt, %parallel_loop3A_883, %parallel_loop3A_895 : i32
        %parallel_loop3A_897 = arith.extui %parallel_loop3A_896 : i1 to i32
        %parallel_loop3A_898 = arith.subi %parallel_loop3A_894, %parallel_loop3A_897 : i32
        %parallel_loop3A_899 = arith.cmpi ne, %parallel_loop3A_891, %parallel_loop3A_898 : i32
        %parallel_loop3A_900 = arith.remsi %parallel_loop3A_459, %parallel_loop3A_883 : i32
        %parallel_loop3A_901 = arith.constant 0 : i32
        %parallel_loop3A_902 = arith.cmpi ne, %parallel_loop3A_900, %parallel_loop3A_901 : i32
        %parallel_loop3A_903 = arith.andi %parallel_loop3A_899, %parallel_loop3A_902 : i1
        %parallel_loop3A_904 = arith.constant 1 : i32
        %parallel_loop3A_905 = arith.subi %parallel_loop3A_884, %parallel_loop3A_904 : i32
        %parallel_loop3A_906 = arith.select %parallel_loop3A_903, %parallel_loop3A_905, %parallel_loop3A_884 : i32
        %parallel_loop3A_907 = arith.constant 8 : i32
        %parallel_loop3A_908 = arith.constant 0 : i32
        %parallel_loop3A_909 = arith.cmpi eq, %parallel_loop3A_907, %parallel_loop3A_908 : i32
        %parallel_loop3A_910 = arith.constant 1 : i32
        %parallel_loop3A_911 = arith.select %parallel_loop3A_909, %parallel_loop3A_910, %parallel_loop3A_907 : i32
        %parallel_loop3A_912 = arith.remsi %parallel_loop3A_459, %parallel_loop3A_911 : i32
        %parallel_loop3A_913 = arith.constant 0 : i32
        %parallel_loop3A_914 = arith.cmpi ne, %parallel_loop3A_912, %parallel_loop3A_913 : i32
        %parallel_loop3A_915 = arith.constant 0 : i32
        %parallel_loop3A_916 = arith.cmpi slt, %parallel_loop3A_912, %parallel_loop3A_915 : i32
        %parallel_loop3A_917 = arith.constant 0 : i32
        %parallel_loop3A_918 = arith.cmpi slt, %parallel_loop3A_911, %parallel_loop3A_917 : i32
        %parallel_loop3A_919 = arith.xori %parallel_loop3A_916, %parallel_loop3A_918 : i1
        %parallel_loop3A_920 = arith.andi %parallel_loop3A_919, %parallel_loop3A_914 : i1
        %parallel_loop3A_921 = arith.addi %parallel_loop3A_912, %parallel_loop3A_911 : i32
        %parallel_loop3A_922 = arith.select %parallel_loop3A_920, %parallel_loop3A_921, %parallel_loop3A_912 : i32
        %parallel_loop3A_923 = arith.constant 16 : i32
        %parallel_loop3A_924 = arith.muli %parallel_loop3A_922, %parallel_loop3A_923 : i32
        %parallel_loop3A_925 = arith.constant 7 : i32
        %parallel_loop3A_926 = arith.constant 0 : i32
        %parallel_loop3A_927 = arith.constant 0 : i32
        %parallel_loop3A_928 = arith.constant 0 : i32
        %parallel_loop3A_929 = tpu.memref_slice %arg7[%select_n3A_380, %parallel_loop3A_926, %parallel_loop3A_927, %parallel_loop3A_928] : memref<2x32x8x128xf32, #tpu.memory_space<vmem>> -> memref<1x32x8x128xf32, #tpu.memory_space<vmem>>
        %parallel_loop3A_930 = tpu.memref_squeeze %parallel_loop3A_929 : memref<1x32x8x128xf32, #tpu.memory_space<vmem>> -> memref<32x8x128xf32, #tpu.memory_space<vmem>>
        %parallel_loop3A_931 = arith.index_cast %parallel_loop3A_906 : i32 to index
        %parallel_loop3A_932 = arith.index_cast %parallel_loop3A_925 : i32 to index
        %parallel_loop3A_933 = arith.index_cast %parallel_loop3A_924 : i32 to index
        %parallel_loop3A_934 = tpu.vector_load %parallel_loop3A_930[%parallel_loop3A_931, %parallel_loop3A_932, %parallel_loop3A_933] {strides = array<i32>} : memref<32x8x128xf32, #tpu.memory_space<vmem>>, vector<16xf32>,
        tpu.vector_store %parallel_loop3A_930[%parallel_loop3A_931, %parallel_loop3A_932, %parallel_loop3A_933], %parallel_loop3A_882 {strides = array<i32>} : memref<32x8x128xf32, #tpu.memory_space<vmem>>, vector<16xf32>,
      } {sc.loop_unroll_factor = 8 : i64, sc.parallel_access}
      %mul3A_387 = arith.constant 64 : i32
      %mul3A_388 = arith.muli %select_n3A_227, %mul3A_387 : i32
      %add3A_389 = arith.constant 0 : i32
      %add3A_390 = arith.addi %mul3A_388, %add3A_389 : i32
      %dma_start3A_391 = arith.constant 0 : i32
      %dma_start3A_392 = arith.constant 0 : i32
      %dma_start3A_393 = arith.constant 0 : i32
      %dma_start3A_394 = tpu.memref_slice %arg7[%select_n3A_380, %dma_start3A_391, %dma_start3A_392, %dma_start3A_393] : memref<2x32x8x128xf32, #tpu.memory_space<vmem>> -> memref<1x32x8x128xf32, #tpu.memory_space<vmem>>
      %dma_start3A_395 = tpu.memref_squeeze %dma_start3A_394 : memref<1x32x8x128xf32, #tpu.memory_space<vmem>> -> memref<32x8x128xf32, #tpu.memory_space<vmem>>
      %dma_start3A_396 = arith.constant 0 : i32
      %dma_start3A_397 = arith.constant 0 : i32
      %dma_start3A_398 = tpu.memref_slice %arg4[%select_n3A_211, %add3A_390, %dma_start3A_396, %dma_start3A_397] : memref<200x128x8x128xf32, #tpu.memory_space<hbm>> -> memref<1x32x8x128xf32, #tpu.memory_space<hbm>>
      %dma_start3A_399 = tpu.memref_squeeze %dma_start3A_398 : memref<1x32x8x128xf32, #tpu.memory_space<hbm>> -> memref<32x8x128xf32, #tpu.memory_space<hbm>>
      %dma_start3A_400 = arith.constant 0 : i32
      %dma_start3A_401 = arith.constant 0 : i32
      %dma_start3A_402 = tpu.memref_slice %arg4[%select_n3A_211, %add3A_390, %dma_start3A_400, %dma_start3A_401] : memref<200x128x8x128xf32, #tpu.memory_space<hbm>> -> memref<1x32x8x128xf32, #tpu.memory_space<hbm>>
      %dma_start3A_403 = tpu.memref_squeeze %dma_start3A_402 : memref<1x32x8x128xf32, #tpu.memory_space<hbm>> -> memref<32x8x128xf32, #tpu.memory_space<hbm>>
      %dma_start3A_404 = arith.constant 0 : i32
      %dma_start3A_405 = arith.constant 0 : i32
      %dma_start3A_406 = arith.constant 0 : i32
      %dma_start3A_407 = tpu.memref_slice %arg7[%select_n3A_380, %dma_start3A_404, %dma_start3A_405, %dma_start3A_406] : memref<2x32x8x128xf32, #tpu.memory_space<vmem>> -> memref<1x32x8x128xf32, #tpu.memory_space<vmem>>
      %dma_start3A_408 = tpu.memref_squeeze %dma_start3A_407 : memref<1x32x8x128xf32, #tpu.memory_space<vmem>> -> memref<32x8x128xf32, #tpu.memory_space<vmem>>
      tpu.enqueue_dma source(%dma_start3A_408 : memref<32x8x128xf32, #tpu.memory_space<vmem>>) target(%dma_start3A_403 : memref<32x8x128xf32, #tpu.memory_space<hbm>>) target_semaphore(%arg9 : memref<!tpu.dma_semaphore, #tpu.memory_space<semaphore_mem>>)
      %mul3A_409 = arith.constant 2 : i32
      %mul3A_410 = arith.muli %while3A_186, %mul3A_409 : i32
      %add3A_411 = arith.constant 1 : i32
      %add3A_412 = arith.addi %mul3A_410, %add3A_411 : i32
      %jit3A_413 = arith.constant 2 : i32
      %eq3A_414 = arith.constant 0 : i32
      %eq3A_415 = arith.cmpi eq, %jit3A_413, %eq3A_414 : i32
      %jit3A_416 = arith.constant 1 : i32
      %select_n3A_417 = arith.select %eq3A_415, %jit3A_416, %jit3A_413 : i32
      %rem3A_418 = arith.remsi %add3A_412, %select_n3A_417 : i32
      %ne3A_419 = arith.constant 0 : i32
      %ne3A_420 = arith.cmpi ne, %rem3A_418, %ne3A_419 : i32
      %lt3A_421 = arith.constant 0 : i32
      %lt3A_422 = arith.cmpi slt, %rem3A_418, %lt3A_421 : i32
      %lt3A_423 = arith.constant 0 : i32
      %lt3A_424 = arith.cmpi slt, %select_n3A_417, %lt3A_423 : i32
      %ne3A_425 = arith.xori %lt3A_422, %lt3A_424 : i1
      %and3A_426 = arith.andi %ne3A_425, %ne3A_420 : i1
      %add3A_427 = arith.addi %rem3A_418, %select_n3A_417 : i32
      %select_n3A_428 = arith.select %and3A_426, %add3A_427, %rem3A_418 : i32
      %ge3A_429 = arith.constant 2 : i32
      %ge3A_430 = arith.cmpi sge, %add3A_412, %ge3A_429 : i32
      %convert_element_type3A_431 = arith.extui %ge3A_430 : i1 to i32
      %cond3A_432 = arith.constant 0 : i32
      %cond3A_433 = arith.cmpi ne, %convert_element_type3A_431, %cond3A_432 : i32
      scf.if %cond3A_433 {
        %jit3A_459 = arith.constant 2 : i32
        %eq3A_460 = arith.constant 0 : i32
        %eq3A_461 = arith.cmpi eq, %jit3A_459, %eq3A_460 : i32
        %jit3A_462 = arith.constant 1 : i32
        %select_n3A_463 = arith.select %eq3A_461, %jit3A_462, %jit3A_459 : i32
        %rem3A_464 = arith.remsi %add3A_412, %select_n3A_463 : i32
        %ne3A_465 = arith.constant 0 : i32
        %ne3A_466 = arith.cmpi ne, %rem3A_464, %ne3A_465 : i32
        %lt3A_467 = arith.constant 0 : i32
        %lt3A_468 = arith.cmpi slt, %rem3A_464, %lt3A_467 : i32
        %lt3A_469 = arith.constant 0 : i32
        %lt3A_470 = arith.cmpi slt, %select_n3A_463, %lt3A_469 : i32
        %ne3A_471 = arith.xori %lt3A_468, %lt3A_470 : i1
        %and3A_472 = arith.andi %ne3A_471, %ne3A_466 : i1
        %add3A_473 = arith.addi %rem3A_464, %select_n3A_463 : i32
        %select_n3A_474 = arith.select %and3A_472, %add3A_473, %rem3A_464 : i32
        %dma_wait3A_475 = arith.constant 0 : i32
        %dma_wait3A_476 = arith.constant 0 : i32
        %dma_wait3A_477 = arith.constant 0 : i32
        %dma_wait3A_478 = arith.constant 0 : i32
        %dma_wait3A_479 = tpu.memref_slice %arg7[%select_n3A_474, %dma_wait3A_476, %dma_wait3A_477, %dma_wait3A_478] : memref<2x32x8x128xf32, #tpu.memory_space<vmem>> -> memref<1x32x8x128xf32, #tpu.memory_space<vmem>>
        %dma_wait3A_480 = tpu.memref_squeeze %dma_wait3A_479 : memref<1x32x8x128xf32, #tpu.memory_space<vmem>> -> memref<32x8x128xf32, #tpu.memory_space<vmem>>
        %dma_wait3A_481 = arith.constant 0 : i32
        %dma_wait3A_482 = arith.constant 0 : i32
        %dma_wait3A_483 = arith.constant 0 : i32
        %dma_wait3A_484 = tpu.memref_slice %arg4[%dma_wait3A_475, %dma_wait3A_481, %dma_wait3A_482, %dma_wait3A_483] : memref<200x128x8x128xf32, #tpu.memory_space<hbm>> -> memref<1x32x8x128xf32, #tpu.memory_space<hbm>>
        %dma_wait3A_485 = tpu.memref_squeeze %dma_wait3A_484 : memref<1x32x8x128xf32, #tpu.memory_space<hbm>> -> memref<32x8x128xf32, #tpu.memory_space<hbm>>
        %dma_wait3A_486 = arith.constant 0 : i32
        %dma_wait3A_487 = arith.constant 0 : i32
        %dma_wait3A_488 = arith.constant 0 : i32
        %dma_wait3A_489 = tpu.memref_slice %arg7[%select_n3A_474, %dma_wait3A_486, %dma_wait3A_487, %dma_wait3A_488] : memref<2x32x8x128xf32, #tpu.memory_space<vmem>> -> memref<1x32x8x128xf32, #tpu.memory_space<vmem>>
        %dma_wait3A_490 = tpu.memref_squeeze %dma_wait3A_489 : memref<1x32x8x128xf32, #tpu.memory_space<vmem>> -> memref<32x8x128xf32, #tpu.memory_space<vmem>>
        %dma_wait3A_491 = arith.constant 0 : i32
        %dma_wait3A_492 = arith.constant 0 : i32
        %dma_wait3A_493 = arith.constant 0 : i32
        %dma_wait3A_494 = tpu.memref_slice %arg4[%dma_wait3A_475, %dma_wait3A_491, %dma_wait3A_492, %dma_wait3A_493] : memref<200x128x8x128xf32, #tpu.memory_space<hbm>> -> memref<1x32x8x128xf32, #tpu.memory_space<hbm>>
        %dma_wait3A_495 = tpu.memref_squeeze %dma_wait3A_494 : memref<1x32x8x128xf32, #tpu.memory_space<hbm>> -> memref<32x8x128xf32, #tpu.memory_space<hbm>>
        tpu.wait_dma2 semaphore(%arg9 : memref<!tpu.dma_semaphore, #tpu.memory_space<semaphore_mem>>) src(%dma_wait3A_495 : memref<32x8x128xf32, #tpu.memory_space<hbm>>) dst(%dma_wait3A_490 : memref<32x8x128xf32, #tpu.memory_space<vmem>>)
      } else {
      }
      %parallel_loop3A_434 = arith.constant 0 : i32
      %parallel_loop3A_435 = arith.constant 256 : i32
      %parallel_loop3A_436 = arith.constant 1 : i32
      scf.for %parallel_loop3A_459 = %parallel_loop3A_434 to %parallel_loop3A_435 step %parallel_loop3A_436  : i32 {
        %parallel_loop3A_460 = arith.constant 256 : i32
        %parallel_loop3A_461 = arith.addi %parallel_loop3A_460, %parallel_loop3A_459 : i32
        %parallel_loop3A_462 = arith.constant 8 : i32
        %parallel_loop3A_463 = arith.divsi %parallel_loop3A_461, %parallel_loop3A_462 : i32
        %parallel_loop3A_464 = arith.constant 0 : i32
        %parallel_loop3A_465 = arith.cmpi sgt, %parallel_loop3A_461, %parallel_loop3A_464 : i32
        %parallel_loop3A_466 = arith.extui %parallel_loop3A_465 : i1 to i32
        %parallel_loop3A_467 = arith.constant 0 : i32
        %parallel_loop3A_468 = arith.cmpi slt, %parallel_loop3A_461, %parallel_loop3A_467 : i32
        %parallel_loop3A_469 = arith.extui %parallel_loop3A_468 : i1 to i32
        %parallel_loop3A_470 = arith.subi %parallel_loop3A_466, %parallel_loop3A_469 : i32
        %parallel_loop3A_471 = arith.constant 0 : i32
        %parallel_loop3A_472 = arith.cmpi sgt, %parallel_loop3A_462, %parallel_loop3A_471 : i32
        %parallel_loop3A_473 = arith.extui %parallel_loop3A_472 : i1 to i32
        %parallel_loop3A_474 = arith.constant 0 : i32
        %parallel_loop3A_475 = arith.cmpi slt, %parallel_loop3A_462, %parallel_loop3A_474 : i32
        %parallel_loop3A_476 = arith.extui %parallel_loop3A_475 : i1 to i32
        %parallel_loop3A_477 = arith.subi %parallel_loop3A_473, %parallel_loop3A_476 : i32
        %parallel_loop3A_478 = arith.cmpi ne, %parallel_loop3A_470, %parallel_loop3A_477 : i32
        %parallel_loop3A_479 = arith.remsi %parallel_loop3A_461, %parallel_loop3A_462 : i32
        %parallel_loop3A_480 = arith.constant 0 : i32
        %parallel_loop3A_481 = arith.cmpi ne, %parallel_loop3A_479, %parallel_loop3A_480 : i32
        %parallel_loop3A_482 = arith.andi %parallel_loop3A_478, %parallel_loop3A_481 : i1
        %parallel_loop3A_483 = arith.constant 1 : i32
        %parallel_loop3A_484 = arith.subi %parallel_loop3A_463, %parallel_loop3A_483 : i32
        %parallel_loop3A_485 = arith.select %parallel_loop3A_482, %parallel_loop3A_484, %parallel_loop3A_463 : i32
        %parallel_loop3A_486 = arith.constant 8 : i32
        %parallel_loop3A_487 = arith.constant 0 : i32
        %parallel_loop3A_488 = arith.cmpi eq, %parallel_loop3A_486, %parallel_loop3A_487 : i32
        %parallel_loop3A_489 = arith.constant 1 : i32
        %parallel_loop3A_490 = arith.select %parallel_loop3A_488, %parallel_loop3A_489, %parallel_loop3A_486 : i32
        %parallel_loop3A_491 = arith.remsi %parallel_loop3A_461, %parallel_loop3A_490 : i32
        %parallel_loop3A_492 = arith.constant 0 : i32
        %parallel_loop3A_493 = arith.cmpi ne, %parallel_loop3A_491, %parallel_loop3A_492 : i32
        %parallel_loop3A_494 = arith.constant 0 : i32
        %parallel_loop3A_495 = arith.cmpi slt, %parallel_loop3A_491, %parallel_loop3A_494 : i32
        %parallel_loop3A_496 = arith.constant 0 : i32
        %parallel_loop3A_497 = arith.cmpi slt, %parallel_loop3A_490, %parallel_loop3A_496 : i32
        %parallel_loop3A_498 = arith.xori %parallel_loop3A_495, %parallel_loop3A_497 : i1
        %parallel_loop3A_499 = arith.andi %parallel_loop3A_498, %parallel_loop3A_493 : i1
        %parallel_loop3A_500 = arith.addi %parallel_loop3A_491, %parallel_loop3A_490 : i32
        %parallel_loop3A_501 = arith.select %parallel_loop3A_499, %parallel_loop3A_500, %parallel_loop3A_491 : i32
        %parallel_loop3A_502 = arith.constant 16 : i32
        %parallel_loop3A_503 = arith.muli %parallel_loop3A_501, %parallel_loop3A_502 : i32
        %parallel_loop3A_504 = arith.constant 0 : i32
        %parallel_loop3A_505 = arith.constant 0 : i32
        %parallel_loop3A_506 = tpu.memref_slice %arg6[%select_n3A_360, %parallel_loop3A_504, %parallel_loop3A_505] : memref<2x64x128xi32, #tpu.memory_space<vmem>> -> memref<1x64x128xi32, #tpu.memory_space<vmem>>
        %parallel_loop3A_507 = tpu.memref_squeeze %parallel_loop3A_506 : memref<1x64x128xi32, #tpu.memory_space<vmem>> -> memref<64x128xi32, #tpu.memory_space<vmem>>
        %parallel_loop3A_508 = arith.index_cast %parallel_loop3A_485 : i32 to index
        %parallel_loop3A_509 = arith.index_cast %parallel_loop3A_503 : i32 to index
        %parallel_loop3A_510 = tpu.vector_load %parallel_loop3A_507[%parallel_loop3A_508, %parallel_loop3A_509] {strides = array<i32>} : memref<64x128xi32, #tpu.memory_space<vmem>>, vector<16xi32>,
        %parallel_loop3A_511 = tpu.vector_load_idx %arg5[%add3A_11, %parallel_loop3A_510] : memref<8x128xf32, #tpu.memory_space<vmem>>[vector<16xi32>, vector<16xi32>], vector<16xf32>,
        %parallel_loop3A_512 = arith.constant 8 : i32
        %parallel_loop3A_513 = arith.divsi %parallel_loop3A_459, %parallel_loop3A_512 : i32
        %parallel_loop3A_514 = arith.constant 0 : i32
        %parallel_loop3A_515 = arith.cmpi sgt, %parallel_loop3A_459, %parallel_loop3A_514 : i32
        %parallel_loop3A_516 = arith.extui %parallel_loop3A_515 : i1 to i32
        %parallel_loop3A_517 = arith.constant 0 : i32
        %parallel_loop3A_518 = arith.cmpi slt, %parallel_loop3A_459, %parallel_loop3A_517 : i32
        %parallel_loop3A_519 = arith.extui %parallel_loop3A_518 : i1 to i32
        %parallel_loop3A_520 = arith.subi %parallel_loop3A_516, %parallel_loop3A_519 : i32
        %parallel_loop3A_521 = arith.constant 0 : i32
        %parallel_loop3A_522 = arith.cmpi sgt, %parallel_loop3A_512, %parallel_loop3A_521 : i32
        %parallel_loop3A_523 = arith.extui %parallel_loop3A_522 : i1 to i32
        %parallel_loop3A_524 = arith.constant 0 : i32
        %parallel_loop3A_525 = arith.cmpi slt, %parallel_loop3A_512, %parallel_loop3A_524 : i32
        %parallel_loop3A_526 = arith.extui %parallel_loop3A_525 : i1 to i32
        %parallel_loop3A_527 = arith.subi %parallel_loop3A_523, %parallel_loop3A_526 : i32
        %parallel_loop3A_528 = arith.cmpi ne, %parallel_loop3A_520, %parallel_loop3A_527 : i32
        %parallel_loop3A_529 = arith.remsi %parallel_loop3A_459, %parallel_loop3A_512 : i32
        %parallel_loop3A_530 = arith.constant 0 : i32
        %parallel_loop3A_531 = arith.cmpi ne, %parallel_loop3A_529, %parallel_loop3A_530 : i32
        %parallel_loop3A_532 = arith.andi %parallel_loop3A_528, %parallel_loop3A_531 : i1
        %parallel_loop3A_533 = arith.constant 1 : i32
        %parallel_loop3A_534 = arith.subi %parallel_loop3A_513, %parallel_loop3A_533 : i32
        %parallel_loop3A_535 = arith.select %parallel_loop3A_532, %parallel_loop3A_534, %parallel_loop3A_513 : i32
        %parallel_loop3A_536 = arith.constant 8 : i32
        %parallel_loop3A_537 = arith.constant 0 : i32
        %parallel_loop3A_538 = arith.cmpi eq, %parallel_loop3A_536, %parallel_loop3A_537 : i32
        %parallel_loop3A_539 = arith.constant 1 : i32
        %parallel_loop3A_540 = arith.select %parallel_loop3A_538, %parallel_loop3A_539, %parallel_loop3A_536 : i32
        %parallel_loop3A_541 = arith.remsi %parallel_loop3A_459, %parallel_loop3A_540 : i32
        %parallel_loop3A_542 = arith.constant 0 : i32
        %parallel_loop3A_543 = arith.cmpi ne, %parallel_loop3A_541, %parallel_loop3A_542 : i32
        %parallel_loop3A_544 = arith.constant 0 : i32
        %parallel_loop3A_545 = arith.cmpi slt, %parallel_loop3A_541, %parallel_loop3A_544 : i32
        %parallel_loop3A_546 = arith.constant 0 : i32
        %parallel_loop3A_547 = arith.cmpi slt, %parallel_loop3A_540, %parallel_loop3A_546 : i32
        %parallel_loop3A_548 = arith.xori %parallel_loop3A_545, %parallel_loop3A_547 : i1
        %parallel_loop3A_549 = arith.andi %parallel_loop3A_548, %parallel_loop3A_543 : i1
        %parallel_loop3A_550 = arith.addi %parallel_loop3A_541, %parallel_loop3A_540 : i32
        %parallel_loop3A_551 = arith.select %parallel_loop3A_549, %parallel_loop3A_550, %parallel_loop3A_541 : i32
        %parallel_loop3A_552 = arith.constant 16 : i32
        %parallel_loop3A_553 = arith.muli %parallel_loop3A_551, %parallel_loop3A_552 : i32
        %parallel_loop3A_554 = arith.constant 0 : i32
        %parallel_loop3A_555 = arith.constant 0 : i32
        %parallel_loop3A_556 = arith.constant 0 : i32
        %parallel_loop3A_557 = arith.constant 0 : i32
        %parallel_loop3A_558 = tpu.memref_slice %arg7[%select_n3A_428, %parallel_loop3A_555, %parallel_loop3A_556, %parallel_loop3A_557] : memref<2x32x8x128xf32, #tpu.memory_space<vmem>> -> memref<1x32x8x128xf32, #tpu.memory_space<vmem>>
        %parallel_loop3A_559 = tpu.memref_squeeze %parallel_loop3A_558 : memref<1x32x8x128xf32, #tpu.memory_space<vmem>> -> memref<32x8x128xf32, #tpu.memory_space<vmem>>
        %parallel_loop3A_560 = arith.index_cast %parallel_loop3A_535 : i32 to index
        %parallel_loop3A_561 = arith.index_cast %parallel_loop3A_554 : i32 to index
        %parallel_loop3A_562 = arith.index_cast %parallel_loop3A_553 : i32 to index
        %parallel_loop3A_563 = tpu.vector_load %parallel_loop3A_559[%parallel_loop3A_560, %parallel_loop3A_561, %parallel_loop3A_562] {strides = array<i32>} : memref<32x8x128xf32, #tpu.memory_space<vmem>>, vector<16xf32>,
        tpu.vector_store %parallel_loop3A_559[%parallel_loop3A_560, %parallel_loop3A_561, %parallel_loop3A_562], %parallel_loop3A_511 {strides = array<i32>} : memref<32x8x128xf32, #tpu.memory_space<vmem>>, vector<16xf32>,
        %parallel_loop3A_564 = tpu.vector_load_idx %arg5[%add3A_16, %parallel_loop3A_510] : memref<8x128xf32, #tpu.memory_space<vmem>>[vector<16xi32>, vector<16xi32>], vector<16xf32>,
        %parallel_loop3A_565 = arith.constant 8 : i32
        %parallel_loop3A_566 = arith.divsi %parallel_loop3A_459, %parallel_loop3A_565 : i32
        %parallel_loop3A_567 = arith.constant 0 : i32
        %parallel_loop3A_568 = arith.cmpi sgt, %parallel_loop3A_459, %parallel_loop3A_567 : i32
        %parallel_loop3A_569 = arith.extui %parallel_loop3A_568 : i1 to i32
        %parallel_loop3A_570 = arith.constant 0 : i32
        %parallel_loop3A_571 = arith.cmpi slt, %parallel_loop3A_459, %parallel_loop3A_570 : i32
        %parallel_loop3A_572 = arith.extui %parallel_loop3A_571 : i1 to i32
        %parallel_loop3A_573 = arith.subi %parallel_loop3A_569, %parallel_loop3A_572 : i32
        %parallel_loop3A_574 = arith.constant 0 : i32
        %parallel_loop3A_575 = arith.cmpi sgt, %parallel_loop3A_565, %parallel_loop3A_574 : i32
        %parallel_loop3A_576 = arith.extui %parallel_loop3A_575 : i1 to i32
        %parallel_loop3A_577 = arith.constant 0 : i32
        %parallel_loop3A_578 = arith.cmpi slt, %parallel_loop3A_565, %parallel_loop3A_577 : i32
        %parallel_loop3A_579 = arith.extui %parallel_loop3A_578 : i1 to i32
        %parallel_loop3A_580 = arith.subi %parallel_loop3A_576, %parallel_loop3A_579 : i32
        %parallel_loop3A_581 = arith.cmpi ne, %parallel_loop3A_573, %parallel_loop3A_580 : i32
        %parallel_loop3A_582 = arith.remsi %parallel_loop3A_459, %parallel_loop3A_565 : i32
        %parallel_loop3A_583 = arith.constant 0 : i32
        %parallel_loop3A_584 = arith.cmpi ne, %parallel_loop3A_582, %parallel_loop3A_583 : i32
        %parallel_loop3A_585 = arith.andi %parallel_loop3A_581, %parallel_loop3A_584 : i1
        %parallel_loop3A_586 = arith.constant 1 : i32
        %parallel_loop3A_587 = arith.subi %parallel_loop3A_566, %parallel_loop3A_586 : i32
        %parallel_loop3A_588 = arith.select %parallel_loop3A_585, %parallel_loop3A_587, %parallel_loop3A_566 : i32
        %parallel_loop3A_589 = arith.constant 8 : i32
        %parallel_loop3A_590 = arith.constant 0 : i32
        %parallel_loop3A_591 = arith.cmpi eq, %parallel_loop3A_589, %parallel_loop3A_590 : i32
        %parallel_loop3A_592 = arith.constant 1 : i32
        %parallel_loop3A_593 = arith.select %parallel_loop3A_591, %parallel_loop3A_592, %parallel_loop3A_589 : i32
        %parallel_loop3A_594 = arith.remsi %parallel_loop3A_459, %parallel_loop3A_593 : i32
        %parallel_loop3A_595 = arith.constant 0 : i32
        %parallel_loop3A_596 = arith.cmpi ne, %parallel_loop3A_594, %parallel_loop3A_595 : i32
        %parallel_loop3A_597 = arith.constant 0 : i32
        %parallel_loop3A_598 = arith.cmpi slt, %parallel_loop3A_594, %parallel_loop3A_597 : i32
        %parallel_loop3A_599 = arith.constant 0 : i32
        %parallel_loop3A_600 = arith.cmpi slt, %parallel_loop3A_593, %parallel_loop3A_599 : i32
        %parallel_loop3A_601 = arith.xori %parallel_loop3A_598, %parallel_loop3A_600 : i1
        %parallel_loop3A_602 = arith.andi %parallel_loop3A_601, %parallel_loop3A_596 : i1
        %parallel_loop3A_603 = arith.addi %parallel_loop3A_594, %parallel_loop3A_593 : i32
        %parallel_loop3A_604 = arith.select %parallel_loop3A_602, %parallel_loop3A_603, %parallel_loop3A_594 : i32
        %parallel_loop3A_605 = arith.constant 16 : i32
        %parallel_loop3A_606 = arith.muli %parallel_loop3A_604, %parallel_loop3A_605 : i32
        %parallel_loop3A_607 = arith.constant 1 : i32
        %parallel_loop3A_608 = arith.constant 0 : i32
        %parallel_loop3A_609 = arith.constant 0 : i32
        %parallel_loop3A_610 = arith.constant 0 : i32
        %parallel_loop3A_611 = tpu.memref_slice %arg7[%select_n3A_428, %parallel_loop3A_608, %parallel_loop3A_609, %parallel_loop3A_610] : memref<2x32x8x128xf32, #tpu.memory_space<vmem>> -> memref<1x32x8x128xf32, #tpu.memory_space<vmem>>
        %parallel_loop3A_612 = tpu.memref_squeeze %parallel_loop3A_611 : memref<1x32x8x128xf32, #tpu.memory_space<vmem>> -> memref<32x8x128xf32, #tpu.memory_space<vmem>>
        %parallel_loop3A_613 = arith.index_cast %parallel_loop3A_588 : i32 to index
        %parallel_loop3A_614 = arith.index_cast %parallel_loop3A_607 : i32 to index
        %parallel_loop3A_615 = arith.index_cast %parallel_loop3A_606 : i32 to index
        %parallel_loop3A_616 = tpu.vector_load %parallel_loop3A_612[%parallel_loop3A_613, %parallel_loop3A_614, %parallel_loop3A_615] {strides = array<i32>} : memref<32x8x128xf32, #tpu.memory_space<vmem>>, vector<16xf32>,
        tpu.vector_store %parallel_loop3A_612[%parallel_loop3A_613, %parallel_loop3A_614, %parallel_loop3A_615], %parallel_loop3A_564 {strides = array<i32>} : memref<32x8x128xf32, #tpu.memory_space<vmem>>, vector<16xf32>,
        %parallel_loop3A_617 = tpu.vector_load_idx %arg5[%add3A_21, %parallel_loop3A_510] : memref<8x128xf32, #tpu.memory_space<vmem>>[vector<16xi32>, vector<16xi32>], vector<16xf32>,
        %parallel_loop3A_618 = arith.constant 8 : i32
        %parallel_loop3A_619 = arith.divsi %parallel_loop3A_459, %parallel_loop3A_618 : i32
        %parallel_loop3A_620 = arith.constant 0 : i32
        %parallel_loop3A_621 = arith.cmpi sgt, %parallel_loop3A_459, %parallel_loop3A_620 : i32
        %parallel_loop3A_622 = arith.extui %parallel_loop3A_621 : i1 to i32
        %parallel_loop3A_623 = arith.constant 0 : i32
        %parallel_loop3A_624 = arith.cmpi slt, %parallel_loop3A_459, %parallel_loop3A_623 : i32
        %parallel_loop3A_625 = arith.extui %parallel_loop3A_624 : i1 to i32
        %parallel_loop3A_626 = arith.subi %parallel_loop3A_622, %parallel_loop3A_625 : i32
        %parallel_loop3A_627 = arith.constant 0 : i32
        %parallel_loop3A_628 = arith.cmpi sgt, %parallel_loop3A_618, %parallel_loop3A_627 : i32
        %parallel_loop3A_629 = arith.extui %parallel_loop3A_628 : i1 to i32
        %parallel_loop3A_630 = arith.constant 0 : i32
        %parallel_loop3A_631 = arith.cmpi slt, %parallel_loop3A_618, %parallel_loop3A_630 : i32
        %parallel_loop3A_632 = arith.extui %parallel_loop3A_631 : i1 to i32
        %parallel_loop3A_633 = arith.subi %parallel_loop3A_629, %parallel_loop3A_632 : i32
        %parallel_loop3A_634 = arith.cmpi ne, %parallel_loop3A_626, %parallel_loop3A_633 : i32
        %parallel_loop3A_635 = arith.remsi %parallel_loop3A_459, %parallel_loop3A_618 : i32
        %parallel_loop3A_636 = arith.constant 0 : i32
        %parallel_loop3A_637 = arith.cmpi ne, %parallel_loop3A_635, %parallel_loop3A_636 : i32
        %parallel_loop3A_638 = arith.andi %parallel_loop3A_634, %parallel_loop3A_637 : i1
        %parallel_loop3A_639 = arith.constant 1 : i32
        %parallel_loop3A_640 = arith.subi %parallel_loop3A_619, %parallel_loop3A_639 : i32
        %parallel_loop3A_641 = arith.select %parallel_loop3A_638, %parallel_loop3A_640, %parallel_loop3A_619 : i32
        %parallel_loop3A_642 = arith.constant 8 : i32
        %parallel_loop3A_643 = arith.constant 0 : i32
        %parallel_loop3A_644 = arith.cmpi eq, %parallel_loop3A_642, %parallel_loop3A_643 : i32
        %parallel_loop3A_645 = arith.constant 1 : i32
        %parallel_loop3A_646 = arith.select %parallel_loop3A_644, %parallel_loop3A_645, %parallel_loop3A_642 : i32
        %parallel_loop3A_647 = arith.remsi %parallel_loop3A_459, %parallel_loop3A_646 : i32
        %parallel_loop3A_648 = arith.constant 0 : i32
        %parallel_loop3A_649 = arith.cmpi ne, %parallel_loop3A_647, %parallel_loop3A_648 : i32
        %parallel_loop3A_650 = arith.constant 0 : i32
        %parallel_loop3A_651 = arith.cmpi slt, %parallel_loop3A_647, %parallel_loop3A_650 : i32
        %parallel_loop3A_652 = arith.constant 0 : i32
        %parallel_loop3A_653 = arith.cmpi slt, %parallel_loop3A_646, %parallel_loop3A_652 : i32
        %parallel_loop3A_654 = arith.xori %parallel_loop3A_651, %parallel_loop3A_653 : i1
        %parallel_loop3A_655 = arith.andi %parallel_loop3A_654, %parallel_loop3A_649 : i1
        %parallel_loop3A_656 = arith.addi %parallel_loop3A_647, %parallel_loop3A_646 : i32
        %parallel_loop3A_657 = arith.select %parallel_loop3A_655, %parallel_loop3A_656, %parallel_loop3A_647 : i32
        %parallel_loop3A_658 = arith.constant 16 : i32
        %parallel_loop3A_659 = arith.muli %parallel_loop3A_657, %parallel_loop3A_658 : i32
        %parallel_loop3A_660 = arith.constant 2 : i32
        %parallel_loop3A_661 = arith.constant 0 : i32
        %parallel_loop3A_662 = arith.constant 0 : i32
        %parallel_loop3A_663 = arith.constant 0 : i32
        %parallel_loop3A_664 = tpu.memref_slice %arg7[%select_n3A_428, %parallel_loop3A_661, %parallel_loop3A_662, %parallel_loop3A_663] : memref<2x32x8x128xf32, #tpu.memory_space<vmem>> -> memref<1x32x8x128xf32, #tpu.memory_space<vmem>>
        %parallel_loop3A_665 = tpu.memref_squeeze %parallel_loop3A_664 : memref<1x32x8x128xf32, #tpu.memory_space<vmem>> -> memref<32x8x128xf32, #tpu.memory_space<vmem>>
        %parallel_loop3A_666 = arith.index_cast %parallel_loop3A_641 : i32 to index
        %parallel_loop3A_667 = arith.index_cast %parallel_loop3A_660 : i32 to index
        %parallel_loop3A_668 = arith.index_cast %parallel_loop3A_659 : i32 to index
        %parallel_loop3A_669 = tpu.vector_load %parallel_loop3A_665[%parallel_loop3A_666, %parallel_loop3A_667, %parallel_loop3A_668] {strides = array<i32>} : memref<32x8x128xf32, #tpu.memory_space<vmem>>, vector<16xf32>,
        tpu.vector_store %parallel_loop3A_665[%parallel_loop3A_666, %parallel_loop3A_667, %parallel_loop3A_668], %parallel_loop3A_617 {strides = array<i32>} : memref<32x8x128xf32, #tpu.memory_space<vmem>>, vector<16xf32>,
        %parallel_loop3A_670 = tpu.vector_load_idx %arg5[%add3A_26, %parallel_loop3A_510] : memref<8x128xf32, #tpu.memory_space<vmem>>[vector<16xi32>, vector<16xi32>], vector<16xf32>,
        %parallel_loop3A_671 = arith.constant 8 : i32
        %parallel_loop3A_672 = arith.divsi %parallel_loop3A_459, %parallel_loop3A_671 : i32
        %parallel_loop3A_673 = arith.constant 0 : i32
        %parallel_loop3A_674 = arith.cmpi sgt, %parallel_loop3A_459, %parallel_loop3A_673 : i32
        %parallel_loop3A_675 = arith.extui %parallel_loop3A_674 : i1 to i32
        %parallel_loop3A_676 = arith.constant 0 : i32
        %parallel_loop3A_677 = arith.cmpi slt, %parallel_loop3A_459, %parallel_loop3A_676 : i32
        %parallel_loop3A_678 = arith.extui %parallel_loop3A_677 : i1 to i32
        %parallel_loop3A_679 = arith.subi %parallel_loop3A_675, %parallel_loop3A_678 : i32
        %parallel_loop3A_680 = arith.constant 0 : i32
        %parallel_loop3A_681 = arith.cmpi sgt, %parallel_loop3A_671, %parallel_loop3A_680 : i32
        %parallel_loop3A_682 = arith.extui %parallel_loop3A_681 : i1 to i32
        %parallel_loop3A_683 = arith.constant 0 : i32
        %parallel_loop3A_684 = arith.cmpi slt, %parallel_loop3A_671, %parallel_loop3A_683 : i32
        %parallel_loop3A_685 = arith.extui %parallel_loop3A_684 : i1 to i32
        %parallel_loop3A_686 = arith.subi %parallel_loop3A_682, %parallel_loop3A_685 : i32
        %parallel_loop3A_687 = arith.cmpi ne, %parallel_loop3A_679, %parallel_loop3A_686 : i32
        %parallel_loop3A_688 = arith.remsi %parallel_loop3A_459, %parallel_loop3A_671 : i32
        %parallel_loop3A_689 = arith.constant 0 : i32
        %parallel_loop3A_690 = arith.cmpi ne, %parallel_loop3A_688, %parallel_loop3A_689 : i32
        %parallel_loop3A_691 = arith.andi %parallel_loop3A_687, %parallel_loop3A_690 : i1
        %parallel_loop3A_692 = arith.constant 1 : i32
        %parallel_loop3A_693 = arith.subi %parallel_loop3A_672, %parallel_loop3A_692 : i32
        %parallel_loop3A_694 = arith.select %parallel_loop3A_691, %parallel_loop3A_693, %parallel_loop3A_672 : i32
        %parallel_loop3A_695 = arith.constant 8 : i32
        %parallel_loop3A_696 = arith.constant 0 : i32
        %parallel_loop3A_697 = arith.cmpi eq, %parallel_loop3A_695, %parallel_loop3A_696 : i32
        %parallel_loop3A_698 = arith.constant 1 : i32
        %parallel_loop3A_699 = arith.select %parallel_loop3A_697, %parallel_loop3A_698, %parallel_loop3A_695 : i32
        %parallel_loop3A_700 = arith.remsi %parallel_loop3A_459, %parallel_loop3A_699 : i32
        %parallel_loop3A_701 = arith.constant 0 : i32
        %parallel_loop3A_702 = arith.cmpi ne, %parallel_loop3A_700, %parallel_loop3A_701 : i32
        %parallel_loop3A_703 = arith.constant 0 : i32
        %parallel_loop3A_704 = arith.cmpi slt, %parallel_loop3A_700, %parallel_loop3A_703 : i32
        %parallel_loop3A_705 = arith.constant 0 : i32
        %parallel_loop3A_706 = arith.cmpi slt, %parallel_loop3A_699, %parallel_loop3A_705 : i32
        %parallel_loop3A_707 = arith.xori %parallel_loop3A_704, %parallel_loop3A_706 : i1
        %parallel_loop3A_708 = arith.andi %parallel_loop3A_707, %parallel_loop3A_702 : i1
        %parallel_loop3A_709 = arith.addi %parallel_loop3A_700, %parallel_loop3A_699 : i32
        %parallel_loop3A_710 = arith.select %parallel_loop3A_708, %parallel_loop3A_709, %parallel_loop3A_700 : i32
        %parallel_loop3A_711 = arith.constant 16 : i32
        %parallel_loop3A_712 = arith.muli %parallel_loop3A_710, %parallel_loop3A_711 : i32
        %parallel_loop3A_713 = arith.constant 3 : i32
        %parallel_loop3A_714 = arith.constant 0 : i32
        %parallel_loop3A_715 = arith.constant 0 : i32
        %parallel_loop3A_716 = arith.constant 0 : i32
        %parallel_loop3A_717 = tpu.memref_slice %arg7[%select_n3A_428, %parallel_loop3A_714, %parallel_loop3A_715, %parallel_loop3A_716] : memref<2x32x8x128xf32, #tpu.memory_space<vmem>> -> memref<1x32x8x128xf32, #tpu.memory_space<vmem>>
        %parallel_loop3A_718 = tpu.memref_squeeze %parallel_loop3A_717 : memref<1x32x8x128xf32, #tpu.memory_space<vmem>> -> memref<32x8x128xf32, #tpu.memory_space<vmem>>
        %parallel_loop3A_719 = arith.index_cast %parallel_loop3A_694 : i32 to index
        %parallel_loop3A_720 = arith.index_cast %parallel_loop3A_713 : i32 to index
        %parallel_loop3A_721 = arith.index_cast %parallel_loop3A_712 : i32 to index
        %parallel_loop3A_722 = tpu.vector_load %parallel_loop3A_718[%parallel_loop3A_719, %parallel_loop3A_720, %parallel_loop3A_721] {strides = array<i32>} : memref<32x8x128xf32, #tpu.memory_space<vmem>>, vector<16xf32>,
        tpu.vector_store %parallel_loop3A_718[%parallel_loop3A_719, %parallel_loop3A_720, %parallel_loop3A_721], %parallel_loop3A_670 {strides = array<i32>} : memref<32x8x128xf32, #tpu.memory_space<vmem>>, vector<16xf32>,
        %parallel_loop3A_723 = tpu.vector_load_idx %arg5[%add3A_31, %parallel_loop3A_510] : memref<8x128xf32, #tpu.memory_space<vmem>>[vector<16xi32>, vector<16xi32>], vector<16xf32>,
        %parallel_loop3A_724 = arith.constant 8 : i32
        %parallel_loop3A_725 = arith.divsi %parallel_loop3A_459, %parallel_loop3A_724 : i32
        %parallel_loop3A_726 = arith.constant 0 : i32
        %parallel_loop3A_727 = arith.cmpi sgt, %parallel_loop3A_459, %parallel_loop3A_726 : i32
        %parallel_loop3A_728 = arith.extui %parallel_loop3A_727 : i1 to i32
        %parallel_loop3A_729 = arith.constant 0 : i32
        %parallel_loop3A_730 = arith.cmpi slt, %parallel_loop3A_459, %parallel_loop3A_729 : i32
        %parallel_loop3A_731 = arith.extui %parallel_loop3A_730 : i1 to i32
        %parallel_loop3A_732 = arith.subi %parallel_loop3A_728, %parallel_loop3A_731 : i32
        %parallel_loop3A_733 = arith.constant 0 : i32
        %parallel_loop3A_734 = arith.cmpi sgt, %parallel_loop3A_724, %parallel_loop3A_733 : i32
        %parallel_loop3A_735 = arith.extui %parallel_loop3A_734 : i1 to i32
        %parallel_loop3A_736 = arith.constant 0 : i32
        %parallel_loop3A_737 = arith.cmpi slt, %parallel_loop3A_724, %parallel_loop3A_736 : i32
        %parallel_loop3A_738 = arith.extui %parallel_loop3A_737 : i1 to i32
        %parallel_loop3A_739 = arith.subi %parallel_loop3A_735, %parallel_loop3A_738 : i32
        %parallel_loop3A_740 = arith.cmpi ne, %parallel_loop3A_732, %parallel_loop3A_739 : i32
        %parallel_loop3A_741 = arith.remsi %parallel_loop3A_459, %parallel_loop3A_724 : i32
        %parallel_loop3A_742 = arith.constant 0 : i32
        %parallel_loop3A_743 = arith.cmpi ne, %parallel_loop3A_741, %parallel_loop3A_742 : i32
        %parallel_loop3A_744 = arith.andi %parallel_loop3A_740, %parallel_loop3A_743 : i1
        %parallel_loop3A_745 = arith.constant 1 : i32
        %parallel_loop3A_746 = arith.subi %parallel_loop3A_725, %parallel_loop3A_745 : i32
        %parallel_loop3A_747 = arith.select %parallel_loop3A_744, %parallel_loop3A_746, %parallel_loop3A_725 : i32
        %parallel_loop3A_748 = arith.constant 8 : i32
        %parallel_loop3A_749 = arith.constant 0 : i32
        %parallel_loop3A_750 = arith.cmpi eq, %parallel_loop3A_748, %parallel_loop3A_749 : i32
        %parallel_loop3A_751 = arith.constant 1 : i32
        %parallel_loop3A_752 = arith.select %parallel_loop3A_750, %parallel_loop3A_751, %parallel_loop3A_748 : i32
        %parallel_loop3A_753 = arith.remsi %parallel_loop3A_459, %parallel_loop3A_752 : i32
        %parallel_loop3A_754 = arith.constant 0 : i32
        %parallel_loop3A_755 = arith.cmpi ne, %parallel_loop3A_753, %parallel_loop3A_754 : i32
        %parallel_loop3A_756 = arith.constant 0 : i32
        %parallel_loop3A_757 = arith.cmpi slt, %parallel_loop3A_753, %parallel_loop3A_756 : i32
        %parallel_loop3A_758 = arith.constant 0 : i32
        %parallel_loop3A_759 = arith.cmpi slt, %parallel_loop3A_752, %parallel_loop3A_758 : i32
        %parallel_loop3A_760 = arith.xori %parallel_loop3A_757, %parallel_loop3A_759 : i1
        %parallel_loop3A_761 = arith.andi %parallel_loop3A_760, %parallel_loop3A_755 : i1
        %parallel_loop3A_762 = arith.addi %parallel_loop3A_753, %parallel_loop3A_752 : i32
        %parallel_loop3A_763 = arith.select %parallel_loop3A_761, %parallel_loop3A_762, %parallel_loop3A_753 : i32
        %parallel_loop3A_764 = arith.constant 16 : i32
        %parallel_loop3A_765 = arith.muli %parallel_loop3A_763, %parallel_loop3A_764 : i32
        %parallel_loop3A_766 = arith.constant 4 : i32
        %parallel_loop3A_767 = arith.constant 0 : i32
        %parallel_loop3A_768 = arith.constant 0 : i32
        %parallel_loop3A_769 = arith.constant 0 : i32
        %parallel_loop3A_770 = tpu.memref_slice %arg7[%select_n3A_428, %parallel_loop3A_767, %parallel_loop3A_768, %parallel_loop3A_769] : memref<2x32x8x128xf32, #tpu.memory_space<vmem>> -> memref<1x32x8x128xf32, #tpu.memory_space<vmem>>
        %parallel_loop3A_771 = tpu.memref_squeeze %parallel_loop3A_770 : memref<1x32x8x128xf32, #tpu.memory_space<vmem>> -> memref<32x8x128xf32, #tpu.memory_space<vmem>>
        %parallel_loop3A_772 = arith.index_cast %parallel_loop3A_747 : i32 to index
        %parallel_loop3A_773 = arith.index_cast %parallel_loop3A_766 : i32 to index
        %parallel_loop3A_774 = arith.index_cast %parallel_loop3A_765 : i32 to index
        %parallel_loop3A_775 = tpu.vector_load %parallel_loop3A_771[%parallel_loop3A_772, %parallel_loop3A_773, %parallel_loop3A_774] {strides = array<i32>} : memref<32x8x128xf32, #tpu.memory_space<vmem>>, vector<16xf32>,
        tpu.vector_store %parallel_loop3A_771[%parallel_loop3A_772, %parallel_loop3A_773, %parallel_loop3A_774], %parallel_loop3A_723 {strides = array<i32>} : memref<32x8x128xf32, #tpu.memory_space<vmem>>, vector<16xf32>,
        %parallel_loop3A_776 = tpu.vector_load_idx %arg5[%add3A_36, %parallel_loop3A_510] : memref<8x128xf32, #tpu.memory_space<vmem>>[vector<16xi32>, vector<16xi32>], vector<16xf32>,
        %parallel_loop3A_777 = arith.constant 8 : i32
        %parallel_loop3A_778 = arith.divsi %parallel_loop3A_459, %parallel_loop3A_777 : i32
        %parallel_loop3A_779 = arith.constant 0 : i32
        %parallel_loop3A_780 = arith.cmpi sgt, %parallel_loop3A_459, %parallel_loop3A_779 : i32
        %parallel_loop3A_781 = arith.extui %parallel_loop3A_780 : i1 to i32
        %parallel_loop3A_782 = arith.constant 0 : i32
        %parallel_loop3A_783 = arith.cmpi slt, %parallel_loop3A_459, %parallel_loop3A_782 : i32
        %parallel_loop3A_784 = arith.extui %parallel_loop3A_783 : i1 to i32
        %parallel_loop3A_785 = arith.subi %parallel_loop3A_781, %parallel_loop3A_784 : i32
        %parallel_loop3A_786 = arith.constant 0 : i32
        %parallel_loop3A_787 = arith.cmpi sgt, %parallel_loop3A_777, %parallel_loop3A_786 : i32
        %parallel_loop3A_788 = arith.extui %parallel_loop3A_787 : i1 to i32
        %parallel_loop3A_789 = arith.constant 0 : i32
        %parallel_loop3A_790 = arith.cmpi slt, %parallel_loop3A_777, %parallel_loop3A_789 : i32
        %parallel_loop3A_791 = arith.extui %parallel_loop3A_790 : i1 to i32
        %parallel_loop3A_792 = arith.subi %parallel_loop3A_788, %parallel_loop3A_791 : i32
        %parallel_loop3A_793 = arith.cmpi ne, %parallel_loop3A_785, %parallel_loop3A_792 : i32
        %parallel_loop3A_794 = arith.remsi %parallel_loop3A_459, %parallel_loop3A_777 : i32
        %parallel_loop3A_795 = arith.constant 0 : i32
        %parallel_loop3A_796 = arith.cmpi ne, %parallel_loop3A_794, %parallel_loop3A_795 : i32
        %parallel_loop3A_797 = arith.andi %parallel_loop3A_793, %parallel_loop3A_796 : i1
        %parallel_loop3A_798 = arith.constant 1 : i32
        %parallel_loop3A_799 = arith.subi %parallel_loop3A_778, %parallel_loop3A_798 : i32
        %parallel_loop3A_800 = arith.select %parallel_loop3A_797, %parallel_loop3A_799, %parallel_loop3A_778 : i32
        %parallel_loop3A_801 = arith.constant 8 : i32
        %parallel_loop3A_802 = arith.constant 0 : i32
        %parallel_loop3A_803 = arith.cmpi eq, %parallel_loop3A_801, %parallel_loop3A_802 : i32
        %parallel_loop3A_804 = arith.constant 1 : i32
        %parallel_loop3A_805 = arith.select %parallel_loop3A_803, %parallel_loop3A_804, %parallel_loop3A_801 : i32
        %parallel_loop3A_806 = arith.remsi %parallel_loop3A_459, %parallel_loop3A_805 : i32
        %parallel_loop3A_807 = arith.constant 0 : i32
        %parallel_loop3A_808 = arith.cmpi ne, %parallel_loop3A_806, %parallel_loop3A_807 : i32
        %parallel_loop3A_809 = arith.constant 0 : i32
        %parallel_loop3A_810 = arith.cmpi slt, %parallel_loop3A_806, %parallel_loop3A_809 : i32
        %parallel_loop3A_811 = arith.constant 0 : i32
        %parallel_loop3A_812 = arith.cmpi slt, %parallel_loop3A_805, %parallel_loop3A_811 : i32
        %parallel_loop3A_813 = arith.xori %parallel_loop3A_810, %parallel_loop3A_812 : i1
        %parallel_loop3A_814 = arith.andi %parallel_loop3A_813, %parallel_loop3A_808 : i1
        %parallel_loop3A_815 = arith.addi %parallel_loop3A_806, %parallel_loop3A_805 : i32
        %parallel_loop3A_816 = arith.select %parallel_loop3A_814, %parallel_loop3A_815, %parallel_loop3A_806 : i32
        %parallel_loop3A_817 = arith.constant 16 : i32
        %parallel_loop3A_818 = arith.muli %parallel_loop3A_816, %parallel_loop3A_817 : i32
        %parallel_loop3A_819 = arith.constant 5 : i32
        %parallel_loop3A_820 = arith.constant 0 : i32
        %parallel_loop3A_821 = arith.constant 0 : i32
        %parallel_loop3A_822 = arith.constant 0 : i32
        %parallel_loop3A_823 = tpu.memref_slice %arg7[%select_n3A_428, %parallel_loop3A_820, %parallel_loop3A_821, %parallel_loop3A_822] : memref<2x32x8x128xf32, #tpu.memory_space<vmem>> -> memref<1x32x8x128xf32, #tpu.memory_space<vmem>>
        %parallel_loop3A_824 = tpu.memref_squeeze %parallel_loop3A_823 : memref<1x32x8x128xf32, #tpu.memory_space<vmem>> -> memref<32x8x128xf32, #tpu.memory_space<vmem>>
        %parallel_loop3A_825 = arith.index_cast %parallel_loop3A_800 : i32 to index
        %parallel_loop3A_826 = arith.index_cast %parallel_loop3A_819 : i32 to index
        %parallel_loop3A_827 = arith.index_cast %parallel_loop3A_818 : i32 to index
        %parallel_loop3A_828 = tpu.vector_load %parallel_loop3A_824[%parallel_loop3A_825, %parallel_loop3A_826, %parallel_loop3A_827] {strides = array<i32>} : memref<32x8x128xf32, #tpu.memory_space<vmem>>, vector<16xf32>,
        tpu.vector_store %parallel_loop3A_824[%parallel_loop3A_825, %parallel_loop3A_826, %parallel_loop3A_827], %parallel_loop3A_776 {strides = array<i32>} : memref<32x8x128xf32, #tpu.memory_space<vmem>>, vector<16xf32>,
        %parallel_loop3A_829 = tpu.vector_load_idx %arg5[%add3A_41, %parallel_loop3A_510] : memref<8x128xf32, #tpu.memory_space<vmem>>[vector<16xi32>, vector<16xi32>], vector<16xf32>,
        %parallel_loop3A_830 = arith.constant 8 : i32
        %parallel_loop3A_831 = arith.divsi %parallel_loop3A_459, %parallel_loop3A_830 : i32
        %parallel_loop3A_832 = arith.constant 0 : i32
        %parallel_loop3A_833 = arith.cmpi sgt, %parallel_loop3A_459, %parallel_loop3A_832 : i32
        %parallel_loop3A_834 = arith.extui %parallel_loop3A_833 : i1 to i32
        %parallel_loop3A_835 = arith.constant 0 : i32
        %parallel_loop3A_836 = arith.cmpi slt, %parallel_loop3A_459, %parallel_loop3A_835 : i32
        %parallel_loop3A_837 = arith.extui %parallel_loop3A_836 : i1 to i32
        %parallel_loop3A_838 = arith.subi %parallel_loop3A_834, %parallel_loop3A_837 : i32
        %parallel_loop3A_839 = arith.constant 0 : i32
        %parallel_loop3A_840 = arith.cmpi sgt, %parallel_loop3A_830, %parallel_loop3A_839 : i32
        %parallel_loop3A_841 = arith.extui %parallel_loop3A_840 : i1 to i32
        %parallel_loop3A_842 = arith.constant 0 : i32
        %parallel_loop3A_843 = arith.cmpi slt, %parallel_loop3A_830, %parallel_loop3A_842 : i32
        %parallel_loop3A_844 = arith.extui %parallel_loop3A_843 : i1 to i32
        %parallel_loop3A_845 = arith.subi %parallel_loop3A_841, %parallel_loop3A_844 : i32
        %parallel_loop3A_846 = arith.cmpi ne, %parallel_loop3A_838, %parallel_loop3A_845 : i32
        %parallel_loop3A_847 = arith.remsi %parallel_loop3A_459, %parallel_loop3A_830 : i32
        %parallel_loop3A_848 = arith.constant 0 : i32
        %parallel_loop3A_849 = arith.cmpi ne, %parallel_loop3A_847, %parallel_loop3A_848 : i32
        %parallel_loop3A_850 = arith.andi %parallel_loop3A_846, %parallel_loop3A_849 : i1
        %parallel_loop3A_851 = arith.constant 1 : i32
        %parallel_loop3A_852 = arith.subi %parallel_loop3A_831, %parallel_loop3A_851 : i32
        %parallel_loop3A_853 = arith.select %parallel_loop3A_850, %parallel_loop3A_852, %parallel_loop3A_831 : i32
        %parallel_loop3A_854 = arith.constant 8 : i32
        %parallel_loop3A_855 = arith.constant 0 : i32
        %parallel_loop3A_856 = arith.cmpi eq, %parallel_loop3A_854, %parallel_loop3A_855 : i32
        %parallel_loop3A_857 = arith.constant 1 : i32
        %parallel_loop3A_858 = arith.select %parallel_loop3A_856, %parallel_loop3A_857, %parallel_loop3A_854 : i32
        %parallel_loop3A_859 = arith.remsi %parallel_loop3A_459, %parallel_loop3A_858 : i32
        %parallel_loop3A_860 = arith.constant 0 : i32
        %parallel_loop3A_861 = arith.cmpi ne, %parallel_loop3A_859, %parallel_loop3A_860 : i32
        %parallel_loop3A_862 = arith.constant 0 : i32
        %parallel_loop3A_863 = arith.cmpi slt, %parallel_loop3A_859, %parallel_loop3A_862 : i32
        %parallel_loop3A_864 = arith.constant 0 : i32
        %parallel_loop3A_865 = arith.cmpi slt, %parallel_loop3A_858, %parallel_loop3A_864 : i32
        %parallel_loop3A_866 = arith.xori %parallel_loop3A_863, %parallel_loop3A_865 : i1
        %parallel_loop3A_867 = arith.andi %parallel_loop3A_866, %parallel_loop3A_861 : i1
        %parallel_loop3A_868 = arith.addi %parallel_loop3A_859, %parallel_loop3A_858 : i32
        %parallel_loop3A_869 = arith.select %parallel_loop3A_867, %parallel_loop3A_868, %parallel_loop3A_859 : i32
        %parallel_loop3A_870 = arith.constant 16 : i32
        %parallel_loop3A_871 = arith.muli %parallel_loop3A_869, %parallel_loop3A_870 : i32
        %parallel_loop3A_872 = arith.constant 6 : i32
        %parallel_loop3A_873 = arith.constant 0 : i32
        %parallel_loop3A_874 = arith.constant 0 : i32
        %parallel_loop3A_875 = arith.constant 0 : i32
        %parallel_loop3A_876 = tpu.memref_slice %arg7[%select_n3A_428, %parallel_loop3A_873, %parallel_loop3A_874, %parallel_loop3A_875] : memref<2x32x8x128xf32, #tpu.memory_space<vmem>> -> memref<1x32x8x128xf32, #tpu.memory_space<vmem>>
        %parallel_loop3A_877 = tpu.memref_squeeze %parallel_loop3A_876 : memref<1x32x8x128xf32, #tpu.memory_space<vmem>> -> memref<32x8x128xf32, #tpu.memory_space<vmem>>
        %parallel_loop3A_878 = arith.index_cast %parallel_loop3A_853 : i32 to index
        %parallel_loop3A_879 = arith.index_cast %parallel_loop3A_872 : i32 to index
        %parallel_loop3A_880 = arith.index_cast %parallel_loop3A_871 : i32 to index
        %parallel_loop3A_881 = tpu.vector_load %parallel_loop3A_877[%parallel_loop3A_878, %parallel_loop3A_879, %parallel_loop3A_880] {strides = array<i32>} : memref<32x8x128xf32, #tpu.memory_space<vmem>>, vector<16xf32>,
        tpu.vector_store %parallel_loop3A_877[%parallel_loop3A_878, %parallel_loop3A_879, %parallel_loop3A_880], %parallel_loop3A_829 {strides = array<i32>} : memref<32x8x128xf32, #tpu.memory_space<vmem>>, vector<16xf32>,
        %parallel_loop3A_882 = tpu.vector_load_idx %arg5[%add3A_46, %parallel_loop3A_510] : memref<8x128xf32, #tpu.memory_space<vmem>>[vector<16xi32>, vector<16xi32>], vector<16xf32>,
        %parallel_loop3A_883 = arith.constant 8 : i32
        %parallel_loop3A_884 = arith.divsi %parallel_loop3A_459, %parallel_loop3A_883 : i32
        %parallel_loop3A_885 = arith.constant 0 : i32
        %parallel_loop3A_886 = arith.cmpi sgt, %parallel_loop3A_459, %parallel_loop3A_885 : i32
        %parallel_loop3A_887 = arith.extui %parallel_loop3A_886 : i1 to i32
        %parallel_loop3A_888 = arith.constant 0 : i32
        %parallel_loop3A_889 = arith.cmpi slt, %parallel_loop3A_459, %parallel_loop3A_888 : i32
        %parallel_loop3A_890 = arith.extui %parallel_loop3A_889 : i1 to i32
        %parallel_loop3A_891 = arith.subi %parallel_loop3A_887, %parallel_loop3A_890 : i32
        %parallel_loop3A_892 = arith.constant 0 : i32
        %parallel_loop3A_893 = arith.cmpi sgt, %parallel_loop3A_883, %parallel_loop3A_892 : i32
        %parallel_loop3A_894 = arith.extui %parallel_loop3A_893 : i1 to i32
        %parallel_loop3A_895 = arith.constant 0 : i32
        %parallel_loop3A_896 = arith.cmpi slt, %parallel_loop3A_883, %parallel_loop3A_895 : i32
        %parallel_loop3A_897 = arith.extui %parallel_loop3A_896 : i1 to i32
        %parallel_loop3A_898 = arith.subi %parallel_loop3A_894, %parallel_loop3A_897 : i32
        %parallel_loop3A_899 = arith.cmpi ne, %parallel_loop3A_891, %parallel_loop3A_898 : i32
        %parallel_loop3A_900 = arith.remsi %parallel_loop3A_459, %parallel_loop3A_883 : i32
        %parallel_loop3A_901 = arith.constant 0 : i32
        %parallel_loop3A_902 = arith.cmpi ne, %parallel_loop3A_900, %parallel_loop3A_901 : i32
        %parallel_loop3A_903 = arith.andi %parallel_loop3A_899, %parallel_loop3A_902 : i1
        %parallel_loop3A_904 = arith.constant 1 : i32
        %parallel_loop3A_905 = arith.subi %parallel_loop3A_884, %parallel_loop3A_904 : i32
        %parallel_loop3A_906 = arith.select %parallel_loop3A_903, %parallel_loop3A_905, %parallel_loop3A_884 : i32
        %parallel_loop3A_907 = arith.constant 8 : i32
        %parallel_loop3A_908 = arith.constant 0 : i32
        %parallel_loop3A_909 = arith.cmpi eq, %parallel_loop3A_907, %parallel_loop3A_908 : i32
        %parallel_loop3A_910 = arith.constant 1 : i32
        %parallel_loop3A_911 = arith.select %parallel_loop3A_909, %parallel_loop3A_910, %parallel_loop3A_907 : i32
        %parallel_loop3A_912 = arith.remsi %parallel_loop3A_459, %parallel_loop3A_911 : i32
        %parallel_loop3A_913 = arith.constant 0 : i32
        %parallel_loop3A_914 = arith.cmpi ne, %parallel_loop3A_912, %parallel_loop3A_913 : i32
        %parallel_loop3A_915 = arith.constant 0 : i32
        %parallel_loop3A_916 = arith.cmpi slt, %parallel_loop3A_912, %parallel_loop3A_915 : i32
        %parallel_loop3A_917 = arith.constant 0 : i32
        %parallel_loop3A_918 = arith.cmpi slt, %parallel_loop3A_911, %parallel_loop3A_917 : i32
        %parallel_loop3A_919 = arith.xori %parallel_loop3A_916, %parallel_loop3A_918 : i1
        %parallel_loop3A_920 = arith.andi %parallel_loop3A_919, %parallel_loop3A_914 : i1
        %parallel_loop3A_921 = arith.addi %parallel_loop3A_912, %parallel_loop3A_911 : i32
        %parallel_loop3A_922 = arith.select %parallel_loop3A_920, %parallel_loop3A_921, %parallel_loop3A_912 : i32
        %parallel_loop3A_923 = arith.constant 16 : i32
        %parallel_loop3A_924 = arith.muli %parallel_loop3A_922, %parallel_loop3A_923 : i32
        %parallel_loop3A_925 = arith.constant 7 : i32
        %parallel_loop3A_926 = arith.constant 0 : i32
        %parallel_loop3A_927 = arith.constant 0 : i32
        %parallel_loop3A_928 = arith.constant 0 : i32
        %parallel_loop3A_929 = tpu.memref_slice %arg7[%select_n3A_428, %parallel_loop3A_926, %parallel_loop3A_927, %parallel_loop3A_928] : memref<2x32x8x128xf32, #tpu.memory_space<vmem>> -> memref<1x32x8x128xf32, #tpu.memory_space<vmem>>
        %parallel_loop3A_930 = tpu.memref_squeeze %parallel_loop3A_929 : memref<1x32x8x128xf32, #tpu.memory_space<vmem>> -> memref<32x8x128xf32, #tpu.memory_space<vmem>>
        %parallel_loop3A_931 = arith.index_cast %parallel_loop3A_906 : i32 to index
        %parallel_loop3A_932 = arith.index_cast %parallel_loop3A_925 : i32 to index
        %parallel_loop3A_933 = arith.index_cast %parallel_loop3A_924 : i32 to index
        %parallel_loop3A_934 = tpu.vector_load %parallel_loop3A_930[%parallel_loop3A_931, %parallel_loop3A_932, %parallel_loop3A_933] {strides = array<i32>} : memref<32x8x128xf32, #tpu.memory_space<vmem>>, vector<16xf32>,
        tpu.vector_store %parallel_loop3A_930[%parallel_loop3A_931, %parallel_loop3A_932, %parallel_loop3A_933], %parallel_loop3A_882 {strides = array<i32>} : memref<32x8x128xf32, #tpu.memory_space<vmem>>, vector<16xf32>,
      } {sc.loop_unroll_factor = 8 : i64, sc.parallel_access}
      %mul3A_437 = arith.constant 64 : i32
      %mul3A_438 = arith.muli %select_n3A_227, %mul3A_437 : i32
      %add3A_439 = arith.constant 32 : i32
      %add3A_440 = arith.addi %mul3A_438, %add3A_439 : i32
      %dma_start3A_441 = arith.constant 0 : i32
      %dma_start3A_442 = arith.constant 0 : i32
      %dma_start3A_443 = arith.constant 0 : i32
      %dma_start3A_444 = tpu.memref_slice %arg7[%select_n3A_428, %dma_start3A_441, %dma_start3A_442, %dma_start3A_443] : memref<2x32x8x128xf32, #tpu.memory_space<vmem>> -> memref<1x32x8x128xf32, #tpu.memory_space<vmem>>
      %dma_start3A_445 = tpu.memref_squeeze %dma_start3A_444 : memref<1x32x8x128xf32, #tpu.memory_space<vmem>> -> memref<32x8x128xf32, #tpu.memory_space<vmem>>
      %dma_start3A_446 = arith.constant 0 : i32
      %dma_start3A_447 = arith.constant 0 : i32
      %dma_start3A_448 = tpu.memref_slice %arg4[%select_n3A_211, %add3A_440, %dma_start3A_446, %dma_start3A_447] : memref<200x128x8x128xf32, #tpu.memory_space<hbm>> -> memref<1x32x8x128xf32, #tpu.memory_space<hbm>>
      %dma_start3A_449 = tpu.memref_squeeze %dma_start3A_448 : memref<1x32x8x128xf32, #tpu.memory_space<hbm>> -> memref<32x8x128xf32, #tpu.memory_space<hbm>>
      %dma_start3A_450 = arith.constant 0 : i32
      %dma_start3A_451 = arith.constant 0 : i32
      %dma_start3A_452 = tpu.memref_slice %arg4[%select_n3A_211, %add3A_440, %dma_start3A_450, %dma_start3A_451] : memref<200x128x8x128xf32, #tpu.memory_space<hbm>> -> memref<1x32x8x128xf32, #tpu.memory_space<hbm>>
      %dma_start3A_453 = tpu.memref_squeeze %dma_start3A_452 : memref<1x32x8x128xf32, #tpu.memory_space<hbm>> -> memref<32x8x128xf32, #tpu.memory_space<hbm>>
      %dma_start3A_454 = arith.constant 0 : i32
      %dma_start3A_455 = arith.constant 0 : i32
      %dma_start3A_456 = arith.constant 0 : i32
      %dma_start3A_457 = tpu.memref_slice %arg7[%select_n3A_428, %dma_start3A_454, %dma_start3A_455, %dma_start3A_456] : memref<2x32x8x128xf32, #tpu.memory_space<vmem>> -> memref<1x32x8x128xf32, #tpu.memory_space<vmem>>
      %dma_start3A_458 = tpu.memref_squeeze %dma_start3A_457 : memref<1x32x8x128xf32, #tpu.memory_space<vmem>> -> memref<32x8x128xf32, #tpu.memory_space<vmem>>
      tpu.enqueue_dma source(%dma_start3A_458 : memref<32x8x128xf32, #tpu.memory_space<vmem>>) target(%dma_start3A_453 : memref<32x8x128xf32, #tpu.memory_space<hbm>>) target_semaphore(%arg9 : memref<!tpu.dma_semaphore, #tpu.memory_space<semaphore_mem>>)
    }
    %while3A_142 = arith.constant 1 : i32
    scf.for %while3A_186 = %while3A_140 to %while3A_136 step %while3A_142  : i32 {
      %add3A_187 = arith.addi %add3A_4, %while3A_186 : i32
      %jit3A_188 = arith.constant 2 : i32
      %div3A_189 = arith.divsi %add3A_187, %jit3A_188 : i32
      %sign3A_190 = arith.constant 0 : i32
      %sign3A_191 = arith.cmpi sgt, %add3A_187, %sign3A_190 : i32
      %sign3A_192 = arith.extui %sign3A_191 : i1 to i32
      %sign3A_193 = arith.constant 0 : i32
      %sign3A_194 = arith.cmpi slt, %add3A_187, %sign3A_193 : i32
      %sign3A_195 = arith.extui %sign3A_194 : i1 to i32
      %sign3A_196 = arith.subi %sign3A_192, %sign3A_195 : i32
      %sign3A_197 = arith.constant 0 : i32
      %sign3A_198 = arith.cmpi sgt, %jit3A_188, %sign3A_197 : i32
      %sign3A_199 = arith.extui %sign3A_198 : i1 to i32
      %sign3A_200 = arith.constant 0 : i32
      %sign3A_201 = arith.cmpi slt, %jit3A_188, %sign3A_200 : i32
      %sign3A_202 = arith.extui %sign3A_201 : i1 to i32
      %sign3A_203 = arith.subi %sign3A_199, %sign3A_202 : i32
      %ne3A_204 = arith.cmpi ne, %sign3A_196, %sign3A_203 : i32
      %rem3A_205 = arith.remsi %add3A_187, %jit3A_188 : i32
      %ne3A_206 = arith.constant 0 : i32
      %ne3A_207 = arith.cmpi ne, %rem3A_205, %ne3A_206 : i32
      %and3A_208 = arith.andi %ne3A_204, %ne3A_207 : i1
      %sub3A_209 = arith.constant 1 : i32
      %sub3A_210 = arith.subi %div3A_189, %sub3A_209 : i32
      %select_n3A_211 = arith.select %and3A_208, %sub3A_210, %div3A_189 : i32
      %jit3A_212 = arith.constant 2 : i32
      %eq3A_213 = arith.constant 0 : i32
      %eq3A_214 = arith.cmpi eq, %jit3A_212, %eq3A_213 : i32
      %jit3A_215 = arith.constant 1 : i32
      %select_n3A_216 = arith.select %eq3A_214, %jit3A_215, %jit3A_212 : i32
      %rem3A_217 = arith.remsi %add3A_187, %select_n3A_216 : i32
      %ne3A_218 = arith.constant 0 : i32
      %ne3A_219 = arith.cmpi ne, %rem3A_217, %ne3A_218 : i32
      %lt3A_220 = arith.constant 0 : i32
      %lt3A_221 = arith.cmpi slt, %rem3A_217, %lt3A_220 : i32
      %lt3A_222 = arith.constant 0 : i32
      %lt3A_223 = arith.cmpi slt, %select_n3A_216, %lt3A_222 : i32
      %ne3A_224 = arith.xori %lt3A_221, %lt3A_223 : i1
      %and3A_225 = arith.andi %ne3A_224, %ne3A_219 : i1
      %add3A_226 = arith.addi %rem3A_217, %select_n3A_216 : i32
      %select_n3A_227 = arith.select %and3A_225, %add3A_226, %rem3A_217 : i32
      %jit3A_228 = arith.constant 2 : i32
      %eq3A_229 = arith.constant 0 : i32
      %eq3A_230 = arith.cmpi eq, %jit3A_228, %eq3A_229 : i32
      %jit3A_231 = arith.constant 1 : i32
      %select_n3A_232 = arith.select %eq3A_230, %jit3A_231, %jit3A_228 : i32
      %rem3A_233 = arith.remsi %while3A_186, %select_n3A_232 : i32
      %ne3A_234 = arith.constant 0 : i32
      %ne3A_235 = arith.cmpi ne, %rem3A_233, %ne3A_234 : i32
      %lt3A_236 = arith.constant 0 : i32
      %lt3A_237 = arith.cmpi slt, %rem3A_233, %lt3A_236 : i32
      %lt3A_238 = arith.constant 0 : i32
      %lt3A_239 = arith.cmpi slt, %select_n3A_232, %lt3A_238 : i32
      %ne3A_240 = arith.xori %lt3A_237, %lt3A_239 : i1
      %and3A_241 = arith.andi %ne3A_240, %ne3A_235 : i1
      %add3A_242 = arith.addi %rem3A_233, %select_n3A_232 : i32
      %select_n3A_243 = arith.select %and3A_241, %add3A_242, %rem3A_233 : i32
      %jit3A_244 = arith.constant 2 : i32
      %div3A_245 = arith.divsi %add3A_187, %jit3A_244 : i32
      %sign3A_246 = arith.constant 0 : i32
      %sign3A_247 = arith.cmpi sgt, %add3A_187, %sign3A_246 : i32
      %sign3A_248 = arith.extui %sign3A_247 : i1 to i32
      %sign3A_249 = arith.constant 0 : i32
      %sign3A_250 = arith.cmpi slt, %add3A_187, %sign3A_249 : i32
      %sign3A_251 = arith.extui %sign3A_250 : i1 to i32
      %sign3A_252 = arith.subi %sign3A_248, %sign3A_251 : i32
      %sign3A_253 = arith.constant 0 : i32
      %sign3A_254 = arith.cmpi sgt, %jit3A_244, %sign3A_253 : i32
      %sign3A_255 = arith.extui %sign3A_254 : i1 to i32
      %sign3A_256 = arith.constant 0 : i32
      %sign3A_257 = arith.cmpi slt, %jit3A_244, %sign3A_256 : i32
      %sign3A_258 = arith.extui %sign3A_257 : i1 to i32
      %sign3A_259 = arith.subi %sign3A_255, %sign3A_258 : i32
      %ne3A_260 = arith.cmpi ne, %sign3A_252, %sign3A_259 : i32
      %rem3A_261 = arith.remsi %add3A_187, %jit3A_244 : i32
      %ne3A_262 = arith.constant 0 : i32
      %ne3A_263 = arith.cmpi ne, %rem3A_261, %ne3A_262 : i32
      %and3A_264 = arith.andi %ne3A_260, %ne3A_263 : i1
      %sub3A_265 = arith.constant 1 : i32
      %sub3A_266 = arith.subi %div3A_245, %sub3A_265 : i32
      %select_n3A_267 = arith.select %and3A_264, %sub3A_266, %div3A_245 : i32
      %jit3A_268 = arith.constant 2 : i32
      %eq3A_269 = arith.constant 0 : i32
      %eq3A_270 = arith.cmpi eq, %jit3A_268, %eq3A_269 : i32
      %jit3A_271 = arith.constant 1 : i32
      %select_n3A_272 = arith.select %eq3A_270, %jit3A_271, %jit3A_268 : i32
      %rem3A_273 = arith.remsi %add3A_187, %select_n3A_272 : i32
      %ne3A_274 = arith.constant 0 : i32
      %ne3A_275 = arith.cmpi ne, %rem3A_273, %ne3A_274 : i32
      %lt3A_276 = arith.constant 0 : i32
      %lt3A_277 = arith.cmpi slt, %rem3A_273, %lt3A_276 : i32
      %lt3A_278 = arith.constant 0 : i32
      %lt3A_279 = arith.cmpi slt, %select_n3A_272, %lt3A_278 : i32
      %ne3A_280 = arith.xori %lt3A_277, %lt3A_279 : i1
      %and3A_281 = arith.andi %ne3A_280, %ne3A_275 : i1
      %add3A_282 = arith.addi %rem3A_273, %select_n3A_272 : i32
      %select_n3A_283 = arith.select %and3A_281, %add3A_282, %rem3A_273 : i32
      %jit3A_284 = arith.constant 8 : i32
      %div3A_285 = arith.divsi %select_n3A_267, %jit3A_284 : i32
      %sign3A_286 = arith.constant 0 : i32
      %sign3A_287 = arith.cmpi sgt, %select_n3A_267, %sign3A_286 : i32
      %sign3A_288 = arith.extui %sign3A_287 : i1 to i32
      %sign3A_289 = arith.constant 0 : i32
      %sign3A_290 = arith.cmpi slt, %select_n3A_267, %sign3A_289 : i32
      %sign3A_291 = arith.extui %sign3A_290 : i1 to i32
      %sign3A_292 = arith.subi %sign3A_288, %sign3A_291 : i32
      %sign3A_293 = arith.constant 0 : i32
      %sign3A_294 = arith.cmpi sgt, %jit3A_284, %sign3A_293 : i32
      %sign3A_295 = arith.extui %sign3A_294 : i1 to i32
      %sign3A_296 = arith.constant 0 : i32
      %sign3A_297 = arith.cmpi slt, %jit3A_284, %sign3A_296 : i32
      %sign3A_298 = arith.extui %sign3A_297 : i1 to i32
      %sign3A_299 = arith.subi %sign3A_295, %sign3A_298 : i32
      %ne3A_300 = arith.cmpi ne, %sign3A_292, %sign3A_299 : i32
      %rem3A_301 = arith.remsi %select_n3A_267, %jit3A_284 : i32
      %ne3A_302 = arith.constant 0 : i32
      %ne3A_303 = arith.cmpi ne, %rem3A_301, %ne3A_302 : i32
      %and3A_304 = arith.andi %ne3A_300, %ne3A_303 : i1
      %sub3A_305 = arith.constant 1 : i32
      %sub3A_306 = arith.subi %div3A_285, %sub3A_305 : i32
      %select_n3A_307 = arith.select %and3A_304, %sub3A_306, %div3A_285 : i32
      %mul3A_308 = arith.constant 64 : i32
      %mul3A_309 = arith.muli %select_n3A_283, %mul3A_308 : i32
      %jit3A_310 = arith.constant 8 : i32
      %eq3A_311 = arith.constant 0 : i32
      %eq3A_312 = arith.cmpi eq, %jit3A_310, %eq3A_311 : i32
      %jit3A_313 = arith.constant 1 : i32
      %select_n3A_314 = arith.select %eq3A_312, %jit3A_313, %jit3A_310 : i32
      %rem3A_315 = arith.remsi %select_n3A_267, %select_n3A_314 : i32
      %ne3A_316 = arith.constant 0 : i32
      %ne3A_317 = arith.cmpi ne, %rem3A_315, %ne3A_316 : i32
      %lt3A_318 = arith.constant 0 : i32
      %lt3A_319 = arith.cmpi slt, %rem3A_315, %lt3A_318 : i32
      %lt3A_320 = arith.constant 0 : i32
      %lt3A_321 = arith.cmpi slt, %select_n3A_314, %lt3A_320 : i32
      %ne3A_322 = arith.xori %lt3A_319, %lt3A_321 : i1
      %and3A_323 = arith.andi %ne3A_322, %ne3A_317 : i1
      %add3A_324 = arith.addi %rem3A_315, %select_n3A_314 : i32
      %select_n3A_325 = arith.select %and3A_323, %add3A_324, %rem3A_315 : i32
      %dma_wait3A_326 = arith.constant 0 : i32
      %dma_wait3A_327 = arith.constant 0 : i32
      %dma_wait3A_328 = tpu.memref_slice %arg6[%select_n3A_243, %dma_wait3A_326, %dma_wait3A_327] : memref<2x64x128xi32, #tpu.memory_space<vmem>> -> memref<1x64x128xi32, #tpu.memory_space<vmem>>
      %dma_wait3A_329 = tpu.memref_squeeze %dma_wait3A_328 : memref<1x64x128xi32, #tpu.memory_space<vmem>> -> memref<64x128xi32, #tpu.memory_space<vmem>>
      %dma_wait3A_330 = arith.constant 0 : i32
      %dma_wait3A_331 = tpu.memref_slice %arg2[%select_n3A_307, %mul3A_309, %select_n3A_325, %dma_wait3A_330] : memref<25x128x8x128xi32, #tpu.memory_space<hbm>> -> memref<1x64x1x128xi32, #tpu.memory_space<hbm>>
      %dma_wait3A_332 = tpu.memref_squeeze %dma_wait3A_331 : memref<1x64x1x128xi32, #tpu.memory_space<hbm>> -> memref<64x128xi32, #tpu.memory_space<hbm>>
      %dma_wait3A_333 = arith.constant 0 : i32
      %dma_wait3A_334 = arith.constant 0 : i32
      %dma_wait3A_335 = tpu.memref_slice %arg6[%select_n3A_243, %dma_wait3A_333, %dma_wait3A_334] : memref<2x64x128xi32, #tpu.memory_space<vmem>> -> memref<1x64x128xi32, #tpu.memory_space<vmem>>
      %dma_wait3A_336 = tpu.memref_squeeze %dma_wait3A_335 : memref<1x64x128xi32, #tpu.memory_space<vmem>> -> memref<64x128xi32, #tpu.memory_space<vmem>>
      %dma_wait3A_337 = arith.constant 0 : i32
      %dma_wait3A_338 = tpu.memref_slice %arg2[%select_n3A_307, %mul3A_309, %select_n3A_325, %dma_wait3A_337] : memref<25x128x8x128xi32, #tpu.memory_space<hbm>> -> memref<1x64x1x128xi32, #tpu.memory_space<hbm>>
      %dma_wait3A_339 = tpu.memref_squeeze %dma_wait3A_338 : memref<1x64x1x128xi32, #tpu.memory_space<hbm>> -> memref<64x128xi32, #tpu.memory_space<hbm>>
      tpu.wait_dma2 semaphore(%arg8 : memref<!tpu.dma_semaphore, #tpu.memory_space<semaphore_mem>>) src(%dma_wait3A_339 : memref<64x128xi32, #tpu.memory_space<hbm>>) dst(%dma_wait3A_336 : memref<64x128xi32, #tpu.memory_space<vmem>>)
      %add3A_340 = arith.constant 1 : i32
      %add3A_341 = arith.addi %while3A_186, %add3A_340 : i32
      %lt3A_342 = arith.cmpi slt, %add3A_341, %add3A_7 : i32
      %convert_element_type3A_343 = arith.extui %lt3A_342 : i1 to i32
      %cond3A = arith.constant 0 : i32
      %cond3A_344 = arith.cmpi ne, %convert_element_type3A_343, %cond3A : i32
      scf.if %cond3A_344 {
        %add3A_459 = arith.constant 1 : i32
        %add3A_460 = arith.addi %add3A_187, %add3A_459 : i32
        %add3A_461 = arith.constant 1 : i32
        %add3A_462 = arith.addi %while3A_186, %add3A_461 : i32
        %jit3A_463 = arith.constant 2 : i32
        %eq3A_464 = arith.constant 0 : i32
        %eq3A_465 = arith.cmpi eq, %jit3A_463, %eq3A_464 : i32
        %jit3A_466 = arith.constant 1 : i32
        %select_n3A_467 = arith.select %eq3A_465, %jit3A_466, %jit3A_463 : i32
        %rem3A_468 = arith.remsi %add3A_462, %select_n3A_467 : i32
        %ne3A_469 = arith.constant 0 : i32
        %ne3A_470 = arith.cmpi ne, %rem3A_468, %ne3A_469 : i32
        %lt3A_471 = arith.constant 0 : i32
        %lt3A_472 = arith.cmpi slt, %rem3A_468, %lt3A_471 : i32
        %lt3A_473 = arith.constant 0 : i32
        %lt3A_474 = arith.cmpi slt, %select_n3A_467, %lt3A_473 : i32
        %ne3A_475 = arith.xori %lt3A_472, %lt3A_474 : i1
        %and3A_476 = arith.andi %ne3A_475, %ne3A_470 : i1
        %add3A_477 = arith.addi %rem3A_468, %select_n3A_467 : i32
        %select_n3A_478 = arith.select %and3A_476, %add3A_477, %rem3A_468 : i32
        %jit3A_479 = arith.constant 2 : i32
        %div3A_480 = arith.divsi %add3A_460, %jit3A_479 : i32
        %sign3A_481 = arith.constant 0 : i32
        %sign3A_482 = arith.cmpi sgt, %add3A_460, %sign3A_481 : i32
        %sign3A_483 = arith.extui %sign3A_482 : i1 to i32
        %sign3A_484 = arith.constant 0 : i32
        %sign3A_485 = arith.cmpi slt, %add3A_460, %sign3A_484 : i32
        %sign3A_486 = arith.extui %sign3A_485 : i1 to i32
        %sign3A_487 = arith.subi %sign3A_483, %sign3A_486 : i32
        %sign3A_488 = arith.constant 0 : i32
        %sign3A_489 = arith.cmpi sgt, %jit3A_479, %sign3A_488 : i32
        %sign3A_490 = arith.extui %sign3A_489 : i1 to i32
        %sign3A_491 = arith.constant 0 : i32
        %sign3A_492 = arith.cmpi slt, %jit3A_479, %sign3A_491 : i32
        %sign3A_493 = arith.extui %sign3A_492 : i1 to i32
        %sign3A_494 = arith.subi %sign3A_490, %sign3A_493 : i32
        %ne3A_495 = arith.cmpi ne, %sign3A_487, %sign3A_494 : i32
        %rem3A_496 = arith.remsi %add3A_460, %jit3A_479 : i32
        %ne3A_497 = arith.constant 0 : i32
        %ne3A_498 = arith.cmpi ne, %rem3A_496, %ne3A_497 : i32
        %and3A_499 = arith.andi %ne3A_495, %ne3A_498 : i1
        %sub3A_500 = arith.constant 1 : i32
        %sub3A_501 = arith.subi %div3A_480, %sub3A_500 : i32
        %select_n3A_502 = arith.select %and3A_499, %sub3A_501, %div3A_480 : i32
        %jit3A_503 = arith.constant 2 : i32
        %eq3A_504 = arith.constant 0 : i32
        %eq3A_505 = arith.cmpi eq, %jit3A_503, %eq3A_504 : i32
        %jit3A_506 = arith.constant 1 : i32
        %select_n3A_507 = arith.select %eq3A_505, %jit3A_506, %jit3A_503 : i32
        %rem3A_508 = arith.remsi %add3A_460, %select_n3A_507 : i32
        %ne3A_509 = arith.constant 0 : i32
        %ne3A_510 = arith.cmpi ne, %rem3A_508, %ne3A_509 : i32
        %lt3A_511 = arith.constant 0 : i32
        %lt3A_512 = arith.cmpi slt, %rem3A_508, %lt3A_511 : i32
        %lt3A_513 = arith.constant 0 : i32
        %lt3A_514 = arith.cmpi slt, %select_n3A_507, %lt3A_513 : i32
        %ne3A_515 = arith.xori %lt3A_512, %lt3A_514 : i1
        %and3A_516 = arith.andi %ne3A_515, %ne3A_510 : i1
        %add3A_517 = arith.addi %rem3A_508, %select_n3A_507 : i32
        %select_n3A_518 = arith.select %and3A_516, %add3A_517, %rem3A_508 : i32
        %jit3A_519 = arith.constant 8 : i32
        %div3A_520 = arith.divsi %select_n3A_502, %jit3A_519 : i32
        %sign3A_521 = arith.constant 0 : i32
        %sign3A_522 = arith.cmpi sgt, %select_n3A_502, %sign3A_521 : i32
        %sign3A_523 = arith.extui %sign3A_522 : i1 to i32
        %sign3A_524 = arith.constant 0 : i32
        %sign3A_525 = arith.cmpi slt, %select_n3A_502, %sign3A_524 : i32
        %sign3A_526 = arith.extui %sign3A_525 : i1 to i32
        %sign3A_527 = arith.subi %sign3A_523, %sign3A_526 : i32
        %sign3A_528 = arith.constant 0 : i32
        %sign3A_529 = arith.cmpi sgt, %jit3A_519, %sign3A_528 : i32
        %sign3A_530 = arith.extui %sign3A_529 : i1 to i32
        %sign3A_531 = arith.constant 0 : i32
        %sign3A_532 = arith.cmpi slt, %jit3A_519, %sign3A_531 : i32
        %sign3A_533 = arith.extui %sign3A_532 : i1 to i32
        %sign3A_534 = arith.subi %sign3A_530, %sign3A_533 : i32
        %ne3A_535 = arith.cmpi ne, %sign3A_527, %sign3A_534 : i32
        %rem3A_536 = arith.remsi %select_n3A_502, %jit3A_519 : i32
        %ne3A_537 = arith.constant 0 : i32
        %ne3A_538 = arith.cmpi ne, %rem3A_536, %ne3A_537 : i32
        %and3A_539 = arith.andi %ne3A_535, %ne3A_538 : i1
        %sub3A_540 = arith.constant 1 : i32
        %sub3A_541 = arith.subi %div3A_520, %sub3A_540 : i32
        %select_n3A_542 = arith.select %and3A_539, %sub3A_541, %div3A_520 : i32
        %mul3A_543 = arith.constant 64 : i32
        %mul3A_544 = arith.muli %select_n3A_518, %mul3A_543 : i32
        %jit3A_545 = arith.constant 8 : i32
        %eq3A_546 = arith.constant 0 : i32
        %eq3A_547 = arith.cmpi eq, %jit3A_545, %eq3A_546 : i32
        %jit3A_548 = arith.constant 1 : i32
        %select_n3A_549 = arith.select %eq3A_547, %jit3A_548, %jit3A_545 : i32
        %rem3A_550 = arith.remsi %select_n3A_502, %select_n3A_549 : i32
        %ne3A_551 = arith.constant 0 : i32
        %ne3A_552 = arith.cmpi ne, %rem3A_550, %ne3A_551 : i32
        %lt3A_553 = arith.constant 0 : i32
        %lt3A_554 = arith.cmpi slt, %rem3A_550, %lt3A_553 : i32
        %lt3A_555 = arith.constant 0 : i32
        %lt3A_556 = arith.cmpi slt, %select_n3A_549, %lt3A_555 : i32
        %ne3A_557 = arith.xori %lt3A_554, %lt3A_556 : i1
        %and3A_558 = arith.andi %ne3A_557, %ne3A_552 : i1
        %add3A_559 = arith.addi %rem3A_550, %select_n3A_549 : i32
        %select_n3A_560 = arith.select %and3A_558, %add3A_559, %rem3A_550 : i32
        %dma_start3A_561 = arith.constant 0 : i32
        %dma_start3A_562 = arith.constant 0 : i32
        %dma_start3A_563 = tpu.memref_slice %arg6[%select_n3A_478, %dma_start3A_561, %dma_start3A_562] : memref<2x64x128xi32, #tpu.memory_space<vmem>> -> memref<1x64x128xi32, #tpu.memory_space<vmem>>
        %dma_start3A_564 = tpu.memref_squeeze %dma_start3A_563 : memref<1x64x128xi32, #tpu.memory_space<vmem>> -> memref<64x128xi32, #tpu.memory_space<vmem>>
        %dma_start3A_565 = arith.constant 0 : i32
        %dma_start3A_566 = tpu.memref_slice %arg2[%select_n3A_542, %mul3A_544, %select_n3A_560, %dma_start3A_565] : memref<25x128x8x128xi32, #tpu.memory_space<hbm>> -> memref<1x64x1x128xi32, #tpu.memory_space<hbm>>
        %dma_start3A_567 = tpu.memref_squeeze %dma_start3A_566 : memref<1x64x1x128xi32, #tpu.memory_space<hbm>> -> memref<64x128xi32, #tpu.memory_space<hbm>>
        %dma_start3A_568 = arith.constant 0 : i32
        %dma_start3A_569 = arith.constant 0 : i32
        %dma_start3A_570 = tpu.memref_slice %arg6[%select_n3A_478, %dma_start3A_568, %dma_start3A_569] : memref<2x64x128xi32, #tpu.memory_space<vmem>> -> memref<1x64x128xi32, #tpu.memory_space<vmem>>
        %dma_start3A_571 = tpu.memref_squeeze %dma_start3A_570 : memref<1x64x128xi32, #tpu.memory_space<vmem>> -> memref<64x128xi32, #tpu.memory_space<vmem>>
        %dma_start3A_572 = arith.constant 0 : i32
        %dma_start3A_573 = tpu.memref_slice %arg2[%select_n3A_542, %mul3A_544, %select_n3A_560, %dma_start3A_572] : memref<25x128x8x128xi32, #tpu.memory_space<hbm>> -> memref<1x64x1x128xi32, #tpu.memory_space<hbm>>
        %dma_start3A_574 = tpu.memref_squeeze %dma_start3A_573 : memref<1x64x1x128xi32, #tpu.memory_space<hbm>> -> memref<64x128xi32, #tpu.memory_space<hbm>>
        tpu.enqueue_dma source(%dma_start3A_574 : memref<64x128xi32, #tpu.memory_space<hbm>>) target(%dma_start3A_571 : memref<64x128xi32, #tpu.memory_space<vmem>>) target_semaphore(%arg8 : memref<!tpu.dma_semaphore, #tpu.memory_space<semaphore_mem>>)
      } else {
      }
      %jit3A_345 = arith.constant 2 : i32
      %eq3A_346 = arith.constant 0 : i32
      %eq3A_347 = arith.cmpi eq, %jit3A_345, %eq3A_346 : i32
      %jit3A_348 = arith.constant 1 : i32
      %select_n3A_349 = arith.select %eq3A_347, %jit3A_348, %jit3A_345 : i32
      %rem3A_350 = arith.remsi %while3A_186, %select_n3A_349 : i32
      %ne3A_351 = arith.constant 0 : i32
      %ne3A_352 = arith.cmpi ne, %rem3A_350, %ne3A_351 : i32
      %lt3A_353 = arith.constant 0 : i32
      %lt3A_354 = arith.cmpi slt, %rem3A_350, %lt3A_353 : i32
      %lt3A_355 = arith.constant 0 : i32
      %lt3A_356 = arith.cmpi slt, %select_n3A_349, %lt3A_355 : i32
      %ne3A_357 = arith.xori %lt3A_354, %lt3A_356 : i1
      %and3A_358 = arith.andi %ne3A_357, %ne3A_352 : i1
      %add3A_359 = arith.addi %rem3A_350, %select_n3A_349 : i32
      %select_n3A_360 = arith.select %and3A_358, %add3A_359, %rem3A_350 : i32
      %mul3A_361 = arith.constant 2 : i32
      %mul3A_362 = arith.muli %while3A_186, %mul3A_361 : i32
      %add3A_363 = arith.constant 0 : i32
      %add3A_364 = arith.addi %mul3A_362, %add3A_363 : i32
      %jit3A_365 = arith.constant 2 : i32
      %eq3A_366 = arith.constant 0 : i32
      %eq3A_367 = arith.cmpi eq, %jit3A_365, %eq3A_366 : i32
      %jit3A_368 = arith.constant 1 : i32
      %select_n3A_369 = arith.select %eq3A_367, %jit3A_368, %jit3A_365 : i32
      %rem3A_370 = arith.remsi %add3A_364, %select_n3A_369 : i32
      %ne3A_371 = arith.constant 0 : i32
      %ne3A_372 = arith.cmpi ne, %rem3A_370, %ne3A_371 : i32
      %lt3A_373 = arith.constant 0 : i32
      %lt3A_374 = arith.cmpi slt, %rem3A_370, %lt3A_373 : i32
      %lt3A_375 = arith.constant 0 : i32
      %lt3A_376 = arith.cmpi slt, %select_n3A_369, %lt3A_375 : i32
      %ne3A_377 = arith.xori %lt3A_374, %lt3A_376 : i1
      %and3A_378 = arith.andi %ne3A_377, %ne3A_372 : i1
      %add3A_379 = arith.addi %rem3A_370, %select_n3A_369 : i32
      %select_n3A_380 = arith.select %and3A_378, %add3A_379, %rem3A_370 : i32
      %ge3A = arith.constant 2 : i32
      %ge3A_381 = arith.cmpi sge, %add3A_364, %ge3A : i32
      %convert_element_type3A_382 = arith.extui %ge3A_381 : i1 to i32
      %cond3A_383 = arith.constant 0 : i32
      %cond3A_384 = arith.cmpi ne, %convert_element_type3A_382, %cond3A_383 : i32
      scf.if %cond3A_384 {
        %jit3A_459 = arith.constant 2 : i32
        %eq3A_460 = arith.constant 0 : i32
        %eq3A_461 = arith.cmpi eq, %jit3A_459, %eq3A_460 : i32
        %jit3A_462 = arith.constant 1 : i32
        %select_n3A_463 = arith.select %eq3A_461, %jit3A_462, %jit3A_459 : i32
        %rem3A_464 = arith.remsi %add3A_364, %select_n3A_463 : i32
        %ne3A_465 = arith.constant 0 : i32
        %ne3A_466 = arith.cmpi ne, %rem3A_464, %ne3A_465 : i32
        %lt3A_467 = arith.constant 0 : i32
        %lt3A_468 = arith.cmpi slt, %rem3A_464, %lt3A_467 : i32
        %lt3A_469 = arith.constant 0 : i32
        %lt3A_470 = arith.cmpi slt, %select_n3A_463, %lt3A_469 : i32
        %ne3A_471 = arith.xori %lt3A_468, %lt3A_470 : i1
        %and3A_472 = arith.andi %ne3A_471, %ne3A_466 : i1
        %add3A_473 = arith.addi %rem3A_464, %select_n3A_463 : i32
        %select_n3A_474 = arith.select %and3A_472, %add3A_473, %rem3A_464 : i32
        %dma_wait3A_475 = arith.constant 0 : i32
        %dma_wait3A_476 = arith.constant 0 : i32
        %dma_wait3A_477 = arith.constant 0 : i32
        %dma_wait3A_478 = arith.constant 0 : i32
        %dma_wait3A_479 = tpu.memref_slice %arg7[%select_n3A_474, %dma_wait3A_476, %dma_wait3A_477, %dma_wait3A_478] : memref<2x32x8x128xf32, #tpu.memory_space<vmem>> -> memref<1x32x8x128xf32, #tpu.memory_space<vmem>>
        %dma_wait3A_480 = tpu.memref_squeeze %dma_wait3A_479 : memref<1x32x8x128xf32, #tpu.memory_space<vmem>> -> memref<32x8x128xf32, #tpu.memory_space<vmem>>
        %dma_wait3A_481 = arith.constant 0 : i32
        %dma_wait3A_482 = arith.constant 0 : i32
        %dma_wait3A_483 = arith.constant 0 : i32
        %dma_wait3A_484 = tpu.memref_slice %arg4[%dma_wait3A_475, %dma_wait3A_481, %dma_wait3A_482, %dma_wait3A_483] : memref<200x128x8x128xf32, #tpu.memory_space<hbm>> -> memref<1x32x8x128xf32, #tpu.memory_space<hbm>>
        %dma_wait3A_485 = tpu.memref_squeeze %dma_wait3A_484 : memref<1x32x8x128xf32, #tpu.memory_space<hbm>> -> memref<32x8x128xf32, #tpu.memory_space<hbm>>
        %dma_wait3A_486 = arith.constant 0 : i32
        %dma_wait3A_487 = arith.constant 0 : i32
        %dma_wait3A_488 = arith.constant 0 : i32
        %dma_wait3A_489 = tpu.memref_slice %arg7[%select_n3A_474, %dma_wait3A_486, %dma_wait3A_487, %dma_wait3A_488] : memref<2x32x8x128xf32, #tpu.memory_space<vmem>> -> memref<1x32x8x128xf32, #tpu.memory_space<vmem>>
        %dma_wait3A_490 = tpu.memref_squeeze %dma_wait3A_489 : memref<1x32x8x128xf32, #tpu.memory_space<vmem>> -> memref<32x8x128xf32, #tpu.memory_space<vmem>>
        %dma_wait3A_491 = arith.constant 0 : i32
        %dma_wait3A_492 = arith.constant 0 : i32
        %dma_wait3A_493 = arith.constant 0 : i32
        %dma_wait3A_494 = tpu.memref_slice %arg4[%dma_wait3A_475, %dma_wait3A_491, %dma_wait3A_492, %dma_wait3A_493] : memref<200x128x8x128xf32, #tpu.memory_space<hbm>> -> memref<1x32x8x128xf32, #tpu.memory_space<hbm>>
        %dma_wait3A_495 = tpu.memref_squeeze %dma_wait3A_494 : memref<1x32x8x128xf32, #tpu.memory_space<hbm>> -> memref<32x8x128xf32, #tpu.memory_space<hbm>>
        tpu.wait_dma2 semaphore(%arg9 : memref<!tpu.dma_semaphore, #tpu.memory_space<semaphore_mem>>) src(%dma_wait3A_495 : memref<32x8x128xf32, #tpu.memory_space<hbm>>) dst(%dma_wait3A_490 : memref<32x8x128xf32, #tpu.memory_space<vmem>>)
      } else {
      }
      %parallel_loop3A = arith.constant 0 : i32
      %parallel_loop3A_385 = arith.constant 256 : i32
      %parallel_loop3A_386 = arith.constant 1 : i32
      scf.for %parallel_loop3A_459 = %parallel_loop3A to %parallel_loop3A_385 step %parallel_loop3A_386  : i32 {
        %parallel_loop3A_460 = arith.constant 0 : i32
        %parallel_loop3A_461 = arith.addi %parallel_loop3A_460, %parallel_loop3A_459 : i32
        %parallel_loop3A_462 = arith.constant 8 : i32
        %parallel_loop3A_463 = arith.divsi %parallel_loop3A_461, %parallel_loop3A_462 : i32
        %parallel_loop3A_464 = arith.constant 0 : i32
        %parallel_loop3A_465 = arith.cmpi sgt, %parallel_loop3A_461, %parallel_loop3A_464 : i32
        %parallel_loop3A_466 = arith.extui %parallel_loop3A_465 : i1 to i32
        %parallel_loop3A_467 = arith.constant 0 : i32
        %parallel_loop3A_468 = arith.cmpi slt, %parallel_loop3A_461, %parallel_loop3A_467 : i32
        %parallel_loop3A_469 = arith.extui %parallel_loop3A_468 : i1 to i32
        %parallel_loop3A_470 = arith.subi %parallel_loop3A_466, %parallel_loop3A_469 : i32
        %parallel_loop3A_471 = arith.constant 0 : i32
        %parallel_loop3A_472 = arith.cmpi sgt, %parallel_loop3A_462, %parallel_loop3A_471 : i32
        %parallel_loop3A_473 = arith.extui %parallel_loop3A_472 : i1 to i32
        %parallel_loop3A_474 = arith.constant 0 : i32
        %parallel_loop3A_475 = arith.cmpi slt, %parallel_loop3A_462, %parallel_loop3A_474 : i32
        %parallel_loop3A_476 = arith.extui %parallel_loop3A_475 : i1 to i32
        %parallel_loop3A_477 = arith.subi %parallel_loop3A_473, %parallel_loop3A_476 : i32
        %parallel_loop3A_478 = arith.cmpi ne, %parallel_loop3A_470, %parallel_loop3A_477 : i32
        %parallel_loop3A_479 = arith.remsi %parallel_loop3A_461, %parallel_loop3A_462 : i32
        %parallel_loop3A_480 = arith.constant 0 : i32
        %parallel_loop3A_481 = arith.cmpi ne, %parallel_loop3A_479, %parallel_loop3A_480 : i32
        %parallel_loop3A_482 = arith.andi %parallel_loop3A_478, %parallel_loop3A_481 : i1
        %parallel_loop3A_483 = arith.constant 1 : i32
        %parallel_loop3A_484 = arith.subi %parallel_loop3A_463, %parallel_loop3A_483 : i32
        %parallel_loop3A_485 = arith.select %parallel_loop3A_482, %parallel_loop3A_484, %parallel_loop3A_463 : i32
        %parallel_loop3A_486 = arith.constant 8 : i32
        %parallel_loop3A_487 = arith.constant 0 : i32
        %parallel_loop3A_488 = arith.cmpi eq, %parallel_loop3A_486, %parallel_loop3A_487 : i32
        %parallel_loop3A_489 = arith.constant 1 : i32
        %parallel_loop3A_490 = arith.select %parallel_loop3A_488, %parallel_loop3A_489, %parallel_loop3A_486 : i32
        %parallel_loop3A_491 = arith.remsi %parallel_loop3A_461, %parallel_loop3A_490 : i32
        %parallel_loop3A_492 = arith.constant 0 : i32
        %parallel_loop3A_493 = arith.cmpi ne, %parallel_loop3A_491, %parallel_loop3A_492 : i32
        %parallel_loop3A_494 = arith.constant 0 : i32
        %parallel_loop3A_495 = arith.cmpi slt, %parallel_loop3A_491, %parallel_loop3A_494 : i32
        %parallel_loop3A_496 = arith.constant 0 : i32
        %parallel_loop3A_497 = arith.cmpi slt, %parallel_loop3A_490, %parallel_loop3A_496 : i32
        %parallel_loop3A_498 = arith.xori %parallel_loop3A_495, %parallel_loop3A_497 : i1
        %parallel_loop3A_499 = arith.andi %parallel_loop3A_498, %parallel_loop3A_493 : i1
        %parallel_loop3A_500 = arith.addi %parallel_loop3A_491, %parallel_loop3A_490 : i32
        %parallel_loop3A_501 = arith.select %parallel_loop3A_499, %parallel_loop3A_500, %parallel_loop3A_491 : i32
        %parallel_loop3A_502 = arith.constant 16 : i32
        %parallel_loop3A_503 = arith.muli %parallel_loop3A_501, %parallel_loop3A_502 : i32
        %parallel_loop3A_504 = arith.constant 0 : i32
        %parallel_loop3A_505 = arith.constant 0 : i32
        %parallel_loop3A_506 = tpu.memref_slice %arg6[%select_n3A_360, %parallel_loop3A_504, %parallel_loop3A_505] : memref<2x64x128xi32, #tpu.memory_space<vmem>> -> memref<1x64x128xi32, #tpu.memory_space<vmem>>
        %parallel_loop3A_507 = tpu.memref_squeeze %parallel_loop3A_506 : memref<1x64x128xi32, #tpu.memory_space<vmem>> -> memref<64x128xi32, #tpu.memory_space<vmem>>
        %parallel_loop3A_508 = arith.index_cast %parallel_loop3A_485 : i32 to index
        %parallel_loop3A_509 = arith.index_cast %parallel_loop3A_503 : i32 to index
        %parallel_loop3A_510 = tpu.vector_load %parallel_loop3A_507[%parallel_loop3A_508, %parallel_loop3A_509] {strides = array<i32>} : memref<64x128xi32, #tpu.memory_space<vmem>>, vector<16xi32>,
        %parallel_loop3A_511 = tpu.vector_load_idx %arg5[%add3A_11, %parallel_loop3A_510] : memref<8x128xf32, #tpu.memory_space<vmem>>[vector<16xi32>, vector<16xi32>], vector<16xf32>,
        %parallel_loop3A_512 = arith.constant 8 : i32
        %parallel_loop3A_513 = arith.divsi %parallel_loop3A_459, %parallel_loop3A_512 : i32
        %parallel_loop3A_514 = arith.constant 0 : i32
        %parallel_loop3A_515 = arith.cmpi sgt, %parallel_loop3A_459, %parallel_loop3A_514 : i32
        %parallel_loop3A_516 = arith.extui %parallel_loop3A_515 : i1 to i32
        %parallel_loop3A_517 = arith.constant 0 : i32
        %parallel_loop3A_518 = arith.cmpi slt, %parallel_loop3A_459, %parallel_loop3A_517 : i32
        %parallel_loop3A_519 = arith.extui %parallel_loop3A_518 : i1 to i32
        %parallel_loop3A_520 = arith.subi %parallel_loop3A_516, %parallel_loop3A_519 : i32
        %parallel_loop3A_521 = arith.constant 0 : i32
        %parallel_loop3A_522 = arith.cmpi sgt, %parallel_loop3A_512, %parallel_loop3A_521 : i32
        %parallel_loop3A_523 = arith.extui %parallel_loop3A_522 : i1 to i32
        %parallel_loop3A_524 = arith.constant 0 : i32
        %parallel_loop3A_525 = arith.cmpi slt, %parallel_loop3A_512, %parallel_loop3A_524 : i32
        %parallel_loop3A_526 = arith.extui %parallel_loop3A_525 : i1 to i32
        %parallel_loop3A_527 = arith.subi %parallel_loop3A_523, %parallel_loop3A_526 : i32
        %parallel_loop3A_528 = arith.cmpi ne, %parallel_loop3A_520, %parallel_loop3A_527 : i32
        %parallel_loop3A_529 = arith.remsi %parallel_loop3A_459, %parallel_loop3A_512 : i32
        %parallel_loop3A_530 = arith.constant 0 : i32
        %parallel_loop3A_531 = arith.cmpi ne, %parallel_loop3A_529, %parallel_loop3A_530 : i32
        %parallel_loop3A_532 = arith.andi %parallel_loop3A_528, %parallel_loop3A_531 : i1
        %parallel_loop3A_533 = arith.constant 1 : i32
        %parallel_loop3A_534 = arith.subi %parallel_loop3A_513, %parallel_loop3A_533 : i32
        %parallel_loop3A_535 = arith.select %parallel_loop3A_532, %parallel_loop3A_534, %parallel_loop3A_513 : i32
        %parallel_loop3A_536 = arith.constant 8 : i32
        %parallel_loop3A_537 = arith.constant 0 : i32
        %parallel_loop3A_538 = arith.cmpi eq, %parallel_loop3A_536, %parallel_loop3A_537 : i32
        %parallel_loop3A_539 = arith.constant 1 : i32
        %parallel_loop3A_540 = arith.select %parallel_loop3A_538, %parallel_loop3A_539, %parallel_loop3A_536 : i32
        %parallel_loop3A_541 = arith.remsi %parallel_loop3A_459, %parallel_loop3A_540 : i32
        %parallel_loop3A_542 = arith.constant 0 : i32
        %parallel_loop3A_543 = arith.cmpi ne, %parallel_loop3A_541, %parallel_loop3A_542 : i32
        %parallel_loop3A_544 = arith.constant 0 : i32
        %parallel_loop3A_545 = arith.cmpi slt, %parallel_loop3A_541, %parallel_loop3A_544 : i32
        %parallel_loop3A_546 = arith.constant 0 : i32
        %parallel_loop3A_547 = arith.cmpi slt, %parallel_loop3A_540, %parallel_loop3A_546 : i32
        %parallel_loop3A_548 = arith.xori %parallel_loop3A_545, %parallel_loop3A_547 : i1
        %parallel_loop3A_549 = arith.andi %parallel_loop3A_548, %parallel_loop3A_543 : i1
        %parallel_loop3A_550 = arith.addi %parallel_loop3A_541, %parallel_loop3A_540 : i32
        %parallel_loop3A_551 = arith.select %parallel_loop3A_549, %parallel_loop3A_550, %parallel_loop3A_541 : i32
        %parallel_loop3A_552 = arith.constant 16 : i32
        %parallel_loop3A_553 = arith.muli %parallel_loop3A_551, %parallel_loop3A_552 : i32
        %parallel_loop3A_554 = arith.constant 0 : i32
        %parallel_loop3A_555 = arith.constant 0 : i32
        %parallel_loop3A_556 = arith.constant 0 : i32
        %parallel_loop3A_557 = arith.constant 0 : i32
        %parallel_loop3A_558 = tpu.memref_slice %arg7[%select_n3A_380, %parallel_loop3A_555, %parallel_loop3A_556, %parallel_loop3A_557] : memref<2x32x8x128xf32, #tpu.memory_space<vmem>> -> memref<1x32x8x128xf32, #tpu.memory_space<vmem>>
        %parallel_loop3A_559 = tpu.memref_squeeze %parallel_loop3A_558 : memref<1x32x8x128xf32, #tpu.memory_space<vmem>> -> memref<32x8x128xf32, #tpu.memory_space<vmem>>
        %parallel_loop3A_560 = arith.index_cast %parallel_loop3A_535 : i32 to index
        %parallel_loop3A_561 = arith.index_cast %parallel_loop3A_554 : i32 to index
        %parallel_loop3A_562 = arith.index_cast %parallel_loop3A_553 : i32 to index
        %parallel_loop3A_563 = tpu.vector_load %parallel_loop3A_559[%parallel_loop3A_560, %parallel_loop3A_561, %parallel_loop3A_562] {strides = array<i32>} : memref<32x8x128xf32, #tpu.memory_space<vmem>>, vector<16xf32>,
        tpu.vector_store %parallel_loop3A_559[%parallel_loop3A_560, %parallel_loop3A_561, %parallel_loop3A_562], %parallel_loop3A_511 {strides = array<i32>} : memref<32x8x128xf32, #tpu.memory_space<vmem>>, vector<16xf32>,
        %parallel_loop3A_564 = tpu.vector_load_idx %arg5[%add3A_16, %parallel_loop3A_510] : memref<8x128xf32, #tpu.memory_space<vmem>>[vector<16xi32>, vector<16xi32>], vector<16xf32>,
        %parallel_loop3A_565 = arith.constant 8 : i32
        %parallel_loop3A_566 = arith.divsi %parallel_loop3A_459, %parallel_loop3A_565 : i32
        %parallel_loop3A_567 = arith.constant 0 : i32
        %parallel_loop3A_568 = arith.cmpi sgt, %parallel_loop3A_459, %parallel_loop3A_567 : i32
        %parallel_loop3A_569 = arith.extui %parallel_loop3A_568 : i1 to i32
        %parallel_loop3A_570 = arith.constant 0 : i32
        %parallel_loop3A_571 = arith.cmpi slt, %parallel_loop3A_459, %parallel_loop3A_570 : i32
        %parallel_loop3A_572 = arith.extui %parallel_loop3A_571 : i1 to i32
        %parallel_loop3A_573 = arith.subi %parallel_loop3A_569, %parallel_loop3A_572 : i32
        %parallel_loop3A_574 = arith.constant 0 : i32
        %parallel_loop3A_575 = arith.cmpi sgt, %parallel_loop3A_565, %parallel_loop3A_574 : i32
        %parallel_loop3A_576 = arith.extui %parallel_loop3A_575 : i1 to i32
        %parallel_loop3A_577 = arith.constant 0 : i32
        %parallel_loop3A_578 = arith.cmpi slt, %parallel_loop3A_565, %parallel_loop3A_577 : i32
        %parallel_loop3A_579 = arith.extui %parallel_loop3A_578 : i1 to i32
        %parallel_loop3A_580 = arith.subi %parallel_loop3A_576, %parallel_loop3A_579 : i32
        %parallel_loop3A_581 = arith.cmpi ne, %parallel_loop3A_573, %parallel_loop3A_580 : i32
        %parallel_loop3A_582 = arith.remsi %parallel_loop3A_459, %parallel_loop3A_565 : i32
        %parallel_loop3A_583 = arith.constant 0 : i32
        %parallel_loop3A_584 = arith.cmpi ne, %parallel_loop3A_582, %parallel_loop3A_583 : i32
        %parallel_loop3A_585 = arith.andi %parallel_loop3A_581, %parallel_loop3A_584 : i1
        %parallel_loop3A_586 = arith.constant 1 : i32
        %parallel_loop3A_587 = arith.subi %parallel_loop3A_566, %parallel_loop3A_586 : i32
        %parallel_loop3A_588 = arith.select %parallel_loop3A_585, %parallel_loop3A_587, %parallel_loop3A_566 : i32
        %parallel_loop3A_589 = arith.constant 8 : i32
        %parallel_loop3A_590 = arith.constant 0 : i32
        %parallel_loop3A_591 = arith.cmpi eq, %parallel_loop3A_589, %parallel_loop3A_590 : i32
        %parallel_loop3A_592 = arith.constant 1 : i32
        %parallel_loop3A_593 = arith.select %parallel_loop3A_591, %parallel_loop3A_592, %parallel_loop3A_589 : i32
        %parallel_loop3A_594 = arith.remsi %parallel_loop3A_459, %parallel_loop3A_593 : i32
        %parallel_loop3A_595 = arith.constant 0 : i32
        %parallel_loop3A_596 = arith.cmpi ne, %parallel_loop3A_594, %parallel_loop3A_595 : i32
        %parallel_loop3A_597 = arith.constant 0 : i32
        %parallel_loop3A_598 = arith.cmpi slt, %parallel_loop3A_594, %parallel_loop3A_597 : i32
        %parallel_loop3A_599 = arith.constant 0 : i32
        %parallel_loop3A_600 = arith.cmpi slt, %parallel_loop3A_593, %parallel_loop3A_599 : i32
        %parallel_loop3A_601 = arith.xori %parallel_loop3A_598, %parallel_loop3A_600 : i1
        %parallel_loop3A_602 = arith.andi %parallel_loop3A_601, %parallel_loop3A_596 : i1
        %parallel_loop3A_603 = arith.addi %parallel_loop3A_594, %parallel_loop3A_593 : i32
        %parallel_loop3A_604 = arith.select %parallel_loop3A_602, %parallel_loop3A_603, %parallel_loop3A_594 : i32
        %parallel_loop3A_605 = arith.constant 16 : i32
        %parallel_loop3A_606 = arith.muli %parallel_loop3A_604, %parallel_loop3A_605 : i32
        %parallel_loop3A_607 = arith.constant 1 : i32
        %parallel_loop3A_608 = arith.constant 0 : i32
        %parallel_loop3A_609 = arith.constant 0 : i32
        %parallel_loop3A_610 = arith.constant 0 : i32
        %parallel_loop3A_611 = tpu.memref_slice %arg7[%select_n3A_380, %parallel_loop3A_608, %parallel_loop3A_609, %parallel_loop3A_610] : memref<2x32x8x128xf32, #tpu.memory_space<vmem>> -> memref<1x32x8x128xf32, #tpu.memory_space<vmem>>
        %parallel_loop3A_612 = tpu.memref_squeeze %parallel_loop3A_611 : memref<1x32x8x128xf32, #tpu.memory_space<vmem>> -> memref<32x8x128xf32, #tpu.memory_space<vmem>>
        %parallel_loop3A_613 = arith.index_cast %parallel_loop3A_588 : i32 to index
        %parallel_loop3A_614 = arith.index_cast %parallel_loop3A_607 : i32 to index
        %parallel_loop3A_615 = arith.index_cast %parallel_loop3A_606 : i32 to index
        %parallel_loop3A_616 = tpu.vector_load %parallel_loop3A_612[%parallel_loop3A_613, %parallel_loop3A_614, %parallel_loop3A_615] {strides = array<i32>} : memref<32x8x128xf32, #tpu.memory_space<vmem>>, vector<16xf32>,
        tpu.vector_store %parallel_loop3A_612[%parallel_loop3A_613, %parallel_loop3A_614, %parallel_loop3A_615], %parallel_loop3A_564 {strides = array<i32>} : memref<32x8x128xf32, #tpu.memory_space<vmem>>, vector<16xf32>,
        %parallel_loop3A_617 = tpu.vector_load_idx %arg5[%add3A_21, %parallel_loop3A_510] : memref<8x128xf32, #tpu.memory_space<vmem>>[vector<16xi32>, vector<16xi32>], vector<16xf32>,
        %parallel_loop3A_618 = arith.constant 8 : i32
        %parallel_loop3A_619 = arith.divsi %parallel_loop3A_459, %parallel_loop3A_618 : i32
        %parallel_loop3A_620 = arith.constant 0 : i32
        %parallel_loop3A_621 = arith.cmpi sgt, %parallel_loop3A_459, %parallel_loop3A_620 : i32
        %parallel_loop3A_622 = arith.extui %parallel_loop3A_621 : i1 to i32
        %parallel_loop3A_623 = arith.constant 0 : i32
        %parallel_loop3A_624 = arith.cmpi slt, %parallel_loop3A_459, %parallel_loop3A_623 : i32
        %parallel_loop3A_625 = arith.extui %parallel_loop3A_624 : i1 to i32
        %parallel_loop3A_626 = arith.subi %parallel_loop3A_622, %parallel_loop3A_625 : i32
        %parallel_loop3A_627 = arith.constant 0 : i32
        %parallel_loop3A_628 = arith.cmpi sgt, %parallel_loop3A_618, %parallel_loop3A_627 : i32
        %parallel_loop3A_629 = arith.extui %parallel_loop3A_628 : i1 to i32
        %parallel_loop3A_630 = arith.constant 0 : i32
        %parallel_loop3A_631 = arith.cmpi slt, %parallel_loop3A_618, %parallel_loop3A_630 : i32
        %parallel_loop3A_632 = arith.extui %parallel_loop3A_631 : i1 to i32
        %parallel_loop3A_633 = arith.subi %parallel_loop3A_629, %parallel_loop3A_632 : i32
        %parallel_loop3A_634 = arith.cmpi ne, %parallel_loop3A_626, %parallel_loop3A_633 : i32
        %parallel_loop3A_635 = arith.remsi %parallel_loop3A_459, %parallel_loop3A_618 : i32
        %parallel_loop3A_636 = arith.constant 0 : i32
        %parallel_loop3A_637 = arith.cmpi ne, %parallel_loop3A_635, %parallel_loop3A_636 : i32
        %parallel_loop3A_638 = arith.andi %parallel_loop3A_634, %parallel_loop3A_637 : i1
        %parallel_loop3A_639 = arith.constant 1 : i32
        %parallel_loop3A_640 = arith.subi %parallel_loop3A_619, %parallel_loop3A_639 : i32
        %parallel_loop3A_641 = arith.select %parallel_loop3A_638, %parallel_loop3A_640, %parallel_loop3A_619 : i32
        %parallel_loop3A_642 = arith.constant 8 : i32
        %parallel_loop3A_643 = arith.constant 0 : i32
        %parallel_loop3A_644 = arith.cmpi eq, %parallel_loop3A_642, %parallel_loop3A_643 : i32
        %parallel_loop3A_645 = arith.constant 1 : i32
        %parallel_loop3A_646 = arith.select %parallel_loop3A_644, %parallel_loop3A_645, %parallel_loop3A_642 : i32
        %parallel_loop3A_647 = arith.remsi %parallel_loop3A_459, %parallel_loop3A_646 : i32
        %parallel_loop3A_648 = arith.constant 0 : i32
        %parallel_loop3A_649 = arith.cmpi ne, %parallel_loop3A_647, %parallel_loop3A_648 : i32
        %parallel_loop3A_650 = arith.constant 0 : i32
        %parallel_loop3A_651 = arith.cmpi slt, %parallel_loop3A_647, %parallel_loop3A_650 : i32
        %parallel_loop3A_652 = arith.constant 0 : i32
        %parallel_loop3A_653 = arith.cmpi slt, %parallel_loop3A_646, %parallel_loop3A_652 : i32
        %parallel_loop3A_654 = arith.xori %parallel_loop3A_651, %parallel_loop3A_653 : i1
        %parallel_loop3A_655 = arith.andi %parallel_loop3A_654, %parallel_loop3A_649 : i1
        %parallel_loop3A_656 = arith.addi %parallel_loop3A_647, %parallel_loop3A_646 : i32
        %parallel_loop3A_657 = arith.select %parallel_loop3A_655, %parallel_loop3A_656, %parallel_loop3A_647 : i32
        %parallel_loop3A_658 = arith.constant 16 : i32
        %parallel_loop3A_659 = arith.muli %parallel_loop3A_657, %parallel_loop3A_658 : i32
        %parallel_loop3A_660 = arith.constant 2 : i32
        %parallel_loop3A_661 = arith.constant 0 : i32
        %parallel_loop3A_662 = arith.constant 0 : i32
        %parallel_loop3A_663 = arith.constant 0 : i32
        %parallel_loop3A_664 = tpu.memref_slice %arg7[%select_n3A_380, %parallel_loop3A_661, %parallel_loop3A_662, %parallel_loop3A_663] : memref<2x32x8x128xf32, #tpu.memory_space<vmem>> -> memref<1x32x8x128xf32, #tpu.memory_space<vmem>>
        %parallel_loop3A_665 = tpu.memref_squeeze %parallel_loop3A_664 : memref<1x32x8x128xf32, #tpu.memory_space<vmem>> -> memref<32x8x128xf32, #tpu.memory_space<vmem>>
        %parallel_loop3A_666 = arith.index_cast %parallel_loop3A_641 : i32 to index
        %parallel_loop3A_667 = arith.index_cast %parallel_loop3A_660 : i32 to index
        %parallel_loop3A_668 = arith.index_cast %parallel_loop3A_659 : i32 to index
        %parallel_loop3A_669 = tpu.vector_load %parallel_loop3A_665[%parallel_loop3A_666, %parallel_loop3A_667, %parallel_loop3A_668] {strides = array<i32>} : memref<32x8x128xf32, #tpu.memory_space<vmem>>, vector<16xf32>,
        tpu.vector_store %parallel_loop3A_665[%parallel_loop3A_666, %parallel_loop3A_667, %parallel_loop3A_668], %parallel_loop3A_617 {strides = array<i32>} : memref<32x8x128xf32, #tpu.memory_space<vmem>>, vector<16xf32>,
        %parallel_loop3A_670 = tpu.vector_load_idx %arg5[%add3A_26, %parallel_loop3A_510] : memref<8x128xf32, #tpu.memory_space<vmem>>[vector<16xi32>, vector<16xi32>], vector<16xf32>,
        %parallel_loop3A_671 = arith.constant 8 : i32
        %parallel_loop3A_672 = arith.divsi %parallel_loop3A_459, %parallel_loop3A_671 : i32
        %parallel_loop3A_673 = arith.constant 0 : i32
        %parallel_loop3A_674 = arith.cmpi sgt, %parallel_loop3A_459, %parallel_loop3A_673 : i32
        %parallel_loop3A_675 = arith.extui %parallel_loop3A_674 : i1 to i32
        %parallel_loop3A_676 = arith.constant 0 : i32
        %parallel_loop3A_677 = arith.cmpi slt, %parallel_loop3A_459, %parallel_loop3A_676 : i32
        %parallel_loop3A_678 = arith.extui %parallel_loop3A_677 : i1 to i32
        %parallel_loop3A_679 = arith.subi %parallel_loop3A_675, %parallel_loop3A_678 : i32
        %parallel_loop3A_680 = arith.constant 0 : i32
        %parallel_loop3A_681 = arith.cmpi sgt, %parallel_loop3A_671, %parallel_loop3A_680 : i32
        %parallel_loop3A_682 = arith.extui %parallel_loop3A_681 : i1 to i32
        %parallel_loop3A_683 = arith.constant 0 : i32
        %parallel_loop3A_684 = arith.cmpi slt, %parallel_loop3A_671, %parallel_loop3A_683 : i32
        %parallel_loop3A_685 = arith.extui %parallel_loop3A_684 : i1 to i32
        %parallel_loop3A_686 = arith.subi %parallel_loop3A_682, %parallel_loop3A_685 : i32
        %parallel_loop3A_687 = arith.cmpi ne, %parallel_loop3A_679, %parallel_loop3A_686 : i32
        %parallel_loop3A_688 = arith.remsi %parallel_loop3A_459, %parallel_loop3A_671 : i32
        %parallel_loop3A_689 = arith.constant 0 : i32
        %parallel_loop3A_690 = arith.cmpi ne, %parallel_loop3A_688, %parallel_loop3A_689 : i32
        %parallel_loop3A_691 = arith.andi %parallel_loop3A_687, %parallel_loop3A_690 : i1
        %parallel_loop3A_692 = arith.constant 1 : i32
        %parallel_loop3A_693 = arith.subi %parallel_loop3A_672, %parallel_loop3A_692 : i32
        %parallel_loop3A_694 = arith.select %parallel_loop3A_691, %parallel_loop3A_693, %parallel_loop3A_672 : i32
        %parallel_loop3A_695 = arith.constant 8 : i32
        %parallel_loop3A_696 = arith.constant 0 : i32
        %parallel_loop3A_697 = arith.cmpi eq, %parallel_loop3A_695, %parallel_loop3A_696 : i32
        %parallel_loop3A_698 = arith.constant 1 : i32
        %parallel_loop3A_699 = arith.select %parallel_loop3A_697, %parallel_loop3A_698, %parallel_loop3A_695 : i32
        %parallel_loop3A_700 = arith.remsi %parallel_loop3A_459, %parallel_loop3A_699 : i32
        %parallel_loop3A_701 = arith.constant 0 : i32
        %parallel_loop3A_702 = arith.cmpi ne, %parallel_loop3A_700, %parallel_loop3A_701 : i32
        %parallel_loop3A_703 = arith.constant 0 : i32
        %parallel_loop3A_704 = arith.cmpi slt, %parallel_loop3A_700, %parallel_loop3A_703 : i32
        %parallel_loop3A_705 = arith.constant 0 : i32
        %parallel_loop3A_706 = arith.cmpi slt, %parallel_loop3A_699, %parallel_loop3A_705 : i32
        %parallel_loop3A_707 = arith.xori %parallel_loop3A_704, %parallel_loop3A_706 : i1
        %parallel_loop3A_708 = arith.andi %parallel_loop3A_707, %parallel_loop3A_702 : i1
        %parallel_loop3A_709 = arith.addi %parallel_loop3A_700, %parallel_loop3A_699 : i32
        %parallel_loop3A_710 = arith.select %parallel_loop3A_708, %parallel_loop3A_709, %parallel_loop3A_700 : i32
        %parallel_loop3A_711 = arith.constant 16 : i32
        %parallel_loop3A_712 = arith.muli %parallel_loop3A_710, %parallel_loop3A_711 : i32
        %parallel_loop3A_713 = arith.constant 3 : i32
        %parallel_loop3A_714 = arith.constant 0 : i32
        %parallel_loop3A_715 = arith.constant 0 : i32
        %parallel_loop3A_716 = arith.constant 0 : i32
        %parallel_loop3A_717 = tpu.memref_slice %arg7[%select_n3A_380, %parallel_loop3A_714, %parallel_loop3A_715, %parallel_loop3A_716] : memref<2x32x8x128xf32, #tpu.memory_space<vmem>> -> memref<1x32x8x128xf32, #tpu.memory_space<vmem>>
        %parallel_loop3A_718 = tpu.memref_squeeze %parallel_loop3A_717 : memref<1x32x8x128xf32, #tpu.memory_space<vmem>> -> memref<32x8x128xf32, #tpu.memory_space<vmem>>
        %parallel_loop3A_719 = arith.index_cast %parallel_loop3A_694 : i32 to index
        %parallel_loop3A_720 = arith.index_cast %parallel_loop3A_713 : i32 to index
        %parallel_loop3A_721 = arith.index_cast %parallel_loop3A_712 : i32 to index
        %parallel_loop3A_722 = tpu.vector_load %parallel_loop3A_718[%parallel_loop3A_719, %parallel_loop3A_720, %parallel_loop3A_721] {strides = array<i32>} : memref<32x8x128xf32, #tpu.memory_space<vmem>>, vector<16xf32>,
        tpu.vector_store %parallel_loop3A_718[%parallel_loop3A_719, %parallel_loop3A_720, %parallel_loop3A_721], %parallel_loop3A_670 {strides = array<i32>} : memref<32x8x128xf32, #tpu.memory_space<vmem>>, vector<16xf32>,
        %parallel_loop3A_723 = tpu.vector_load_idx %arg5[%add3A_31, %parallel_loop3A_510] : memref<8x128xf32, #tpu.memory_space<vmem>>[vector<16xi32>, vector<16xi32>], vector<16xf32>,
        %parallel_loop3A_724 = arith.constant 8 : i32
        %parallel_loop3A_725 = arith.divsi %parallel_loop3A_459, %parallel_loop3A_724 : i32
        %parallel_loop3A_726 = arith.constant 0 : i32
        %parallel_loop3A_727 = arith.cmpi sgt, %parallel_loop3A_459, %parallel_loop3A_726 : i32
        %parallel_loop3A_728 = arith.extui %parallel_loop3A_727 : i1 to i32
        %parallel_loop3A_729 = arith.constant 0 : i32
        %parallel_loop3A_730 = arith.cmpi slt, %parallel_loop3A_459, %parallel_loop3A_729 : i32
        %parallel_loop3A_731 = arith.extui %parallel_loop3A_730 : i1 to i32
        %parallel_loop3A_732 = arith.subi %parallel_loop3A_728, %parallel_loop3A_731 : i32
        %parallel_loop3A_733 = arith.constant 0 : i32
        %parallel_loop3A_734 = arith.cmpi sgt, %parallel_loop3A_724, %parallel_loop3A_733 : i32
        %parallel_loop3A_735 = arith.extui %parallel_loop3A_734 : i1 to i32
        %parallel_loop3A_736 = arith.constant 0 : i32
        %parallel_loop3A_737 = arith.cmpi slt, %parallel_loop3A_724, %parallel_loop3A_736 : i32
        %parallel_loop3A_738 = arith.extui %parallel_loop3A_737 : i1 to i32
        %parallel_loop3A_739 = arith.subi %parallel_loop3A_735, %parallel_loop3A_738 : i32
        %parallel_loop3A_740 = arith.cmpi ne, %parallel_loop3A_732, %parallel_loop3A_739 : i32
        %parallel_loop3A_741 = arith.remsi %parallel_loop3A_459, %parallel_loop3A_724 : i32
        %parallel_loop3A_742 = arith.constant 0 : i32
        %parallel_loop3A_743 = arith.cmpi ne, %parallel_loop3A_741, %parallel_loop3A_742 : i32
        %parallel_loop3A_744 = arith.andi %parallel_loop3A_740, %parallel_loop3A_743 : i1
        %parallel_loop3A_745 = arith.constant 1 : i32
        %parallel_loop3A_746 = arith.subi %parallel_loop3A_725, %parallel_loop3A_745 : i32
        %parallel_loop3A_747 = arith.select %parallel_loop3A_744, %parallel_loop3A_746, %parallel_loop3A_725 : i32
        %parallel_loop3A_748 = arith.constant 8 : i32
        %parallel_loop3A_749 = arith.constant 0 : i32
        %parallel_loop3A_750 = arith.cmpi eq, %parallel_loop3A_748, %parallel_loop3A_749 : i32
        %parallel_loop3A_751 = arith.constant 1 : i32
        %parallel_loop3A_752 = arith.select %parallel_loop3A_750, %parallel_loop3A_751, %parallel_loop3A_748 : i32
        %parallel_loop3A_753 = arith.remsi %parallel_loop3A_459, %parallel_loop3A_752 : i32
        %parallel_loop3A_754 = arith.constant 0 : i32
        %parallel_loop3A_755 = arith.cmpi ne, %parallel_loop3A_753, %parallel_loop3A_754 : i32
        %parallel_loop3A_756 = arith.constant 0 : i32
        %parallel_loop3A_757 = arith.cmpi slt, %parallel_loop3A_753, %parallel_loop3A_756 : i32
        %parallel_loop3A_758 = arith.constant 0 : i32
        %parallel_loop3A_759 = arith.cmpi slt, %parallel_loop3A_752, %parallel_loop3A_758 : i32
        %parallel_loop3A_760 = arith.xori %parallel_loop3A_757, %parallel_loop3A_759 : i1
        %parallel_loop3A_761 = arith.andi %parallel_loop3A_760, %parallel_loop3A_755 : i1
        %parallel_loop3A_762 = arith.addi %parallel_loop3A_753, %parallel_loop3A_752 : i32
        %parallel_loop3A_763 = arith.select %parallel_loop3A_761, %parallel_loop3A_762, %parallel_loop3A_753 : i32
        %parallel_loop3A_764 = arith.constant 16 : i32
        %parallel_loop3A_765 = arith.muli %parallel_loop3A_763, %parallel_loop3A_764 : i32
        %parallel_loop3A_766 = arith.constant 4 : i32
        %parallel_loop3A_767 = arith.constant 0 : i32
        %parallel_loop3A_768 = arith.constant 0 : i32
        %parallel_loop3A_769 = arith.constant 0 : i32
        %parallel_loop3A_770 = tpu.memref_slice %arg7[%select_n3A_380, %parallel_loop3A_767, %parallel_loop3A_768, %parallel_loop3A_769] : memref<2x32x8x128xf32, #tpu.memory_space<vmem>> -> memref<1x32x8x128xf32, #tpu.memory_space<vmem>>
        %parallel_loop3A_771 = tpu.memref_squeeze %parallel_loop3A_770 : memref<1x32x8x128xf32, #tpu.memory_space<vmem>> -> memref<32x8x128xf32, #tpu.memory_space<vmem>>
        %parallel_loop3A_772 = arith.index_cast %parallel_loop3A_747 : i32 to index
        %parallel_loop3A_773 = arith.index_cast %parallel_loop3A_766 : i32 to index
        %parallel_loop3A_774 = arith.index_cast %parallel_loop3A_765 : i32 to index
        %parallel_loop3A_775 = tpu.vector_load %parallel_loop3A_771[%parallel_loop3A_772, %parallel_loop3A_773, %parallel_loop3A_774] {strides = array<i32>} : memref<32x8x128xf32, #tpu.memory_space<vmem>>, vector<16xf32>,
        tpu.vector_store %parallel_loop3A_771[%parallel_loop3A_772, %parallel_loop3A_773, %parallel_loop3A_774], %parallel_loop3A_723 {strides = array<i32>} : memref<32x8x128xf32, #tpu.memory_space<vmem>>, vector<16xf32>,
        %parallel_loop3A_776 = tpu.vector_load_idx %arg5[%add3A_36, %parallel_loop3A_510] : memref<8x128xf32, #tpu.memory_space<vmem>>[vector<16xi32>, vector<16xi32>], vector<16xf32>,
        %parallel_loop3A_777 = arith.constant 8 : i32
        %parallel_loop3A_778 = arith.divsi %parallel_loop3A_459, %parallel_loop3A_777 : i32
        %parallel_loop3A_779 = arith.constant 0 : i32
        %parallel_loop3A_780 = arith.cmpi sgt, %parallel_loop3A_459, %parallel_loop3A_779 : i32
        %parallel_loop3A_781 = arith.extui %parallel_loop3A_780 : i1 to i32
        %parallel_loop3A_782 = arith.constant 0 : i32
        %parallel_loop3A_783 = arith.cmpi slt, %parallel_loop3A_459, %parallel_loop3A_782 : i32
        %parallel_loop3A_784 = arith.extui %parallel_loop3A_783 : i1 to i32
        %parallel_loop3A_785 = arith.subi %parallel_loop3A_781, %parallel_loop3A_784 : i32
        %parallel_loop3A_786 = arith.constant 0 : i32
        %parallel_loop3A_787 = arith.cmpi sgt, %parallel_loop3A_777, %parallel_loop3A_786 : i32
        %parallel_loop3A_788 = arith.extui %parallel_loop3A_787 : i1 to i32
        %parallel_loop3A_789 = arith.constant 0 : i32
        %parallel_loop3A_790 = arith.cmpi slt, %parallel_loop3A_777, %parallel_loop3A_789 : i32
        %parallel_loop3A_791 = arith.extui %parallel_loop3A_790 : i1 to i32
        %parallel_loop3A_792 = arith.subi %parallel_loop3A_788, %parallel_loop3A_791 : i32
        %parallel_loop3A_793 = arith.cmpi ne, %parallel_loop3A_785, %parallel_loop3A_792 : i32
        %parallel_loop3A_794 = arith.remsi %parallel_loop3A_459, %parallel_loop3A_777 : i32
        %parallel_loop3A_795 = arith.constant 0 : i32
        %parallel_loop3A_796 = arith.cmpi ne, %parallel_loop3A_794, %parallel_loop3A_795 : i32
        %parallel_loop3A_797 = arith.andi %parallel_loop3A_793, %parallel_loop3A_796 : i1
        %parallel_loop3A_798 = arith.constant 1 : i32
        %parallel_loop3A_799 = arith.subi %parallel_loop3A_778, %parallel_loop3A_798 : i32
        %parallel_loop3A_800 = arith.select %parallel_loop3A_797, %parallel_loop3A_799, %parallel_loop3A_778 : i32
        %parallel_loop3A_801 = arith.constant 8 : i32
        %parallel_loop3A_802 = arith.constant 0 : i32
        %parallel_loop3A_803 = arith.cmpi eq, %parallel_loop3A_801, %parallel_loop3A_802 : i32
        %parallel_loop3A_804 = arith.constant 1 : i32
        %parallel_loop3A_805 = arith.select %parallel_loop3A_803, %parallel_loop3A_804, %parallel_loop3A_801 : i32
        %parallel_loop3A_806 = arith.remsi %parallel_loop3A_459, %parallel_loop3A_805 : i32
        %parallel_loop3A_807 = arith.constant 0 : i32
        %parallel_loop3A_808 = arith.cmpi ne, %parallel_loop3A_806, %parallel_loop3A_807 : i32
        %parallel_loop3A_809 = arith.constant 0 : i32
        %parallel_loop3A_810 = arith.cmpi slt, %parallel_loop3A_806, %parallel_loop3A_809 : i32
        %parallel_loop3A_811 = arith.constant 0 : i32
        %parallel_loop3A_812 = arith.cmpi slt, %parallel_loop3A_805, %parallel_loop3A_811 : i32
        %parallel_loop3A_813 = arith.xori %parallel_loop3A_810, %parallel_loop3A_812 : i1
        %parallel_loop3A_814 = arith.andi %parallel_loop3A_813, %parallel_loop3A_808 : i1
        %parallel_loop3A_815 = arith.addi %parallel_loop3A_806, %parallel_loop3A_805 : i32
        %parallel_loop3A_816 = arith.select %parallel_loop3A_814, %parallel_loop3A_815, %parallel_loop3A_806 : i32
        %parallel_loop3A_817 = arith.constant 16 : i32
        %parallel_loop3A_818 = arith.muli %parallel_loop3A_816, %parallel_loop3A_817 : i32
        %parallel_loop3A_819 = arith.constant 5 : i32
        %parallel_loop3A_820 = arith.constant 0 : i32
        %parallel_loop3A_821 = arith.constant 0 : i32
        %parallel_loop3A_822 = arith.constant 0 : i32
        %parallel_loop3A_823 = tpu.memref_slice %arg7[%select_n3A_380, %parallel_loop3A_820, %parallel_loop3A_821, %parallel_loop3A_822] : memref<2x32x8x128xf32, #tpu.memory_space<vmem>> -> memref<1x32x8x128xf32, #tpu.memory_space<vmem>>
        %parallel_loop3A_824 = tpu.memref_squeeze %parallel_loop3A_823 : memref<1x32x8x128xf32, #tpu.memory_space<vmem>> -> memref<32x8x128xf32, #tpu.memory_space<vmem>>
        %parallel_loop3A_825 = arith.index_cast %parallel_loop3A_800 : i32 to index
        %parallel_loop3A_826 = arith.index_cast %parallel_loop3A_819 : i32 to index
        %parallel_loop3A_827 = arith.index_cast %parallel_loop3A_818 : i32 to index
        %parallel_loop3A_828 = tpu.vector_load %parallel_loop3A_824[%parallel_loop3A_825, %parallel_loop3A_826, %parallel_loop3A_827] {strides = array<i32>} : memref<32x8x128xf32, #tpu.memory_space<vmem>>, vector<16xf32>,
        tpu.vector_store %parallel_loop3A_824[%parallel_loop3A_825, %parallel_loop3A_826, %parallel_loop3A_827], %parallel_loop3A_776 {strides = array<i32>} : memref<32x8x128xf32, #tpu.memory_space<vmem>>, vector<16xf32>,
        %parallel_loop3A_829 = tpu.vector_load_idx %arg5[%add3A_41, %parallel_loop3A_510] : memref<8x128xf32, #tpu.memory_space<vmem>>[vector<16xi32>, vector<16xi32>], vector<16xf32>,
        %parallel_loop3A_830 = arith.constant 8 : i32
        %parallel_loop3A_831 = arith.divsi %parallel_loop3A_459, %parallel_loop3A_830 : i32
        %parallel_loop3A_832 = arith.constant 0 : i32
        %parallel_loop3A_833 = arith.cmpi sgt, %parallel_loop3A_459, %parallel_loop3A_832 : i32
        %parallel_loop3A_834 = arith.extui %parallel_loop3A_833 : i1 to i32
        %parallel_loop3A_835 = arith.constant 0 : i32
        %parallel_loop3A_836 = arith.cmpi slt, %parallel_loop3A_459, %parallel_loop3A_835 : i32
        %parallel_loop3A_837 = arith.extui %parallel_loop3A_836 : i1 to i32
        %parallel_loop3A_838 = arith.subi %parallel_loop3A_834, %parallel_loop3A_837 : i32
        %parallel_loop3A_839 = arith.constant 0 : i32
        %parallel_loop3A_840 = arith.cmpi sgt, %parallel_loop3A_830, %parallel_loop3A_839 : i32
        %parallel_loop3A_841 = arith.extui %parallel_loop3A_840 : i1 to i32
        %parallel_loop3A_842 = arith.constant 0 : i32
        %parallel_loop3A_843 = arith.cmpi slt, %parallel_loop3A_830, %parallel_loop3A_842 : i32
        %parallel_loop3A_844 = arith.extui %parallel_loop3A_843 : i1 to i32
        %parallel_loop3A_845 = arith.subi %parallel_loop3A_841, %parallel_loop3A_844 : i32
        %parallel_loop3A_846 = arith.cmpi ne, %parallel_loop3A_838, %parallel_loop3A_845 : i32
        %parallel_loop3A_847 = arith.remsi %parallel_loop3A_459, %parallel_loop3A_830 : i32
        %parallel_loop3A_848 = arith.constant 0 : i32
        %parallel_loop3A_849 = arith.cmpi ne, %parallel_loop3A_847, %parallel_loop3A_848 : i32
        %parallel_loop3A_850 = arith.andi %parallel_loop3A_846, %parallel_loop3A_849 : i1
        %parallel_loop3A_851 = arith.constant 1 : i32
        %parallel_loop3A_852 = arith.subi %parallel_loop3A_831, %parallel_loop3A_851 : i32
        %parallel_loop3A_853 = arith.select %parallel_loop3A_850, %parallel_loop3A_852, %parallel_loop3A_831 : i32
        %parallel_loop3A_854 = arith.constant 8 : i32
        %parallel_loop3A_855 = arith.constant 0 : i32
        %parallel_loop3A_856 = arith.cmpi eq, %parallel_loop3A_854, %parallel_loop3A_855 : i32
        %parallel_loop3A_857 = arith.constant 1 : i32
        %parallel_loop3A_858 = arith.select %parallel_loop3A_856, %parallel_loop3A_857, %parallel_loop3A_854 : i32
        %parallel_loop3A_859 = arith.remsi %parallel_loop3A_459, %parallel_loop3A_858 : i32
        %parallel_loop3A_860 = arith.constant 0 : i32
        %parallel_loop3A_861 = arith.cmpi ne, %parallel_loop3A_859, %parallel_loop3A_860 : i32
        %parallel_loop3A_862 = arith.constant 0 : i32
        %parallel_loop3A_863 = arith.cmpi slt, %parallel_loop3A_859, %parallel_loop3A_862 : i32
        %parallel_loop3A_864 = arith.constant 0 : i32
        %parallel_loop3A_865 = arith.cmpi slt, %parallel_loop3A_858, %parallel_loop3A_864 : i32
        %parallel_loop3A_866 = arith.xori %parallel_loop3A_863, %parallel_loop3A_865 : i1
        %parallel_loop3A_867 = arith.andi %parallel_loop3A_866, %parallel_loop3A_861 : i1
        %parallel_loop3A_868 = arith.addi %parallel_loop3A_859, %parallel_loop3A_858 : i32
        %parallel_loop3A_869 = arith.select %parallel_loop3A_867, %parallel_loop3A_868, %parallel_loop3A_859 : i32
        %parallel_loop3A_870 = arith.constant 16 : i32
        %parallel_loop3A_871 = arith.muli %parallel_loop3A_869, %parallel_loop3A_870 : i32
        %parallel_loop3A_872 = arith.constant 6 : i32
        %parallel_loop3A_873 = arith.constant 0 : i32
        %parallel_loop3A_874 = arith.constant 0 : i32
        %parallel_loop3A_875 = arith.constant 0 : i32
        %parallel_loop3A_876 = tpu.memref_slice %arg7[%select_n3A_380, %parallel_loop3A_873, %parallel_loop3A_874, %parallel_loop3A_875] : memref<2x32x8x128xf32, #tpu.memory_space<vmem>> -> memref<1x32x8x128xf32, #tpu.memory_space<vmem>>
        %parallel_loop3A_877 = tpu.memref_squeeze %parallel_loop3A_876 : memref<1x32x8x128xf32, #tpu.memory_space<vmem>> -> memref<32x8x128xf32, #tpu.memory_space<vmem>>
        %parallel_loop3A_878 = arith.index_cast %parallel_loop3A_853 : i32 to index
        %parallel_loop3A_879 = arith.index_cast %parallel_loop3A_872 : i32 to index
        %parallel_loop3A_880 = arith.index_cast %parallel_loop3A_871 : i32 to index
        %parallel_loop3A_881 = tpu.vector_load %parallel_loop3A_877[%parallel_loop3A_878, %parallel_loop3A_879, %parallel_loop3A_880] {strides = array<i32>} : memref<32x8x128xf32, #tpu.memory_space<vmem>>, vector<16xf32>,
        tpu.vector_store %parallel_loop3A_877[%parallel_loop3A_878, %parallel_loop3A_879, %parallel_loop3A_880], %parallel_loop3A_829 {strides = array<i32>} : memref<32x8x128xf32, #tpu.memory_space<vmem>>, vector<16xf32>,
        %parallel_loop3A_882 = tpu.vector_load_idx %arg5[%add3A_46, %parallel_loop3A_510] : memref<8x128xf32, #tpu.memory_space<vmem>>[vector<16xi32>, vector<16xi32>], vector<16xf32>,
        %parallel_loop3A_883 = arith.constant 8 : i32
        %parallel_loop3A_884 = arith.divsi %parallel_loop3A_459, %parallel_loop3A_883 : i32
        %parallel_loop3A_885 = arith.constant 0 : i32
        %parallel_loop3A_886 = arith.cmpi sgt, %parallel_loop3A_459, %parallel_loop3A_885 : i32
        %parallel_loop3A_887 = arith.extui %parallel_loop3A_886 : i1 to i32
        %parallel_loop3A_888 = arith.constant 0 : i32
        %parallel_loop3A_889 = arith.cmpi slt, %parallel_loop3A_459, %parallel_loop3A_888 : i32
        %parallel_loop3A_890 = arith.extui %parallel_loop3A_889 : i1 to i32
        %parallel_loop3A_891 = arith.subi %parallel_loop3A_887, %parallel_loop3A_890 : i32
        %parallel_loop3A_892 = arith.constant 0 : i32
        %parallel_loop3A_893 = arith.cmpi sgt, %parallel_loop3A_883, %parallel_loop3A_892 : i32
        %parallel_loop3A_894 = arith.extui %parallel_loop3A_893 : i1 to i32
        %parallel_loop3A_895 = arith.constant 0 : i32
        %parallel_loop3A_896 = arith.cmpi slt, %parallel_loop3A_883, %parallel_loop3A_895 : i32
        %parallel_loop3A_897 = arith.extui %parallel_loop3A_896 : i1 to i32
        %parallel_loop3A_898 = arith.subi %parallel_loop3A_894, %parallel_loop3A_897 : i32
        %parallel_loop3A_899 = arith.cmpi ne, %parallel_loop3A_891, %parallel_loop3A_898 : i32
        %parallel_loop3A_900 = arith.remsi %parallel_loop3A_459, %parallel_loop3A_883 : i32
        %parallel_loop3A_901 = arith.constant 0 : i32
        %parallel_loop3A_902 = arith.cmpi ne, %parallel_loop3A_900, %parallel_loop3A_901 : i32
        %parallel_loop3A_903 = arith.andi %parallel_loop3A_899, %parallel_loop3A_902 : i1
        %parallel_loop3A_904 = arith.constant 1 : i32
        %parallel_loop3A_905 = arith.subi %parallel_loop3A_884, %parallel_loop3A_904 : i32
        %parallel_loop3A_906 = arith.select %parallel_loop3A_903, %parallel_loop3A_905, %parallel_loop3A_884 : i32
        %parallel_loop3A_907 = arith.constant 8 : i32
        %parallel_loop3A_908 = arith.constant 0 : i32
        %parallel_loop3A_909 = arith.cmpi eq, %parallel_loop3A_907, %parallel_loop3A_908 : i32
        %parallel_loop3A_910 = arith.constant 1 : i32
        %parallel_loop3A_911 = arith.select %parallel_loop3A_909, %parallel_loop3A_910, %parallel_loop3A_907 : i32
        %parallel_loop3A_912 = arith.remsi %parallel_loop3A_459, %parallel_loop3A_911 : i32
        %parallel_loop3A_913 = arith.constant 0 : i32
        %parallel_loop3A_914 = arith.cmpi ne, %parallel_loop3A_912, %parallel_loop3A_913 : i32
        %parallel_loop3A_915 = arith.constant 0 : i32
        %parallel_loop3A_916 = arith.cmpi slt, %parallel_loop3A_912, %parallel_loop3A_915 : i32
        %parallel_loop3A_917 = arith.constant 0 : i32
        %parallel_loop3A_918 = arith.cmpi slt, %parallel_loop3A_911, %parallel_loop3A_917 : i32
        %parallel_loop3A_919 = arith.xori %parallel_loop3A_916, %parallel_loop3A_918 : i1
        %parallel_loop3A_920 = arith.andi %parallel_loop3A_919, %parallel_loop3A_914 : i1
        %parallel_loop3A_921 = arith.addi %parallel_loop3A_912, %parallel_loop3A_911 : i32
        %parallel_loop3A_922 = arith.select %parallel_loop3A_920, %parallel_loop3A_921, %parallel_loop3A_912 : i32
        %parallel_loop3A_923 = arith.constant 16 : i32
        %parallel_loop3A_924 = arith.muli %parallel_loop3A_922, %parallel_loop3A_923 : i32
        %parallel_loop3A_925 = arith.constant 7 : i32
        %parallel_loop3A_926 = arith.constant 0 : i32
        %parallel_loop3A_927 = arith.constant 0 : i32
        %parallel_loop3A_928 = arith.constant 0 : i32
        %parallel_loop3A_929 = tpu.memref_slice %arg7[%select_n3A_380, %parallel_loop3A_926, %parallel_loop3A_927, %parallel_loop3A_928] : memref<2x32x8x128xf32, #tpu.memory_space<vmem>> -> memref<1x32x8x128xf32, #tpu.memory_space<vmem>>
        %parallel_loop3A_930 = tpu.memref_squeeze %parallel_loop3A_929 : memref<1x32x8x128xf32, #tpu.memory_space<vmem>> -> memref<32x8x128xf32, #tpu.memory_space<vmem>>
        %parallel_loop3A_931 = arith.index_cast %parallel_loop3A_906 : i32 to index
        %parallel_loop3A_932 = arith.index_cast %parallel_loop3A_925 : i32 to index
        %parallel_loop3A_933 = arith.index_cast %parallel_loop3A_924 : i32 to index
        %parallel_loop3A_934 = tpu.vector_load %parallel_loop3A_930[%parallel_loop3A_931, %parallel_loop3A_932, %parallel_loop3A_933] {strides = array<i32>} : memref<32x8x128xf32, #tpu.memory_space<vmem>>, vector<16xf32>,
        tpu.vector_store %parallel_loop3A_930[%parallel_loop3A_931, %parallel_loop3A_932, %parallel_loop3A_933], %parallel_loop3A_882 {strides = array<i32>} : memref<32x8x128xf32, #tpu.memory_space<vmem>>, vector<16xf32>,
      } {sc.loop_unroll_factor = 8 : i64, sc.parallel_access}
      %mul3A_387 = arith.constant 64 : i32
      %mul3A_388 = arith.muli %select_n3A_227, %mul3A_387 : i32
      %add3A_389 = arith.constant 0 : i32
      %add3A_390 = arith.addi %mul3A_388, %add3A_389 : i32
      %dma_start3A_391 = arith.constant 0 : i32
      %dma_start3A_392 = arith.constant 0 : i32
      %dma_start3A_393 = arith.constant 0 : i32
      %dma_start3A_394 = tpu.memref_slice %arg7[%select_n3A_380, %dma_start3A_391, %dma_start3A_392, %dma_start3A_393] : memref<2x32x8x128xf32, #tpu.memory_space<vmem>> -> memref<1x32x8x128xf32, #tpu.memory_space<vmem>>
      %dma_start3A_395 = tpu.memref_squeeze %dma_start3A_394 : memref<1x32x8x128xf32, #tpu.memory_space<vmem>> -> memref<32x8x128xf32, #tpu.memory_space<vmem>>
      %dma_start3A_396 = arith.constant 0 : i32
      %dma_start3A_397 = arith.constant 0 : i32
      %dma_start3A_398 = tpu.memref_slice %arg4[%select_n3A_211, %add3A_390, %dma_start3A_396, %dma_start3A_397] : memref<200x128x8x128xf32, #tpu.memory_space<hbm>> -> memref<1x32x8x128xf32, #tpu.memory_space<hbm>>
      %dma_start3A_399 = tpu.memref_squeeze %dma_start3A_398 : memref<1x32x8x128xf32, #tpu.memory_space<hbm>> -> memref<32x8x128xf32, #tpu.memory_space<hbm>>
      %dma_start3A_400 = arith.constant 0 : i32
      %dma_start3A_401 = arith.constant 0 : i32
      %dma_start3A_402 = tpu.memref_slice %arg4[%select_n3A_211, %add3A_390, %dma_start3A_400, %dma_start3A_401] : memref<200x128x8x128xf32, #tpu.memory_space<hbm>> -> memref<1x32x8x128xf32, #tpu.memory_space<hbm>>
      %dma_start3A_403 = tpu.memref_squeeze %dma_start3A_402 : memref<1x32x8x128xf32, #tpu.memory_space<hbm>> -> memref<32x8x128xf32, #tpu.memory_space<hbm>>
      %dma_start3A_404 = arith.constant 0 : i32
      %dma_start3A_405 = arith.constant 0 : i32
      %dma_start3A_406 = arith.constant 0 : i32
      %dma_start3A_407 = tpu.memref_slice %arg7[%select_n3A_380, %dma_start3A_404, %dma_start3A_405, %dma_start3A_406] : memref<2x32x8x128xf32, #tpu.memory_space<vmem>> -> memref<1x32x8x128xf32, #tpu.memory_space<vmem>>
      %dma_start3A_408 = tpu.memref_squeeze %dma_start3A_407 : memref<1x32x8x128xf32, #tpu.memory_space<vmem>> -> memref<32x8x128xf32, #tpu.memory_space<vmem>>
      tpu.enqueue_dma source(%dma_start3A_408 : memref<32x8x128xf32, #tpu.memory_space<vmem>>) target(%dma_start3A_403 : memref<32x8x128xf32, #tpu.memory_space<hbm>>) target_semaphore(%arg9 : memref<!tpu.dma_semaphore, #tpu.memory_space<semaphore_mem>>)
      %mul3A_409 = arith.constant 2 : i32
      %mul3A_410 = arith.muli %while3A_186, %mul3A_409 : i32
      %add3A_411 = arith.constant 1 : i32
      %add3A_412 = arith.addi %mul3A_410, %add3A_411 : i32
      %jit3A_413 = arith.constant 2 : i32
      %eq3A_414 = arith.constant 0 : i32
      %eq3A_415 = arith.cmpi eq, %jit3A_413, %eq3A_414 : i32
      %jit3A_416 = arith.constant 1 : i32
      %select_n3A_417 = arith.select %eq3A_415, %jit3A_416, %jit3A_413 : i32
      %rem3A_418 = arith.remsi %add3A_412, %select_n3A_417 : i32
      %ne3A_419 = arith.constant 0 : i32
      %ne3A_420 = arith.cmpi ne, %rem3A_418, %ne3A_419 : i32
      %lt3A_421 = arith.constant 0 : i32
      %lt3A_422 = arith.cmpi slt, %rem3A_418, %lt3A_421 : i32
      %lt3A_423 = arith.constant 0 : i32
      %lt3A_424 = arith.cmpi slt, %select_n3A_417, %lt3A_423 : i32
      %ne3A_425 = arith.xori %lt3A_422, %lt3A_424 : i1
      %and3A_426 = arith.andi %ne3A_425, %ne3A_420 : i1
      %add3A_427 = arith.addi %rem3A_418, %select_n3A_417 : i32
      %select_n3A_428 = arith.select %and3A_426, %add3A_427, %rem3A_418 : i32
      %ge3A_429 = arith.constant 2 : i32
      %ge3A_430 = arith.cmpi sge, %add3A_412, %ge3A_429 : i32
      %convert_element_type3A_431 = arith.extui %ge3A_430 : i1 to i32
      %cond3A_432 = arith.constant 0 : i32
      %cond3A_433 = arith.cmpi ne, %convert_element_type3A_431, %cond3A_432 : i32
      scf.if %cond3A_433 {
        %jit3A_459 = arith.constant 2 : i32
        %eq3A_460 = arith.constant 0 : i32
        %eq3A_461 = arith.cmpi eq, %jit3A_459, %eq3A_460 : i32
        %jit3A_462 = arith.constant 1 : i32
        %select_n3A_463 = arith.select %eq3A_461, %jit3A_462, %jit3A_459 : i32
        %rem3A_464 = arith.remsi %add3A_412, %select_n3A_463 : i32
        %ne3A_465 = arith.constant 0 : i32
        %ne3A_466 = arith.cmpi ne, %rem3A_464, %ne3A_465 : i32
        %lt3A_467 = arith.constant 0 : i32
        %lt3A_468 = arith.cmpi slt, %rem3A_464, %lt3A_467 : i32
        %lt3A_469 = arith.constant 0 : i32
        %lt3A_470 = arith.cmpi slt, %select_n3A_463, %lt3A_469 : i32
        %ne3A_471 = arith.xori %lt3A_468, %lt3A_470 : i1
        %and3A_472 = arith.andi %ne3A_471, %ne3A_466 : i1
        %add3A_473 = arith.addi %rem3A_464, %select_n3A_463 : i32
        %select_n3A_474 = arith.select %and3A_472, %add3A_473, %rem3A_464 : i32
        %dma_wait3A_475 = arith.constant 0 : i32
        %dma_wait3A_476 = arith.constant 0 : i32
        %dma_wait3A_477 = arith.constant 0 : i32
        %dma_wait3A_478 = arith.constant 0 : i32
        %dma_wait3A_479 = tpu.memref_slice %arg7[%select_n3A_474, %dma_wait3A_476, %dma_wait3A_477, %dma_wait3A_478] : memref<2x32x8x128xf32, #tpu.memory_space<vmem>> -> memref<1x32x8x128xf32, #tpu.memory_space<vmem>>
        %dma_wait3A_480 = tpu.memref_squeeze %dma_wait3A_479 : memref<1x32x8x128xf32, #tpu.memory_space<vmem>> -> memref<32x8x128xf32, #tpu.memory_space<vmem>>
        %dma_wait3A_481 = arith.constant 0 : i32
        %dma_wait3A_482 = arith.constant 0 : i32
        %dma_wait3A_483 = arith.constant 0 : i32
        %dma_wait3A_484 = tpu.memref_slice %arg4[%dma_wait3A_475, %dma_wait3A_481, %dma_wait3A_482, %dma_wait3A_483] : memref<200x128x8x128xf32, #tpu.memory_space<hbm>> -> memref<1x32x8x128xf32, #tpu.memory_space<hbm>>
        %dma_wait3A_485 = tpu.memref_squeeze %dma_wait3A_484 : memref<1x32x8x128xf32, #tpu.memory_space<hbm>> -> memref<32x8x128xf32, #tpu.memory_space<hbm>>
        %dma_wait3A_486 = arith.constant 0 : i32
        %dma_wait3A_487 = arith.constant 0 : i32
        %dma_wait3A_488 = arith.constant 0 : i32
        %dma_wait3A_489 = tpu.memref_slice %arg7[%select_n3A_474, %dma_wait3A_486, %dma_wait3A_487, %dma_wait3A_488] : memref<2x32x8x128xf32, #tpu.memory_space<vmem>> -> memref<1x32x8x128xf32, #tpu.memory_space<vmem>>
        %dma_wait3A_490 = tpu.memref_squeeze %dma_wait3A_489 : memref<1x32x8x128xf32, #tpu.memory_space<vmem>> -> memref<32x8x128xf32, #tpu.memory_space<vmem>>
        %dma_wait3A_491 = arith.constant 0 : i32
        %dma_wait3A_492 = arith.constant 0 : i32
        %dma_wait3A_493 = arith.constant 0 : i32
        %dma_wait3A_494 = tpu.memref_slice %arg4[%dma_wait3A_475, %dma_wait3A_491, %dma_wait3A_492, %dma_wait3A_493] : memref<200x128x8x128xf32, #tpu.memory_space<hbm>> -> memref<1x32x8x128xf32, #tpu.memory_space<hbm>>
        %dma_wait3A_495 = tpu.memref_squeeze %dma_wait3A_494 : memref<1x32x8x128xf32, #tpu.memory_space<hbm>> -> memref<32x8x128xf32, #tpu.memory_space<hbm>>
        tpu.wait_dma2 semaphore(%arg9 : memref<!tpu.dma_semaphore, #tpu.memory_space<semaphore_mem>>) src(%dma_wait3A_495 : memref<32x8x128xf32, #tpu.memory_space<hbm>>) dst(%dma_wait3A_490 : memref<32x8x128xf32, #tpu.memory_space<vmem>>)
      } else {
      }
      %parallel_loop3A_434 = arith.constant 0 : i32
      %parallel_loop3A_435 = arith.constant 256 : i32
      %parallel_loop3A_436 = arith.constant 1 : i32
      scf.for %parallel_loop3A_459 = %parallel_loop3A_434 to %parallel_loop3A_435 step %parallel_loop3A_436  : i32 {
        %parallel_loop3A_460 = arith.constant 256 : i32
        %parallel_loop3A_461 = arith.addi %parallel_loop3A_460, %parallel_loop3A_459 : i32
        %parallel_loop3A_462 = arith.constant 8 : i32
        %parallel_loop3A_463 = arith.divsi %parallel_loop3A_461, %parallel_loop3A_462 : i32
        %parallel_loop3A_464 = arith.constant 0 : i32
        %parallel_loop3A_465 = arith.cmpi sgt, %parallel_loop3A_461, %parallel_loop3A_464 : i32
        %parallel_loop3A_466 = arith.extui %parallel_loop3A_465 : i1 to i32
        %parallel_loop3A_467 = arith.constant 0 : i32
        %parallel_loop3A_468 = arith.cmpi slt, %parallel_loop3A_461, %parallel_loop3A_467 : i32
        %parallel_loop3A_469 = arith.extui %parallel_loop3A_468 : i1 to i32
        %parallel_loop3A_470 = arith.subi %parallel_loop3A_466, %parallel_loop3A_469 : i32
        %parallel_loop3A_471 = arith.constant 0 : i32
        %parallel_loop3A_472 = arith.cmpi sgt, %parallel_loop3A_462, %parallel_loop3A_471 : i32
        %parallel_loop3A_473 = arith.extui %parallel_loop3A_472 : i1 to i32
        %parallel_loop3A_474 = arith.constant 0 : i32
        %parallel_loop3A_475 = arith.cmpi slt, %parallel_loop3A_462, %parallel_loop3A_474 : i32
        %parallel_loop3A_476 = arith.extui %parallel_loop3A_475 : i1 to i32
        %parallel_loop3A_477 = arith.subi %parallel_loop3A_473, %parallel_loop3A_476 : i32
        %parallel_loop3A_478 = arith.cmpi ne, %parallel_loop3A_470, %parallel_loop3A_477 : i32
        %parallel_loop3A_479 = arith.remsi %parallel_loop3A_461, %parallel_loop3A_462 : i32
        %parallel_loop3A_480 = arith.constant 0 : i32
        %parallel_loop3A_481 = arith.cmpi ne, %parallel_loop3A_479, %parallel_loop3A_480 : i32
        %parallel_loop3A_482 = arith.andi %parallel_loop3A_478, %parallel_loop3A_481 : i1
        %parallel_loop3A_483 = arith.constant 1 : i32
        %parallel_loop3A_484 = arith.subi %parallel_loop3A_463, %parallel_loop3A_483 : i32
        %parallel_loop3A_485 = arith.select %parallel_loop3A_482, %parallel_loop3A_484, %parallel_loop3A_463 : i32
        %parallel_loop3A_486 = arith.constant 8 : i32
        %parallel_loop3A_487 = arith.constant 0 : i32
        %parallel_loop3A_488 = arith.cmpi eq, %parallel_loop3A_486, %parallel_loop3A_487 : i32
        %parallel_loop3A_489 = arith.constant 1 : i32
        %parallel_loop3A_490 = arith.select %parallel_loop3A_488, %parallel_loop3A_489, %parallel_loop3A_486 : i32
        %parallel_loop3A_491 = arith.remsi %parallel_loop3A_461, %parallel_loop3A_490 : i32
        %parallel_loop3A_492 = arith.constant 0 : i32
        %parallel_loop3A_493 = arith.cmpi ne, %parallel_loop3A_491, %parallel_loop3A_492 : i32
        %parallel_loop3A_494 = arith.constant 0 : i32
        %parallel_loop3A_495 = arith.cmpi slt, %parallel_loop3A_491, %parallel_loop3A_494 : i32
        %parallel_loop3A_496 = arith.constant 0 : i32
        %parallel_loop3A_497 = arith.cmpi slt, %parallel_loop3A_490, %parallel_loop3A_496 : i32
        %parallel_loop3A_498 = arith.xori %parallel_loop3A_495, %parallel_loop3A_497 : i1
        %parallel_loop3A_499 = arith.andi %parallel_loop3A_498, %parallel_loop3A_493 : i1
        %parallel_loop3A_500 = arith.addi %parallel_loop3A_491, %parallel_loop3A_490 : i32
        %parallel_loop3A_501 = arith.select %parallel_loop3A_499, %parallel_loop3A_500, %parallel_loop3A_491 : i32
        %parallel_loop3A_502 = arith.constant 16 : i32
        %parallel_loop3A_503 = arith.muli %parallel_loop3A_501, %parallel_loop3A_502 : i32
        %parallel_loop3A_504 = arith.constant 0 : i32
        %parallel_loop3A_505 = arith.constant 0 : i32
        %parallel_loop3A_506 = tpu.memref_slice %arg6[%select_n3A_360, %parallel_loop3A_504, %parallel_loop3A_505] : memref<2x64x128xi32, #tpu.memory_space<vmem>> -> memref<1x64x128xi32, #tpu.memory_space<vmem>>
        %parallel_loop3A_507 = tpu.memref_squeeze %parallel_loop3A_506 : memref<1x64x128xi32, #tpu.memory_space<vmem>> -> memref<64x128xi32, #tpu.memory_space<vmem>>
        %parallel_loop3A_508 = arith.index_cast %parallel_loop3A_485 : i32 to index
        %parallel_loop3A_509 = arith.index_cast %parallel_loop3A_503 : i32 to index
        %parallel_loop3A_510 = tpu.vector_load %parallel_loop3A_507[%parallel_loop3A_508, %parallel_loop3A_509] {strides = array<i32>} : memref<64x128xi32, #tpu.memory_space<vmem>>, vector<16xi32>,
        %parallel_loop3A_511 = tpu.vector_load_idx %arg5[%add3A_11, %parallel_loop3A_510] : memref<8x128xf32, #tpu.memory_space<vmem>>[vector<16xi32>, vector<16xi32>], vector<16xf32>,
        %parallel_loop3A_512 = arith.constant 8 : i32
        %parallel_loop3A_513 = arith.divsi %parallel_loop3A_459, %parallel_loop3A_512 : i32
        %parallel_loop3A_514 = arith.constant 0 : i32
        %parallel_loop3A_515 = arith.cmpi sgt, %parallel_loop3A_459, %parallel_loop3A_514 : i32
        %parallel_loop3A_516 = arith.extui %parallel_loop3A_515 : i1 to i32
        %parallel_loop3A_517 = arith.constant 0 : i32
        %parallel_loop3A_518 = arith.cmpi slt, %parallel_loop3A_459, %parallel_loop3A_517 : i32
        %parallel_loop3A_519 = arith.extui %parallel_loop3A_518 : i1 to i32
        %parallel_loop3A_520 = arith.subi %parallel_loop3A_516, %parallel_loop3A_519 : i32
        %parallel_loop3A_521 = arith.constant 0 : i32
        %parallel_loop3A_522 = arith.cmpi sgt, %parallel_loop3A_512, %parallel_loop3A_521 : i32
        %parallel_loop3A_523 = arith.extui %parallel_loop3A_522 : i1 to i32
        %parallel_loop3A_524 = arith.constant 0 : i32
        %parallel_loop3A_525 = arith.cmpi slt, %parallel_loop3A_512, %parallel_loop3A_524 : i32
        %parallel_loop3A_526 = arith.extui %parallel_loop3A_525 : i1 to i32
        %parallel_loop3A_527 = arith.subi %parallel_loop3A_523, %parallel_loop3A_526 : i32
        %parallel_loop3A_528 = arith.cmpi ne, %parallel_loop3A_520, %parallel_loop3A_527 : i32
        %parallel_loop3A_529 = arith.remsi %parallel_loop3A_459, %parallel_loop3A_512 : i32
        %parallel_loop3A_530 = arith.constant 0 : i32
        %parallel_loop3A_531 = arith.cmpi ne, %parallel_loop3A_529, %parallel_loop3A_530 : i32
        %parallel_loop3A_532 = arith.andi %parallel_loop3A_528, %parallel_loop3A_531 : i1
        %parallel_loop3A_533 = arith.constant 1 : i32
        %parallel_loop3A_534 = arith.subi %parallel_loop3A_513, %parallel_loop3A_533 : i32
        %parallel_loop3A_535 = arith.select %parallel_loop3A_532, %parallel_loop3A_534, %parallel_loop3A_513 : i32
        %parallel_loop3A_536 = arith.constant 8 : i32
        %parallel_loop3A_537 = arith.constant 0 : i32
        %parallel_loop3A_538 = arith.cmpi eq, %parallel_loop3A_536, %parallel_loop3A_537 : i32
        %parallel_loop3A_539 = arith.constant 1 : i32
        %parallel_loop3A_540 = arith.select %parallel_loop3A_538, %parallel_loop3A_539, %parallel_loop3A_536 : i32
        %parallel_loop3A_541 = arith.remsi %parallel_loop3A_459, %parallel_loop3A_540 : i32
        %parallel_loop3A_542 = arith.constant 0 : i32
        %parallel_loop3A_543 = arith.cmpi ne, %parallel_loop3A_541, %parallel_loop3A_542 : i32
        %parallel_loop3A_544 = arith.constant 0 : i32
        %parallel_loop3A_545 = arith.cmpi slt, %parallel_loop3A_541, %parallel_loop3A_544 : i32
        %parallel_loop3A_546 = arith.constant 0 : i32
        %parallel_loop3A_547 = arith.cmpi slt, %parallel_loop3A_540, %parallel_loop3A_546 : i32
        %parallel_loop3A_548 = arith.xori %parallel_loop3A_545, %parallel_loop3A_547 : i1
        %parallel_loop3A_549 = arith.andi %parallel_loop3A_548, %parallel_loop3A_543 : i1
        %parallel_loop3A_550 = arith.addi %parallel_loop3A_541, %parallel_loop3A_540 : i32
        %parallel_loop3A_551 = arith.select %parallel_loop3A_549, %parallel_loop3A_550, %parallel_loop3A_541 : i32
        %parallel_loop3A_552 = arith.constant 16 : i32
        %parallel_loop3A_553 = arith.muli %parallel_loop3A_551, %parallel_loop3A_552 : i32
        %parallel_loop3A_554 = arith.constant 0 : i32
        %parallel_loop3A_555 = arith.constant 0 : i32
        %parallel_loop3A_556 = arith.constant 0 : i32
        %parallel_loop3A_557 = arith.constant 0 : i32
        %parallel_loop3A_558 = tpu.memref_slice %arg7[%select_n3A_428, %parallel_loop3A_555, %parallel_loop3A_556, %parallel_loop3A_557] : memref<2x32x8x128xf32, #tpu.memory_space<vmem>> -> memref<1x32x8x128xf32, #tpu.memory_space<vmem>>
        %parallel_loop3A_559 = tpu.memref_squeeze %parallel_loop3A_558 : memref<1x32x8x128xf32, #tpu.memory_space<vmem>> -> memref<32x8x128xf32, #tpu.memory_space<vmem>>
        %parallel_loop3A_560 = arith.index_cast %parallel_loop3A_535 : i32 to index
        %parallel_loop3A_561 = arith.index_cast %parallel_loop3A_554 : i32 to index
        %parallel_loop3A_562 = arith.index_cast %parallel_loop3A_553 : i32 to index
        %parallel_loop3A_563 = tpu.vector_load %parallel_loop3A_559[%parallel_loop3A_560, %parallel_loop3A_561, %parallel_loop3A_562] {strides = array<i32>} : memref<32x8x128xf32, #tpu.memory_space<vmem>>, vector<16xf32>,
        tpu.vector_store %parallel_loop3A_559[%parallel_loop3A_560, %parallel_loop3A_561, %parallel_loop3A_562], %parallel_loop3A_511 {strides = array<i32>} : memref<32x8x128xf32, #tpu.memory_space<vmem>>, vector<16xf32>,
        %parallel_loop3A_564 = tpu.vector_load_idx %arg5[%add3A_16, %parallel_loop3A_510] : memref<8x128xf32, #tpu.memory_space<vmem>>[vector<16xi32>, vector<16xi32>], vector<16xf32>,
        %parallel_loop3A_565 = arith.constant 8 : i32
        %parallel_loop3A_566 = arith.divsi %parallel_loop3A_459, %parallel_loop3A_565 : i32
        %parallel_loop3A_567 = arith.constant 0 : i32
        %parallel_loop3A_568 = arith.cmpi sgt, %parallel_loop3A_459, %parallel_loop3A_567 : i32
        %parallel_loop3A_569 = arith.extui %parallel_loop3A_568 : i1 to i32
        %parallel_loop3A_570 = arith.constant 0 : i32
        %parallel_loop3A_571 = arith.cmpi slt, %parallel_loop3A_459, %parallel_loop3A_570 : i32
        %parallel_loop3A_572 = arith.extui %parallel_loop3A_571 : i1 to i32
        %parallel_loop3A_573 = arith.subi %parallel_loop3A_569, %parallel_loop3A_572 : i32
        %parallel_loop3A_574 = arith.constant 0 : i32
        %parallel_loop3A_575 = arith.cmpi sgt, %parallel_loop3A_565, %parallel_loop3A_574 : i32
        %parallel_loop3A_576 = arith.extui %parallel_loop3A_575 : i1 to i32
        %parallel_loop3A_577 = arith.constant 0 : i32
        %parallel_loop3A_578 = arith.cmpi slt, %parallel_loop3A_565, %parallel_loop3A_577 : i32
        %parallel_loop3A_579 = arith.extui %parallel_loop3A_578 : i1 to i32
        %parallel_loop3A_580 = arith.subi %parallel_loop3A_576, %parallel_loop3A_579 : i32
        %parallel_loop3A_581 = arith.cmpi ne, %parallel_loop3A_573, %parallel_loop3A_580 : i32
        %parallel_loop3A_582 = arith.remsi %parallel_loop3A_459, %parallel_loop3A_565 : i32
        %parallel_loop3A_583 = arith.constant 0 : i32
        %parallel_loop3A_584 = arith.cmpi ne, %parallel_loop3A_582, %parallel_loop3A_583 : i32
        %parallel_loop3A_585 = arith.andi %parallel_loop3A_581, %parallel_loop3A_584 : i1
        %parallel_loop3A_586 = arith.constant 1 : i32
        %parallel_loop3A_587 = arith.subi %parallel_loop3A_566, %parallel_loop3A_586 : i32
        %parallel_loop3A_588 = arith.select %parallel_loop3A_585, %parallel_loop3A_587, %parallel_loop3A_566 : i32
        %parallel_loop3A_589 = arith.constant 8 : i32
        %parallel_loop3A_590 = arith.constant 0 : i32
        %parallel_loop3A_591 = arith.cmpi eq, %parallel_loop3A_589, %parallel_loop3A_590 : i32
        %parallel_loop3A_592 = arith.constant 1 : i32
        %parallel_loop3A_593 = arith.select %parallel_loop3A_591, %parallel_loop3A_592, %parallel_loop3A_589 : i32
        %parallel_loop3A_594 = arith.remsi %parallel_loop3A_459, %parallel_loop3A_593 : i32
        %parallel_loop3A_595 = arith.constant 0 : i32
        %parallel_loop3A_596 = arith.cmpi ne, %parallel_loop3A_594, %parallel_loop3A_595 : i32
        %parallel_loop3A_597 = arith.constant 0 : i32
        %parallel_loop3A_598 = arith.cmpi slt, %parallel_loop3A_594, %parallel_loop3A_597 : i32
        %parallel_loop3A_599 = arith.constant 0 : i32
        %parallel_loop3A_600 = arith.cmpi slt, %parallel_loop3A_593, %parallel_loop3A_599 : i32
        %parallel_loop3A_601 = arith.xori %parallel_loop3A_598, %parallel_loop3A_600 : i1
        %parallel_loop3A_602 = arith.andi %parallel_loop3A_601, %parallel_loop3A_596 : i1
        %parallel_loop3A_603 = arith.addi %parallel_loop3A_594, %parallel_loop3A_593 : i32
        %parallel_loop3A_604 = arith.select %parallel_loop3A_602, %parallel_loop3A_603, %parallel_loop3A_594 : i32
        %parallel_loop3A_605 = arith.constant 16 : i32
        %parallel_loop3A_606 = arith.muli %parallel_loop3A_604, %parallel_loop3A_605 : i32
        %parallel_loop3A_607 = arith.constant 1 : i32
        %parallel_loop3A_608 = arith.constant 0 : i32
        %parallel_loop3A_609 = arith.constant 0 : i32
        %parallel_loop3A_610 = arith.constant 0 : i32
        %parallel_loop3A_611 = tpu.memref_slice %arg7[%select_n3A_428, %parallel_loop3A_608, %parallel_loop3A_609, %parallel_loop3A_610] : memref<2x32x8x128xf32, #tpu.memory_space<vmem>> -> memref<1x32x8x128xf32, #tpu.memory_space<vmem>>
        %parallel_loop3A_612 = tpu.memref_squeeze %parallel_loop3A_611 : memref<1x32x8x128xf32, #tpu.memory_space<vmem>> -> memref<32x8x128xf32, #tpu.memory_space<vmem>>
        %parallel_loop3A_613 = arith.index_cast %parallel_loop3A_588 : i32 to index
        %parallel_loop3A_614 = arith.index_cast %parallel_loop3A_607 : i32 to index
        %parallel_loop3A_615 = arith.index_cast %parallel_loop3A_606 : i32 to index
        %parallel_loop3A_616 = tpu.vector_load %parallel_loop3A_612[%parallel_loop3A_613, %parallel_loop3A_614, %parallel_loop3A_615] {strides = array<i32>} : memref<32x8x128xf32, #tpu.memory_space<vmem>>, vector<16xf32>,
        tpu.vector_store %parallel_loop3A_612[%parallel_loop3A_613, %parallel_loop3A_614, %parallel_loop3A_615], %parallel_loop3A_564 {strides = array<i32>} : memref<32x8x128xf32, #tpu.memory_space<vmem>>, vector<16xf32>,
        %parallel_loop3A_617 = tpu.vector_load_idx %arg5[%add3A_21, %parallel_loop3A_510] : memref<8x128xf32, #tpu.memory_space<vmem>>[vector<16xi32>, vector<16xi32>], vector<16xf32>,
        %parallel_loop3A_618 = arith.constant 8 : i32
        %parallel_loop3A_619 = arith.divsi %parallel_loop3A_459, %parallel_loop3A_618 : i32
        %parallel_loop3A_620 = arith.constant 0 : i32
        %parallel_loop3A_621 = arith.cmpi sgt, %parallel_loop3A_459, %parallel_loop3A_620 : i32
        %parallel_loop3A_622 = arith.extui %parallel_loop3A_621 : i1 to i32
        %parallel_loop3A_623 = arith.constant 0 : i32
        %parallel_loop3A_624 = arith.cmpi slt, %parallel_loop3A_459, %parallel_loop3A_623 : i32
        %parallel_loop3A_625 = arith.extui %parallel_loop3A_624 : i1 to i32
        %parallel_loop3A_626 = arith.subi %parallel_loop3A_622, %parallel_loop3A_625 : i32
        %parallel_loop3A_627 = arith.constant 0 : i32
        %parallel_loop3A_628 = arith.cmpi sgt, %parallel_loop3A_618, %parallel_loop3A_627 : i32
        %parallel_loop3A_629 = arith.extui %parallel_loop3A_628 : i1 to i32
        %parallel_loop3A_630 = arith.constant 0 : i32
        %parallel_loop3A_631 = arith.cmpi slt, %parallel_loop3A_618, %parallel_loop3A_630 : i32
        %parallel_loop3A_632 = arith.extui %parallel_loop3A_631 : i1 to i32
        %parallel_loop3A_633 = arith.subi %parallel_loop3A_629, %parallel_loop3A_632 : i32
        %parallel_loop3A_634 = arith.cmpi ne, %parallel_loop3A_626, %parallel_loop3A_633 : i32
        %parallel_loop3A_635 = arith.remsi %parallel_loop3A_459, %parallel_loop3A_618 : i32
        %parallel_loop3A_636 = arith.constant 0 : i32
        %parallel_loop3A_637 = arith.cmpi ne, %parallel_loop3A_635, %parallel_loop3A_636 : i32
        %parallel_loop3A_638 = arith.andi %parallel_loop3A_634, %parallel_loop3A_637 : i1
        %parallel_loop3A_639 = arith.constant 1 : i32
        %parallel_loop3A_640 = arith.subi %parallel_loop3A_619, %parallel_loop3A_639 : i32
        %parallel_loop3A_641 = arith.select %parallel_loop3A_638, %parallel_loop3A_640, %parallel_loop3A_619 : i32
        %parallel_loop3A_642 = arith.constant 8 : i32
        %parallel_loop3A_643 = arith.constant 0 : i32
        %parallel_loop3A_644 = arith.cmpi eq, %parallel_loop3A_642, %parallel_loop3A_643 : i32
        %parallel_loop3A_645 = arith.constant 1 : i32
        %parallel_loop3A_646 = arith.select %parallel_loop3A_644, %parallel_loop3A_645, %parallel_loop3A_642 : i32
        %parallel_loop3A_647 = arith.remsi %parallel_loop3A_459, %parallel_loop3A_646 : i32
        %parallel_loop3A_648 = arith.constant 0 : i32
        %parallel_loop3A_649 = arith.cmpi ne, %parallel_loop3A_647, %parallel_loop3A_648 : i32
        %parallel_loop3A_650 = arith.constant 0 : i32
        %parallel_loop3A_651 = arith.cmpi slt, %parallel_loop3A_647, %parallel_loop3A_650 : i32
        %parallel_loop3A_652 = arith.constant 0 : i32
        %parallel_loop3A_653 = arith.cmpi slt, %parallel_loop3A_646, %parallel_loop3A_652 : i32
        %parallel_loop3A_654 = arith.xori %parallel_loop3A_651, %parallel_loop3A_653 : i1
        %parallel_loop3A_655 = arith.andi %parallel_loop3A_654, %parallel_loop3A_649 : i1
        %parallel_loop3A_656 = arith.addi %parallel_loop3A_647, %parallel_loop3A_646 : i32
        %parallel_loop3A_657 = arith.select %parallel_loop3A_655, %parallel_loop3A_656, %parallel_loop3A_647 : i32
        %parallel_loop3A_658 = arith.constant 16 : i32
        %parallel_loop3A_659 = arith.muli %parallel_loop3A_657, %parallel_loop3A_658 : i32
        %parallel_loop3A_660 = arith.constant 2 : i32
        %parallel_loop3A_661 = arith.constant 0 : i32
        %parallel_loop3A_662 = arith.constant 0 : i32
        %parallel_loop3A_663 = arith.constant 0 : i32
        %parallel_loop3A_664 = tpu.memref_slice %arg7[%select_n3A_428, %parallel_loop3A_661, %parallel_loop3A_662, %parallel_loop3A_663] : memref<2x32x8x128xf32, #tpu.memory_space<vmem>> -> memref<1x32x8x128xf32, #tpu.memory_space<vmem>>
        %parallel_loop3A_665 = tpu.memref_squeeze %parallel_loop3A_664 : memref<1x32x8x128xf32, #tpu.memory_space<vmem>> -> memref<32x8x128xf32, #tpu.memory_space<vmem>>
        %parallel_loop3A_666 = arith.index_cast %parallel_loop3A_641 : i32 to index
        %parallel_loop3A_667 = arith.index_cast %parallel_loop3A_660 : i32 to index
        %parallel_loop3A_668 = arith.index_cast %parallel_loop3A_659 : i32 to index
        %parallel_loop3A_669 = tpu.vector_load %parallel_loop3A_665[%parallel_loop3A_666, %parallel_loop3A_667, %parallel_loop3A_668] {strides = array<i32>} : memref<32x8x128xf32, #tpu.memory_space<vmem>>, vector<16xf32>,
        tpu.vector_store %parallel_loop3A_665[%parallel_loop3A_666, %parallel_loop3A_667, %parallel_loop3A_668], %parallel_loop3A_617 {strides = array<i32>} : memref<32x8x128xf32, #tpu.memory_space<vmem>>, vector<16xf32>,
        %parallel_loop3A_670 = tpu.vector_load_idx %arg5[%add3A_26, %parallel_loop3A_510] : memref<8x128xf32, #tpu.memory_space<vmem>>[vector<16xi32>, vector<16xi32>], vector<16xf32>,
        %parallel_loop3A_671 = arith.constant 8 : i32
        %parallel_loop3A_672 = arith.divsi %parallel_loop3A_459, %parallel_loop3A_671 : i32
        %parallel_loop3A_673 = arith.constant 0 : i32
        %parallel_loop3A_674 = arith.cmpi sgt, %parallel_loop3A_459, %parallel_loop3A_673 : i32
        %parallel_loop3A_675 = arith.extui %parallel_loop3A_674 : i1 to i32
        %parallel_loop3A_676 = arith.constant 0 : i32
        %parallel_loop3A_677 = arith.cmpi slt, %parallel_loop3A_459, %parallel_loop3A_676 : i32
        %parallel_loop3A_678 = arith.extui %parallel_loop3A_677 : i1 to i32
        %parallel_loop3A_679 = arith.subi %parallel_loop3A_675, %parallel_loop3A_678 : i32
        %parallel_loop3A_680 = arith.constant 0 : i32
        %parallel_loop3A_681 = arith.cmpi sgt, %parallel_loop3A_671, %parallel_loop3A_680 : i32
        %parallel_loop3A_682 = arith.extui %parallel_loop3A_681 : i1 to i32
        %parallel_loop3A_683 = arith.constant 0 : i32
        %parallel_loop3A_684 = arith.cmpi slt, %parallel_loop3A_671, %parallel_loop3A_683 : i32
        %parallel_loop3A_685 = arith.extui %parallel_loop3A_684 : i1 to i32
        %parallel_loop3A_686 = arith.subi %parallel_loop3A_682, %parallel_loop3A_685 : i32
        %parallel_loop3A_687 = arith.cmpi ne, %parallel_loop3A_679, %parallel_loop3A_686 : i32
        %parallel_loop3A_688 = arith.remsi %parallel_loop3A_459, %parallel_loop3A_671 : i32
        %parallel_loop3A_689 = arith.constant 0 : i32
        %parallel_loop3A_690 = arith.cmpi ne, %parallel_loop3A_688, %parallel_loop3A_689 : i32
        %parallel_loop3A_691 = arith.andi %parallel_loop3A_687, %parallel_loop3A_690 : i1
        %parallel_loop3A_692 = arith.constant 1 : i32
        %parallel_loop3A_693 = arith.subi %parallel_loop3A_672, %parallel_loop3A_692 : i32
        %parallel_loop3A_694 = arith.select %parallel_loop3A_691, %parallel_loop3A_693, %parallel_loop3A_672 : i32
        %parallel_loop3A_695 = arith.constant 8 : i32
        %parallel_loop3A_696 = arith.constant 0 : i32
        %parallel_loop3A_697 = arith.cmpi eq, %parallel_loop3A_695, %parallel_loop3A_696 : i32
        %parallel_loop3A_698 = arith.constant 1 : i32
        %parallel_loop3A_699 = arith.select %parallel_loop3A_697, %parallel_loop3A_698, %parallel_loop3A_695 : i32
        %parallel_loop3A_700 = arith.remsi %parallel_loop3A_459, %parallel_loop3A_699 : i32
        %parallel_loop3A_701 = arith.constant 0 : i32
        %parallel_loop3A_702 = arith.cmpi ne, %parallel_loop3A_700, %parallel_loop3A_701 : i32
        %parallel_loop3A_703 = arith.constant 0 : i32
        %parallel_loop3A_704 = arith.cmpi slt, %parallel_loop3A_700, %parallel_loop3A_703 : i32
        %parallel_loop3A_705 = arith.constant 0 : i32
        %parallel_loop3A_706 = arith.cmpi slt, %parallel_loop3A_699, %parallel_loop3A_705 : i32
        %parallel_loop3A_707 = arith.xori %parallel_loop3A_704, %parallel_loop3A_706 : i1
        %parallel_loop3A_708 = arith.andi %parallel_loop3A_707, %parallel_loop3A_702 : i1
        %parallel_loop3A_709 = arith.addi %parallel_loop3A_700, %parallel_loop3A_699 : i32
        %parallel_loop3A_710 = arith.select %parallel_loop3A_708, %parallel_loop3A_709, %parallel_loop3A_700 : i32
        %parallel_loop3A_711 = arith.constant 16 : i32
        %parallel_loop3A_712 = arith.muli %parallel_loop3A_710, %parallel_loop3A_711 : i32
        %parallel_loop3A_713 = arith.constant 3 : i32
        %parallel_loop3A_714 = arith.constant 0 : i32
        %parallel_loop3A_715 = arith.constant 0 : i32
        %parallel_loop3A_716 = arith.constant 0 : i32
        %parallel_loop3A_717 = tpu.memref_slice %arg7[%select_n3A_428, %parallel_loop3A_714, %parallel_loop3A_715, %parallel_loop3A_716] : memref<2x32x8x128xf32, #tpu.memory_space<vmem>> -> memref<1x32x8x128xf32, #tpu.memory_space<vmem>>
        %parallel_loop3A_718 = tpu.memref_squeeze %parallel_loop3A_717 : memref<1x32x8x128xf32, #tpu.memory_space<vmem>> -> memref<32x8x128xf32, #tpu.memory_space<vmem>>
        %parallel_loop3A_719 = arith.index_cast %parallel_loop3A_694 : i32 to index
        %parallel_loop3A_720 = arith.index_cast %parallel_loop3A_713 : i32 to index
        %parallel_loop3A_721 = arith.index_cast %parallel_loop3A_712 : i32 to index
        %parallel_loop3A_722 = tpu.vector_load %parallel_loop3A_718[%parallel_loop3A_719, %parallel_loop3A_720, %parallel_loop3A_721] {strides = array<i32>} : memref<32x8x128xf32, #tpu.memory_space<vmem>>, vector<16xf32>,
        tpu.vector_store %parallel_loop3A_718[%parallel_loop3A_719, %parallel_loop3A_720, %parallel_loop3A_721], %parallel_loop3A_670 {strides = array<i32>} : memref<32x8x128xf32, #tpu.memory_space<vmem>>, vector<16xf32>,
        %parallel_loop3A_723 = tpu.vector_load_idx %arg5[%add3A_31, %parallel_loop3A_510] : memref<8x128xf32, #tpu.memory_space<vmem>>[vector<16xi32>, vector<16xi32>], vector<16xf32>,
        %parallel_loop3A_724 = arith.constant 8 : i32
        %parallel_loop3A_725 = arith.divsi %parallel_loop3A_459, %parallel_loop3A_724 : i32
        %parallel_loop3A_726 = arith.constant 0 : i32
        %parallel_loop3A_727 = arith.cmpi sgt, %parallel_loop3A_459, %parallel_loop3A_726 : i32
        %parallel_loop3A_728 = arith.extui %parallel_loop3A_727 : i1 to i32
        %parallel_loop3A_729 = arith.constant 0 : i32
        %parallel_loop3A_730 = arith.cmpi slt, %parallel_loop3A_459, %parallel_loop3A_729 : i32
        %parallel_loop3A_731 = arith.extui %parallel_loop3A_730 : i1 to i32
        %parallel_loop3A_732 = arith.subi %parallel_loop3A_728, %parallel_loop3A_731 : i32
        %parallel_loop3A_733 = arith.constant 0 : i32
        %parallel_loop3A_734 = arith.cmpi sgt, %parallel_loop3A_724, %parallel_loop3A_733 : i32
        %parallel_loop3A_735 = arith.extui %parallel_loop3A_734 : i1 to i32
        %parallel_loop3A_736 = arith.constant 0 : i32
        %parallel_loop3A_737 = arith.cmpi slt, %parallel_loop3A_724, %parallel_loop3A_736 : i32
        %parallel_loop3A_738 = arith.extui %parallel_loop3A_737 : i1 to i32
        %parallel_loop3A_739 = arith.subi %parallel_loop3A_735, %parallel_loop3A_738 : i32
        %parallel_loop3A_740 = arith.cmpi ne, %parallel_loop3A_732, %parallel_loop3A_739 : i32
        %parallel_loop3A_741 = arith.remsi %parallel_loop3A_459, %parallel_loop3A_724 : i32
        %parallel_loop3A_742 = arith.constant 0 : i32
        %parallel_loop3A_743 = arith.cmpi ne, %parallel_loop3A_741, %parallel_loop3A_742 : i32
        %parallel_loop3A_744 = arith.andi %parallel_loop3A_740, %parallel_loop3A_743 : i1
        %parallel_loop3A_745 = arith.constant 1 : i32
        %parallel_loop3A_746 = arith.subi %parallel_loop3A_725, %parallel_loop3A_745 : i32
        %parallel_loop3A_747 = arith.select %parallel_loop3A_744, %parallel_loop3A_746, %parallel_loop3A_725 : i32
        %parallel_loop3A_748 = arith.constant 8 : i32
        %parallel_loop3A_749 = arith.constant 0 : i32
        %parallel_loop3A_750 = arith.cmpi eq, %parallel_loop3A_748, %parallel_loop3A_749 : i32
        %parallel_loop3A_751 = arith.constant 1 : i32
        %parallel_loop3A_752 = arith.select %parallel_loop3A_750, %parallel_loop3A_751, %parallel_loop3A_748 : i32
        %parallel_loop3A_753 = arith.remsi %parallel_loop3A_459, %parallel_loop3A_752 : i32
        %parallel_loop3A_754 = arith.constant 0 : i32
        %parallel_loop3A_755 = arith.cmpi ne, %parallel_loop3A_753, %parallel_loop3A_754 : i32
        %parallel_loop3A_756 = arith.constant 0 : i32
        %parallel_loop3A_757 = arith.cmpi slt, %parallel_loop3A_753, %parallel_loop3A_756 : i32
        %parallel_loop3A_758 = arith.constant 0 : i32
        %parallel_loop3A_759 = arith.cmpi slt, %parallel_loop3A_752, %parallel_loop3A_758 : i32
        %parallel_loop3A_760 = arith.xori %parallel_loop3A_757, %parallel_loop3A_759 : i1
        %parallel_loop3A_761 = arith.andi %parallel_loop3A_760, %parallel_loop3A_755 : i1
        %parallel_loop3A_762 = arith.addi %parallel_loop3A_753, %parallel_loop3A_752 : i32
        %parallel_loop3A_763 = arith.select %parallel_loop3A_761, %parallel_loop3A_762, %parallel_loop3A_753 : i32
        %parallel_loop3A_764 = arith.constant 16 : i32
        %parallel_loop3A_765 = arith.muli %parallel_loop3A_763, %parallel_loop3A_764 : i32
        %parallel_loop3A_766 = arith.constant 4 : i32
        %parallel_loop3A_767 = arith.constant 0 : i32
        %parallel_loop3A_768 = arith.constant 0 : i32
        %parallel_loop3A_769 = arith.constant 0 : i32
        %parallel_loop3A_770 = tpu.memref_slice %arg7[%select_n3A_428, %parallel_loop3A_767, %parallel_loop3A_768, %parallel_loop3A_769] : memref<2x32x8x128xf32, #tpu.memory_space<vmem>> -> memref<1x32x8x128xf32, #tpu.memory_space<vmem>>
        %parallel_loop3A_771 = tpu.memref_squeeze %parallel_loop3A_770 : memref<1x32x8x128xf32, #tpu.memory_space<vmem>> -> memref<32x8x128xf32, #tpu.memory_space<vmem>>
        %parallel_loop3A_772 = arith.index_cast %parallel_loop3A_747 : i32 to index
        %parallel_loop3A_773 = arith.index_cast %parallel_loop3A_766 : i32 to index
        %parallel_loop3A_774 = arith.index_cast %parallel_loop3A_765 : i32 to index
        %parallel_loop3A_775 = tpu.vector_load %parallel_loop3A_771[%parallel_loop3A_772, %parallel_loop3A_773, %parallel_loop3A_774] {strides = array<i32>} : memref<32x8x128xf32, #tpu.memory_space<vmem>>, vector<16xf32>,
        tpu.vector_store %parallel_loop3A_771[%parallel_loop3A_772, %parallel_loop3A_773, %parallel_loop3A_774], %parallel_loop3A_723 {strides = array<i32>} : memref<32x8x128xf32, #tpu.memory_space<vmem>>, vector<16xf32>,
        %parallel_loop3A_776 = tpu.vector_load_idx %arg5[%add3A_36, %parallel_loop3A_510] : memref<8x128xf32, #tpu.memory_space<vmem>>[vector<16xi32>, vector<16xi32>], vector<16xf32>,
        %parallel_loop3A_777 = arith.constant 8 : i32
        %parallel_loop3A_778 = arith.divsi %parallel_loop3A_459, %parallel_loop3A_777 : i32
        %parallel_loop3A_779 = arith.constant 0 : i32
        %parallel_loop3A_780 = arith.cmpi sgt, %parallel_loop3A_459, %parallel_loop3A_779 : i32
        %parallel_loop3A_781 = arith.extui %parallel_loop3A_780 : i1 to i32
        %parallel_loop3A_782 = arith.constant 0 : i32
        %parallel_loop3A_783 = arith.cmpi slt, %parallel_loop3A_459, %parallel_loop3A_782 : i32
        %parallel_loop3A_784 = arith.extui %parallel_loop3A_783 : i1 to i32
        %parallel_loop3A_785 = arith.subi %parallel_loop3A_781, %parallel_loop3A_784 : i32
        %parallel_loop3A_786 = arith.constant 0 : i32
        %parallel_loop3A_787 = arith.cmpi sgt, %parallel_loop3A_777, %parallel_loop3A_786 : i32
        %parallel_loop3A_788 = arith.extui %parallel_loop3A_787 : i1 to i32
        %parallel_loop3A_789 = arith.constant 0 : i32
        %parallel_loop3A_790 = arith.cmpi slt, %parallel_loop3A_777, %parallel_loop3A_789 : i32
        %parallel_loop3A_791 = arith.extui %parallel_loop3A_790 : i1 to i32
        %parallel_loop3A_792 = arith.subi %parallel_loop3A_788, %parallel_loop3A_791 : i32
        %parallel_loop3A_793 = arith.cmpi ne, %parallel_loop3A_785, %parallel_loop3A_792 : i32
        %parallel_loop3A_794 = arith.remsi %parallel_loop3A_459, %parallel_loop3A_777 : i32
        %parallel_loop3A_795 = arith.constant 0 : i32
        %parallel_loop3A_796 = arith.cmpi ne, %parallel_loop3A_794, %parallel_loop3A_795 : i32
        %parallel_loop3A_797 = arith.andi %parallel_loop3A_793, %parallel_loop3A_796 : i1
        %parallel_loop3A_798 = arith.constant 1 : i32
        %parallel_loop3A_799 = arith.subi %parallel_loop3A_778, %parallel_loop3A_798 : i32
        %parallel_loop3A_800 = arith.select %parallel_loop3A_797, %parallel_loop3A_799, %parallel_loop3A_778 : i32
        %parallel_loop3A_801 = arith.constant 8 : i32
        %parallel_loop3A_802 = arith.constant 0 : i32
        %parallel_loop3A_803 = arith.cmpi eq, %parallel_loop3A_801, %parallel_loop3A_802 : i32
        %parallel_loop3A_804 = arith.constant 1 : i32
        %parallel_loop3A_805 = arith.select %parallel_loop3A_803, %parallel_loop3A_804, %parallel_loop3A_801 : i32
        %parallel_loop3A_806 = arith.remsi %parallel_loop3A_459, %parallel_loop3A_805 : i32
        %parallel_loop3A_807 = arith.constant 0 : i32
        %parallel_loop3A_808 = arith.cmpi ne, %parallel_loop3A_806, %parallel_loop3A_807 : i32
        %parallel_loop3A_809 = arith.constant 0 : i32
        %parallel_loop3A_810 = arith.cmpi slt, %parallel_loop3A_806, %parallel_loop3A_809 : i32
        %parallel_loop3A_811 = arith.constant 0 : i32
        %parallel_loop3A_812 = arith.cmpi slt, %parallel_loop3A_805, %parallel_loop3A_811 : i32
        %parallel_loop3A_813 = arith.xori %parallel_loop3A_810, %parallel_loop3A_812 : i1
        %parallel_loop3A_814 = arith.andi %parallel_loop3A_813, %parallel_loop3A_808 : i1
        %parallel_loop3A_815 = arith.addi %parallel_loop3A_806, %parallel_loop3A_805 : i32
        %parallel_loop3A_816 = arith.select %parallel_loop3A_814, %parallel_loop3A_815, %parallel_loop3A_806 : i32
        %parallel_loop3A_817 = arith.constant 16 : i32
        %parallel_loop3A_818 = arith.muli %parallel_loop3A_816, %parallel_loop3A_817 : i32
        %parallel_loop3A_819 = arith.constant 5 : i32
        %parallel_loop3A_820 = arith.constant 0 : i32
        %parallel_loop3A_821 = arith.constant 0 : i32
        %parallel_loop3A_822 = arith.constant 0 : i32
        %parallel_loop3A_823 = tpu.memref_slice %arg7[%select_n3A_428, %parallel_loop3A_820, %parallel_loop3A_821, %parallel_loop3A_822] : memref<2x32x8x128xf32, #tpu.memory_space<vmem>> -> memref<1x32x8x128xf32, #tpu.memory_space<vmem>>
        %parallel_loop3A_824 = tpu.memref_squeeze %parallel_loop3A_823 : memref<1x32x8x128xf32, #tpu.memory_space<vmem>> -> memref<32x8x128xf32, #tpu.memory_space<vmem>>
        %parallel_loop3A_825 = arith.index_cast %parallel_loop3A_800 : i32 to index
        %parallel_loop3A_826 = arith.index_cast %parallel_loop3A_819 : i32 to index
        %parallel_loop3A_827 = arith.index_cast %parallel_loop3A_818 : i32 to index
        %parallel_loop3A_828 = tpu.vector_load %parallel_loop3A_824[%parallel_loop3A_825, %parallel_loop3A_826, %parallel_loop3A_827] {strides = array<i32>} : memref<32x8x128xf32, #tpu.memory_space<vmem>>, vector<16xf32>,
        tpu.vector_store %parallel_loop3A_824[%parallel_loop3A_825, %parallel_loop3A_826, %parallel_loop3A_827], %parallel_loop3A_776 {strides = array<i32>} : memref<32x8x128xf32, #tpu.memory_space<vmem>>, vector<16xf32>,
        %parallel_loop3A_829 = tpu.vector_load_idx %arg5[%add3A_41, %parallel_loop3A_510] : memref<8x128xf32, #tpu.memory_space<vmem>>[vector<16xi32>, vector<16xi32>], vector<16xf32>,
        %parallel_loop3A_830 = arith.constant 8 : i32
        %parallel_loop3A_831 = arith.divsi %parallel_loop3A_459, %parallel_loop3A_830 : i32
        %parallel_loop3A_832 = arith.constant 0 : i32
        %parallel_loop3A_833 = arith.cmpi sgt, %parallel_loop3A_459, %parallel_loop3A_832 : i32
        %parallel_loop3A_834 = arith.extui %parallel_loop3A_833 : i1 to i32
        %parallel_loop3A_835 = arith.constant 0 : i32
        %parallel_loop3A_836 = arith.cmpi slt, %parallel_loop3A_459, %parallel_loop3A_835 : i32
        %parallel_loop3A_837 = arith.extui %parallel_loop3A_836 : i1 to i32
        %parallel_loop3A_838 = arith.subi %parallel_loop3A_834, %parallel_loop3A_837 : i32
        %parallel_loop3A_839 = arith.constant 0 : i32
        %parallel_loop3A_840 = arith.cmpi sgt, %parallel_loop3A_830, %parallel_loop3A_839 : i32
        %parallel_loop3A_841 = arith.extui %parallel_loop3A_840 : i1 to i32
        %parallel_loop3A_842 = arith.constant 0 : i32
        %parallel_loop3A_843 = arith.cmpi slt, %parallel_loop3A_830, %parallel_loop3A_842 : i32
        %parallel_loop3A_844 = arith.extui %parallel_loop3A_843 : i1 to i32
        %parallel_loop3A_845 = arith.subi %parallel_loop3A_841, %parallel_loop3A_844 : i32
        %parallel_loop3A_846 = arith.cmpi ne, %parallel_loop3A_838, %parallel_loop3A_845 : i32
        %parallel_loop3A_847 = arith.remsi %parallel_loop3A_459, %parallel_loop3A_830 : i32
        %parallel_loop3A_848 = arith.constant 0 : i32
        %parallel_loop3A_849 = arith.cmpi ne, %parallel_loop3A_847, %parallel_loop3A_848 : i32
        %parallel_loop3A_850 = arith.andi %parallel_loop3A_846, %parallel_loop3A_849 : i1
        %parallel_loop3A_851 = arith.constant 1 : i32
        %parallel_loop3A_852 = arith.subi %parallel_loop3A_831, %parallel_loop3A_851 : i32
        %parallel_loop3A_853 = arith.select %parallel_loop3A_850, %parallel_loop3A_852, %parallel_loop3A_831 : i32
        %parallel_loop3A_854 = arith.constant 8 : i32
        %parallel_loop3A_855 = arith.constant 0 : i32
        %parallel_loop3A_856 = arith.cmpi eq, %parallel_loop3A_854, %parallel_loop3A_855 : i32
        %parallel_loop3A_857 = arith.constant 1 : i32
        %parallel_loop3A_858 = arith.select %parallel_loop3A_856, %parallel_loop3A_857, %parallel_loop3A_854 : i32
        %parallel_loop3A_859 = arith.remsi %parallel_loop3A_459, %parallel_loop3A_858 : i32
        %parallel_loop3A_860 = arith.constant 0 : i32
        %parallel_loop3A_861 = arith.cmpi ne, %parallel_loop3A_859, %parallel_loop3A_860 : i32
        %parallel_loop3A_862 = arith.constant 0 : i32
        %parallel_loop3A_863 = arith.cmpi slt, %parallel_loop3A_859, %parallel_loop3A_862 : i32
        %parallel_loop3A_864 = arith.constant 0 : i32
        %parallel_loop3A_865 = arith.cmpi slt, %parallel_loop3A_858, %parallel_loop3A_864 : i32
        %parallel_loop3A_866 = arith.xori %parallel_loop3A_863, %parallel_loop3A_865 : i1
        %parallel_loop3A_867 = arith.andi %parallel_loop3A_866, %parallel_loop3A_861 : i1
        %parallel_loop3A_868 = arith.addi %parallel_loop3A_859, %parallel_loop3A_858 : i32
        %parallel_loop3A_869 = arith.select %parallel_loop3A_867, %parallel_loop3A_868, %parallel_loop3A_859 : i32
        %parallel_loop3A_870 = arith.constant 16 : i32
        %parallel_loop3A_871 = arith.muli %parallel_loop3A_869, %parallel_loop3A_870 : i32
        %parallel_loop3A_872 = arith.constant 6 : i32
        %parallel_loop3A_873 = arith.constant 0 : i32
        %parallel_loop3A_874 = arith.constant 0 : i32
        %parallel_loop3A_875 = arith.constant 0 : i32
        %parallel_loop3A_876 = tpu.memref_slice %arg7[%select_n3A_428, %parallel_loop3A_873, %parallel_loop3A_874, %parallel_loop3A_875] : memref<2x32x8x128xf32, #tpu.memory_space<vmem>> -> memref<1x32x8x128xf32, #tpu.memory_space<vmem>>
        %parallel_loop3A_877 = tpu.memref_squeeze %parallel_loop3A_876 : memref<1x32x8x128xf32, #tpu.memory_space<vmem>> -> memref<32x8x128xf32, #tpu.memory_space<vmem>>
        %parallel_loop3A_878 = arith.index_cast %parallel_loop3A_853 : i32 to index
        %parallel_loop3A_879 = arith.index_cast %parallel_loop3A_872 : i32 to index
        %parallel_loop3A_880 = arith.index_cast %parallel_loop3A_871 : i32 to index
        %parallel_loop3A_881 = tpu.vector_load %parallel_loop3A_877[%parallel_loop3A_878, %parallel_loop3A_879, %parallel_loop3A_880] {strides = array<i32>} : memref<32x8x128xf32, #tpu.memory_space<vmem>>, vector<16xf32>,
        tpu.vector_store %parallel_loop3A_877[%parallel_loop3A_878, %parallel_loop3A_879, %parallel_loop3A_880], %parallel_loop3A_829 {strides = array<i32>} : memref<32x8x128xf32, #tpu.memory_space<vmem>>, vector<16xf32>,
        %parallel_loop3A_882 = tpu.vector_load_idx %arg5[%add3A_46, %parallel_loop3A_510] : memref<8x128xf32, #tpu.memory_space<vmem>>[vector<16xi32>, vector<16xi32>], vector<16xf32>,
        %parallel_loop3A_883 = arith.constant 8 : i32
        %parallel_loop3A_884 = arith.divsi %parallel_loop3A_459, %parallel_loop3A_883 : i32
        %parallel_loop3A_885 = arith.constant 0 : i32
        %parallel_loop3A_886 = arith.cmpi sgt, %parallel_loop3A_459, %parallel_loop3A_885 : i32
        %parallel_loop3A_887 = arith.extui %parallel_loop3A_886 : i1 to i32
        %parallel_loop3A_888 = arith.constant 0 : i32
        %parallel_loop3A_889 = arith.cmpi slt, %parallel_loop3A_459, %parallel_loop3A_888 : i32
        %parallel_loop3A_890 = arith.extui %parallel_loop3A_889 : i1 to i32
        %parallel_loop3A_891 = arith.subi %parallel_loop3A_887, %parallel_loop3A_890 : i32
        %parallel_loop3A_892 = arith.constant 0 : i32
        %parallel_loop3A_893 = arith.cmpi sgt, %parallel_loop3A_883, %parallel_loop3A_892 : i32
        %parallel_loop3A_894 = arith.extui %parallel_loop3A_893 : i1 to i32
        %parallel_loop3A_895 = arith.constant 0 : i32
        %parallel_loop3A_896 = arith.cmpi slt, %parallel_loop3A_883, %parallel_loop3A_895 : i32
        %parallel_loop3A_897 = arith.extui %parallel_loop3A_896 : i1 to i32
        %parallel_loop3A_898 = arith.subi %parallel_loop3A_894, %parallel_loop3A_897 : i32
        %parallel_loop3A_899 = arith.cmpi ne, %parallel_loop3A_891, %parallel_loop3A_898 : i32
        %parallel_loop3A_900 = arith.remsi %parallel_loop3A_459, %parallel_loop3A_883 : i32
        %parallel_loop3A_901 = arith.constant 0 : i32
        %parallel_loop3A_902 = arith.cmpi ne, %parallel_loop3A_900, %parallel_loop3A_901 : i32
        %parallel_loop3A_903 = arith.andi %parallel_loop3A_899, %parallel_loop3A_902 : i1
        %parallel_loop3A_904 = arith.constant 1 : i32
        %parallel_loop3A_905 = arith.subi %parallel_loop3A_884, %parallel_loop3A_904 : i32
        %parallel_loop3A_906 = arith.select %parallel_loop3A_903, %parallel_loop3A_905, %parallel_loop3A_884 : i32
        %parallel_loop3A_907 = arith.constant 8 : i32
        %parallel_loop3A_908 = arith.constant 0 : i32
        %parallel_loop3A_909 = arith.cmpi eq, %parallel_loop3A_907, %parallel_loop3A_908 : i32
        %parallel_loop3A_910 = arith.constant 1 : i32
        %parallel_loop3A_911 = arith.select %parallel_loop3A_909, %parallel_loop3A_910, %parallel_loop3A_907 : i32
        %parallel_loop3A_912 = arith.remsi %parallel_loop3A_459, %parallel_loop3A_911 : i32
        %parallel_loop3A_913 = arith.constant 0 : i32
        %parallel_loop3A_914 = arith.cmpi ne, %parallel_loop3A_912, %parallel_loop3A_913 : i32
        %parallel_loop3A_915 = arith.constant 0 : i32
        %parallel_loop3A_916 = arith.cmpi slt, %parallel_loop3A_912, %parallel_loop3A_915 : i32
        %parallel_loop3A_917 = arith.constant 0 : i32
        %parallel_loop3A_918 = arith.cmpi slt, %parallel_loop3A_911, %parallel_loop3A_917 : i32
        %parallel_loop3A_919 = arith.xori %parallel_loop3A_916, %parallel_loop3A_918 : i1
        %parallel_loop3A_920 = arith.andi %parallel_loop3A_919, %parallel_loop3A_914 : i1
        %parallel_loop3A_921 = arith.addi %parallel_loop3A_912, %parallel_loop3A_911 : i32
        %parallel_loop3A_922 = arith.select %parallel_loop3A_920, %parallel_loop3A_921, %parallel_loop3A_912 : i32
        %parallel_loop3A_923 = arith.constant 16 : i32
        %parallel_loop3A_924 = arith.muli %parallel_loop3A_922, %parallel_loop3A_923 : i32
        %parallel_loop3A_925 = arith.constant 7 : i32
        %parallel_loop3A_926 = arith.constant 0 : i32
        %parallel_loop3A_927 = arith.constant 0 : i32
        %parallel_loop3A_928 = arith.constant 0 : i32
        %parallel_loop3A_929 = tpu.memref_slice %arg7[%select_n3A_428, %parallel_loop3A_926, %parallel_loop3A_927, %parallel_loop3A_928] : memref<2x32x8x128xf32, #tpu.memory_space<vmem>> -> memref<1x32x8x128xf32, #tpu.memory_space<vmem>>
        %parallel_loop3A_930 = tpu.memref_squeeze %parallel_loop3A_929 : memref<1x32x8x128xf32, #tpu.memory_space<vmem>> -> memref<32x8x128xf32, #tpu.memory_space<vmem>>
        %parallel_loop3A_931 = arith.index_cast %parallel_loop3A_906 : i32 to index
        %parallel_loop3A_932 = arith.index_cast %parallel_loop3A_925 : i32 to index
        %parallel_loop3A_933 = arith.index_cast %parallel_loop3A_924 : i32 to index
        %parallel_loop3A_934 = tpu.vector_load %parallel_loop3A_930[%parallel_loop3A_931, %parallel_loop3A_932, %parallel_loop3A_933] {strides = array<i32>} : memref<32x8x128xf32, #tpu.memory_space<vmem>>, vector<16xf32>,
        tpu.vector_store %parallel_loop3A_930[%parallel_loop3A_931, %parallel_loop3A_932, %parallel_loop3A_933], %parallel_loop3A_882 {strides = array<i32>} : memref<32x8x128xf32, #tpu.memory_space<vmem>>, vector<16xf32>,
      } {sc.loop_unroll_factor = 8 : i64, sc.parallel_access}
      %mul3A_437 = arith.constant 64 : i32
      %mul3A_438 = arith.muli %select_n3A_227, %mul3A_437 : i32
      %add3A_439 = arith.constant 32 : i32
      %add3A_440 = arith.addi %mul3A_438, %add3A_439 : i32
      %dma_start3A_441 = arith.constant 0 : i32
      %dma_start3A_442 = arith.constant 0 : i32
      %dma_start3A_443 = arith.constant 0 : i32
      %dma_start3A_444 = tpu.memref_slice %arg7[%select_n3A_428, %dma_start3A_441, %dma_start3A_442, %dma_start3A_443] : memref<2x32x8x128xf32, #tpu.memory_space<vmem>> -> memref<1x32x8x128xf32, #tpu.memory_space<vmem>>
      %dma_start3A_445 = tpu.memref_squeeze %dma_start3A_444 : memref<1x32x8x128xf32, #tpu.memory_space<vmem>> -> memref<32x8x128xf32, #tpu.memory_space<vmem>>
      %dma_start3A_446 = arith.constant 0 : i32
      %dma_start3A_447 = arith.constant 0 : i32
      %dma_start3A_448 = tpu.memref_slice %arg4[%select_n3A_211, %add3A_440, %dma_start3A_446, %dma_start3A_447] : memref<200x128x8x128xf32, #tpu.memory_space<hbm>> -> memref<1x32x8x128xf32, #tpu.memory_space<hbm>>
      %dma_start3A_449 = tpu.memref_squeeze %dma_start3A_448 : memref<1x32x8x128xf32, #tpu.memory_space<hbm>> -> memref<32x8x128xf32, #tpu.memory_space<hbm>>
      %dma_start3A_450 = arith.constant 0 : i32
      %dma_start3A_451 = arith.constant 0 : i32
      %dma_start3A_452 = tpu.memref_slice %arg4[%select_n3A_211, %add3A_440, %dma_start3A_450, %dma_start3A_451] : memref<200x128x8x128xf32, #tpu.memory_space<hbm>> -> memref<1x32x8x128xf32, #tpu.memory_space<hbm>>
      %dma_start3A_453 = tpu.memref_squeeze %dma_start3A_452 : memref<1x32x8x128xf32, #tpu.memory_space<hbm>> -> memref<32x8x128xf32, #tpu.memory_space<hbm>>
      %dma_start3A_454 = arith.constant 0 : i32
      %dma_start3A_455 = arith.constant 0 : i32
      %dma_start3A_456 = arith.constant 0 : i32
      %dma_start3A_457 = tpu.memref_slice %arg7[%select_n3A_428, %dma_start3A_454, %dma_start3A_455, %dma_start3A_456] : memref<2x32x8x128xf32, #tpu.memory_space<vmem>> -> memref<1x32x8x128xf32, #tpu.memory_space<vmem>>
      %dma_start3A_458 = tpu.memref_squeeze %dma_start3A_457 : memref<1x32x8x128xf32, #tpu.memory_space<vmem>> -> memref<32x8x128xf32, #tpu.memory_space<vmem>>
      tpu.enqueue_dma source(%dma_start3A_458 : memref<32x8x128xf32, #tpu.memory_space<vmem>>) target(%dma_start3A_453 : memref<32x8x128xf32, #tpu.memory_space<hbm>>) target_semaphore(%arg9 : memref<!tpu.dma_semaphore, #tpu.memory_space<semaphore_mem>>)
    }
    %dma_wait3A = arith.constant 0 : i32
    %dma_wait3A_143 = arith.constant 0 : i32
    %dma_wait3A_144 = arith.constant 0 : i32
    %dma_wait3A_145 = arith.constant 0 : i32
    %dma_wait3A_146 = arith.constant 0 : i32
    %dma_wait3A_147 = tpu.memref_slice %arg7[%dma_wait3A_143, %dma_wait3A_144, %dma_wait3A_145, %dma_wait3A_146] : memref<2x32x8x128xf32, #tpu.memory_space<vmem>> -> memref<1x32x8x128xf32, #tpu.memory_space<vmem>>
    %dma_wait3A_148 = tpu.memref_squeeze %dma_wait3A_147 : memref<1x32x8x128xf32, #tpu.memory_space<vmem>> -> memref<32x8x128xf32, #tpu.memory_space<vmem>>
    %dma_wait3A_149 = arith.constant 0 : i32
    %dma_wait3A_150 = arith.constant 0 : i32
    %dma_wait3A_151 = arith.constant 0 : i32
    %dma_wait3A_152 = tpu.memref_slice %arg4[%dma_wait3A, %dma_wait3A_149, %dma_wait3A_150, %dma_wait3A_151] : memref<200x128x8x128xf32, #tpu.memory_space<hbm>> -> memref<1x32x8x128xf32, #tpu.memory_space<hbm>>
    %dma_wait3A_153 = tpu.memref_squeeze %dma_wait3A_152 : memref<1x32x8x128xf32, #tpu.memory_space<hbm>> -> memref<32x8x128xf32, #tpu.memory_space<hbm>>
    %dma_wait3A_154 = arith.constant 0 : i32
    %dma_wait3A_155 = arith.constant 0 : i32
    %dma_wait3A_156 = arith.constant 0 : i32
    %dma_wait3A_157 = tpu.memref_slice %arg7[%dma_wait3A_143, %dma_wait3A_154, %dma_wait3A_155, %dma_wait3A_156] : memref<2x32x8x128xf32, #tpu.memory_space<vmem>> -> memref<1x32x8x128xf32, #tpu.memory_space<vmem>>
    %dma_wait3A_158 = tpu.memref_squeeze %dma_wait3A_157 : memref<1x32x8x128xf32, #tpu.memory_space<vmem>> -> memref<32x8x128xf32, #tpu.memory_space<vmem>>
    %dma_wait3A_159 = arith.constant 0 : i32
    %dma_wait3A_160 = arith.constant 0 : i32
    %dma_wait3A_161 = arith.constant 0 : i32
    %dma_wait3A_162 = tpu.memref_slice %arg4[%dma_wait3A, %dma_wait3A_159, %dma_wait3A_160, %dma_wait3A_161] : memref<200x128x8x128xf32, #tpu.memory_space<hbm>> -> memref<1x32x8x128xf32, #tpu.memory_space<hbm>>
    %dma_wait3A_163 = tpu.memref_squeeze %dma_wait3A_162 : memref<1x32x8x128xf32, #tpu.memory_space<hbm>> -> memref<32x8x128xf32, #tpu.memory_space<hbm>>
    tpu.wait_dma2 semaphore(%arg9 : memref<!tpu.dma_semaphore, #tpu.memory_space<semaphore_mem>>) src(%dma_wait3A_163 : memref<32x8x128xf32, #tpu.memory_space<hbm>>) dst(%dma_wait3A_158 : memref<32x8x128xf32, #tpu.memory_space<vmem>>)
    %dma_wait3A_164 = arith.constant 0 : i32
    %dma_wait3A_165 = arith.constant 0 : i32
    %dma_wait3A_166 = arith.constant 0 : i32
    %dma_wait3A_167 = arith.constant 0 : i32
    %dma_wait3A_168 = arith.constant 0 : i32
    %dma_wait3A_169 = tpu.memref_slice %arg7[%dma_wait3A_165, %dma_wait3A_166, %dma_wait3A_167, %dma_wait3A_168] : memref<2x32x8x128xf32, #tpu.memory_space<vmem>> -> memref<1x32x8x128xf32, #tpu.memory_space<vmem>>
    %dma_wait3A_170 = tpu.memref_squeeze %dma_wait3A_169 : memref<1x32x8x128xf32, #tpu.memory_space<vmem>> -> memref<32x8x128xf32, #tpu.memory_space<vmem>>
    %dma_wait3A_171 = arith.constant 0 : i32
    %dma_wait3A_172 = arith.constant 0 : i32
    %dma_wait3A_173 = arith.constant 0 : i32
    %dma_wait3A_174 = tpu.memref_slice %arg4[%dma_wait3A_164, %dma_wait3A_171, %dma_wait3A_172, %dma_wait3A_173] : memref<200x128x8x128xf32, #tpu.memory_space<hbm>> -> memref<1x32x8x128xf32, #tpu.memory_space<hbm>>
    %dma_wait3A_175 = tpu.memref_squeeze %dma_wait3A_174 : memref<1x32x8x128xf32, #tpu.memory_space<hbm>> -> memref<32x8x128xf32, #tpu.memory_space<hbm>>
    %dma_wait3A_176 = arith.constant 0 : i32
    %dma_wait3A_177 = arith.constant 0 : i32
    %dma_wait3A_178 = arith.constant 0 : i32
    %dma_wait3A_179 = tpu.memref_slice %arg7[%dma_wait3A_165, %dma_wait3A_176, %dma_wait3A_177, %dma_wait3A_178] : memref<2x32x8x128xf32, #tpu.memory_space<vmem>> -> memref<1x32x8x128xf32, #tpu.memory_space<vmem>>
    %dma_wait3A_180 = tpu.memref_squeeze %dma_wait3A_179 : memref<1x32x8x128xf32, #tpu.memory_space<vmem>> -> memref<32x8x128xf32, #tpu.memory_space<vmem>>
    %dma_wait3A_181 = arith.constant 0 : i32
    %dma_wait3A_182 = arith.constant 0 : i32
    %dma_wait3A_183 = arith.constant 0 : i32
    %dma_wait3A_184 = tpu.memref_slice %arg4[%dma_wait3A_164, %dma_wait3A_181, %dma_wait3A_182, %dma_wait3A_183] : memref<200x128x8x128xf32, #tpu.memory_space<hbm>> -> memref<1x32x8x128xf32, #tpu.memory_space<hbm>>
    %dma_wait3A_185 = tpu.memref_squeeze %dma_wait3A_184 : memref<1x32x8x128xf32, #tpu.memory_space<hbm>> -> memref<32x8x128xf32, #tpu.memory_space<hbm>>
    tpu.wait_dma2 semaphore(%arg9 : memref<!tpu.dma_semaphore, #tpu.memory_space<semaphore_mem>>) src(%dma_wait3A_185 : memref<32x8x128xf32, #tpu.memory_space<hbm>>) dst(%dma_wait3A_180 : memref<32x8x128xf32, #tpu.memory_space<vmem>>)
    return
  }
}

module attributes {stable_mosaic.version = 14 : i64} {
  func.func @_lutc_body(%arg0: memref<10x4xf32, #tpu.memory_space<vmem>>, %arg1: memref<10x4xf32, #tpu.memory_space<vmem>>, %arg2: memref<8x8xf32, #tpu.memory_space<vmem>>, %arg3: memref<1x8xf32, #tpu.memory_space<vmem>>, %arg4: memref<8x128xf32, #tpu.memory_space<vmem>>) attributes {dimension_semantics = [], scalar_prefetch = 0 : i64, scratch_operands = 0 : i64, tpu.core_type = #tpu.core_type<tc>} {
    %get3A = arith.constant 0 : index
    %get3A_0 = arith.constant 0 : index
    %get3A_1 = vector.load %arg2[%get3A, %get3A_0] : memref<8x8xf32, #tpu.memory_space<vmem>>, vector<8x8xf32>
    %get3A_2 = arith.constant 0 : index
    %get3A_3 = arith.constant 0 : index
    %get3A_4 = vector.load %arg0[%get3A_2, %get3A_3] : memref<10x4xf32, #tpu.memory_space<vmem>>, vector<10x4xf32>
    %get3A_5 = arith.constant 0 : index
    %get3A_6 = arith.constant 0 : index
    %get3A_7 = vector.load %arg1[%get3A_5, %get3A_6] : memref<10x4xf32, #tpu.memory_space<vmem>>, vector<10x4xf32>
    %slice3A = vector.extract_strided_slice %get3A_4 {offsets = [0, 0], sizes = [10, 1], strides = [1, 1]} : vector<10x4xf32> to vector<10x1xf32>
    %slice3A_8 = vector.extract_strided_slice %get3A_1 {offsets = [0, 0], sizes = [1, 8], strides = [1, 1]} : vector<8x8xf32> to vector<1x8xf32>
    %mul3A = vector.broadcast %slice3A : vector<10x1xf32> to vector<10x8xf32>
    %mul3A_9 = vector.broadcast %slice3A_8 : vector<1x8xf32> to vector<10x8xf32>
    %mul3A_10 = arith.mulf %mul3A, %mul3A_9 : vector<10x8xf32>
    %add3A = arith.constant 0.000000e+00 : f32
    %add3A_11 = vector.broadcast %add3A : f32 to vector<10x8xf32>
    %add3A_12 = arith.addf %add3A_11, %mul3A_10 : vector<10x8xf32>
    %slice3A_13 = vector.extract_strided_slice %get3A_4 {offsets = [0, 1], sizes = [10, 1], strides = [1, 1]} : vector<10x4xf32> to vector<10x1xf32>
    %slice3A_14 = vector.extract_strided_slice %get3A_1 {offsets = [1, 0], sizes = [1, 8], strides = [1, 1]} : vector<8x8xf32> to vector<1x8xf32>
    %mul3A_15 = vector.broadcast %slice3A_13 : vector<10x1xf32> to vector<10x8xf32>
    %mul3A_16 = vector.broadcast %slice3A_14 : vector<1x8xf32> to vector<10x8xf32>
    %mul3A_17 = arith.mulf %mul3A_15, %mul3A_16 : vector<10x8xf32>
    %add3A_18 = arith.addf %add3A_12, %mul3A_17 : vector<10x8xf32>
    %slice3A_19 = vector.extract_strided_slice %get3A_4 {offsets = [0, 2], sizes = [10, 1], strides = [1, 1]} : vector<10x4xf32> to vector<10x1xf32>
    %slice3A_20 = vector.extract_strided_slice %get3A_1 {offsets = [2, 0], sizes = [1, 8], strides = [1, 1]} : vector<8x8xf32> to vector<1x8xf32>
    %mul3A_21 = vector.broadcast %slice3A_19 : vector<10x1xf32> to vector<10x8xf32>
    %mul3A_22 = vector.broadcast %slice3A_20 : vector<1x8xf32> to vector<10x8xf32>
    %mul3A_23 = arith.mulf %mul3A_21, %mul3A_22 : vector<10x8xf32>
    %add3A_24 = arith.addf %add3A_18, %mul3A_23 : vector<10x8xf32>
    %slice3A_25 = vector.extract_strided_slice %get3A_4 {offsets = [0, 3], sizes = [10, 1], strides = [1, 1]} : vector<10x4xf32> to vector<10x1xf32>
    %slice3A_26 = vector.extract_strided_slice %get3A_1 {offsets = [3, 0], sizes = [1, 8], strides = [1, 1]} : vector<8x8xf32> to vector<1x8xf32>
    %mul3A_27 = vector.broadcast %slice3A_25 : vector<10x1xf32> to vector<10x8xf32>
    %mul3A_28 = vector.broadcast %slice3A_26 : vector<1x8xf32> to vector<10x8xf32>
    %mul3A_29 = arith.mulf %mul3A_27, %mul3A_28 : vector<10x8xf32>
    %add3A_30 = arith.addf %add3A_24, %mul3A_29 : vector<10x8xf32>
    %slice3A_31 = vector.extract_strided_slice %get3A_7 {offsets = [0, 0], sizes = [10, 1], strides = [1, 1]} : vector<10x4xf32> to vector<10x1xf32>
    %slice3A_32 = vector.extract_strided_slice %get3A_1 {offsets = [4, 0], sizes = [1, 8], strides = [1, 1]} : vector<8x8xf32> to vector<1x8xf32>
    %mul3A_33 = vector.broadcast %slice3A_31 : vector<10x1xf32> to vector<10x8xf32>
    %mul3A_34 = vector.broadcast %slice3A_32 : vector<1x8xf32> to vector<10x8xf32>
    %mul3A_35 = arith.mulf %mul3A_33, %mul3A_34 : vector<10x8xf32>
    %add3A_36 = arith.constant 0.000000e+00 : f32
    %add3A_37 = vector.broadcast %add3A_36 : f32 to vector<10x8xf32>
    %add3A_38 = arith.addf %add3A_37, %mul3A_35 : vector<10x8xf32>
    %slice3A_39 = vector.extract_strided_slice %get3A_7 {offsets = [0, 1], sizes = [10, 1], strides = [1, 1]} : vector<10x4xf32> to vector<10x1xf32>
    %slice3A_40 = vector.extract_strided_slice %get3A_1 {offsets = [5, 0], sizes = [1, 8], strides = [1, 1]} : vector<8x8xf32> to vector<1x8xf32>
    %mul3A_41 = vector.broadcast %slice3A_39 : vector<10x1xf32> to vector<10x8xf32>
    %mul3A_42 = vector.broadcast %slice3A_40 : vector<1x8xf32> to vector<10x8xf32>
    %mul3A_43 = arith.mulf %mul3A_41, %mul3A_42 : vector<10x8xf32>
    %add3A_44 = arith.addf %add3A_38, %mul3A_43 : vector<10x8xf32>
    %slice3A_45 = vector.extract_strided_slice %get3A_7 {offsets = [0, 2], sizes = [10, 1], strides = [1, 1]} : vector<10x4xf32> to vector<10x1xf32>
    %slice3A_46 = vector.extract_strided_slice %get3A_1 {offsets = [6, 0], sizes = [1, 8], strides = [1, 1]} : vector<8x8xf32> to vector<1x8xf32>
    %mul3A_47 = vector.broadcast %slice3A_45 : vector<10x1xf32> to vector<10x8xf32>
    %mul3A_48 = vector.broadcast %slice3A_46 : vector<1x8xf32> to vector<10x8xf32>
    %mul3A_49 = arith.mulf %mul3A_47, %mul3A_48 : vector<10x8xf32>
    %add3A_50 = arith.addf %add3A_44, %mul3A_49 : vector<10x8xf32>
    %slice3A_51 = vector.extract_strided_slice %get3A_7 {offsets = [0, 3], sizes = [10, 1], strides = [1, 1]} : vector<10x4xf32> to vector<10x1xf32>
    %slice3A_52 = vector.extract_strided_slice %get3A_1 {offsets = [7, 0], sizes = [1, 8], strides = [1, 1]} : vector<8x8xf32> to vector<1x8xf32>
    %mul3A_53 = vector.broadcast %slice3A_51 : vector<10x1xf32> to vector<10x8xf32>
    %mul3A_54 = vector.broadcast %slice3A_52 : vector<1x8xf32> to vector<10x8xf32>
    %mul3A_55 = arith.mulf %mul3A_53, %mul3A_54 : vector<10x8xf32>
    %add3A_56 = arith.addf %add3A_50, %mul3A_55 : vector<10x8xf32>
    %iota3A = tpu.iota {dimensions = array<i32: 0>} : vector<100x10xi32>
    %iota3A_57 = tpu.iota {dimensions = array<i32: 1>} : vector<100x10xi32>
    %jit3A = arith.constant 10 : i32
    %div3A = vector.broadcast %jit3A : i32 to vector<100x10xi32>
    %div3A_58 = arith.divsi %iota3A, %div3A : vector<100x10xi32>
    %sign3A = arith.constant 0 : i32
    %sign3A_59 = vector.broadcast %sign3A : i32 to vector<100x10xi32>
    %sign3A_60 = arith.cmpi sgt, %iota3A, %sign3A_59 : vector<100x10xi32>
    %sign3A_61 = arith.extui %sign3A_60 : vector<100x10xi1> to vector<100x10xi32>
    %sign3A_62 = arith.constant 0 : i32
    %sign3A_63 = vector.broadcast %sign3A_62 : i32 to vector<100x10xi32>
    %sign3A_64 = arith.cmpi slt, %iota3A, %sign3A_63 : vector<100x10xi32>
    %sign3A_65 = arith.extui %sign3A_64 : vector<100x10xi1> to vector<100x10xi32>
    %sign3A_66 = arith.subi %sign3A_61, %sign3A_65 : vector<100x10xi32>
    %sign3A_67 = arith.constant 0 : i32
    %sign3A_68 = arith.cmpi sgt, %jit3A, %sign3A_67 : i32
    %sign3A_69 = arith.extui %sign3A_68 : i1 to i32
    %sign3A_70 = arith.constant 0 : i32
    %sign3A_71 = arith.cmpi slt, %jit3A, %sign3A_70 : i32
    %sign3A_72 = arith.extui %sign3A_71 : i1 to i32
    %sign3A_73 = arith.subi %sign3A_69, %sign3A_72 : i32
    %ne3A = vector.broadcast %sign3A_73 : i32 to vector<100x10xi32>
    %ne3A_74 = arith.cmpi ne, %sign3A_66, %ne3A : vector<100x10xi32>
    %rem3A = vector.broadcast %jit3A : i32 to vector<100x10xi32>
    %rem3A_75 = arith.remsi %iota3A, %rem3A : vector<100x10xi32>
    %ne3A_76 = arith.constant 0 : i32
    %ne3A_77 = vector.broadcast %ne3A_76 : i32 to vector<100x10xi32>
    %ne3A_78 = arith.cmpi ne, %rem3A_75, %ne3A_77 : vector<100x10xi32>
    %and3A = arith.andi %ne3A_74, %ne3A_78 : vector<100x10xi1>
    %sub3A = arith.constant 1 : i32
    %sub3A_79 = vector.broadcast %sub3A : i32 to vector<100x10xi32>
    %sub3A_80 = arith.subi %div3A_58, %sub3A_79 : vector<100x10xi32>
    %select_n3A = arith.select %and3A, %sub3A_80, %div3A_58 : vector<100x10xi1>, vector<100x10xi32>
    %eq3A = arith.cmpi eq, %select_n3A, %iota3A_57 : vector<100x10xi32>
    %jit3A_81 = arith.constant 1.000000e+00 : f32
    %jit3A_82 = arith.constant 0.000000e+00 : f32
    %broadcast_in_dim3A = vector.broadcast %jit3A_81 : f32 to vector<100x10xf32>
    %broadcast_in_dim3A_83 = vector.broadcast %jit3A_82 : f32 to vector<100x10xf32>
    %select_n3A_84 = arith.select %eq3A, %broadcast_in_dim3A, %broadcast_in_dim3A_83 : vector<100x10xi1>, vector<100x10xf32>
    %jit3A_85 = arith.constant 10 : i32
    %eq3A_86 = arith.constant 0 : i32
    %eq3A_87 = arith.cmpi eq, %jit3A_85, %eq3A_86 : i32
    %jit3A_88 = arith.constant 1 : i32
    %select_n3A_89 = arith.select %eq3A_87, %jit3A_88, %jit3A_85 : i32
    %rem3A_90 = vector.broadcast %select_n3A_89 : i32 to vector<100x10xi32>
    %rem3A_91 = arith.remsi %iota3A, %rem3A_90 : vector<100x10xi32>
    %ne3A_92 = arith.constant 0 : i32
    %ne3A_93 = vector.broadcast %ne3A_92 : i32 to vector<100x10xi32>
    %ne3A_94 = arith.cmpi ne, %rem3A_91, %ne3A_93 : vector<100x10xi32>
    %lt3A = arith.constant 0 : i32
    %lt3A_95 = vector.broadcast %lt3A : i32 to vector<100x10xi32>
    %lt3A_96 = arith.cmpi slt, %rem3A_91, %lt3A_95 : vector<100x10xi32>
    %lt3A_97 = arith.constant 0 : i32
    %lt3A_98 = arith.cmpi slt, %select_n3A_89, %lt3A_97 : i32
    %ne3A_99 = vector.broadcast %lt3A_98 : i1 to vector<100x10xi1>
    %ne3A_100 = vector.broadcast %ne3A_99 : vector<100x10xi1> to vector<100x10xi1>
    %ne3A_101 = arith.xori %lt3A_96, %ne3A_100 : vector<100x10xi1>
    %and3A_102 = arith.andi %ne3A_101, %ne3A_94 : vector<100x10xi1>
    %add3A_103 = vector.broadcast %select_n3A_89 : i32 to vector<100x10xi32>
    %add3A_104 = arith.addi %rem3A_91, %add3A_103 : vector<100x10xi32>
    %select_n3A_105 = arith.select %and3A_102, %add3A_104, %rem3A_91 : vector<100x10xi1>, vector<100x10xi32>
    %eq3A_106 = arith.cmpi eq, %select_n3A_105, %iota3A_57 : vector<100x10xi32>
    %jit3A_107 = arith.constant 1.000000e+00 : f32
    %jit3A_108 = arith.constant 0.000000e+00 : f32
    %broadcast_in_dim3A_109 = vector.broadcast %jit3A_107 : f32 to vector<100x10xf32>
    %broadcast_in_dim3A_110 = vector.broadcast %jit3A_108 : f32 to vector<100x10xf32>
    %select_n3A_111 = arith.select %eq3A_106, %broadcast_in_dim3A_109, %broadcast_in_dim3A_110 : vector<100x10xi1>, vector<100x10xf32>
    %dot_general3A = arith.constant dense<0.000000e+00> : vector<100x8xf32>
    %dot_general3A_112 = tpu.matmul %select_n3A_84, %add3A_30, %dot_general3A {dimension_numbers = #tpu.dot_dimension_numbers<[1], [0], [0], [1], [0, 0, 1, 1], [], []>, transpose_lhs_hint = false} : vector<100x10xf32>, vector<10x8xf32>, vector<100x8xf32> -> vector<100x8xf32>
    %dot_general3A_113 = arith.constant dense<0.000000e+00> : vector<100x8xf32>
    %dot_general3A_114 = tpu.matmul %select_n3A_111, %add3A_56, %dot_general3A_113 {dimension_numbers = #tpu.dot_dimension_numbers<[1], [0], [0], [1], [0, 0, 1, 1], [], []>, transpose_lhs_hint = false} : vector<100x10xf32>, vector<10x8xf32>, vector<100x8xf32> -> vector<100x8xf32>
    %add3A_115 = arith.addf %dot_general3A_112, %dot_general3A_114 : vector<100x8xf32>
    %get3A_116 = arith.constant 0 : index
    %get3A_117 = arith.constant 0 : index
    %get3A_118 = vector.load %arg3[%get3A_116, %get3A_117] : memref<1x8xf32, #tpu.memory_space<vmem>>, vector<1x8xf32>
    %add3A_119 = vector.broadcast %get3A_118 : vector<1x8xf32> to vector<100x8xf32>
    %add3A_120 = arith.addf %add3A_115, %add3A_119 : vector<100x8xf32>
    %max3A = arith.constant 0.000000e+00 : f32
    %max3A_121 = vector.broadcast %max3A : f32 to vector<100x8xf32>
    %max3A_122 = arith.maximumf %add3A_120, %max3A_121 : vector<100x8xf32>
    %iota3A_123 = tpu.iota {dimensions = array<i32: 0>} : vector<100x100xi32>
    %iota3A_124 = tpu.iota {dimensions = array<i32: 1>} : vector<100x100xi32>
    %eq3A_125 = arith.cmpi eq, %iota3A_123, %iota3A_124 : vector<100x100xi32>
    %jit3A_126 = arith.constant 1.000000e+00 : f32
    %jit3A_127 = arith.constant 0.000000e+00 : f32
    %broadcast_in_dim3A_128 = vector.broadcast %jit3A_126 : f32 to vector<100x100xf32>
    %broadcast_in_dim3A_129 = vector.broadcast %jit3A_127 : f32 to vector<100x100xf32>
    %select_n3A_130 = arith.select %eq3A_125, %broadcast_in_dim3A_128, %broadcast_in_dim3A_129 : vector<100x100xi1>, vector<100x100xf32>
    %dot_general3A_131 = arith.constant dense<0.000000e+00> : vector<8x100xf32>
    %dot_general3A_132 = tpu.matmul %max3A_122, %select_n3A_130, %dot_general3A_131 {dimension_numbers = #tpu.dot_dimension_numbers<[0], [0], [1], [1], [0, 1, 1, 1], [], []>, transpose_lhs_hint = false} : vector<100x8xf32>, vector<100x100xf32>, vector<8x100xf32> -> vector<8x100xf32>
    %broadcast_in_dim3A_133 = arith.constant 0.000000e+00 : f32
    %broadcast_in_dim3A_134 = vector.broadcast %broadcast_in_dim3A_133 : f32 to vector<8x28xf32>
    %concatenate3A = tpu.concatenate %dot_general3A_132, %broadcast_in_dim3A_134 in 1 : vector<8x100xf32>, vector<8x28xf32> -> vector<8x128xf32>
    %swap3A = arith.constant 0 : index
    %swap3A_135 = arith.constant 0 : index
    %swap3A_136 = vector.load %arg4[%swap3A, %swap3A_135] : memref<8x128xf32, #tpu.memory_space<vmem>>, vector<8x128xf32>
    tpu.vector_store %arg4[%swap3A, %swap3A_135], %concatenate3A {strides = array<i32>} : memref<8x128xf32, #tpu.memory_space<vmem>>, vector<8x128xf32>,
    return
  }
}

module attributes {stable_mosaic.version = 14 : i64} {
  func.func @_idxT_body(%arg0: i32, %arg1: memref<2048x200xi32, #tpu.memory_space<vmem>>, %arg2: memref<2048x200xi32, #tpu.memory_space<vmem>>, %arg3: memref<200x2048xi32, #tpu.memory_space<vmem>>) attributes {dimension_semantics = [#tpu.dimension_semantics<arbitrary>], iteration_bounds = array<i64: 8>, scalar_prefetch = 0 : i64, scratch_operands = 0 : i64, tpu.core_type = #tpu.core_type<tc>, window_params = [{transform_indices = @transform_0, window_bounds = array<i64: 2048, 200>}, {transform_indices = @transform_1, window_bounds = array<i64: 2048, 200>}, {transform_indices = @transform_2, window_bounds = array<i64: 200, 2048>}]} {
    %get3A = arith.constant 0 : index
    %get3A_0 = arith.constant 0 : index
    %get3A_1 = vector.load %arg1[%get3A, %get3A_0] : memref<2048x200xi32, #tpu.memory_space<vmem>>, vector<2048x200xi32>
    %mul3A = arith.constant 10 : i32
    %mul3A_2 = vector.broadcast %mul3A : i32 to vector<2048x200xi32>
    %mul3A_3 = arith.muli %get3A_1, %mul3A_2 : vector<2048x200xi32>
    %get3A_4 = arith.constant 0 : index
    %get3A_5 = arith.constant 0 : index
    %get3A_6 = vector.load %arg2[%get3A_4, %get3A_5] : memref<2048x200xi32, #tpu.memory_space<vmem>>, vector<2048x200xi32>
    %add3A = arith.addi %mul3A_3, %get3A_6 : vector<2048x200xi32>
    %convert_element_type3A = arith.sitofp %add3A : vector<2048x200xi32> to vector<2048x200xbf16>
    %iota3A = tpu.iota {dimensions = array<i32: 0>} : vector<200x200xi32>
    %iota3A_7 = tpu.iota {dimensions = array<i32: 1>} : vector<200x200xi32>
    %eq3A = arith.cmpi eq, %iota3A, %iota3A_7 : vector<200x200xi32>
    %jit3A = arith.constant 1.000000e+00 : f32
    %jit3A_8 = arith.constant 0.000000e+00 : f32
    %broadcast_in_dim3A = vector.broadcast %jit3A : f32 to vector<200x200xf32>
    %broadcast_in_dim3A_9 = vector.broadcast %jit3A_8 : f32 to vector<200x200xf32>
    %select_n3A = arith.select %eq3A, %broadcast_in_dim3A, %broadcast_in_dim3A_9 : vector<200x200xi1>, vector<200x200xf32>
    %convert_element_type3A_10 = arith.truncf %select_n3A : vector<200x200xf32> to vector<200x200xbf16>
    %dot_general3A = arith.constant dense<0.000000e+00> : vector<200x2048xf32>
    %dot_general3A_11 = tpu.matmul %convert_element_type3A_10, %convert_element_type3A, %dot_general3A {dimension_numbers = #tpu.dot_dimension_numbers<[0], [1], [1], [0], [0, 1, 1, 0], [], []>, transpose_lhs_hint = false} : vector<200x200xbf16>, vector<2048x200xbf16>, vector<200x2048xf32> -> vector<200x2048xf32>
    %convert_element_type3A_12 = arith.fptosi %dot_general3A_11 : vector<200x2048xf32> to vector<200x2048xi32>
    %swap3A = arith.constant 0 : index
    %swap3A_13 = arith.constant 0 : index
    %swap3A_14 = vector.load %arg3[%swap3A, %swap3A_13] : memref<200x2048xi32, #tpu.memory_space<vmem>>, vector<200x2048xi32>
    tpu.vector_store %arg3[%swap3A, %swap3A_13], %convert_element_type3A_12 {strides = array<i32>} : memref<200x2048xi32, #tpu.memory_space<vmem>>, vector<200x2048xi32>,
    return
  }
  func.func @transform_0(%arg0: i32) -> (i32, i32) {
    %c0_i32 = arith.constant 0 : i32
    %c0_i32_0 = arith.constant 0 : i32
    return %arg0, %c0_i32 : i32, i32
  }
  func.func @transform_1(%arg0: i32) -> (i32, i32) {
    %c0_i32 = arith.constant 0 : i32
    %c0_i32_0 = arith.constant 0 : i32
    return %arg0, %c0_i32 : i32, i32
  }
  func.func @transform_2(%arg0: i32) -> (i32, i32) {
    %c0_i32 = arith.constant 0 : i32
    %c0_i32_0 = arith.constant 0 : i32
    return %c0_i32, %arg0 : i32, i32
  }
}

</mosaic_0001>

<sc_bundles>
// kernel: kernel.5.cloned.1.call-start
scs
__scs_entry_jumppad:
0x0: {  	(pc) =	sbr.rel $0x88, $3  }
0x1: {  	(tag) =	ssettag $0x0;
	lr =	simm.s32 $0x1  }
0x2: {  	[smem:$0x3F9B] =	sst lr;
	_ =	strace $0xD0000000  }
0x3: {  	_ = 	snop  }
0x4: {  	_ = 	snop  }
0x5: {  	_ = 	snop  }
0x6: {  	_ = 	snop  }
0x7: {  	_ = 	snop  }
__scs_overlays_trampoline_lowered:
0x8: {  	[smem:$0x3FAA] =	sst s0  }
0x9: {  	[smem:$0x3FAB] =	sst s1  }
0xa: {  	[smem:$0x3FAC] =	sst s2  }
0xb: {  	[smem:$0x3FAD] =	sst s3  }
0xc: {  	[smem:$0x3FAE] =	sst s4  }
0xd: {  	[smem:$0x3FAF] =	sst s5  }
0xe: {  	[smem:$0x3FB0] =	sst s6  }
0xf: {  	[smem:$0x3FB1] =	sst s7  }
0x10: {  	[smem:$0x3FB2] =	sst s8  }
0x11: {  	[smem:$0x3FB3] =	sst s9;
	s0 =	simm.s32 @!p0 $0x0  }
0x12: {  	s1 =	sld [smem:$0x3F99];
	s0 =	simm.s32 @p0 $0x1  }
0x13: {  	[smem:$0x3FB4] =	sst s0;
	s0 =	simm.s32 @!p1 $0x0  }
0x14: {  	s2 =	sld [smem:$0x3F98];
	s0 =	simm.s32 @p1 $0x1  }
0x15: {  	[smem:$0x3FB5] =	sst s0;
	s0 =	simm.s32 @!p2 $0x0  }
0x16: {  	s3 =	sld [smem:$0x3FDB];
	s0 =	simm.s32 @p2 $0x1  }
0x17: {  	s4 =	simm.s32 $0x1BF5;
	[smem:$0x3FB7] =	sst s0  }
0x18: {  	s0 =	sld [smem:$0x3F9A];
	_ =	swait.ge [sflag:s4], $0x0  }
0x19: {  	s7 =	sld [smem:$0x3F9B]  }
0x1a: {  	s8 =	sadd.s32 $0xFFFFE003, lr  }
0x1b: {  	s9 =	sadd.s32 $0xFFFFFEF7, lr;
	s5 =	simm.s32 $0xFFFFFFFF;
	p2 =	slt.u32 s8, $0xFFFFF086  }
0x1c: {  	p1 =	slt.u32 s9, $0xF7A;
	s5 =	simm.s32 @!p2 $0x0  }
0x1d: {  	s5 =	simm.s32 @p1 $0x1;
	p0 =	seq.s32 s7, s2  }
0x1e: {  	s7 =	smul.u32 @!p0 $0xF7A, s2;
	p2 =	seq.s32 @!p0 s5, $0x0  }
0x1f: {  	s9 =	smul.u32 $0xF7A, s1;
	s8 =	simm.s32 @!p0 $0x1BF5;
	p2 =	por !p2, p0  }
0x20: {  	[sflag:s8] =	ssyncset.s32 @!p0 $0xFFFFF086;
	s6 =	sadd.s32 @!p0 s3, s7;
	s7 =	simm.s32 @!p0 $0x108  }
0x21: {  	s3 =	sadd.s32 s3, s9;
	s6 =	sadd.s32 @!p0 $0x88, s6;
	s7 =	simm.s32 @p2 $0x1082  }
0x22: {  	[simem:s7], [sflag:s8] =	dma.local @!p0 [hbm:s6], $0xF7A  }
0x23: {  	s9 =	sor.u32 $0xD0000000, s2;
	s6 =	simm.s32 $0x108;
	_ =	swait.ge @!p0 [sflag:s8], $0x0  }
0x24: {  	s3 =	sadd.s32 $0x88, s3;
	s6 =	simm.s32 @!p1 $0x1082;
	[sflag:s4] =	ssyncset.s32 $0xFFFFF086  }
0x25: {  	[simem:s6], [sflag:s4] =	dma.local [hbm:s3], $0xF7A  }
0x26: {  	[smem:$0x3F9B] =	sst s1;
	(tag) =	ssettag s2;
	_ =	strace s9  }
0x27: {  	s1 =	sld [smem:$0x3FAB]  }
0x28: {  	s2 =	sld [smem:$0x3FAC]  }
0x29: {  	s4 =	sld [smem:$0x3FAE]  }
0x2a: {  	p0 =	seq.s32 s5, $0x0;
	s5 =	sld [smem:$0x3FAF]  }
0x2b: {  	s6 =	sld [smem:$0x3FB0]  }
0x2c: {  	s7 =	sld [smem:$0x3FB1]  }
0x2d: {  	s3 =	simm.s32 $0x108;
	s8 =	sld [smem:$0x3FB2]  }
0x2e: {  	s3 =	simm.s32 @!p0 $0x1082;
	s9 =	sld [smem:$0x3FB3]  }
0x2f: {  	lr =	sadd.s32 s0, s3;
	s0 =	sld [smem:$0x3FAA]  }
0x30: {  	s3 =	sld [smem:$0x3FAD]  }
0x31: {  	[smem:$0x3FB6] =	sst s10  }
0x32: {  	s10 =	sld [smem:$0x3FB4];
	_ =	sdelay $0x3  }
0x33: {  	p0 =	seq.s32 s10, $0x1;
	s10 =	sld [smem:$0x3FB6];
	_ =	sdelay $0x3  }
0x34: {  	[smem:$0x3FB6] =	sst s10  }
0x35: {  	s10 =	sld [smem:$0x3FB5];
	_ =	sdelay $0x3  }
0x36: {  	p1 =	seq.s32 s10, $0x1;
	s10 =	sld [smem:$0x3FB6];
	_ =	sdelay $0x3  }
0x37: {  	[smem:$0x3FB6] =	sst s10  }
0x38: {  	s10 =	sld [smem:$0x3FB7]  }
0x39: {  	_ = 	snop;
	(pc) =	sbr.ind lr, $3  }
0x3a: {  	_ = 	snop  }
0x3b: {  	_ = 	snop  }
0x3c: {  	p2 =	seq.s32 s10, $0x1;
	s10 =	sld [smem:$0x3FB6]  }
0x3d: {  	_ =	shalt  }
0x3e: {  	_ =	shalt  }
0x3f: {  	_ =	shalt  }
0x40: {  	_ =	shalt  }
0x41: {  	_ =	shalt  }
0x42: {  	_ =	shalt  }
0x43: {  	_ =	shalt  }
0x44: {  	_ =	shalt  }
0x45: {  	_ =	shalt  }
0x46: {  	_ =	shalt  }
0x47: {  	_ =	shalt  }
0x48: {  	_ =	shalt  }
0x49: {  	_ =	shalt  }
0x4a: {  	_ =	shalt  }
0x4b: {  	_ =	shalt  }
0x4c: {  	_ =	shalt  }
0x4d: {  	_ =	shalt  }
0x4e: {  	_ =	shalt  }
0x4f: {  	_ =	shalt  }
0x50: {  	_ =	shalt  }
0x51: {  	_ =	shalt  }
0x52: {  	_ =	shalt  }
0x53: {  	_ =	shalt  }
0x54: {  	_ =	shalt  }
0x55: {  	_ =	shalt  }
0x56: {  	_ =	shalt  }
0x57: {  	_ =	shalt  }
0x58: {  	_ =	shalt  }
0x59: {  	_ =	shalt  }
0x5a: {  	_ =	shalt  }
0x5b: {  	_ =	shalt  }
0x5c: {  	_ =	shalt  }
0x5d: {  	_ =	shalt  }
0x5e: {  	_ =	shalt  }
0x5f: {  	_ =	shalt  }
0x60: {  	_ =	shalt  }
0x61: {  	_ =	shalt  }
0x62: {  	_ =	shalt  }
0x63: {  	_ =	shalt  }
0x64: {  	_ =	shalt  }
0x65: {  	_ =	shalt  }
0x66: {  	_ =	shalt  }
0x67: {  	_ =	shalt  }
0x68: {  	_ =	shalt  }
0x69: {  	_ =	shalt  }
0x6a: {  	_ =	shalt  }
0x6b: {  	_ =	shalt  }
0x6c: {  	_ =	shalt  }
0x6d: {  	_ =	shalt  }
0x6e: {  	_ =	shalt  }
0x6f: {  	_ =	shalt  }
0x70: {  	_ =	shalt  }
0x71: {  	_ =	shalt  }
0x72: {  	_ =	shalt  }
0x73: {  	_ =	shalt  }
0x74: {  	_ =	shalt  }
0x75: {  	_ =	shalt  }
0x76: {  	_ =	shalt  }
0x77: {  	_ =	shalt  }
0x78: {  	_ =	shalt  }
0x79: {  	_ =	shalt  }
0x7a: {  	_ =	shalt  }
0x7b: {  	_ =	shalt  }
0x7c: {  	_ =	shalt  }
0x7d: {  	_ =	shalt  }
0x7e: {  	_ =	shalt  }
0x7f: {  	_ =	shalt  }
0x80: {  	_ =	shalt  }
0x81: {  	_ =	shalt  }
0x82: {  	_ =	shalt  }
0x83: {  	_ =	shalt  }
0x84: {  	_ =	shalt  }
0x85: {  	_ =	shalt  }
0x86: {  	_ =	shalt  }
0x87: {  	_ =	shalt  }
.Lfunc_end0:
.L_simem_size_0:
called_computation_lowered:
.L_overlay_start_0:
0x88: {  	s2 =	sld [smem:$0x3FD9]  }
0x89: {  	s3 =	sld [smem:$0x3FFE];
	_ =	sdelay $0x1  }
0x8a: {  	s1 =	srdreg.scid  }
0x8b: {  	s0 =	sand.u32 $0x1, s1  }
0x8c: {  	s17 =	sshll.u32 s0, $0xA;
	s2 =	sadd.s32 s3, s2  }
0x8d: {  	s2 =	sadd.s32 s2, s17  }
0x8e: {  	[smem:$0x3FC2] =	sst s2  }
0x8f: {  	_ = 	snop  }
0x90: {  	s2 =	sld [smem:$0x3FD0];
	(tm) =	ssettm $0x1  }
0x91: {  	s18 =	sld [smem:$0x3FFB];
	_ =	sdelay $0x3  }
0x92: {  	_ =	strace s18  }
0x93: {  	s3 =	sld [smem:$0x3FFC];
	_ =	sdelay $0x3  }
0x94: {  	_ =	strace s3  }
0x95: {  	s3 =	sld [smem:$0x3FFD];
	_ =	sdelay $0x3  }
0x96: {  	_ =	strace s3  }
0x97: {  	_ =	strace $0x8FFFFFFF  }
0x98: {  	s19 =	sld [smem:$0x3FDB];
	_ =	sdelay $0x1  }
0x99: {  	s4 =	simm.s32 $_scs_section_size  }
0x9a: {  	s5 =	simm.s32 $_size__tile_overlayer_lowered;
	s6 =	simm.s32 $_tile_overlayer_lowered  }
0x9b: {  	s22 =	simm.s32 $0x1BFF;
	s21 =	sshll.u32 s6, $0x1;
	s3 =	sadd.s32 s4, s19  }
0x9c: {  	s7 =	simm.s32 $0x0;
	s20 =	sshll.u32 s5, $0x1;
	s5 =	sadd.s32 s21, s3  }
0x9d: {  	[timem:s7], [sflag:s22] =	dma.local [hbm:s5], s20  }
0x9e: {  	_ =	swait.ge [sflag:s22], s20  }
0x9f: {  	s4 =	ssub.s32 $0x0, s20;
	[sflag:s22] =	ssyncset.done $0x0  }
0xa0: {  	[sflag:s22] =	ssyncadd.s32 s4;
	_ =	sdelay $0x1  }
0xa1: {  	s23 =	simm.s32 $0x1B8B  }
0xa2: {  	_ =	swait.ge [sflag:s23], $0x1  }
0xa3: {  	[sflag:s23] =	ssyncset.done $0x0  }
0xa4: {  	s25 =	simm.s32 $0x1B8E;
	s24 =	sld [smem:$0x3FFE];
	[sflag:s23] =	ssyncadd.s32 $0xFFFFFFFF  }
0xa5: {  	s26 =	simm.s32 $execute0_lowered;
	[smem:$0x3FD2] =	sst s25  }
0xa6: {  	s5 =	sshll.u32 s26, $0x1;
	_ =	strace $0x80000046;
	[dreg:$0x1] =	wrdreg $0xFFFFFFFF  }
0xa7: {  	s28 =	simm.s32 $_size_execute0_lowered;
	s3 =	sadd.s32 s3, s5;
	[dreg:$0x0] =	wrdreg $0x0  }
0xa8: {  	s5 =	sshll.u32 s28, $0x1;
	[dreg:$0x2] =	wrdreg s3  }
0xa9: {  	[dreg:$0x3] =	wrdreg s5  }
0xaa: {  	[dreg:$0x4] =	wrdreg $0xC0  }
0xab: {  	_ =	task [dreg:s7], $0x5FFFF  }
0xac: {  	[dreg:$0x1] =	wrdreg $0xFFFFFFFF  }
0xad: {  	[dreg:$0x0] =	wrdreg $0x60  }
0xae: {  	[dreg:$0x2] =	wrdreg s24  }
0xaf: {  	[dreg:$0x3] =	wrdreg s2  }
0xb0: {  	[dreg:$0x4] =	wrdreg $0x9  }
0xb1: {  	_ =	task.clear_ibuf [dreg:s7], $0x5FFFF;
	_ =	strace $0x90000046  }
0xb2: {  	s29 =	simm.s32 $0x9;
	_ =	strace $0x80000048  }
0xb3: {  	_ =	swait.ge [sflag:s29], $0x1  }
0xb4: {  	[sflag:s29] =	ssyncadd.s32 $0xFFFFFFFF  }
0xb5: {  	_ =	strace $0x90000048  }
0xb6: {  	_ =	sfence  }
0xb7: {  	s30 =	sld [smem:$0x0];
	_ =	sdelay $0x2  }
0xb8: {  	s31 =	sshll.u32 s1, $0xD;
	s1 =	sshrl.u32 s1, $0x2  }
0xb9: {  	s3 =	sand.u32 $0x4000, s31;
	s1 =	sadd.s32 s1, s30  }
0xba: {  	s0 =	sor.u32 s3, s0;
	s1 =	sshll.u32 s1, $0x11  }
0xbb: {  	s0 =	sor.u32 s1, s0  }
0xbc: {  	s0 =	sadd.s32 $0x8F2B, s0  }
0xbd: {  	[sflag:s0] =	ssyncadd.remote.s32 $0x1  }
0xbe: {  	_ =	sfence.sel $0xFFFF  }
0xbf: {  	[dreg:$0x0] =	wrdreg $0xFFFFFFFF;
	(pc) =	sbr.abs _section_cstart, $3  }
0xc0: {  	[dreg:$0x1] =	wrdreg $0xFFFFFFFF  }
0xc1: {  	_ =	task.clear_ibuf [dreg:s7], $0x2FFFF;
	_ =	strace $0x9FFFFFFF  }
0xc2: {  	(tm) =	ssettm $0x7FFFFFFF  }
0xc3: {  	_ =	shalt  }
tec
execute0_lowered:
.L_overlay_start_1:
0x0: {  	(tag) =	ssettag $0x1  }
0x1: {  	s1 =	srdreg.scid;
	s0 =	stileid.u32  }
0x2: {  	s7 =	sand.u32 $0x1, s1;
	s28 =	sshll.u32 s0, $0x1  }
0x3: {  	s1 =	sor.u32 s7, s28  }
0x4: {  	s2 =	smul.u32 $0xC, s1  }
0x5: {  	s8 =	smin.u32 s1, $0x10  }
0x6: {  	s29 =	sand.u32 $0x1, s8;
	s1 =	sadd.s32 s8, s2  }
0x7: {  	p1 =	seq.s32 s29, $0x1;
	p0 =	seq.s32 s1, $0x0  }
0x8: {  	p0 =	por !p0, !p1  }
0x9: {  	s2 =	simm.s32 $0x1;
	p0 =	por !p0, !p0  }
0xa: {  	s3 =	sshrl.u32 s1, $0x1;
	s2 =	simm.s32 @!p0 $0x0  }
0xb: {  	s5 =	ssub.s32 s3, s2  }
0xc: {  	s2 =	sshll.u32 s5, $0x10  }
0xd: {  	s6 =	rddreg [dreg:$0x0];
	s2 =	sshra.s32 s2, $0x1F  }
0xe: {  	s4 =	simm.s32 $0x0;
	s13 =	simm.s32 $0x400;
	s2 =	sand.u32 $0x7, s2  }
0xf: {  	s14 =	simm.s32 $0x4400;
	s15 =	simm.s32 $0xC400;
	s9 =	sadd.s32 s2, s5  }
0x10: {  	s16 =	simm.s32 $0x2;
	s7 =	ssub.s32 $0x2, s7;
	s10 =	sand.u32 $0xFFFFFFF8, s9  }
0x11: {  	s17 =	simm.s32 $0x0;
	s12 =	sshrl.u32 s7, $0x1;
	s10 =	ssub.s32 s5, s10  }
0x12: {  	[smem:$0x7FF] =	sst s4;
	s30 =	ssub.s32 s7, s12;
	s11 =	sand.u32 $0xFFFF, s10  }
0x13: {  	s7 =	simm.s32 $0xD;
	p5 =	slt.s32 s5, $0x1;
	p6 =	sne.s32 s11, $0x0  }
0x14: {  	s12 =	simm.s32 $0x80;
	s8 =	sshll.u32 s8, $0x10;
	p0 =	por !p5, !p6  }
0x15: {  	s9 =	sshll.u32 s9, $0x10;
	s11 =	simm.s32 $0x1;
	p0 =	por !p0, !p0  }
0x16: {  	s3 =	rddreg [dreg:$0x1];
	s9 =	sshra.s32 s9, $0x13;
	s11 =	simm.s32 @!p0 $0x0  }
0x17: {  	s8 =	sand.u32 $0x10000, s8;
	s2 =	rddreg [dreg:$0x2];
	s9 =	ssub.s32 s9, s11  }
0x18: {  	_ =	strace $0x80000047;
	s10 =	sshll.u32 s10, $0x7;
	s9 =	sshll.u32 s9, $0x11  }
0x19: {  	s5 =	sadd.s32 $0x1C00, s6;
	s31 =	sand.u32 $0x380, s10;
	s8 =	sor.u32 s8, s9  }
0x1a: {  	s6 =	sadd.s32 $0x65C00, s6;
	p0 =	slt.u32 s0, $0x8;
	s9 =	sor.u32 s31, s8  }
0x1b: {  	s10 =	smax.u32 s30, $0x1;
	s7 =	simm.s32 @!p0 $0xC;
	s9 =	sshrl.u32 s9, $0x3  }
0x1c: {  	s11 =	simm.s32 $0x3;
	s8 =	simm.s32 $0x1;
	s9 =	sadd.s32 s5, s9  }
.LBB2_1:
0x1d: {  	[tilespmem:s4], [sflag:$0x3] =	stream.linear.gather [hbm4b:s6+s4], $0x400, $0x38;
	[tilespmem:$0x14400] =	vst v63  }
0x1e: {  	_ =	swait.ge [sflag:s11], $0x400  }
0x1f: {  	[sflag:s11] =	ssyncset.done $0x0  }
0x20: {  	p0 =	por $0x0, $0x0;
	s18 =	simm.s32 $0x0;
	[sflag:s11] =	ssyncadd.s32 $0xFFFFFC00  }
0x21: {  	[tilespmem:s13], [sflag:$0x1] =	stream.strided.gather [hbm4b:s9+s12], $0x2000, s13, s12, $0x38;
	[tilespmem:$0x14400] =	vst v63  }
.LBB2_2:
0x22: {  	s20 =	smov.u32 s18;
	s18 =	sadd.s32 $0x1, s18  }
0x23: {  	s19 =	sadd.s32 s1, s20;
	p1 =	sge.u32 s18, s7  }
0x24: {  	s21 =	sadd.s32 @!p1 $0x1, s19  }
0x25: {  	_ =	swait.ge [sflag:s8], $0x2000;
	s22 =	sshll.u32 @!p1 s21, $0xD;
	s23 =	sshll.u32 @!p1 s21, $0x10  }
0x26: {  	s21 =	sshll.u32 @!p1 s21, $0x6;
	s22 =	sand.u32 @!p1 $0x7FFE0000, s22;
	s23 =	sand.u32 @!p1 $0x10000, s23  }
0x27: {  	[sflag:s8] =	ssyncset.done $0x0;
	s21 =	sand.u32 @!p1 $0x380, s21;
	s22 =	sor.u32 @!p1 s23, s22  }
0x28: {  	[sflag:s8] =	ssyncadd.s32 $0xFFFFE000;
	s23 =	sshll.u32 @!p1 s18, $0xD;
	s21 =	sor.u32 @!p1 s21, s22  }
0x29: {  	s24 =	simm.s32 @!p1 $0x400;
	s22 =	sand.u32 @!p1 $0x2000, s23;
	s21 =	sshrl.u32 @!p1 s21, $0x3  }
0x2a: {  	s23 =	simm.s32 @!p1 $0x80;
	s22 =	sor.u32 @!p1 $0x400, s22;
	s21 =	sadd.s32 @!p1 s5, s21  }
0x2b: {  	[tilespmem:s22], [sflag:$0x1] =	stream.strided.gather @!p1 [hbm4b:s21+s23], $0x2000, s24, s23, $0x38;
	[tilespmem:$0x14400] =	vst v63  }
0x2c: {  	p1 =	seq.s32 s20, $0x0  }
0x2d: {  	s20 =	simm.s32 $0x1;
	s21 =	simm.s32 @!p1 $0x2  }
0x2e: {  	s20 =	simm.s32 @!p0 $0x0;
	_ =	swait.ge @!p1 [sflag:s21], $0x8000  }
0x2f: {  	s20 =	sshll.u32 s20, $0xD;
	[sflag:s21] =	ssyncset.done @!p1 $0x0  }
0x30: {  	s31 =	sor.u32 $0x440, s20;
	[sflag:s21] =	ssyncadd.s32 @!p1 $0xFFFF8000  }
0x31: {  	v7 =	vld [tilespmem:s31+$0x30]  }
0x32: {  	v5 =	vld [tilespmem:s31+$0xFFFFFFD0]  }
0x33: {  	v4 =	vld [tilespmem:s31+$0xFFFFFFE0]  }
0x34: {  	v3 =	vld [tilespmem:s31+$0xFFFFFFF0]  }
0x35: {  	v2 =	vld [tilespmem:s31+$0x0]  }
0x36: {  	v1 =	vld [tilespmem:s31+$0x10]  }
0x37: {  	v0 =	vld [tilespmem:s31+$0x20]  }
0x38: {  	v6 =	vld [tilespmem:s31+$0xFFFFFFC0]  }
0x39: {  	v8 =	vld.idx.msk [tilespmem:v7+s4+$0x0], $0xffff  }
0x3a: {  	v9 =	vld.idx.msk [tilespmem:v5+s4+$0x0], $0xffff  }
0x3b: {  	v10 =	vld.idx.msk [tilespmem:v4+s4+$0x0], $0xffff  }
0x3c: {  	v11 =	vadd.s32 $0x80, v7;
	v12 =	vld.idx.msk [tilespmem:v3+s4+$0x0], $0xffff  }
0x3d: {  	v13 =	vadd.s32 $0x80, v5;
	v14 =	vld.idx.msk [tilespmem:v2+s4+$0x0], $0xffff  }
0x3e: {  	s21 =	simm.s32 $0x4600;
	v15 =	vadd.s32 $0x80, v4;
	v16 =	vld.idx.msk [tilespmem:v1+s4+$0x0], $0xffff  }
0x3f: {  	v17 =	vadd.s32 $0x80, v3;
	v18 =	vld.idx.msk [tilespmem:v0+s4+$0x0], $0xffff;
	[tilespmem:s21+$0xFFFFFE70] =	vst v8  }
0x40: {  	v55 =	vadd.s32 $0x80, v1;
	v19 =	vld.idx.msk [tilespmem:v6+s4+$0x0], $0xffff;
	[tilespmem:s21+$0xFFFFFE10] =	vst v9  }
0x41: {  	v58 =	vadd.s32 $0x80, v6;
	[tilespmem:s21+$0xFFFFFE20] =	vst v10;
	v54 =	vld.idx.msk [tilespmem:v11+s4+$0x0], $0xffff  }
0x42: {  	v59 =	vadd.s32 $0x80, v0;
	[tilespmem:s21+$0xFFFFFE30] =	vst v12;
	v56 =	vld.idx.msk [tilespmem:v13+s4+$0x0], $0xffff  }
0x43: {  	v8 =	vadd.s32 $0x80, v2;
	[tilespmem:s21+$0xFFFFFE40] =	vst v14;
	v15 =	vld.idx.msk [tilespmem:v15+s4+$0x0], $0xffff  }
0x44: {  	v57 =	vadd.s32 $0x100, v7;
	[tilespmem:s21+$0xFFFFFE50] =	vst v16;
	v17 =	vld.idx.msk [tilespmem:v17+s4+$0x0], $0xffff  }
0x45: {  	v60 =	vadd.s32 $0x100, v5;
	[tilespmem:s21+$0xFFFFFE00] =	vst v19;
	v11 =	vld.idx.msk [tilespmem:v55+s4+$0x0], $0xffff  }
0x46: {  	v61 =	vadd.s32 $0x100, v4;
	[tilespmem:s21+$0xFFFFFE60] =	vst v18;
	v13 =	vld.idx.msk [tilespmem:v58+s4+$0x0], $0xffff  }
0x47: {  	v62 =	vadd.s32 $0x100, v3;
	v21 =	vld.idx.msk [tilespmem:v59+s4+$0x0], $0xffff;
	[tilespmem:s21+$0xFFFFFEF0] =	vst v54  }
0x48: {  	v23 =	vadd.s32 $0x100, v6;
	v8 =	vld.idx.msk [tilespmem:v8+s4+$0x0], $0xffff;
	[tilespmem:s21+$0xFFFFFE90] =	vst v56  }
0x49: {  	v24 =	vadd.s32 $0x100, v1;
	[tilespmem:s21+$0xFFFFFEA0] =	vst v15;
	v12 =	vld.idx.msk [tilespmem:v57+s4+$0x0], $0xffff  }
0x4a: {  	v63 =	vadd.s32 $0x100, v2;
	[tilespmem:s21+$0xFFFFFEB0] =	vst v17;
	v16 =	vld.idx.msk [tilespmem:v60+s4+$0x0], $0xffff  }
0x4b: {  	v22 =	vadd.s32 $0x180, v7;
	[tilespmem:s21+$0xFFFFFED0] =	vst v11;
	v18 =	vld.idx.msk [tilespmem:v61+s4+$0x0], $0xffff  }
0x4c: {  	v25 =	vadd.s32 $0x180, v5;
	[tilespmem:s21+$0xFFFFFE80] =	vst v13;
	v9 =	vld.idx.msk [tilespmem:v62+s4+$0x0], $0xffff  }
0x4d: {  	v26 =	vadd.s32 $0x180, v4;
	[tilespmem:s21+$0xFFFFFEE0] =	vst v21;
	v15 =	vld.idx.msk [tilespmem:v23+s4+$0x0], $0xffff  }
0x4e: {  	v28 =	vadd.s32 $0x180, v3;
	v29 =	vld.idx.msk [tilespmem:v24+s4+$0x0], $0xffff;
	[tilespmem:s21+$0xFFFFFEC0] =	vst v8  }
0x4f: {  	v31 =	vadd.s32 $0x180, v6;
	v19 =	vld.idx.msk [tilespmem:v63+s4+$0x0], $0xffff;
	[tilespmem:s21+$0xFFFFFF70] =	vst v12  }
0x50: {  	v33 =	vadd.s32 $0x180, v1;
	[tilespmem:s21+$0xFFFFFF10] =	vst v16;
	v27 =	vld.idx.msk [tilespmem:v22+s4+$0x0], $0xffff  }
0x51: {  	v8 =	vadd.s32 $0x100, v0;
	[tilespmem:s21+$0xFFFFFF20] =	vst v18;
	v11 =	vld.idx.msk [tilespmem:v25+s4+$0x0], $0xffff  }
0x52: {  	v32 =	vadd.s32 $0x180, v2;
	[tilespmem:s21+$0xFFFFFF30] =	vst v9;
	v12 =	vld.idx.msk [tilespmem:v26+s4+$0x0], $0xffff  }
0x53: {  	v30 =	vadd.s32 $0x200, v7;
	[tilespmem:s21+$0xFFFFFF00] =	vst v15;
	v14 =	vld.idx.msk [tilespmem:v28+s4+$0x0], $0xffff  }
0x54: {  	v35 =	vadd.s32 $0x200, v5;
	[tilespmem:s21+$0xFFFFFF50] =	vst v29;
	v17 =	vld.idx.msk [tilespmem:v31+s4+$0x0], $0xffff  }
0x55: {  	v37 =	vadd.s32 $0x200, v4;
	v9 =	vld.idx.msk [tilespmem:v33+s4+$0x0], $0xffff;
	[tilespmem:s21+$0xFFFFFF40] =	vst v19  }
0x56: {  	v39 =	vadd.s32 $0x200, v6;
	v8 =	vld.idx.msk [tilespmem:v8+s4+$0x0], $0xffff;
	[tilespmem:s21+$0xFFFFFFF0] =	vst v27  }
0x57: {  	v40 =	vadd.s32 $0x200, v3;
	v38 =	vld.idx.msk [tilespmem:v32+s4+$0x0], $0xffff;
	[tilespmem:s21+$0xFFFFFF90] =	vst v11  }
0x58: {  	v43 =	vadd.s32 $0x200, v1;
	[tilespmem:s21+$0xFFFFFFA0] =	vst v12;
	v36 =	vld.idx.msk [tilespmem:v30+s4+$0x0], $0xffff  }
0x59: {  	v34 =	vadd.s32 $0x180, v0;
	[tilespmem:s21+$0xFFFFFFB0] =	vst v14;
	v13 =	vld.idx.msk [tilespmem:v35+s4+$0x0], $0xffff  }
0x5a: {  	v42 =	vadd.s32 $0x200, v2;
	[tilespmem:s21+$0xFFFFFF80] =	vst v17;
	v16 =	vld.idx.msk [tilespmem:v37+s4+$0x0], $0xffff  }
0x5b: {  	v18 =	vld.idx.msk [tilespmem:v39+s4+$0x0], $0xffff;
	[tilespmem:s21+$0xFFFFFF60] =	vst v8;
	v8 =	vadd.s32 $0x280, v7  }
0x5c: {  	v45 =	vadd.s32 $0x280, v5;
	[tilespmem:s21+$0xFFFFFFD0] =	vst v9;
	v46 =	vld.idx.msk [tilespmem:v40+s4+$0x0], $0xffff  }
0x5d: {  	v48 =	vadd.s32 $0x280, v6;
	v50 =	vld.idx.msk [tilespmem:v43+s4+$0x0], $0xffff;
	[tilespmem:s21+$0xFFFFFFC0] =	vst v38  }
0x5e: {  	v49 =	vadd.s32 $0x280, v4;
	v41 =	vld.idx.msk [tilespmem:v34+s4+$0x0], $0xffff;
	[tilespmem:s21+$0x70] =	vst v36  }
0x5f: {  	v44 =	vadd.s32 $0x200, v0;
	v19 =	vld.idx.msk [tilespmem:v42+s4+$0x0], $0xffff;
	[tilespmem:s21+$0x10] =	vst v13  }
0x60: {  	v51 =	vadd.s32 $0x280, v3;
	[tilespmem:s21+$0x20] =	vst v16;
	v8 =	vld.idx.msk [tilespmem:v8+s4+$0x0], $0xffff  }
0x61: {  	v47 =	vadd.s32 $0x300, v7;
	[tilespmem:s21+$0x0] =	vst v18;
	v17 =	vld.idx.msk [tilespmem:v45+s4+$0x0], $0xffff  }
0x62: {  	v52 =	vadd.s32 $0x280, v2;
	[tilespmem:s21+$0x30] =	vst v46;
	v11 =	vld.idx.msk [tilespmem:v48+s4+$0x0], $0xffff  }
0x63: {  	v55 =	vadd.s32 $0x300, v6;
	v54 =	vld.idx.msk [tilespmem:v49+s4+$0x0], $0xffff;
	[tilespmem:s21+$0xFFFFFFE0] =	vst v41  }
0x64: {  	v56 =	vadd.s32 $0x300, v5;
	[tilespmem:s21+$0x50] =	vst v50;
	v15 =	vld.idx.msk [tilespmem:v44+s4+$0x0], $0xffff  }
0x65: {  	v53 =	vadd.s32 $0x280, v0;
	v14 =	vld.idx.msk [tilespmem:v51+s4+$0x0], $0xffff;
	[tilespmem:s21+$0xF0] =	vst v8  }
0x66: {  	[tilespmem:s21+$0x40] =	vst v19;
	v8 =	vadd.s32 $0x280, v1;
	v9 =	vld.idx.msk [tilespmem:v47+s4+$0x0], $0xffff  }
0x67: {  	v7 =	vadd.s32 $0x380, v7;
	v16 =	vld.idx.msk [tilespmem:v52+s4+$0x0], $0xffff;
	[tilespmem:s21+$0x80] =	vst v11  }
0x68: {  	v57 =	vadd.s32 $0x300, v4;
	[tilespmem:s21+$0x90] =	vst v17;
	v12 =	vld.idx.msk [tilespmem:v55+s4+$0x0], $0xffff  }
0x69: {  	v58 =	vadd.s32 $0x300, v3;
	v13 =	vld.idx.msk [tilespmem:v56+s4+$0x0], $0xffff;
	[tilespmem:s21+$0x60] =	vst v15  }
0x6a: {  	v59 =	vadd.s32 $0x300, v2;
	[tilespmem:s21+$0xA0] =	vst v54;
	v18 =	vld.idx.msk [tilespmem:v53+s4+$0x0], $0xffff  }
0x6b: {  	v6 =	vadd.s32 $0x380, v6;
	v8 =	vld.idx.msk [tilespmem:v8+s4+$0x0], $0xffff;
	[tilespmem:s21+$0x170] =	vst v9  }
0x6c: {  	v60 =	vadd.s32 $0x300, v1;
	[tilespmem:s21+$0xB0] =	vst v14;
	v7 =	vld.idx.msk [tilespmem:v7+s4+$0x0], $0xffff  }
0x6d: {  	v61 =	vadd.s32 $0x300, v0;
	v62 =	vld.idx.msk [tilespmem:v57+s4+$0x0], $0xffff;
	[tilespmem:s21+$0xC0] =	vst v16  }
0x6e: {  	v5 =	vadd.s32 $0x380, v5;
	v63 =	vld.idx.msk [tilespmem:v58+s4+$0x0], $0xffff;
	[tilespmem:s21+$0x100] =	vst v12  }
0x6f: {  	v3 =	vadd.s32 $0x380, v3;
	v9 =	vld.idx.msk [tilespmem:v59+s4+$0x0], $0xffff;
	[tilespmem:s21+$0xE0] =	vst v18  }
0x70: {  	v12 =	vld.idx.msk [tilespmem:v6+s4+$0x0], $0xffff;
	[tilespmem:s21+$0xD0] =	vst v8;
	v8 =	vadd.s32 $0x380, v4  }
0x71: {  	v11 =	vld.idx.msk [tilespmem:v60+s4+$0x0], $0xffff;
	[tilespmem:s21+$0x1F0] =	vst v7;
	v7 =	vadd.s32 $0x380, v2  }
0x72: {  	v1 =	vadd.s32 $0x380, v1;
	[tilespmem:s21+$0x110] =	vst v13;
	v10 =	vld.idx.msk [tilespmem:v61+s4+$0x0], $0xffff  }
0x73: {  	v0 =	vadd.s32 $0x380, v0;
	[tilespmem:s21+$0x130] =	vst v63;
	v4 =	vld.idx.msk [tilespmem:v5+s4+$0x0], $0xffff  }
0x74: {  	[tilespmem:s21+$0x120] =	vst v62;
	v2 =	vld.idx.msk [tilespmem:v3+s4+$0x0], $0xffff  }
0x75: {  	[tilespmem:s21+$0x140] =	vst v9;
	v5 =	vld.idx.msk [tilespmem:v8+s4+$0x0], $0xffff  }
0x76: {  	[tilespmem:s21+$0x150] =	vst v11;
	v6 =	vld.idx.msk [tilespmem:v7+s4+$0x0], $0xffff  }
0x77: {  	[tilespmem:s21+$0x160] =	vst v10;
	v3 =	vld.idx.msk [tilespmem:v1+s4+$0x0], $0xffff  }
0x78: {  	s22 =	simm.s32 $0x0;
	s20 =	sor.u32 $0x1470, s20;
	s23 =	sadd.s32 $0x80, s31;
	[tilespmem:s21+$0x180] =	vst v12;
	v1 =	vld.idx.msk [tilespmem:v0+s4+$0x0], $0xffff  }
.LBB2_3:
0x79: {  	v0 =	vld [tilespmem:s23+$0x30];
	s22 =	sadd.s32 $0x8, s22;
	[tilespmem:s21+$0x190] =	vst v4  }
0x7a: {  	v7 =	vld [tilespmem:s23+$0xFFFFFFD0];
	p2 =	slt.u32 s22, $0xF8;
	[tilespmem:s21+$0x1A0] =	vst v5  }
0x7b: {  	v5 =	vld [tilespmem:s23+$0xFFFFFFE0];
	[tilespmem:s21+$0x1B0] =	vst v2  }
0x7c: {  	v2 =	vld [tilespmem:s23+$0xFFFFFFF0];
	[tilespmem:s21+$0x1C0] =	vst v6  }
0x7d: {  	v6 =	vld [tilespmem:s23+$0x0];
	[tilespmem:s21+$0x1D0] =	vst v3  }
0x7e: {  	v3 =	vld [tilespmem:s23+$0x10];
	[tilespmem:s21+$0x1E0] =	vst v1  }
0x7f: {  	v1 =	vadd.s32 $0x80, v7;
	v21 =	vadd.s32 $0x100, v7;
	v22 =	vadd.s32 $0x180, v7;
	v23 =	vld [tilespmem:s23+$0x20]  }
0x80: {  	v4 =	vld [tilespmem:s23+$0xFFFFFFC0];
	v8 =	vadd.s32 $0x80, v5;
	v24 =	vadd.s32 $0x100, v5;
	v25 =	vadd.s32 $0x180, v5  }
0x81: {  	v9 =	vadd.s32 $0x80, v2;
	v26 =	vadd.s32 $0x100, v2;
	v27 =	vadd.s32 $0x180, v2;
	v10 =	vld.idx.msk [tilespmem:v0+s4+$0x0], $0xffff  }
0x82: {  	v11 =	vld.idx.msk [tilespmem:v7+s4+$0x0], $0xffff;
	v12 =	vadd.s32 $0x80, v6;
	v28 =	vadd.s32 $0x100, v6;
	v29 =	vadd.s32 $0x180, v6  }
0x83: {  	v14 =	vadd.s32 $0x80, v0;
	v13 =	vld.idx.msk [tilespmem:v5+s4+$0x0], $0xffff;
	v30 =	vadd.s32 $0x80, v3;
	v31 =	vadd.s32 $0x100, v3  }
0x84: {  	v32 =	vadd.s32 $0x180, v3;
	v16 =	vld.idx.msk [tilespmem:v2+s4+$0x0], $0xffff;
	v33 =	vadd.s32 $0x80, v23;
	v34 =	vadd.s32 $0x100, v23  }
0x85: {  	v35 =	vadd.s32 $0x80, v4;
	v36 =	vadd.s32 $0x100, v4;
	v37 =	vadd.s32 $0x180, v4;
	v20 =	vld.idx.msk [tilespmem:v6+s4+$0x0], $0xffff  }
0x86: {  	s21 =	sadd.s32 $0x400, s21;
	v39 =	vadd.s32 $0x200, v7;
	v41 =	vadd.s32 $0x180, v23;
	v38 =	vadd.s32 $0x200, v4;
	v40 =	vld.idx.msk [tilespmem:v3+s4+$0x0], $0xffff  }
0x87: {  	v42 =	vadd.s32 $0x200, v5;
	v43 =	vadd.s32 $0x200, v2;
	v44 =	vadd.s32 $0x200, v6;
	v45 =	vld.idx.msk [tilespmem:v23+s4+$0x0], $0xffff;
	[tilespmem:s21+$0xFFFFFE70] =	vst v10  }
0x88: {  	v46 =	vadd.s32 $0x200, v3;
	v47 =	vadd.s32 $0x200, v23;
	v15 =	vadd.s32 $0x280, v4;
	[tilespmem:s21+$0xFFFFFE10] =	vst v11;
	v48 =	vld.idx.msk [tilespmem:v14+s4+$0x0], $0xffff  }
0x89: {  	v50 =	vadd.s32 $0x280, v7;
	v19 =	vadd.s32 $0x280, v5;
	v17 =	vadd.s32 $0x280, v2;
	v49 =	vld.idx.msk [tilespmem:v4+s4+$0x0], $0xffff;
	[tilespmem:s21+$0xFFFFFE20] =	vst v13  }
0x8a: {  	v52 =	vadd.s32 $0x100, v0;
	v18 =	vadd.s32 $0x280, v6;
	v51 =	vld.idx.msk [tilespmem:v1+s4+$0x0], $0xffff;
	[tilespmem:s21+$0xFFFFFE30] =	vst v16;
	v16 =	vadd.s32 $0x280, v3  }
0x8b: {  	v10 =	vadd.s32 $0x300, v7;
	v13 =	vadd.s32 $0x300, v4;
	v53 =	vld.idx.msk [tilespmem:v8+s4+$0x0], $0xffff;
	[tilespmem:s21+$0xFFFFFE40] =	vst v20;
	v20 =	vadd.s32 $0x280, v23  }
0x8c: {  	v14 =	vadd.s32 $0x300, v5;
	v11 =	vadd.s32 $0x300, v2;
	v8 =	vadd.s32 $0x300, v6;
	v54 =	vld.idx.msk [tilespmem:v9+s4+$0x0], $0xffff;
	[tilespmem:s21+$0xFFFFFE50] =	vst v40  }
0x8d: {  	v4 =	vadd.s32 $0x380, v4;
	v9 =	vadd.s32 $0x300, v23;
	v40 =	vld.idx.msk [tilespmem:v12+s4+$0x0], $0xffff;
	v12 =	vadd.s32 $0x300, v3;
	[tilespmem:s21+$0xFFFFFE60] =	vst v45  }
0x8e: {  	v7 =	vadd.s32 $0x380, v7;
	v5 =	vadd.s32 $0x380, v5;
	v2 =	vadd.s32 $0x380, v2;
	v30 =	vld.idx.msk [tilespmem:v30+s4+$0x0], $0xffff;
	[tilespmem:s21+$0xFFFFFEF0] =	vst v48  }
0x8f: {  	v1 =	vadd.s32 $0x380, v23;
	v6 =	vadd.s32 $0x380, v6;
	v3 =	vadd.s32 $0x380, v3;
	[tilespmem:s21+$0xFFFFFE00] =	vst v49;
	v23 =	vld.idx.msk [tilespmem:v52+s4+$0x0], $0xffff  }
0x90: {  	v35 =	vld.idx.msk [tilespmem:v35+s4+$0x0], $0xffff;
	[tilespmem:s21+$0xFFFFFE90] =	vst v51  }
0x91: {  	v45 =	vadd.s32 $0x180, v0;
	[tilespmem:s21+$0xFFFFFEA0] =	vst v53;
	v33 =	vld.idx.msk [tilespmem:v33+s4+$0x0], $0xffff  }
0x92: {  	v21 =	vld.idx.msk [tilespmem:v21+s4+$0x0], $0xffff;
	[tilespmem:s21+$0xFFFFFEB0] =	vst v54  }
0x93: {  	v24 =	vld.idx.msk [tilespmem:v24+s4+$0x0], $0xffff;
	[tilespmem:s21+$0xFFFFFEC0] =	vst v40  }
0x94: {  	v26 =	vld.idx.msk [tilespmem:v26+s4+$0x0], $0xffff;
	[tilespmem:s21+$0xFFFFFED0] =	vst v30  }
0x95: {  	v28 =	vld.idx.msk [tilespmem:v28+s4+$0x0], $0xffff;
	[tilespmem:s21+$0xFFFFFF70] =	vst v23  }
0x96: {  	[tilespmem:s21+$0xFFFFFE80] =	vst v35;
	v23 =	vld.idx.msk [tilespmem:v45+s4+$0x0], $0xffff  }
0x97: {  	v30 =	vld.idx.msk [tilespmem:v36+s4+$0x0], $0xffff;
	[tilespmem:s21+$0xFFFFFEE0] =	vst v33  }
0x98: {  	[tilespmem:s21+$0xFFFFFF10] =	vst v21;
	v21 =	vld.idx.msk [tilespmem:v31+s4+$0x0], $0xffff;
	v31 =	vadd.s32 $0x200, v0  }
0x99: {  	[tilespmem:s21+$0xFFFFFF20] =	vst v24;
	v24 =	vld.idx.msk [tilespmem:v34+s4+$0x0], $0xffff  }
0x9a: {  	v22 =	vld.idx.msk [tilespmem:v22+s4+$0x0], $0xffff;
	[tilespmem:s21+$0xFFFFFF30] =	vst v26  }
0x9b: {  	v25 =	vld.idx.msk [tilespmem:v25+s4+$0x0], $0xffff;
	[tilespmem:s21+$0xFFFFFF40] =	vst v28  }
0x9c: {  	v26 =	vld.idx.msk [tilespmem:v27+s4+$0x0], $0xffff;
	[tilespmem:s21+$0xFFFFFFF0] =	vst v23  }
0x9d: {  	[tilespmem:s21+$0xFFFFFF00] =	vst v30;
	v23 =	vld.idx.msk [tilespmem:v31+s4+$0x0], $0xffff  }
0x9e: {  	v27 =	vld.idx.msk [tilespmem:v37+s4+$0x0], $0xffff;
	[tilespmem:s21+$0xFFFFFF50] =	vst v21  }
0x9f: {  	v21 =	vld.idx.msk [tilespmem:v29+s4+$0x0], $0xffff;
	[tilespmem:s21+$0xFFFFFF60] =	vst v24;
	v24 =	vadd.s32 $0x280, v0  }
0xa0: {  	[tilespmem:s21+$0xFFFFFF90] =	vst v22;
	v22 =	vld.idx.msk [tilespmem:v32+s4+$0x0], $0xffff  }
0xa1: {  	[tilespmem:s21+$0xFFFFFFA0] =	vst v25;
	v25 =	vld.idx.msk [tilespmem:v41+s4+$0x0], $0xffff  }
0xa2: {  	v28 =	vld.idx.msk [tilespmem:v39+s4+$0x0], $0xffff;
	[tilespmem:s21+$0xFFFFFFB0] =	vst v26  }
0xa3: {  	v26 =	vld.idx.msk [tilespmem:v42+s4+$0x0], $0xffff;
	[tilespmem:s21+$0x70] =	vst v23  }
0xa4: {  	[tilespmem:s21+$0xFFFFFF80] =	vst v27;
	v23 =	vld.idx.msk [tilespmem:v24+s4+$0x0], $0xffff  }
0xa5: {  	v24 =	vld.idx.msk [tilespmem:v38+s4+$0x0], $0xffff;
	[tilespmem:s21+$0xFFFFFFC0] =	vst v21  }
0xa6: {  	v21 =	vld.idx.msk [tilespmem:v43+s4+$0x0], $0xffff;
	[tilespmem:s21+$0xFFFFFFD0] =	vst v22;
	v22 =	vadd.s32 $0x300, v0  }
0xa7: {  	v27 =	vld.idx.msk [tilespmem:v44+s4+$0x0], $0xffff;
	[tilespmem:s21+$0xFFFFFFE0] =	vst v25  }
0xa8: {  	[tilespmem:s21+$0x10] =	vst v28;
	v25 =	vld.idx.msk [tilespmem:v46+s4+$0x0], $0xffff  }
0xa9: {  	[tilespmem:s21+$0x20] =	vst v26;
	v26 =	vld.idx.msk [tilespmem:v47+s4+$0x0], $0xffff  }
0xaa: {  	v28 =	vld.idx.msk [tilespmem:v50+s4+$0x0], $0xffff;
	[tilespmem:s21+$0xF0] =	vst v23  }
0xab: {  	[tilespmem:s21+$0x0] =	vst v24;
	v22 =	vld.idx.msk [tilespmem:v22+s4+$0x0], $0xffff  }
0xac: {  	v15 =	vld.idx.msk [tilespmem:v15+s4+$0x0], $0xffff;
	[tilespmem:s21+$0x30] =	vst v21  }
0xad: {  	v0 =	vadd.s32 $0x380, v0;
	v19 =	vld.idx.msk [tilespmem:v19+s4+$0x0], $0xffff;
	[tilespmem:s21+$0x40] =	vst v27  }
0xae: {  	v17 =	vld.idx.msk [tilespmem:v17+s4+$0x0], $0xffff;
	[tilespmem:s21+$0x50] =	vst v25  }
0xaf: {  	v18 =	vld.idx.msk [tilespmem:v18+s4+$0x0], $0xffff;
	[tilespmem:s21+$0x60] =	vst v26  }
0xb0: {  	[tilespmem:s21+$0x90] =	vst v28;
	v16 =	vld.idx.msk [tilespmem:v16+s4+$0x0], $0xffff  }
0xb1: {  	v20 =	vld.idx.msk [tilespmem:v20+s4+$0x0], $0xffff;
	[tilespmem:s21+$0x170] =	vst v22  }
0xb2: {  	[tilespmem:s21+$0x80] =	vst v15;
	v0 =	vld.idx.msk [tilespmem:v0+s4+$0x0], $0xffff  }
0xb3: {  	v13 =	vld.idx.msk [tilespmem:v13+s4+$0x0], $0xffff;
	[tilespmem:s21+$0xA0] =	vst v19  }
0xb4: {  	v10 =	vld.idx.msk [tilespmem:v10+s4+$0x0], $0xffff;
	[tilespmem:s21+$0xB0] =	vst v17  }
0xb5: {  	v14 =	vld.idx.msk [tilespmem:v14+s4+$0x0], $0xffff;
	[tilespmem:s21+$0xC0] =	vst v18  }
0xb6: {  	v11 =	vld.idx.msk [tilespmem:v11+s4+$0x0], $0xffff;
	[tilespmem:s21+$0xD0] =	vst v16  }
0xb7: {  	v8 =	vld.idx.msk [tilespmem:v8+s4+$0x0], $0xffff;
	[tilespmem:s21+$0xE0] =	vst v20  }
0xb8: {  	v12 =	vld.idx.msk [tilespmem:v12+s4+$0x0], $0xffff;
	[tilespmem:s21+$0x1F0] =	vst v0  }
0xb9: {  	[tilespmem:s21+$0x100] =	vst v13;
	v0 =	vld.idx.msk [tilespmem:v9+s4+$0x0], $0xffff  }
0xba: {  	v9 =	vld.idx.msk [tilespmem:v4+s4+$0x0], $0xffff;
	[tilespmem:s21+$0x110] =	vst v10  }
0xbb: {  	v4 =	vld.idx.msk [tilespmem:v7+s4+$0x0], $0xffff;
	[tilespmem:s21+$0x120] =	vst v14  }
.Ltmp0:
0xbc: {  	v5 =	vld.idx.msk [tilespmem:v5+s4+$0x0], $0xffff;
	[tilespmem:s21+$0x130] =	vst v11;
	(pc) =	sbr.rel @p2 .LBB2_3-.Ltmp0, $4  }
0xbd: {  	v2 =	vld.idx.msk [tilespmem:v2+s4+$0x0], $0xffff;
	[tilespmem:s21+$0x140] =	vst v8  }
0xbe: {  	v6 =	vld.idx.msk [tilespmem:v6+s4+$0x0], $0xffff;
	[tilespmem:s21+$0x150] =	vst v12  }
0xbf: {  	v3 =	vld.idx.msk [tilespmem:v3+s4+$0x0], $0xffff;
	[tilespmem:s21+$0x160] =	vst v0  }
0xc0: {  	s23 =	sadd.s32 $0x80, s23;
	[tilespmem:s21+$0x180] =	vst v9;
	v1 =	vld.idx.msk [tilespmem:v1+s4+$0x0], $0xffff  }
0xc1: {  	[tilespmem:s21+$0x190] =	vst v4  }
0xc2: {  	[tilespmem:s21+$0x1A0] =	vst v5  }
0xc3: {  	[tilespmem:s21+$0x1B0] =	vst v2  }
0xc4: {  	s19 =	sshll.u32 s19, $0xD;
	[tilespmem:s21+$0x1C0] =	vst v6  }
0xc5: {  	s19 =	sand.u32 $0xFFFE000, s19;
	[tilespmem:s21+$0x1D0] =	vst v3  }
0xc6: {  	s31 =	sadd.s32 s3, s19;
	[tilespmem:s21+$0x1E0] =	vst v1;
	s21 =	simm.s32 @!p1 $0x2  }
0xc7: {  	[hbm4b:s31+s4] =	stream.linear.scatter [tilespmem:s14], [sflag:$0x2], $0x8000, $0x38;
	[tilespmem:$0x14400] =	vst v63  }
0xc8: {  	_ =	swait.ge @!p1 [sflag:s21], $0x8000  }
0xc9: {  	[sflag:s21] =	ssyncset.done @!p1 $0x0  }
0xca: {  	[sflag:s21] =	ssyncadd.s32 @!p1 $0xFFFF8000  }
0xcb: {  	v7 =	vld [tilespmem:s20+$0x0]  }
0xcc: {  	v5 =	vld [tilespmem:s20+$0xFFFFFFA0]  }
0xcd: {  	v4 =	vld [tilespmem:s20+$0xFFFFFFB0]  }
0xce: {  	v3 =	vld [tilespmem:s20+$0xFFFFFFC0]  }
0xcf: {  	v2 =	vld [tilespmem:s20+$0xFFFFFFD0]  }
0xd0: {  	v1 =	vld [tilespmem:s20+$0xFFFFFFE0]  }
0xd1: {  	v0 =	vld [tilespmem:s20+$0xFFFFFFF0]  }
0xd2: {  	v6 =	vld [tilespmem:s20+$0xFFFFFF90]  }
0xd3: {  	v8 =	vld.idx.msk [tilespmem:v7+s4+$0x0], $0xffff  }
0xd4: {  	v9 =	vld.idx.msk [tilespmem:v5+s4+$0x0], $0xffff  }
0xd5: {  	v10 =	vld.idx.msk [tilespmem:v4+s4+$0x0], $0xffff  }
0xd6: {  	v11 =	vadd.s32 $0x80, v7;
	v12 =	vld.idx.msk [tilespmem:v3+s4+$0x0], $0xffff  }
0xd7: {  	v13 =	vadd.s32 $0x80, v5;
	v14 =	vld.idx.msk [tilespmem:v2+s4+$0x0], $0xffff  }
0xd8: {  	s21 =	simm.s32 $0xC400;
	v15 =	vadd.s32 $0x80, v4;
	v16 =	vld.idx.msk [tilespmem:v1+s4+$0x0], $0xffff  }
0xd9: {  	v17 =	vadd.s32 $0x80, v3;
	v18 =	vld.idx.msk [tilespmem:v0+s4+$0x0], $0xffff;
	[tilespmem:s21+$0x70] =	vst v8  }
0xda: {  	v55 =	vadd.s32 $0x80, v1;
	v19 =	vld.idx.msk [tilespmem:v6+s4+$0x0], $0xffff;
	[tilespmem:s21+$0x10] =	vst v9  }
0xdb: {  	v58 =	vadd.s32 $0x80, v6;
	[tilespmem:s21+$0x20] =	vst v10;
	v54 =	vld.idx.msk [tilespmem:v11+s4+$0x0], $0xffff  }
0xdc: {  	v59 =	vadd.s32 $0x80, v0;
	[tilespmem:s21+$0x30] =	vst v12;
	v56 =	vld.idx.msk [tilespmem:v13+s4+$0x0], $0xffff  }
0xdd: {  	v8 =	vadd.s32 $0x80, v2;
	[tilespmem:s21+$0x40] =	vst v14;
	v15 =	vld.idx.msk [tilespmem:v15+s4+$0x0], $0xffff  }
0xde: {  	v57 =	vadd.s32 $0x100, v7;
	[tilespmem:s21+$0x50] =	vst v16;
	v17 =	vld.idx.msk [tilespmem:v17+s4+$0x0], $0xffff  }
0xdf: {  	v60 =	vadd.s32 $0x100, v5;
	[tilespmem:s21+$0x0] =	vst v19;
	v11 =	vld.idx.msk [tilespmem:v55+s4+$0x0], $0xffff  }
0xe0: {  	v61 =	vadd.s32 $0x100, v4;
	[tilespmem:s21+$0x60] =	vst v18;
	v13 =	vld.idx.msk [tilespmem:v58+s4+$0x0], $0xffff  }
0xe1: {  	v62 =	vadd.s32 $0x100, v3;
	v21 =	vld.idx.msk [tilespmem:v59+s4+$0x0], $0xffff;
	[tilespmem:s21+$0xF0] =	vst v54  }
0xe2: {  	v23 =	vadd.s32 $0x100, v6;
	v8 =	vld.idx.msk [tilespmem:v8+s4+$0x0], $0xffff;
	[tilespmem:s21+$0x90] =	vst v56  }
0xe3: {  	v24 =	vadd.s32 $0x100, v1;
	[tilespmem:s21+$0xA0] =	vst v15;
	v12 =	vld.idx.msk [tilespmem:v57+s4+$0x0], $0xffff  }
0xe4: {  	v63 =	vadd.s32 $0x100, v2;
	[tilespmem:s21+$0xB0] =	vst v17;
	v16 =	vld.idx.msk [tilespmem:v60+s4+$0x0], $0xffff  }
0xe5: {  	v22 =	vadd.s32 $0x180, v7;
	[tilespmem:s21+$0xD0] =	vst v11;
	v18 =	vld.idx.msk [tilespmem:v61+s4+$0x0], $0xffff  }
0xe6: {  	v25 =	vadd.s32 $0x180, v5;
	[tilespmem:s21+$0x80] =	vst v13;
	v9 =	vld.idx.msk [tilespmem:v62+s4+$0x0], $0xffff  }
0xe7: {  	v26 =	vadd.s32 $0x180, v4;
	[tilespmem:s21+$0xE0] =	vst v21;
	v15 =	vld.idx.msk [tilespmem:v23+s4+$0x0], $0xffff  }
0xe8: {  	v28 =	vadd.s32 $0x180, v3;
	v29 =	vld.idx.msk [tilespmem:v24+s4+$0x0], $0xffff;
	[tilespmem:s21+$0xC0] =	vst v8  }
0xe9: {  	v31 =	vadd.s32 $0x180, v6;
	v19 =	vld.idx.msk [tilespmem:v63+s4+$0x0], $0xffff;
	[tilespmem:s21+$0x170] =	vst v12  }
0xea: {  	v33 =	vadd.s32 $0x180, v1;
	[tilespmem:s21+$0x110] =	vst v16;
	v27 =	vld.idx.msk [tilespmem:v22+s4+$0x0], $0xffff  }
0xeb: {  	v8 =	vadd.s32 $0x100, v0;
	[tilespmem:s21+$0x120] =	vst v18;
	v11 =	vld.idx.msk [tilespmem:v25+s4+$0x0], $0xffff  }
0xec: {  	v32 =	vadd.s32 $0x180, v2;
	[tilespmem:s21+$0x130] =	vst v9;
	v12 =	vld.idx.msk [tilespmem:v26+s4+$0x0], $0xffff  }
0xed: {  	v30 =	vadd.s32 $0x200, v7;
	[tilespmem:s21+$0x100] =	vst v15;
	v14 =	vld.idx.msk [tilespmem:v28+s4+$0x0], $0xffff  }
0xee: {  	v35 =	vadd.s32 $0x200, v5;
	[tilespmem:s21+$0x150] =	vst v29;
	v17 =	vld.idx.msk [tilespmem:v31+s4+$0x0], $0xffff  }
0xef: {  	v37 =	vadd.s32 $0x200, v4;
	v9 =	vld.idx.msk [tilespmem:v33+s4+$0x0], $0xffff;
	[tilespmem:s21+$0x140] =	vst v19  }
0xf0: {  	v39 =	vadd.s32 $0x200, v6;
	v8 =	vld.idx.msk [tilespmem:v8+s4+$0x0], $0xffff;
	[tilespmem:s21+$0x1F0] =	vst v27  }
0xf1: {  	v40 =	vadd.s32 $0x200, v3;
	v38 =	vld.idx.msk [tilespmem:v32+s4+$0x0], $0xffff;
	[tilespmem:s21+$0x190] =	vst v11  }
0xf2: {  	v43 =	vadd.s32 $0x200, v1;
	[tilespmem:s21+$0x1A0] =	vst v12;
	v36 =	vld.idx.msk [tilespmem:v30+s4+$0x0], $0xffff  }
0xf3: {  	v34 =	vadd.s32 $0x180, v0;
	[tilespmem:s21+$0x1B0] =	vst v14;
	v13 =	vld.idx.msk [tilespmem:v35+s4+$0x0], $0xffff  }
0xf4: {  	v42 =	vadd.s32 $0x200, v2;
	[tilespmem:s21+$0x180] =	vst v17;
	v16 =	vld.idx.msk [tilespmem:v37+s4+$0x0], $0xffff  }
0xf5: {  	v18 =	vld.idx.msk [tilespmem:v39+s4+$0x0], $0xffff;
	[tilespmem:s21+$0x160] =	vst v8;
	v8 =	vadd.s32 $0x280, v7  }
0xf6: {  	v45 =	vadd.s32 $0x280, v5;
	[tilespmem:s21+$0x1D0] =	vst v9;
	v46 =	vld.idx.msk [tilespmem:v40+s4+$0x0], $0xffff  }
0xf7: {  	v48 =	vadd.s32 $0x280, v6;
	v50 =	vld.idx.msk [tilespmem:v43+s4+$0x0], $0xffff;
	[tilespmem:s21+$0x1C0] =	vst v38  }
0xf8: {  	v49 =	vadd.s32 $0x280, v4;
	v41 =	vld.idx.msk [tilespmem:v34+s4+$0x0], $0xffff;
	[tilespmem:s21+$0x270] =	vst v36  }
0xf9: {  	v44 =	vadd.s32 $0x200, v0;
	v19 =	vld.idx.msk [tilespmem:v42+s4+$0x0], $0xffff;
	[tilespmem:s21+$0x210] =	vst v13  }
0xfa: {  	v51 =	vadd.s32 $0x280, v3;
	[tilespmem:s21+$0x220] =	vst v16;
	v8 =	vld.idx.msk [tilespmem:v8+s4+$0x0], $0xffff  }
0xfb: {  	v47 =	vadd.s32 $0x300, v7;
	[tilespmem:s21+$0x200] =	vst v18;
	v17 =	vld.idx.msk [tilespmem:v45+s4+$0x0], $0xffff  }
0xfc: {  	v52 =	vadd.s32 $0x280, v2;
	[tilespmem:s21+$0x230] =	vst v46;
	v11 =	vld.idx.msk [tilespmem:v48+s4+$0x0], $0xffff  }
0xfd: {  	v55 =	vadd.s32 $0x300, v6;
	v54 =	vld.idx.msk [tilespmem:v49+s4+$0x0], $0xffff;
	[tilespmem:s21+$0x1E0] =	vst v41  }
0xfe: {  	v56 =	vadd.s32 $0x300, v5;
	[tilespmem:s21+$0x250] =	vst v50;
	v15 =	vld.idx.msk [tilespmem:v44+s4+$0x0], $0xffff  }
0xff: {  	v53 =	vadd.s32 $0x280, v0;
	v14 =	vld.idx.msk [tilespmem:v51+s4+$0x0], $0xffff;
	[tilespmem:s21+$0x2F0] =	vst v8  }
0x100: {  	[tilespmem:s21+$0x240] =	vst v19;
	v8 =	vadd.s32 $0x280, v1;
	v9 =	vld.idx.msk [tilespmem:v47+s4+$0x0], $0xffff  }
0x101: {  	v7 =	vadd.s32 $0x380, v7;
	v16 =	vld.idx.msk [tilespmem:v52+s4+$0x0], $0xffff;
	[tilespmem:s21+$0x280] =	vst v11  }
0x102: {  	v57 =	vadd.s32 $0x300, v4;
	[tilespmem:s21+$0x290] =	vst v17;
	v12 =	vld.idx.msk [tilespmem:v55+s4+$0x0], $0xffff  }
0x103: {  	v58 =	vadd.s32 $0x300, v3;
	v13 =	vld.idx.msk [tilespmem:v56+s4+$0x0], $0xffff;
	[tilespmem:s21+$0x260] =	vst v15  }
0x104: {  	v59 =	vadd.s32 $0x300, v2;
	[tilespmem:s21+$0x2A0] =	vst v54;
	v18 =	vld.idx.msk [tilespmem:v53+s4+$0x0], $0xffff  }
0x105: {  	v6 =	vadd.s32 $0x380, v6;
	v8 =	vld.idx.msk [tilespmem:v8+s4+$0x0], $0xffff;
	[tilespmem:s21+$0x370] =	vst v9  }
0x106: {  	v60 =	vadd.s32 $0x300, v1;
	[tilespmem:s21+$0x2B0] =	vst v14;
	v7 =	vld.idx.msk [tilespmem:v7+s4+$0x0], $0xffff  }
0x107: {  	v61 =	vadd.s32 $0x300, v0;
	v62 =	vld.idx.msk [tilespmem:v57+s4+$0x0], $0xffff;
	[tilespmem:s21+$0x2C0] =	vst v16  }
0x108: {  	v5 =	vadd.s32 $0x380, v5;
	v63 =	vld.idx.msk [tilespmem:v58+s4+$0x0], $0xffff;
	[tilespmem:s21+$0x300] =	vst v12  }
0x109: {  	v3 =	vadd.s32 $0x380, v3;
	v9 =	vld.idx.msk [tilespmem:v59+s4+$0x0], $0xffff;
	[tilespmem:s21+$0x2E0] =	vst v18  }
0x10a: {  	v12 =	vld.idx.msk [tilespmem:v6+s4+$0x0], $0xffff;
	[tilespmem:s21+$0x2D0] =	vst v8;
	v8 =	vadd.s32 $0x380, v4  }
0x10b: {  	v11 =	vld.idx.msk [tilespmem:v60+s4+$0x0], $0xffff;
	[tilespmem:s21+$0x3F0] =	vst v7;
	v7 =	vadd.s32 $0x380, v2  }
0x10c: {  	v1 =	vadd.s32 $0x380, v1;
	[tilespmem:s21+$0x310] =	vst v13;
	v10 =	vld.idx.msk [tilespmem:v61+s4+$0x0], $0xffff  }
0x10d: {  	v0 =	vadd.s32 $0x380, v0;
	[tilespmem:s21+$0x330] =	vst v63;
	v4 =	vld.idx.msk [tilespmem:v5+s4+$0x0], $0xffff  }
0x10e: {  	[tilespmem:s21+$0x320] =	vst v62;
	v2 =	vld.idx.msk [tilespmem:v3+s4+$0x0], $0xffff  }
0x10f: {  	[tilespmem:s21+$0x340] =	vst v9;
	v5 =	vld.idx.msk [tilespmem:v8+s4+$0x0], $0xffff  }
0x110: {  	[tilespmem:s21+$0x350] =	vst v11;
	v6 =	vld.idx.msk [tilespmem:v7+s4+$0x0], $0xffff  }
0x111: {  	[tilespmem:s21+$0x360] =	vst v10;
	v3 =	vld.idx.msk [tilespmem:v1+s4+$0x0], $0xffff  }
0x112: {  	s22 =	simm.s32 $0x0;
	s20 =	sadd.s32 $0x80, s20;
	[tilespmem:s21+$0x380] =	vst v12;
	v1 =	vld.idx.msk [tilespmem:v0+s4+$0x0], $0xffff  }
.LBB2_5:
0x113: {  	v0 =	vld [tilespmem:s20+$0x0];
	s22 =	sadd.s32 $0x8, s22;
	[tilespmem:s21+$0x390] =	vst v4  }
0x114: {  	v7 =	vld [tilespmem:s20+$0xFFFFFFA0];
	p1 =	slt.u32 s22, $0xF8;
	[tilespmem:s21+$0x3A0] =	vst v5  }
0x115: {  	v5 =	vld [tilespmem:s20+$0xFFFFFFB0];
	[tilespmem:s21+$0x3B0] =	vst v2  }
0x116: {  	v2 =	vld [tilespmem:s20+$0xFFFFFFC0];
	[tilespmem:s21+$0x3C0] =	vst v6  }
0x117: {  	v6 =	vld [tilespmem:s20+$0xFFFFFFD0];
	[tilespmem:s21+$0x3D0] =	vst v3  }
0x118: {  	v3 =	vld [tilespmem:s20+$0xFFFFFFE0];
	[tilespmem:s21+$0x3E0] =	vst v1  }
0x119: {  	v1 =	vadd.s32 $0x80, v7;
	v21 =	vadd.s32 $0x100, v7;
	v22 =	vadd.s32 $0x180, v7;
	v23 =	vld [tilespmem:s20+$0xFFFFFFF0]  }
0x11a: {  	v4 =	vld [tilespmem:s20+$0xFFFFFF90];
	v8 =	vadd.s32 $0x80, v5;
	v24 =	vadd.s32 $0x100, v5;
	v25 =	vadd.s32 $0x180, v5  }
0x11b: {  	v9 =	vadd.s32 $0x80, v2;
	v26 =	vadd.s32 $0x100, v2;
	v27 =	vadd.s32 $0x180, v2;
	v10 =	vld.idx.msk [tilespmem:v0+s4+$0x0], $0xffff  }
0x11c: {  	v11 =	vld.idx.msk [tilespmem:v7+s4+$0x0], $0xffff;
	v12 =	vadd.s32 $0x80, v6;
	v28 =	vadd.s32 $0x100, v6;
	v29 =	vadd.s32 $0x180, v6  }
0x11d: {  	v14 =	vadd.s32 $0x80, v0;
	v13 =	vld.idx.msk [tilespmem:v5+s4+$0x0], $0xffff;
	v30 =	vadd.s32 $0x80, v3;
	v31 =	vadd.s32 $0x100, v3  }
0x11e: {  	v32 =	vadd.s32 $0x180, v3;
	v16 =	vld.idx.msk [tilespmem:v2+s4+$0x0], $0xffff;
	v33 =	vadd.s32 $0x80, v23;
	v34 =	vadd.s32 $0x100, v23  }
0x11f: {  	v35 =	vadd.s32 $0x80, v4;
	v36 =	vadd.s32 $0x100, v4;
	v37 =	vadd.s32 $0x180, v4;
	v20 =	vld.idx.msk [tilespmem:v6+s4+$0x0], $0xffff  }
0x120: {  	s21 =	sadd.s32 $0x400, s21;
	v39 =	vadd.s32 $0x200, v7;
	v41 =	vadd.s32 $0x180, v23;
	v38 =	vadd.s32 $0x200, v4;
	v40 =	vld.idx.msk [tilespmem:v3+s4+$0x0], $0xffff  }
0x121: {  	v42 =	vadd.s32 $0x200, v5;
	v43 =	vadd.s32 $0x200, v2;
	v44 =	vadd.s32 $0x200, v6;
	v45 =	vld.idx.msk [tilespmem:v23+s4+$0x0], $0xffff;
	[tilespmem:s21+$0x70] =	vst v10  }
0x122: {  	v46 =	vadd.s32 $0x200, v3;
	v47 =	vadd.s32 $0x200, v23;
	v15 =	vadd.s32 $0x280, v4;
	[tilespmem:s21+$0x10] =	vst v11;
	v48 =	vld.idx.msk [tilespmem:v14+s4+$0x0], $0xffff  }
0x123: {  	v50 =	vadd.s32 $0x280, v7;
	v19 =	vadd.s32 $0x280, v5;
	v17 =	vadd.s32 $0x280, v2;
	v49 =	vld.idx.msk [tilespmem:v4+s4+$0x0], $0xffff;
	[tilespmem:s21+$0x20] =	vst v13  }
0x124: {  	v52 =	vadd.s32 $0x100, v0;
	v18 =	vadd.s32 $0x280, v6;
	v51 =	vld.idx.msk [tilespmem:v1+s4+$0x0], $0xffff;
	[tilespmem:s21+$0x30] =	vst v16;
	v16 =	vadd.s32 $0x280, v3  }
0x125: {  	v10 =	vadd.s32 $0x300, v7;
	v13 =	vadd.s32 $0x300, v4;
	v53 =	vld.idx.msk [tilespmem:v8+s4+$0x0], $0xffff;
	[tilespmem:s21+$0x40] =	vst v20;
	v20 =	vadd.s32 $0x280, v23  }
0x126: {  	v14 =	vadd.s32 $0x300, v5;
	v11 =	vadd.s32 $0x300, v2;
	v8 =	vadd.s32 $0x300, v6;
	v54 =	vld.idx.msk [tilespmem:v9+s4+$0x0], $0xffff;
	[tilespmem:s21+$0x50] =	vst v40  }
0x127: {  	v4 =	vadd.s32 $0x380, v4;
	v9 =	vadd.s32 $0x300, v23;
	v40 =	vld.idx.msk [tilespmem:v12+s4+$0x0], $0xffff;
	v12 =	vadd.s32 $0x300, v3;
	[tilespmem:s21+$0x60] =	vst v45  }
0x128: {  	v7 =	vadd.s32 $0x380, v7;
	v5 =	vadd.s32 $0x380, v5;
	v2 =	vadd.s32 $0x380, v2;
	v30 =	vld.idx.msk [tilespmem:v30+s4+$0x0], $0xffff;
	[tilespmem:s21+$0xF0] =	vst v48  }
0x129: {  	v1 =	vadd.s32 $0x380, v23;
	v6 =	vadd.s32 $0x380, v6;
	v3 =	vadd.s32 $0x380, v3;
	[tilespmem:s21+$0x0] =	vst v49;
	v23 =	vld.idx.msk [tilespmem:v52+s4+$0x0], $0xffff  }
0x12a: {  	v35 =	vld.idx.msk [tilespmem:v35+s4+$0x0], $0xffff;
	[tilespmem:s21+$0x90] =	vst v51  }
0x12b: {  	v45 =	vadd.s32 $0x180, v0;
	[tilespmem:s21+$0xA0] =	vst v53;
	v33 =	vld.idx.msk [tilespmem:v33+s4+$0x0], $0xffff  }
0x12c: {  	v21 =	vld.idx.msk [tilespmem:v21+s4+$0x0], $0xffff;
	[tilespmem:s21+$0xB0] =	vst v54  }
0x12d: {  	v24 =	vld.idx.msk [tilespmem:v24+s4+$0x0], $0xffff;
	[tilespmem:s21+$0xC0] =	vst v40  }
0x12e: {  	v26 =	vld.idx.msk [tilespmem:v26+s4+$0x0], $0xffff;
	[tilespmem:s21+$0xD0] =	vst v30  }
0x12f: {  	v28 =	vld.idx.msk [tilespmem:v28+s4+$0x0], $0xffff;
	[tilespmem:s21+$0x170] =	vst v23  }
0x130: {  	[tilespmem:s21+$0x80] =	vst v35;
	v23 =	vld.idx.msk [tilespmem:v45+s4+$0x0], $0xffff  }
0x131: {  	v30 =	vld.idx.msk [tilespmem:v36+s4+$0x0], $0xffff;
	[tilespmem:s21+$0xE0] =	vst v33  }
0x132: {  	[tilespmem:s21+$0x110] =	vst v21;
	v21 =	vld.idx.msk [tilespmem:v31+s4+$0x0], $0xffff;
	v31 =	vadd.s32 $0x200, v0  }
0x133: {  	[tilespmem:s21+$0x120] =	vst v24;
	v24 =	vld.idx.msk [tilespmem:v34+s4+$0x0], $0xffff  }
0x134: {  	v22 =	vld.idx.msk [tilespmem:v22+s4+$0x0], $0xffff;
	[tilespmem:s21+$0x130] =	vst v26  }
0x135: {  	v25 =	vld.idx.msk [tilespmem:v25+s4+$0x0], $0xffff;
	[tilespmem:s21+$0x140] =	vst v28  }
0x136: {  	v26 =	vld.idx.msk [tilespmem:v27+s4+$0x0], $0xffff;
	[tilespmem:s21+$0x1F0] =	vst v23  }
0x137: {  	[tilespmem:s21+$0x100] =	vst v30;
	v23 =	vld.idx.msk [tilespmem:v31+s4+$0x0], $0xffff  }
0x138: {  	v27 =	vld.idx.msk [tilespmem:v37+s4+$0x0], $0xffff;
	[tilespmem:s21+$0x150] =	vst v21  }
0x139: {  	v21 =	vld.idx.msk [tilespmem:v29+s4+$0x0], $0xffff;
	[tilespmem:s21+$0x160] =	vst v24;
	v24 =	vadd.s32 $0x280, v0  }
0x13a: {  	[tilespmem:s21+$0x190] =	vst v22;
	v22 =	vld.idx.msk [tilespmem:v32+s4+$0x0], $0xffff  }
0x13b: {  	[tilespmem:s21+$0x1A0] =	vst v25;
	v25 =	vld.idx.msk [tilespmem:v41+s4+$0x0], $0xffff  }
0x13c: {  	v28 =	vld.idx.msk [tilespmem:v39+s4+$0x0], $0xffff;
	[tilespmem:s21+$0x1B0] =	vst v26  }
0x13d: {  	v26 =	vld.idx.msk [tilespmem:v42+s4+$0x0], $0xffff;
	[tilespmem:s21+$0x270] =	vst v23  }
0x13e: {  	[tilespmem:s21+$0x180] =	vst v27;
	v23 =	vld.idx.msk [tilespmem:v24+s4+$0x0], $0xffff  }
0x13f: {  	v24 =	vld.idx.msk [tilespmem:v38+s4+$0x0], $0xffff;
	[tilespmem:s21+$0x1C0] =	vst v21  }
0x140: {  	v21 =	vld.idx.msk [tilespmem:v43+s4+$0x0], $0xffff;
	[tilespmem:s21+$0x1D0] =	vst v22;
	v22 =	vadd.s32 $0x300, v0  }
0x141: {  	v27 =	vld.idx.msk [tilespmem:v44+s4+$0x0], $0xffff;
	[tilespmem:s21+$0x1E0] =	vst v25  }
0x142: {  	[tilespmem:s21+$0x210] =	vst v28;
	v25 =	vld.idx.msk [tilespmem:v46+s4+$0x0], $0xffff  }
0x143: {  	[tilespmem:s21+$0x220] =	vst v26;
	v26 =	vld.idx.msk [tilespmem:v47+s4+$0x0], $0xffff  }
0x144: {  	v28 =	vld.idx.msk [tilespmem:v50+s4+$0x0], $0xffff;
	[tilespmem:s21+$0x2F0] =	vst v23  }
0x145: {  	[tilespmem:s21+$0x200] =	vst v24;
	v22 =	vld.idx.msk [tilespmem:v22+s4+$0x0], $0xffff  }
0x146: {  	v15 =	vld.idx.msk [tilespmem:v15+s4+$0x0], $0xffff;
	[tilespmem:s21+$0x230] =	vst v21  }
0x147: {  	v0 =	vadd.s32 $0x380, v0;
	v19 =	vld.idx.msk [tilespmem:v19+s4+$0x0], $0xffff;
	[tilespmem:s21+$0x240] =	vst v27  }
0x148: {  	v17 =	vld.idx.msk [tilespmem:v17+s4+$0x0], $0xffff;
	[tilespmem:s21+$0x250] =	vst v25  }
0x149: {  	v18 =	vld.idx.msk [tilespmem:v18+s4+$0x0], $0xffff;
	[tilespmem:s21+$0x260] =	vst v26  }
0x14a: {  	[tilespmem:s21+$0x290] =	vst v28;
	v16 =	vld.idx.msk [tilespmem:v16+s4+$0x0], $0xffff  }
0x14b: {  	v20 =	vld.idx.msk [tilespmem:v20+s4+$0x0], $0xffff;
	[tilespmem:s21+$0x370] =	vst v22  }
0x14c: {  	[tilespmem:s21+$0x280] =	vst v15;
	v0 =	vld.idx.msk [tilespmem:v0+s4+$0x0], $0xffff  }
0x14d: {  	v13 =	vld.idx.msk [tilespmem:v13+s4+$0x0], $0xffff;
	[tilespmem:s21+$0x2A0] =	vst v19  }
0x14e: {  	v10 =	vld.idx.msk [tilespmem:v10+s4+$0x0], $0xffff;
	[tilespmem:s21+$0x2B0] =	vst v17  }
0x14f: {  	v14 =	vld.idx.msk [tilespmem:v14+s4+$0x0], $0xffff;
	[tilespmem:s21+$0x2C0] =	vst v18  }
0x150: {  	v11 =	vld.idx.msk [tilespmem:v11+s4+$0x0], $0xffff;
	[tilespmem:s21+$0x2D0] =	vst v16  }
0x151: {  	v8 =	vld.idx.msk [tilespmem:v8+s4+$0x0], $0xffff;
	[tilespmem:s21+$0x2E0] =	vst v20  }
0x152: {  	v12 =	vld.idx.msk [tilespmem:v12+s4+$0x0], $0xffff;
	[tilespmem:s21+$0x3F0] =	vst v0  }
0x153: {  	[tilespmem:s21+$0x300] =	vst v13;
	v0 =	vld.idx.msk [tilespmem:v9+s4+$0x0], $0xffff  }
0x154: {  	v9 =	vld.idx.msk [tilespmem:v4+s4+$0x0], $0xffff;
	[tilespmem:s21+$0x310] =	vst v10  }
0x155: {  	v4 =	vld.idx.msk [tilespmem:v7+s4+$0x0], $0xffff;
	[tilespmem:s21+$0x320] =	vst v14  }
.Ltmp1:
0x156: {  	v5 =	vld.idx.msk [tilespmem:v5+s4+$0x0], $0xffff;
	[tilespmem:s21+$0x330] =	vst v11;
	(pc) =	sbr.rel @p1 .LBB2_5-.Ltmp1, $4  }
0x157: {  	v2 =	vld.idx.msk [tilespmem:v2+s4+$0x0], $0xffff;
	[tilespmem:s21+$0x340] =	vst v8  }
0x158: {  	v6 =	vld.idx.msk [tilespmem:v6+s4+$0x0], $0xffff;
	[tilespmem:s21+$0x350] =	vst v12  }
0x159: {  	v3 =	vld.idx.msk [tilespmem:v3+s4+$0x0], $0xffff;
	[tilespmem:s21+$0x360] =	vst v0  }
0x15a: {  	s20 =	sadd.s32 $0x80, s20;
	[tilespmem:s21+$0x380] =	vst v9;
	v1 =	vld.idx.msk [tilespmem:v1+s4+$0x0], $0xffff  }
0x15b: {  	[tilespmem:s21+$0x390] =	vst v4  }
0x15c: {  	[tilespmem:s21+$0x3A0] =	vst v5;
	p1 =	sne.s32 s18, s7  }
.Ltmp2:
0x15d: {  	[tilespmem:s21+$0x3B0] =	vst v2;
	(pc) =	sbr.rel @p1 .LBB2_2-.Ltmp2, $4  }
0x15e: {  	[tilespmem:s21+$0x3C0] =	vst v6  }
0x15f: {  	s19 =	sadd.s32 s19, s3;
	[tilespmem:s21+$0x3D0] =	vst v3  }
0x160: {  	p0 =	por !p0, !p0;
	s19 =	sadd.s32 $0x1000, s19;
	[tilespmem:s21+$0x3E0] =	vst v1  }
0x161: {  	[hbm4b:s19+s4] =	stream.linear.scatter [tilespmem:s15], [sflag:$0x2], $0x8000, $0x38;
	[tilespmem:$0x14400] =	vst v63  }
0x162: {  	s17 =	sadd.s32 $0x1, s17  }
0x163: {  	_ =	swait.ge [sflag:s16], $0x8000;
	p0 =	sne.s32 s17, s10  }
.Ltmp3:
0x164: {  	[sflag:s16] =	ssyncset.done $0x0;
	(pc) =	sbr.rel @p0 .LBB2_1-.Ltmp3, $4  }
0x165: {  	[sflag:s16] =	ssyncadd.s32 $0xFFFF8000  }
0x166: {  	_ =	swait.ge [sflag:s16], $0x8000  }
0x167: {  	[sflag:s16] =	ssyncset.done $0x0  }
0x168: {  	[sflag:s16] =	ssyncadd.s32 $0xFFFF8000  }
0x169: {  	_ =	sfence.sel $0x180000  }
0x16a: {  	[bflag:$0x0] =	sbarrier.arrive $0xFFFF  }
0x16b: {  	p0 =	sne.s32 s0, $0x0;
	_ =	strace $0x90000047  }
0x16c: {  	s0 =	sadd.s32 @!p0 $0x100000, s2;
	[bflag:$0x2] =	sbarrier.arrive $0xFFFF  }
0x16d: {  	[sflag:s0] =	ssyncadd.tile.s32 @!p0 $0x1;
	_ =	shalt  }
.Lfunc_end2:
_tile_overlayer_lowered:
.L_overlay_start_2:
0x16e: {  	(tag) =	ssettag $0x2  }
0x16f: {  	s0 =	rddreg [dreg:$0x0];
	s2 =	stileid.u32  }
0x170: {  	s1 =	rddreg [dreg:$0x1];
	p0 =	sne.s32 s2, $0x0  }
0x171: {  	s3 =	rddreg [dreg:$0x2];
	[bflag:$0x3] =	sbarrier.arrive $0xFFFF;
	s2 =	simm.s32 @!p0 $0x1C03  }
0x172: {  	[timem:s3], [sflag:s2] =	dma.local @!p0 [hbm:s0], s1  }
0x173: {  	s0 =	simm.s32 @!p0 $0x3  }
0x174: {  	_ =	swait.ge @!p0 [sflag:s0], s1  }
0x175: {  	s1 =	ssub.s32 @!p0 $0x0, s1;
	[sflag:s0] =	ssyncset.done @!p0 $0x0  }
0x176: {  	[sflag:s0] =	ssyncadd.s32 @!p0 s1  }
0x177: {  	[bflag:$0x3] =	sbarrier.arrive $0xFFFF  }
0x178: {  	_ =	shalt  }

</sc_bundles>
